<compile_context>
chip_gen: v7x
topology: tpu7x:2x2x1
jax: 0.10.2.dev20260603
libtpu: 0.0.44.dev20260713+nightly
codegen_flags: <defaults>
</compile_context>

<pallas_src>
import jax
import jax.numpy as jnp
from jax import lax
from jax.experimental import pallas as pl
from jax.experimental.pallas import tpu as pltpu
from jax.experimental.pallas import tpu_sc as plsc

N = 10000
E = 320000
D = 128
H1 = 512
H2 = 256
H3 = 64

NPAD = 10112
EPAD = 327680
EROWS = EPAD // 128
TROWS = NPAD // 16
WBS = (128, 128, 128, 128, 120)

_f32 = jnp.float32
_i32 = jnp.int32


def _leaky(v):
    return jnp.where(v > 0, v, 0.15 * v)



def _make_sc_agg(edge_split):
    core_rows = EROWS // 2 if edge_split else EROWS
    tile_rows = core_rows // 16

    mesh = plsc.VectorSubcoreMesh(core_axis_name="c", subcore_axis_name="s")

    out_type = [jax.ShapeDtypeStruct((2, NPAD, 128), _f32)]
    scratch = [pltpu.VMEM((2, 128), _i32),
               pltpu.VMEM((2, 128), _i32),
               pltpu.VMEM((256, 128), _f32),
               pltpu.VMEM_SHARED((NPAD, 128), _f32),
               pltpu.SemaphoreType.DMA,
               pltpu.SemaphoreType.DMA]

    def body(tab, srcs, dsts, zer_h, out, src_v, dst_v, rows_v, acc,
             gsem, ssem):
        cid = lax.axis_index("c")
        sid = lax.axis_index("s")
        row0 = sid * TROWS

        def half(b):
            return rows_v.at[pl.ds(b * 128, 128)]

        def gather(islot, b):
            pltpu.async_copy(tab.at[src_v.at[islot]], half(b), gsem)

        def gwait():
            pltpu.make_async_copy(tab.at[src_v.at[0]], half(0), gsem).wait()

        def scatter(islot, b):
            pltpu.async_copy(half(b), acc.at[dst_v.at[islot]], ssem,
                             add=True)

        def swait():
            pltpu.make_async_copy(half(0), acc.at[dst_v.at[0]], ssem).wait()

        for q in range(4):
            pltpu.sync_copy(zer_h, rows_v.at[pl.ds(32 * q, 32)])
        ro = 0
        for w in WBS:
            pltpu.sync_copy(rows_v.at[pl.ds(0, w)],
                            acc.at[pl.ds(row0 + ro, w)])
            ro += w
        plsc.subcore_barrier()

        base = sid * tile_rows
        if edge_split:
            base = base + cid * core_rows

        last_r = base + tile_rows - 1

        def load_idx(slot, r):
            pltpu.sync_copy(srcs.at[cid, pl.ds(r, 1)],
                            src_v.at[pl.ds(slot, 1)])
            pltpu.sync_copy(dsts.at[pl.ds(r, 1)],
                            dst_v.at[pl.ds(slot, 1)])

        load_idx(0, base)
        gather(0, 0)
        load_idx(1, base + 1)
        gwait()
        gather(1, 1)
        scatter(0, 0)

        def pair(g, carry):
            for b, moff in ((1, 1), (0, 2)):
                m = 2 * g + moff
                nb = 1 - b
                swait()
                rn = jnp.minimum(base + m + 1, last_r)
                load_idx(nb, rn)
                gwait()
                gather(nb, nb)
                scatter(b, b)
            return carry

        lax.fori_loop(0, tile_rows // 2 - 1, pair, 0)
        swait()
        gwait()
        scatter(1, 1)
        swait()
        plsc.subcore_barrier()

        ro = 0
        for w in WBS:
            pltpu.sync_copy(acc.at[pl.ds(row0 + ro, w)],
                            rows_v.at[pl.ds(0, w)])
            pltpu.sync_copy(rows_v.at[pl.ds(0, w)],
                            out.at[cid, pl.ds(row0 + ro, w)])
            ro += w

    return pl.kernel(body, out_type=out_type, mesh=mesh, scratch_types=scratch)


def _make_sc_deg():
    core_rows = EROWS // 2
    tile_rows = core_rows // 16
    mesh = plsc.VectorSubcoreMesh(core_axis_name="c", subcore_axis_name="s")
    out_type = [jax.ShapeDtypeStruct((2, NPAD, 128), _f32)]
    scratch = [pltpu.VMEM((1, 128), _i32),
               pltpu.VMEM((128, 128), _f32),
               pltpu.VMEM_SHARED((NPAD, 128), _f32)]

    def body(dsts, zer_h, ones_h, dout, dst_v, ones_v, dacc):
        cid = lax.axis_index("c")
        sid = lax.axis_index("s")
        row0 = sid * TROWS

        pltpu.sync_copy(zer_h, ones_v)
        ro = 0
        for w in WBS:
            pltpu.sync_copy(ones_v.at[pl.ds(0, w)],
                            dacc.at[pl.ds(row0 + ro, w)])
            ro += w
        pltpu.sync_copy(ones_h, ones_v)
        plsc.subcore_barrier()

        base = sid * tile_rows + cid * core_rows

        def macro(m, carry):
            pltpu.sync_copy(dsts.at[pl.ds(base + m, 1)], dst_v)
            pltpu.sync_copy(ones_v, dacc.at[dst_v.at[0]], add=True)
            return carry

        lax.fori_loop(0, tile_rows, macro, 0)
        plsc.subcore_barrier()

        ro = 0
        for w in WBS:
            pltpu.sync_copy(dacc.at[pl.ds(row0 + ro, w)],
                            ones_v.at[pl.ds(0, w)])
            pltpu.sync_copy(ones_v.at[pl.ds(0, w)],
                            dout.at[cid, pl.ds(row0 + ro, w)])
            ro += w

    return pl.kernel(body, out_type=out_type, mesh=mesh, scratch_types=scratch)



ROWB = 400
GRID = N // ROWB


def _rows(width):
    return pl.BlockSpec((ROWB, width), lambda i: (i, 0))


def _part(c, width):
    return pl.BlockSpec((1, ROWB, width), lambda i, _c=c: (_c, i, 0))


def _full(shape):
    return pl.BlockSpec(shape, lambda i: tuple(0 for _ in shape))


def _tc1_body(a0, a1, d0, d1, x, wl1, b1, wr1, wl2, wr2, y2lo, y2hi, r2):
    deg = jnp.maximum(d0[0, :, :1] + d1[0, :, :1], 1.0)
    agg = (a0[0] + a1[0]) / deg
    h1 = _leaky(jnp.dot(agg, wl1[...], preferred_element_type=_f32) + b1[...]
                + jnp.dot(x[...], wr1[...], preferred_element_type=_f32))
    y2 = jnp.dot(h1, wl2[...], preferred_element_type=_f32)
    y2lo[...] = y2[:, :128]
    y2hi[...] = y2[:, 128:]
    r2[...] = jnp.dot(h1, wr2[...], preferred_element_type=_f32)


def _tc2_body(o0, o1, d0, d1, r2, b2, wl3, wr3, y3p, r3):
    deg = jnp.maximum(d0[0, :, :1] + d1[0, :, :1], 1.0)
    agg = jnp.concatenate([o0[0], o1[0]], axis=1) / deg
    h2 = _leaky(agg + b2[...] + r2[...])
    y3 = jnp.dot(h2, wl3[...], preferred_element_type=_f32)
    y3p[...] = jnp.concatenate([y3, y3 * 0.0], axis=1)
    r3[...] = jnp.dot(h2, wr3[...], preferred_element_type=_f32)


def _tc3_body(c0, c1, d0, d1, r3, b3, wpre, bpre, wfc1, bfc1, wfc2, bfc2,
              ibp, bb, out):
    deg = jnp.maximum(d0[0, :, :1] + d1[0, :, :1], 1.0)
    agg3 = (c0[0, :, :H3] + c1[0, :, :H3]) / deg
    h3 = _leaky(agg3 + b3[...] + r3[...])
    h4 = jnp.dot(h3, wpre[...], preferred_element_type=_f32) + bpre[...]
    z = _leaky(jnp.dot(h4, wfc1[...], preferred_element_type=_f32) + bfc1[...])
    lg = jnp.dot(z, wfc2[...], preferred_element_type=_f32) + bfc2[...]
    col = bb[0, 0] * ibp[:, :1]
    colsel = lax.broadcasted_iota(_i32, (1, 2), 1) == 1
    out[...] = lg + jnp.where(colsel, col, 0.0)



def kernel(x, edge_index, edge_attr, is_binding_prone,
           W_l1, b_l1, W_r1, W_l2, b_l2, W_r2, W_l3, b_l3, W_r3,
           W_pre, b_pre, W_fc1, b_fc1, W_fc2, b_fc2, binding_bias):
    src = edge_index[0]
    dst = edge_index[1]
    pad = EPAD - E
    src2d = jnp.concatenate([src, jnp.zeros((pad,), _i32)]).reshape(EROWS, 128)
    dst2d = jnp.concatenate(
        [dst, jnp.full((pad,), NPAD - 1, _i32)]).reshape(EROWS, 128)
    srcs_same = jnp.stack([src2d, src2d])
    srcs_off = jnp.stack([src2d, src2d + N])

    zeros128 = jnp.zeros((128, 128), _f32)
    zeros32 = jnp.zeros((32, 128), _f32)
    ones128 = jnp.ones((128, 128), _f32)

    sc_edge = _make_sc_agg(edge_split=True)
    sc_feat = _make_sc_agg(edge_split=False)

    (deg,) = _make_sc_deg()(dst2d, zeros128, ones128)
    (a,) = sc_edge(x, srcs_same, dst2d, zeros32)

    tc1 = pl.pallas_call(
        _tc1_body,
        grid=(GRID,),
        in_specs=[_part(0, 128), _part(1, 128), _part(0, 128), _part(1, 128),
                  _rows(128),
                  _full((D, H1)), _full((1, H1)), _full((D, H1)),
                  _full((H1, H2)), _full((H1, H2))],
        out_specs=[_rows(128), _rows(128), _rows(H2)],
        out_shape=[jax.ShapeDtypeStruct((N, 128), _f32),
                   jax.ShapeDtypeStruct((N, 128), _f32),
                   jax.ShapeDtypeStruct((N, H2), _f32)],
    )
    y2lo, y2hi, r2 = tc1(a, a, deg, deg, x, W_l1, b_l1.reshape(1, H1),
                         W_r1, W_l2, W_r2)
    y2s = jnp.concatenate([y2lo, y2hi], axis=0)

    (o,) = sc_feat(y2s, srcs_off, dst2d, zeros32)

    tc2 = pl.pallas_call(
        _tc2_body,
        grid=(GRID,),
        in_specs=[_part(0, 128), _part(1, 128), _part(0, 128), _part(1, 128),
                  _rows(H2), _full((1, H2)), _full((H2, H3)),
                  _full((H2, H3))],
        out_specs=[_rows(128), _rows(H3)],
        out_shape=[jax.ShapeDtypeStruct((N, 128), _f32),
                   jax.ShapeDtypeStruct((N, H3), _f32)],
    )
    y3p, r3 = tc2(o, o, deg, deg, r2, b_l2.reshape(1, H2), W_l3, W_r3)

    (c,) = sc_edge(y3p, srcs_same, dst2d, zeros32)

    tc3 = pl.pallas_call(
        _tc3_body,
        grid=(GRID,),
        in_specs=[_part(0, 128), _part(1, 128), _part(0, 128), _part(1, 128),
                  _rows(H3),
                  _full((1, H3)), _full((H3, 32)), _full((1, 32)),
                  _full((32, 32)), _full((1, 32)), _full((32, 2)),
                  _full((1, 2)), _rows(1), _full((1, 1))],
        out_specs=_rows(2),
        out_shape=jax.ShapeDtypeStruct((N, 2), _f32),
    )
    logits = tc3(c, c, deg, deg, r3, b_l3.reshape(1, H3),
                 W_pre, b_pre.reshape(1, 32), W_fc1, b_fc1.reshape(1, 32),
                 W_fc2, b_fc2.reshape(1, 2),
                 is_binding_prone.reshape(N, 1), binding_bias.reshape(1, 1))
    return logits

# --- scband reference (transcript-rebuilt; emitter-appended) ---
"""Pipeline reference for scband-binding-site-graph-sagewith-bias-49735721288425 (READ-ONLY COPY).

The authoritative reference and input builder live on the scoring server;
editing this copy changes nothing except your own understanding.
"""

import jax, jax.numpy as jnp
import numpy as np

N = 10000
E = 320000
D = 128
H1 = 512
H2 = 256
H3 = 64


def leaky(x):
    return jnp.where(x > 0, x, 0.15 * x)


def sage(x, src, dst, Wl, bl, Wr):
    n = x.shape[0]
    deg = jnp.zeros((n,), x.dtype).at[dst].add(1.0)
    agg = jnp.zeros((n, x.shape[1]), x.dtype).at[dst].add(x[src])
    agg = agg / jnp.clip(deg, 1.0)[:, None]
    return agg @ Wl + bl + x @ Wr


def setup_inputs(seed: int = 0) -> dict:
    key = jax.random.key(seed)
    ks = jax.random.split(key, 24)
    inp = {}
    inp["x"] = jax.random.normal(ks[0], (N, D), dtype=jnp.float32)
    inp["edge_index"] = jax.random.randint(ks[1], (2, E), 0, N, dtype=jnp.int32)
    inp["edge_attr"] = jax.random.normal(ks[2], (E, 2), dtype=jnp.float32)
    inp["is_binding_prone"] = jax.random.uniform(ks[3], (N,), dtype=jnp.float32)
    s = 0.05
    inp["W_l1"] = jax.random.normal(ks[4], (D, H1), dtype=jnp.float32) * s
    inp["b_l1"] = jnp.zeros((H1,), jnp.float32)
    inp["W_r1"] = jax.random.normal(ks[5], (D, H1), dtype=jnp.float32) * s
    inp["W_l2"] = jax.random.normal(ks[6], (H1, H2), dtype=jnp.float32) * s
    inp["b_l2"] = jnp.zeros((H2,), jnp.float32)
    inp["W_r2"] = jax.random.normal(ks[7], (H1, H2), dtype=jnp.float32) * s
    inp["W_l3"] = jax.random.normal(ks[8], (H2, H3), dtype=jnp.float32) * s
    inp["b_l3"] = jnp.zeros((H3,), jnp.float32)
    inp["W_r3"] = jax.random.normal(ks[9], (H2, H3), dtype=jnp.float32) * s
    inp["W_pre"] = jax.random.normal(ks[10], (H3, 32), dtype=jnp.float32) * s
    inp["b_pre"] = jnp.zeros((32,), jnp.float32)
    inp["W_fc1"] = jax.random.normal(ks[11], (32, 32), dtype=jnp.float32) * s
    inp["b_fc1"] = jnp.zeros((32,), jnp.float32)
    inp["W_fc2"] = jax.random.normal(ks[12], (32, 2), dtype=jnp.float32) * s
    inp["b_fc2"] = jnp.zeros((2,), jnp.float32)
    inp["binding_bias"] = jnp.array(0.2, jnp.float32)
    return inp


def reference(x, edge_index, edge_attr, is_binding_prone,
              W_l1, b_l1, W_r1, W_l2, b_l2, W_r2, W_l3, b_l3, W_r3,
              W_pre, b_pre, W_fc1, b_fc1, W_fc2, b_fc2, binding_bias):
    src = edge_index[0]
    dst = edge_index[1]
    ibp = is_binding_prone.squeeze()
    h = leaky(sage(x, src, dst, W_l1, b_l1, W_r1))
    h = leaky(sage(h, src, dst, W_l2, b_l2, W_r2))
    h = leaky(sage(h, src, dst, W_l3, b_l3, W_r3))
    h = h @ W_pre + b_pre
    z = leaky(h @ W_fc1 + b_fc1)
    logits = z @ W_fc2 + b_fc2
    logits = logits.at[:, 1].add(binding_bias * ibp)
    return logits

if __name__ == "__main__":
    import jax
    _d = setup_inputs()
    print(jax.jit(kernel)(*tuple(_d.values())))

</pallas_src>

<mosaic_0001>
#map = affine_map<(d0, d1) -> (0, 0)>
#map1 = affine_map<(d0, d1) -> (0, 0, 0)>
module attributes {stable_mosaic.version = 14 : i64} {
  func.func @body(%arg0: i32, %arg1: i32, %arg2: memref<10000x128xf32, #tpu.memory_space<hbm>>, %arg3: memref<2x2560x128xi32, #tpu.memory_space<hbm>>, %arg4: memref<2560x128xi32, #tpu.memory_space<hbm>>, %arg5: memref<32x128xf32, #tpu.memory_space<hbm>>, %arg6: memref<2x10112x128xf32, #tpu.memory_space<hbm>>, %arg7: memref<2x128xi32, #tpu.memory_space<vmem>>, %arg8: memref<2x128xi32, #tpu.memory_space<vmem>>, %arg9: memref<256x128xf32, #tpu.memory_space<vmem>>, %arg10: memref<10112x128xf32, #tpu.memory_space<vmem_shared>>, %arg11: memref<!tpu.dma_semaphore, #tpu.memory_space<semaphore_mem>>, %arg12: memref<!tpu.dma_semaphore, #tpu.memory_space<semaphore_mem>>) attributes {dimension_semantics = [#tpu.dimension_semantics<core_parallel>, #tpu.dimension_semantics<subcore_parallel>], iteration_bounds = array<i64: 2, 16>, scalar_prefetch = 0 : i64, scratch_operands = 6 : i64, tpu.core_type = #tpu.core_type<sc_vector_subcore>, window_params = [{transform_indices = #map}, {transform_indices = #map1}, {transform_indices = #map}, {transform_indices = #map}, {transform_indices = #map1}]} {
    %mul3A = arith.constant 632 : i32
    %mul3A_0 = arith.muli %arg1, %mul3A : i32
    "tpu.region"() ({
      %run_scoped3A = tpu.sem_alloc : memref<!tpu.dma_semaphore, #tpu.memory_space<semaphore_mem>>
      %dma_start3A_124 = arith.constant 0 : i32
      %dma_start3A_125 = arith.constant 0 : i32
      %dma_start3A_126 = tpu.memref_slice %arg9[%dma_start3A_124, %dma_start3A_125] : memref<256x128xf32, #tpu.memory_space<vmem>> -> memref<32x128xf32, #tpu.memory_space<vmem>>
      %dma_start3A_127 = arith.constant 0 : i32
      %dma_start3A_128 = arith.constant 0 : i32
      %dma_start3A_129 = tpu.memref_slice %arg9[%dma_start3A_127, %dma_start3A_128] : memref<256x128xf32, #tpu.memory_space<vmem>> -> memref<32x128xf32, #tpu.memory_space<vmem>>
      tpu.enqueue_dma source(%arg5 : memref<32x128xf32, #tpu.memory_space<hbm>>) target(%dma_start3A_129 : memref<32x128xf32, #tpu.memory_space<vmem>>) target_semaphore(%run_scoped3A : memref<!tpu.dma_semaphore, #tpu.memory_space<semaphore_mem>>)
      %dma_wait3A_130 = arith.constant 0 : i32
      %dma_wait3A_131 = arith.constant 0 : i32
      %dma_wait3A_132 = tpu.memref_slice %arg9[%dma_wait3A_130, %dma_wait3A_131] : memref<256x128xf32, #tpu.memory_space<vmem>> -> memref<32x128xf32, #tpu.memory_space<vmem>>
      %dma_wait3A_133 = arith.constant 0 : i32
      %dma_wait3A_134 = arith.constant 0 : i32
      %dma_wait3A_135 = tpu.memref_slice %arg9[%dma_wait3A_133, %dma_wait3A_134] : memref<256x128xf32, #tpu.memory_space<vmem>> -> memref<32x128xf32, #tpu.memory_space<vmem>>
      tpu.wait_dma2 semaphore(%run_scoped3A : memref<!tpu.dma_semaphore, #tpu.memory_space<semaphore_mem>>) src(%arg5 : memref<32x128xf32, #tpu.memory_space<hbm>>) dst(%dma_wait3A_135 : memref<32x128xf32, #tpu.memory_space<vmem>>)
      tpu.yield
    }) : () -> ()
    "tpu.region"() ({
      %run_scoped3A = tpu.sem_alloc : memref<!tpu.dma_semaphore, #tpu.memory_space<semaphore_mem>>
      %dma_start3A_124 = arith.constant 32 : i32
      %dma_start3A_125 = arith.constant 0 : i32
      %dma_start3A_126 = tpu.memref_slice %arg9[%dma_start3A_124, %dma_start3A_125] : memref<256x128xf32, #tpu.memory_space<vmem>> -> memref<32x128xf32, #tpu.memory_space<vmem>>
      %dma_start3A_127 = arith.constant 32 : i32
      %dma_start3A_128 = arith.constant 0 : i32
      %dma_start3A_129 = tpu.memref_slice %arg9[%dma_start3A_127, %dma_start3A_128] : memref<256x128xf32, #tpu.memory_space<vmem>> -> memref<32x128xf32, #tpu.memory_space<vmem>>
      tpu.enqueue_dma source(%arg5 : memref<32x128xf32, #tpu.memory_space<hbm>>) target(%dma_start3A_129 : memref<32x128xf32, #tpu.memory_space<vmem>>) target_semaphore(%run_scoped3A : memref<!tpu.dma_semaphore, #tpu.memory_space<semaphore_mem>>)
      %dma_wait3A_130 = arith.constant 32 : i32
      %dma_wait3A_131 = arith.constant 0 : i32
      %dma_wait3A_132 = tpu.memref_slice %arg9[%dma_wait3A_130, %dma_wait3A_131] : memref<256x128xf32, #tpu.memory_space<vmem>> -> memref<32x128xf32, #tpu.memory_space<vmem>>
      %dma_wait3A_133 = arith.constant 32 : i32
      %dma_wait3A_134 = arith.constant 0 : i32
      %dma_wait3A_135 = tpu.memref_slice %arg9[%dma_wait3A_133, %dma_wait3A_134] : memref<256x128xf32, #tpu.memory_space<vmem>> -> memref<32x128xf32, #tpu.memory_space<vmem>>
      tpu.wait_dma2 semaphore(%run_scoped3A : memref<!tpu.dma_semaphore, #tpu.memory_space<semaphore_mem>>) src(%arg5 : memref<32x128xf32, #tpu.memory_space<hbm>>) dst(%dma_wait3A_135 : memref<32x128xf32, #tpu.memory_space<vmem>>)
      tpu.yield
    }) : () -> ()
    "tpu.region"() ({
      %run_scoped3A = tpu.sem_alloc : memref<!tpu.dma_semaphore, #tpu.memory_space<semaphore_mem>>
      %dma_start3A_124 = arith.constant 64 : i32
      %dma_start3A_125 = arith.constant 0 : i32
      %dma_start3A_126 = tpu.memref_slice %arg9[%dma_start3A_124, %dma_start3A_125] : memref<256x128xf32, #tpu.memory_space<vmem>> -> memref<32x128xf32, #tpu.memory_space<vmem>>
      %dma_start3A_127 = arith.constant 64 : i32
      %dma_start3A_128 = arith.constant 0 : i32
      %dma_start3A_129 = tpu.memref_slice %arg9[%dma_start3A_127, %dma_start3A_128] : memref<256x128xf32, #tpu.memory_space<vmem>> -> memref<32x128xf32, #tpu.memory_space<vmem>>
      tpu.enqueue_dma source(%arg5 : memref<32x128xf32, #tpu.memory_space<hbm>>) target(%dma_start3A_129 : memref<32x128xf32, #tpu.memory_space<vmem>>) target_semaphore(%run_scoped3A : memref<!tpu.dma_semaphore, #tpu.memory_space<semaphore_mem>>)
      %dma_wait3A_130 = arith.constant 64 : i32
      %dma_wait3A_131 = arith.constant 0 : i32
      %dma_wait3A_132 = tpu.memref_slice %arg9[%dma_wait3A_130, %dma_wait3A_131] : memref<256x128xf32, #tpu.memory_space<vmem>> -> memref<32x128xf32, #tpu.memory_space<vmem>>
      %dma_wait3A_133 = arith.constant 64 : i32
      %dma_wait3A_134 = arith.constant 0 : i32
      %dma_wait3A_135 = tpu.memref_slice %arg9[%dma_wait3A_133, %dma_wait3A_134] : memref<256x128xf32, #tpu.memory_space<vmem>> -> memref<32x128xf32, #tpu.memory_space<vmem>>
      tpu.wait_dma2 semaphore(%run_scoped3A : memref<!tpu.dma_semaphore, #tpu.memory_space<semaphore_mem>>) src(%arg5 : memref<32x128xf32, #tpu.memory_space<hbm>>) dst(%dma_wait3A_135 : memref<32x128xf32, #tpu.memory_space<vmem>>)
      tpu.yield
    }) : () -> ()
    "tpu.region"() ({
      %run_scoped3A = tpu.sem_alloc : memref<!tpu.dma_semaphore, #tpu.memory_space<semaphore_mem>>
      %dma_start3A_124 = arith.constant 96 : i32
      %dma_start3A_125 = arith.constant 0 : i32
      %dma_start3A_126 = tpu.memref_slice %arg9[%dma_start3A_124, %dma_start3A_125] : memref<256x128xf32, #tpu.memory_space<vmem>> -> memref<32x128xf32, #tpu.memory_space<vmem>>
      %dma_start3A_127 = arith.constant 96 : i32
      %dma_start3A_128 = arith.constant 0 : i32
      %dma_start3A_129 = tpu.memref_slice %arg9[%dma_start3A_127, %dma_start3A_128] : memref<256x128xf32, #tpu.memory_space<vmem>> -> memref<32x128xf32, #tpu.memory_space<vmem>>
      tpu.enqueue_dma source(%arg5 : memref<32x128xf32, #tpu.memory_space<hbm>>) target(%dma_start3A_129 : memref<32x128xf32, #tpu.memory_space<vmem>>) target_semaphore(%run_scoped3A : memref<!tpu.dma_semaphore, #tpu.memory_space<semaphore_mem>>)
      %dma_wait3A_130 = arith.constant 96 : i32
      %dma_wait3A_131 = arith.constant 0 : i32
      %dma_wait3A_132 = tpu.memref_slice %arg9[%dma_wait3A_130, %dma_wait3A_131] : memref<256x128xf32, #tpu.memory_space<vmem>> -> memref<32x128xf32, #tpu.memory_space<vmem>>
      %dma_wait3A_133 = arith.constant 96 : i32
      %dma_wait3A_134 = arith.constant 0 : i32
      %dma_wait3A_135 = tpu.memref_slice %arg9[%dma_wait3A_133, %dma_wait3A_134] : memref<256x128xf32, #tpu.memory_space<vmem>> -> memref<32x128xf32, #tpu.memory_space<vmem>>
      tpu.wait_dma2 semaphore(%run_scoped3A : memref<!tpu.dma_semaphore, #tpu.memory_space<semaphore_mem>>) src(%arg5 : memref<32x128xf32, #tpu.memory_space<hbm>>) dst(%dma_wait3A_135 : memref<32x128xf32, #tpu.memory_space<vmem>>)
      tpu.yield
    }) : () -> ()
    %add3A = arith.constant 0 : i32
    %add3A_1 = arith.addi %mul3A_0, %add3A : i32
    "tpu.region"() ({
      %run_scoped3A = tpu.sem_alloc : memref<!tpu.dma_semaphore, #tpu.memory_space<semaphore_mem>>
      %dma_start3A_124 = arith.constant 0 : i32
      %dma_start3A_125 = arith.constant 0 : i32
      %dma_start3A_126 = tpu.memref_slice %arg9[%dma_start3A_124, %dma_start3A_125] : memref<256x128xf32, #tpu.memory_space<vmem>> -> memref<128x128xf32, #tpu.memory_space<vmem>>
      %dma_start3A_127 = arith.constant 0 : i32
      %dma_start3A_128 = tpu.memref_slice %arg10[%add3A_1, %dma_start3A_127] : memref<10112x128xf32, #tpu.memory_space<vmem_shared>> -> memref<128x128xf32, #tpu.memory_space<vmem_shared>>
      %dma_start3A_129 = arith.constant 0 : i32
      %dma_start3A_130 = tpu.memref_slice %arg10[%add3A_1, %dma_start3A_129] : memref<10112x128xf32, #tpu.memory_space<vmem_shared>> -> memref<128x128xf32, #tpu.memory_space<vmem_shared>>
      %dma_start3A_131 = arith.constant 0 : i32
      %dma_start3A_132 = arith.constant 0 : i32
      %dma_start3A_133 = tpu.memref_slice %arg9[%dma_start3A_131, %dma_start3A_132] : memref<256x128xf32, #tpu.memory_space<vmem>> -> memref<128x128xf32, #tpu.memory_space<vmem>>
      tpu.enqueue_dma source(%dma_start3A_133 : memref<128x128xf32, #tpu.memory_space<vmem>>) target(%dma_start3A_130 : memref<128x128xf32, #tpu.memory_space<vmem_shared>>) target_semaphore(%run_scoped3A : memref<!tpu.dma_semaphore, #tpu.memory_space<semaphore_mem>>)
      %dma_wait3A_134 = arith.constant 0 : i32
      %dma_wait3A_135 = arith.constant 0 : i32
      %dma_wait3A_136 = tpu.memref_slice %arg9[%dma_wait3A_134, %dma_wait3A_135] : memref<256x128xf32, #tpu.memory_space<vmem>> -> memref<128x128xf32, #tpu.memory_space<vmem>>
      %dma_wait3A_137 = arith.constant 0 : i32
      %dma_wait3A_138 = tpu.memref_slice %arg10[%add3A_1, %dma_wait3A_137] : memref<10112x128xf32, #tpu.memory_space<vmem_shared>> -> memref<128x128xf32, #tpu.memory_space<vmem_shared>>
      %dma_wait3A_139 = arith.constant 0 : i32
      %dma_wait3A_140 = tpu.memref_slice %arg10[%add3A_1, %dma_wait3A_139] : memref<10112x128xf32, #tpu.memory_space<vmem_shared>> -> memref<128x128xf32, #tpu.memory_space<vmem_shared>>
      %dma_wait3A_141 = arith.constant 0 : i32
      %dma_wait3A_142 = arith.constant 0 : i32
      %dma_wait3A_143 = tpu.memref_slice %arg9[%dma_wait3A_141, %dma_wait3A_142] : memref<256x128xf32, #tpu.memory_space<vmem>> -> memref<128x128xf32, #tpu.memory_space<vmem>>
      tpu.wait_dma2 semaphore(%run_scoped3A : memref<!tpu.dma_semaphore, #tpu.memory_space<semaphore_mem>>) src(%dma_wait3A_143 : memref<128x128xf32, #tpu.memory_space<vmem>>) dst(%dma_wait3A_140 : memref<128x128xf32, #tpu.memory_space<vmem_shared>>)
      tpu.yield
    }) : () -> ()
    %add3A_2 = arith.constant 128 : i32
    %add3A_3 = arith.addi %mul3A_0, %add3A_2 : i32
    "tpu.region"() ({
      %run_scoped3A = tpu.sem_alloc : memref<!tpu.dma_semaphore, #tpu.memory_space<semaphore_mem>>
      %dma_start3A_124 = arith.constant 0 : i32
      %dma_start3A_125 = arith.constant 0 : i32
      %dma_start3A_126 = tpu.memref_slice %arg9[%dma_start3A_124, %dma_start3A_125] : memref<256x128xf32, #tpu.memory_space<vmem>> -> memref<128x128xf32, #tpu.memory_space<vmem>>
      %dma_start3A_127 = arith.constant 0 : i32
      %dma_start3A_128 = tpu.memref_slice %arg10[%add3A_3, %dma_start3A_127] : memref<10112x128xf32, #tpu.memory_space<vmem_shared>> -> memref<128x128xf32, #tpu.memory_space<vmem_shared>>
      %dma_start3A_129 = arith.constant 0 : i32
      %dma_start3A_130 = tpu.memref_slice %arg10[%add3A_3, %dma_start3A_129] : memref<10112x128xf32, #tpu.memory_space<vmem_shared>> -> memref<128x128xf32, #tpu.memory_space<vmem_shared>>
      %dma_start3A_131 = arith.constant 0 : i32
      %dma_start3A_132 = arith.constant 0 : i32
      %dma_start3A_133 = tpu.memref_slice %arg9[%dma_start3A_131, %dma_start3A_132] : memref<256x128xf32, #tpu.memory_space<vmem>> -> memref<128x128xf32, #tpu.memory_space<vmem>>
      tpu.enqueue_dma source(%dma_start3A_133 : memref<128x128xf32, #tpu.memory_space<vmem>>) target(%dma_start3A_130 : memref<128x128xf32, #tpu.memory_space<vmem_shared>>) target_semaphore(%run_scoped3A : memref<!tpu.dma_semaphore, #tpu.memory_space<semaphore_mem>>)
      %dma_wait3A_134 = arith.constant 0 : i32
      %dma_wait3A_135 = arith.constant 0 : i32
      %dma_wait3A_136 = tpu.memref_slice %arg9[%dma_wait3A_134, %dma_wait3A_135] : memref<256x128xf32, #tpu.memory_space<vmem>> -> memref<128x128xf32, #tpu.memory_space<vmem>>
      %dma_wait3A_137 = arith.constant 0 : i32
      %dma_wait3A_138 = tpu.memref_slice %arg10[%add3A_3, %dma_wait3A_137] : memref<10112x128xf32, #tpu.memory_space<vmem_shared>> -> memref<128x128xf32, #tpu.memory_space<vmem_shared>>
      %dma_wait3A_139 = arith.constant 0 : i32
      %dma_wait3A_140 = tpu.memref_slice %arg10[%add3A_3, %dma_wait3A_139] : memref<10112x128xf32, #tpu.memory_space<vmem_shared>> -> memref<128x128xf32, #tpu.memory_space<vmem_shared>>
      %dma_wait3A_141 = arith.constant 0 : i32
      %dma_wait3A_142 = arith.constant 0 : i32
      %dma_wait3A_143 = tpu.memref_slice %arg9[%dma_wait3A_141, %dma_wait3A_142] : memref<256x128xf32, #tpu.memory_space<vmem>> -> memref<128x128xf32, #tpu.memory_space<vmem>>
      tpu.wait_dma2 semaphore(%run_scoped3A : memref<!tpu.dma_semaphore, #tpu.memory_space<semaphore_mem>>) src(%dma_wait3A_143 : memref<128x128xf32, #tpu.memory_space<vmem>>) dst(%dma_wait3A_140 : memref<128x128xf32, #tpu.memory_space<vmem_shared>>)
      tpu.yield
    }) : () -> ()
    %add3A_4 = arith.constant 256 : i32
    %add3A_5 = arith.addi %mul3A_0, %add3A_4 : i32
    "tpu.region"() ({
      %run_scoped3A = tpu.sem_alloc : memref<!tpu.dma_semaphore, #tpu.memory_space<semaphore_mem>>
      %dma_start3A_124 = arith.constant 0 : i32
      %dma_start3A_125 = arith.constant 0 : i32
      %dma_start3A_126 = tpu.memref_slice %arg9[%dma_start3A_124, %dma_start3A_125] : memref<256x128xf32, #tpu.memory_space<vmem>> -> memref<128x128xf32, #tpu.memory_space<vmem>>
      %dma_start3A_127 = arith.constant 0 : i32
      %dma_start3A_128 = tpu.memref_slice %arg10[%add3A_5, %dma_start3A_127] : memref<10112x128xf32, #tpu.memory_space<vmem_shared>> -> memref<128x128xf32, #tpu.memory_space<vmem_shared>>
      %dma_start3A_129 = arith.constant 0 : i32
      %dma_start3A_130 = tpu.memref_slice %arg10[%add3A_5, %dma_start3A_129] : memref<10112x128xf32, #tpu.memory_space<vmem_shared>> -> memref<128x128xf32, #tpu.memory_space<vmem_shared>>
      %dma_start3A_131 = arith.constant 0 : i32
      %dma_start3A_132 = arith.constant 0 : i32
      %dma_start3A_133 = tpu.memref_slice %arg9[%dma_start3A_131, %dma_start3A_132] : memref<256x128xf32, #tpu.memory_space<vmem>> -> memref<128x128xf32, #tpu.memory_space<vmem>>
      tpu.enqueue_dma source(%dma_start3A_133 : memref<128x128xf32, #tpu.memory_space<vmem>>) target(%dma_start3A_130 : memref<128x128xf32, #tpu.memory_space<vmem_shared>>) target_semaphore(%run_scoped3A : memref<!tpu.dma_semaphore, #tpu.memory_space<semaphore_mem>>)
      %dma_wait3A_134 = arith.constant 0 : i32
      %dma_wait3A_135 = arith.constant 0 : i32
      %dma_wait3A_136 = tpu.memref_slice %arg9[%dma_wait3A_134, %dma_wait3A_135] : memref<256x128xf32, #tpu.memory_space<vmem>> -> memref<128x128xf32, #tpu.memory_space<vmem>>
      %dma_wait3A_137 = arith.constant 0 : i32
      %dma_wait3A_138 = tpu.memref_slice %arg10[%add3A_5, %dma_wait3A_137] : memref<10112x128xf32, #tpu.memory_space<vmem_shared>> -> memref<128x128xf32, #tpu.memory_space<vmem_shared>>
      %dma_wait3A_139 = arith.constant 0 : i32
      %dma_wait3A_140 = tpu.memref_slice %arg10[%add3A_5, %dma_wait3A_139] : memref<10112x128xf32, #tpu.memory_space<vmem_shared>> -> memref<128x128xf32, #tpu.memory_space<vmem_shared>>
      %dma_wait3A_141 = arith.constant 0 : i32
      %dma_wait3A_142 = arith.constant 0 : i32
      %dma_wait3A_143 = tpu.memref_slice %arg9[%dma_wait3A_141, %dma_wait3A_142] : memref<256x128xf32, #tpu.memory_space<vmem>> -> memref<128x128xf32, #tpu.memory_space<vmem>>
      tpu.wait_dma2 semaphore(%run_scoped3A : memref<!tpu.dma_semaphore, #tpu.memory_space<semaphore_mem>>) src(%dma_wait3A_143 : memref<128x128xf32, #tpu.memory_space<vmem>>) dst(%dma_wait3A_140 : memref<128x128xf32, #tpu.memory_space<vmem_shared>>)
      tpu.yield
    }) : () -> ()
    %add3A_6 = arith.constant 384 : i32
    %add3A_7 = arith.addi %mul3A_0, %add3A_6 : i32
    "tpu.region"() ({
      %run_scoped3A = tpu.sem_alloc : memref<!tpu.dma_semaphore, #tpu.memory_space<semaphore_mem>>
      %dma_start3A_124 = arith.constant 0 : i32
      %dma_start3A_125 = arith.constant 0 : i32
      %dma_start3A_126 = tpu.memref_slice %arg9[%dma_start3A_124, %dma_start3A_125] : memref<256x128xf32, #tpu.memory_space<vmem>> -> memref<128x128xf32, #tpu.memory_space<vmem>>
      %dma_start3A_127 = arith.constant 0 : i32
      %dma_start3A_128 = tpu.memref_slice %arg10[%add3A_7, %dma_start3A_127] : memref<10112x128xf32, #tpu.memory_space<vmem_shared>> -> memref<128x128xf32, #tpu.memory_space<vmem_shared>>
      %dma_start3A_129 = arith.constant 0 : i32
      %dma_start3A_130 = tpu.memref_slice %arg10[%add3A_7, %dma_start3A_129] : memref<10112x128xf32, #tpu.memory_space<vmem_shared>> -> memref<128x128xf32, #tpu.memory_space<vmem_shared>>
      %dma_start3A_131 = arith.constant 0 : i32
      %dma_start3A_132 = arith.constant 0 : i32
      %dma_start3A_133 = tpu.memref_slice %arg9[%dma_start3A_131, %dma_start3A_132] : memref<256x128xf32, #tpu.memory_space<vmem>> -> memref<128x128xf32, #tpu.memory_space<vmem>>
      tpu.enqueue_dma source(%dma_start3A_133 : memref<128x128xf32, #tpu.memory_space<vmem>>) target(%dma_start3A_130 : memref<128x128xf32, #tpu.memory_space<vmem_shared>>) target_semaphore(%run_scoped3A : memref<!tpu.dma_semaphore, #tpu.memory_space<semaphore_mem>>)
      %dma_wait3A_134 = arith.constant 0 : i32
      %dma_wait3A_135 = arith.constant 0 : i32
      %dma_wait3A_136 = tpu.memref_slice %arg9[%dma_wait3A_134, %dma_wait3A_135] : memref<256x128xf32, #tpu.memory_space<vmem>> -> memref<128x128xf32, #tpu.memory_space<vmem>>
      %dma_wait3A_137 = arith.constant 0 : i32
      %dma_wait3A_138 = tpu.memref_slice %arg10[%add3A_7, %dma_wait3A_137] : memref<10112x128xf32, #tpu.memory_space<vmem_shared>> -> memref<128x128xf32, #tpu.memory_space<vmem_shared>>
      %dma_wait3A_139 = arith.constant 0 : i32
      %dma_wait3A_140 = tpu.memref_slice %arg10[%add3A_7, %dma_wait3A_139] : memref<10112x128xf32, #tpu.memory_space<vmem_shared>> -> memref<128x128xf32, #tpu.memory_space<vmem_shared>>
      %dma_wait3A_141 = arith.constant 0 : i32
      %dma_wait3A_142 = arith.constant 0 : i32
      %dma_wait3A_143 = tpu.memref_slice %arg9[%dma_wait3A_141, %dma_wait3A_142] : memref<256x128xf32, #tpu.memory_space<vmem>> -> memref<128x128xf32, #tpu.memory_space<vmem>>
      tpu.wait_dma2 semaphore(%run_scoped3A : memref<!tpu.dma_semaphore, #tpu.memory_space<semaphore_mem>>) src(%dma_wait3A_143 : memref<128x128xf32, #tpu.memory_space<vmem>>) dst(%dma_wait3A_140 : memref<128x128xf32, #tpu.memory_space<vmem_shared>>)
      tpu.yield
    }) : () -> ()
    %add3A_8 = arith.constant 512 : i32
    %add3A_9 = arith.addi %mul3A_0, %add3A_8 : i32
    "tpu.region"() ({
      %run_scoped3A = tpu.sem_alloc : memref<!tpu.dma_semaphore, #tpu.memory_space<semaphore_mem>>
      %dma_start3A_124 = arith.constant 0 : i32
      %dma_start3A_125 = arith.constant 0 : i32
      %dma_start3A_126 = tpu.memref_slice %arg9[%dma_start3A_124, %dma_start3A_125] : memref<256x128xf32, #tpu.memory_space<vmem>> -> memref<120x128xf32, #tpu.memory_space<vmem>>
      %dma_start3A_127 = arith.constant 0 : i32
      %dma_start3A_128 = tpu.memref_slice %arg10[%add3A_9, %dma_start3A_127] : memref<10112x128xf32, #tpu.memory_space<vmem_shared>> -> memref<120x128xf32, #tpu.memory_space<vmem_shared>>
      %dma_start3A_129 = arith.constant 0 : i32
      %dma_start3A_130 = tpu.memref_slice %arg10[%add3A_9, %dma_start3A_129] : memref<10112x128xf32, #tpu.memory_space<vmem_shared>> -> memref<120x128xf32, #tpu.memory_space<vmem_shared>>
      %dma_start3A_131 = arith.constant 0 : i32
      %dma_start3A_132 = arith.constant 0 : i32
      %dma_start3A_133 = tpu.memref_slice %arg9[%dma_start3A_131, %dma_start3A_132] : memref<256x128xf32, #tpu.memory_space<vmem>> -> memref<120x128xf32, #tpu.memory_space<vmem>>
      tpu.enqueue_dma source(%dma_start3A_133 : memref<120x128xf32, #tpu.memory_space<vmem>>) target(%dma_start3A_130 : memref<120x128xf32, #tpu.memory_space<vmem_shared>>) target_semaphore(%run_scoped3A : memref<!tpu.dma_semaphore, #tpu.memory_space<semaphore_mem>>)
      %dma_wait3A_134 = arith.constant 0 : i32
      %dma_wait3A_135 = arith.constant 0 : i32
      %dma_wait3A_136 = tpu.memref_slice %arg9[%dma_wait3A_134, %dma_wait3A_135] : memref<256x128xf32, #tpu.memory_space<vmem>> -> memref<120x128xf32, #tpu.memory_space<vmem>>
      %dma_wait3A_137 = arith.constant 0 : i32
      %dma_wait3A_138 = tpu.memref_slice %arg10[%add3A_9, %dma_wait3A_137] : memref<10112x128xf32, #tpu.memory_space<vmem_shared>> -> memref<120x128xf32, #tpu.memory_space<vmem_shared>>
      %dma_wait3A_139 = arith.constant 0 : i32
      %dma_wait3A_140 = tpu.memref_slice %arg10[%add3A_9, %dma_wait3A_139] : memref<10112x128xf32, #tpu.memory_space<vmem_shared>> -> memref<120x128xf32, #tpu.memory_space<vmem_shared>>
      %dma_wait3A_141 = arith.constant 0 : i32
      %dma_wait3A_142 = arith.constant 0 : i32
      %dma_wait3A_143 = tpu.memref_slice %arg9[%dma_wait3A_141, %dma_wait3A_142] : memref<256x128xf32, #tpu.memory_space<vmem>> -> memref<120x128xf32, #tpu.memory_space<vmem>>
      tpu.wait_dma2 semaphore(%run_scoped3A : memref<!tpu.dma_semaphore, #tpu.memory_space<semaphore_mem>>) src(%dma_wait3A_143 : memref<120x128xf32, #tpu.memory_space<vmem>>) dst(%dma_wait3A_140 : memref<120x128xf32, #tpu.memory_space<vmem_shared>>)
      tpu.yield
    }) : () -> ()
    %barrier3A = arith.constant 0 : index
    tpu.barrier barrier_id(%barrier3A)
    %mul3A_10 = arith.constant 80 : i32
    %mul3A_11 = arith.muli %arg1, %mul3A_10 : i32
    %mul3A_12 = arith.constant 1280 : i32
    %mul3A_13 = arith.muli %arg0, %mul3A_12 : i32
    %add3A_14 = arith.addi %mul3A_11, %mul3A_13 : i32
    %add3A_15 = arith.constant 80 : i32
    %add3A_16 = arith.addi %add3A_14, %add3A_15 : i32
    %sub3A = arith.constant 1 : i32
    %sub3A_17 = arith.subi %add3A_16, %sub3A : i32
    "tpu.region"() ({
      %run_scoped3A = tpu.sem_alloc : memref<!tpu.dma_semaphore, #tpu.memory_space<semaphore_mem>>
      %dma_start3A_124 = arith.constant 0 : i32
      %dma_start3A_125 = arith.constant 0 : i32
      %dma_start3A_126 = tpu.memref_slice %arg7[%dma_start3A_124, %dma_start3A_125] : memref<2x128xi32, #tpu.memory_space<vmem>> -> memref<1x128xi32, #tpu.memory_space<vmem>>
      %dma_start3A_127 = arith.constant 0 : i32
      %dma_start3A_128 = tpu.memref_slice %arg3[%arg0, %add3A_14, %dma_start3A_127] : memref<2x2560x128xi32, #tpu.memory_space<hbm>> -> memref<1x1x128xi32, #tpu.memory_space<hbm>>
      %dma_start3A_129 = tpu.memref_squeeze %dma_start3A_128 : memref<1x1x128xi32, #tpu.memory_space<hbm>> -> memref<1x128xi32, #tpu.memory_space<hbm>>
      %dma_start3A_130 = arith.constant 0 : i32
      %dma_start3A_131 = arith.constant 0 : i32
      %dma_start3A_132 = tpu.memref_slice %arg7[%dma_start3A_130, %dma_start3A_131] : memref<2x128xi32, #tpu.memory_space<vmem>> -> memref<1x128xi32, #tpu.memory_space<vmem>>
      %dma_start3A_133 = arith.constant 0 : i32
      %dma_start3A_134 = tpu.memref_slice %arg3[%arg0, %add3A_14, %dma_start3A_133] : memref<2x2560x128xi32, #tpu.memory_space<hbm>> -> memref<1x1x128xi32, #tpu.memory_space<hbm>>
      %dma_start3A_135 = tpu.memref_squeeze %dma_start3A_134 : memref<1x1x128xi32, #tpu.memory_space<hbm>> -> memref<1x128xi32, #tpu.memory_space<hbm>>
      tpu.enqueue_dma source(%dma_start3A_135 : memref<1x128xi32, #tpu.memory_space<hbm>>) target(%dma_start3A_132 : memref<1x128xi32, #tpu.memory_space<vmem>>) target_semaphore(%run_scoped3A : memref<!tpu.dma_semaphore, #tpu.memory_space<semaphore_mem>>)
      %dma_wait3A_136 = arith.constant 0 : i32
      %dma_wait3A_137 = arith.constant 0 : i32
      %dma_wait3A_138 = tpu.memref_slice %arg7[%dma_wait3A_136, %dma_wait3A_137] : memref<2x128xi32, #tpu.memory_space<vmem>> -> memref<1x128xi32, #tpu.memory_space<vmem>>
      %dma_wait3A_139 = arith.constant 0 : i32
      %dma_wait3A_140 = tpu.memref_slice %arg3[%arg0, %add3A_14, %dma_wait3A_139] : memref<2x2560x128xi32, #tpu.memory_space<hbm>> -> memref<1x1x128xi32, #tpu.memory_space<hbm>>
      %dma_wait3A_141 = tpu.memref_squeeze %dma_wait3A_140 : memref<1x1x128xi32, #tpu.memory_space<hbm>> -> memref<1x128xi32, #tpu.memory_space<hbm>>
      %dma_wait3A_142 = arith.constant 0 : i32
      %dma_wait3A_143 = arith.constant 0 : i32
      %dma_wait3A_144 = tpu.memref_slice %arg7[%dma_wait3A_142, %dma_wait3A_143] : memref<2x128xi32, #tpu.memory_space<vmem>> -> memref<1x128xi32, #tpu.memory_space<vmem>>
      %dma_wait3A_145 = arith.constant 0 : i32
      %dma_wait3A_146 = tpu.memref_slice %arg3[%arg0, %add3A_14, %dma_wait3A_145] : memref<2x2560x128xi32, #tpu.memory_space<hbm>> -> memref<1x1x128xi32, #tpu.memory_space<hbm>>
      %dma_wait3A_147 = tpu.memref_squeeze %dma_wait3A_146 : memref<1x1x128xi32, #tpu.memory_space<hbm>> -> memref<1x128xi32, #tpu.memory_space<hbm>>
      tpu.wait_dma2 semaphore(%run_scoped3A : memref<!tpu.dma_semaphore, #tpu.memory_space<semaphore_mem>>) src(%dma_wait3A_147 : memref<1x128xi32, #tpu.memory_space<hbm>>) dst(%dma_wait3A_144 : memref<1x128xi32, #tpu.memory_space<vmem>>)
      tpu.yield
    }) : () -> ()
    "tpu.region"() ({
      %run_scoped3A = tpu.sem_alloc : memref<!tpu.dma_semaphore, #tpu.memory_space<semaphore_mem>>
      %dma_start3A_124 = arith.constant 0 : i32
      %dma_start3A_125 = arith.constant 0 : i32
      %dma_start3A_126 = tpu.memref_slice %arg8[%dma_start3A_124, %dma_start3A_125] : memref<2x128xi32, #tpu.memory_space<vmem>> -> memref<1x128xi32, #tpu.memory_space<vmem>>
      %dma_start3A_127 = arith.constant 0 : i32
      %dma_start3A_128 = tpu.memref_slice %arg4[%add3A_14, %dma_start3A_127] : memref<2560x128xi32, #tpu.memory_space<hbm>> -> memref<1x128xi32, #tpu.memory_space<hbm>>
      %dma_start3A_129 = arith.constant 0 : i32
      %dma_start3A_130 = arith.constant 0 : i32
      %dma_start3A_131 = tpu.memref_slice %arg8[%dma_start3A_129, %dma_start3A_130] : memref<2x128xi32, #tpu.memory_space<vmem>> -> memref<1x128xi32, #tpu.memory_space<vmem>>
      %dma_start3A_132 = arith.constant 0 : i32
      %dma_start3A_133 = tpu.memref_slice %arg4[%add3A_14, %dma_start3A_132] : memref<2560x128xi32, #tpu.memory_space<hbm>> -> memref<1x128xi32, #tpu.memory_space<hbm>>
      tpu.enqueue_dma source(%dma_start3A_133 : memref<1x128xi32, #tpu.memory_space<hbm>>) target(%dma_start3A_131 : memref<1x128xi32, #tpu.memory_space<vmem>>) target_semaphore(%run_scoped3A : memref<!tpu.dma_semaphore, #tpu.memory_space<semaphore_mem>>)
      %dma_wait3A_134 = arith.constant 0 : i32
      %dma_wait3A_135 = arith.constant 0 : i32
      %dma_wait3A_136 = tpu.memref_slice %arg8[%dma_wait3A_134, %dma_wait3A_135] : memref<2x128xi32, #tpu.memory_space<vmem>> -> memref<1x128xi32, #tpu.memory_space<vmem>>
      %dma_wait3A_137 = arith.constant 0 : i32
      %dma_wait3A_138 = tpu.memref_slice %arg4[%add3A_14, %dma_wait3A_137] : memref<2560x128xi32, #tpu.memory_space<hbm>> -> memref<1x128xi32, #tpu.memory_space<hbm>>
      %dma_wait3A_139 = arith.constant 0 : i32
      %dma_wait3A_140 = arith.constant 0 : i32
      %dma_wait3A_141 = tpu.memref_slice %arg8[%dma_wait3A_139, %dma_wait3A_140] : memref<2x128xi32, #tpu.memory_space<vmem>> -> memref<1x128xi32, #tpu.memory_space<vmem>>
      %dma_wait3A_142 = arith.constant 0 : i32
      %dma_wait3A_143 = tpu.memref_slice %arg4[%add3A_14, %dma_wait3A_142] : memref<2560x128xi32, #tpu.memory_space<hbm>> -> memref<1x128xi32, #tpu.memory_space<hbm>>
      tpu.wait_dma2 semaphore(%run_scoped3A : memref<!tpu.dma_semaphore, #tpu.memory_space<semaphore_mem>>) src(%dma_wait3A_143 : memref<1x128xi32, #tpu.memory_space<hbm>>) dst(%dma_wait3A_141 : memref<1x128xi32, #tpu.memory_space<vmem>>)
      tpu.yield
    }) : () -> ()
    %dma_start3A = arith.constant 0 : i32
    %dma_start3A_18 = arith.constant 0 : i32
    %dma_start3A_19 = arith.constant 0 : i32
    %dma_start3A_20 = tpu.memref_slice %arg9[%dma_start3A_18, %dma_start3A_19] : memref<256x128xf32, #tpu.memory_space<vmem>> -> memref<128x128xf32, #tpu.memory_space<vmem>>
    %dma_start3A_21 = arith.constant 0 : i32
    %dma_start3A_22 = tpu.memref_slice %arg7[%dma_start3A, %dma_start3A_21] : memref<2x128xi32, #tpu.memory_space<vmem>> -> memref<1x128xi32, #tpu.memory_space<vmem>>
    %dma_start3A_23 = tpu.memref_squeeze %dma_start3A_22 : memref<1x128xi32, #tpu.memory_space<vmem>> -> memref<128xi32, #tpu.memory_space<vmem>>
    %dma_start3A_24 = arith.constant 0 : i32
    %dma_start3A_25 = arith.constant 0 : i32
    %dma_start3A_26 = tpu.memref_slice %arg2[%dma_start3A_24, %dma_start3A_25] : memref<10000x128xf32, #tpu.memory_space<hbm>> -> memref<10000x128xf32, #tpu.memory_space<hbm>>
    tpu.enqueue_indirect_dma source(%dma_start3A_26 : memref<10000x128xf32, #tpu.memory_space<hbm>>) target(%dma_start3A_20 : memref<128x128xf32, #tpu.memory_space<vmem>>) offsets(%dma_start3A_23 : memref<128xi32, #tpu.memory_space<vmem>>) semaphore(%arg11 : memref<!tpu.dma_semaphore, #tpu.memory_space<semaphore_mem>>)
    %add3A_27 = arith.constant 1 : i32
    %add3A_28 = arith.addi %add3A_14, %add3A_27 : i32
    "tpu.region"() ({
      %run_scoped3A = tpu.sem_alloc : memref<!tpu.dma_semaphore, #tpu.memory_space<semaphore_mem>>
      %dma_start3A_124 = arith.constant 1 : i32
      %dma_start3A_125 = arith.constant 0 : i32
      %dma_start3A_126 = tpu.memref_slice %arg7[%dma_start3A_124, %dma_start3A_125] : memref<2x128xi32, #tpu.memory_space<vmem>> -> memref<1x128xi32, #tpu.memory_space<vmem>>
      %dma_start3A_127 = arith.constant 0 : i32
      %dma_start3A_128 = tpu.memref_slice %arg3[%arg0, %add3A_28, %dma_start3A_127] : memref<2x2560x128xi32, #tpu.memory_space<hbm>> -> memref<1x1x128xi32, #tpu.memory_space<hbm>>
      %dma_start3A_129 = tpu.memref_squeeze %dma_start3A_128 : memref<1x1x128xi32, #tpu.memory_space<hbm>> -> memref<1x128xi32, #tpu.memory_space<hbm>>
      %dma_start3A_130 = arith.constant 1 : i32
      %dma_start3A_131 = arith.constant 0 : i32
      %dma_start3A_132 = tpu.memref_slice %arg7[%dma_start3A_130, %dma_start3A_131] : memref<2x128xi32, #tpu.memory_space<vmem>> -> memref<1x128xi32, #tpu.memory_space<vmem>>
      %dma_start3A_133 = arith.constant 0 : i32
      %dma_start3A_134 = tpu.memref_slice %arg3[%arg0, %add3A_28, %dma_start3A_133] : memref<2x2560x128xi32, #tpu.memory_space<hbm>> -> memref<1x1x128xi32, #tpu.memory_space<hbm>>
      %dma_start3A_135 = tpu.memref_squeeze %dma_start3A_134 : memref<1x1x128xi32, #tpu.memory_space<hbm>> -> memref<1x128xi32, #tpu.memory_space<hbm>>
      tpu.enqueue_dma source(%dma_start3A_135 : memref<1x128xi32, #tpu.memory_space<hbm>>) target(%dma_start3A_132 : memref<1x128xi32, #tpu.memory_space<vmem>>) target_semaphore(%run_scoped3A : memref<!tpu.dma_semaphore, #tpu.memory_space<semaphore_mem>>)
      %dma_wait3A_136 = arith.constant 1 : i32
      %dma_wait3A_137 = arith.constant 0 : i32
      %dma_wait3A_138 = tpu.memref_slice %arg7[%dma_wait3A_136, %dma_wait3A_137] : memref<2x128xi32, #tpu.memory_space<vmem>> -> memref<1x128xi32, #tpu.memory_space<vmem>>
      %dma_wait3A_139 = arith.constant 0 : i32
      %dma_wait3A_140 = tpu.memref_slice %arg3[%arg0, %add3A_28, %dma_wait3A_139] : memref<2x2560x128xi32, #tpu.memory_space<hbm>> -> memref<1x1x128xi32, #tpu.memory_space<hbm>>
      %dma_wait3A_141 = tpu.memref_squeeze %dma_wait3A_140 : memref<1x1x128xi32, #tpu.memory_space<hbm>> -> memref<1x128xi32, #tpu.memory_space<hbm>>
      %dma_wait3A_142 = arith.constant 1 : i32
      %dma_wait3A_143 = arith.constant 0 : i32
      %dma_wait3A_144 = tpu.memref_slice %arg7[%dma_wait3A_142, %dma_wait3A_143] : memref<2x128xi32, #tpu.memory_space<vmem>> -> memref<1x128xi32, #tpu.memory_space<vmem>>
      %dma_wait3A_145 = arith.constant 0 : i32
      %dma_wait3A_146 = tpu.memref_slice %arg3[%arg0, %add3A_28, %dma_wait3A_145] : memref<2x2560x128xi32, #tpu.memory_space<hbm>> -> memref<1x1x128xi32, #tpu.memory_space<hbm>>
      %dma_wait3A_147 = tpu.memref_squeeze %dma_wait3A_146 : memref<1x1x128xi32, #tpu.memory_space<hbm>> -> memref<1x128xi32, #tpu.memory_space<hbm>>
      tpu.wait_dma2 semaphore(%run_scoped3A : memref<!tpu.dma_semaphore, #tpu.memory_space<semaphore_mem>>) src(%dma_wait3A_147 : memref<1x128xi32, #tpu.memory_space<hbm>>) dst(%dma_wait3A_144 : memref<1x128xi32, #tpu.memory_space<vmem>>)
      tpu.yield
    }) : () -> ()
    "tpu.region"() ({
      %run_scoped3A = tpu.sem_alloc : memref<!tpu.dma_semaphore, #tpu.memory_space<semaphore_mem>>
      %dma_start3A_124 = arith.constant 1 : i32
      %dma_start3A_125 = arith.constant 0 : i32
      %dma_start3A_126 = tpu.memref_slice %arg8[%dma_start3A_124, %dma_start3A_125] : memref<2x128xi32, #tpu.memory_space<vmem>> -> memref<1x128xi32, #tpu.memory_space<vmem>>
      %dma_start3A_127 = arith.constant 0 : i32
      %dma_start3A_128 = tpu.memref_slice %arg4[%add3A_28, %dma_start3A_127] : memref<2560x128xi32, #tpu.memory_space<hbm>> -> memref<1x128xi32, #tpu.memory_space<hbm>>
      %dma_start3A_129 = arith.constant 1 : i32
      %dma_start3A_130 = arith.constant 0 : i32
      %dma_start3A_131 = tpu.memref_slice %arg8[%dma_start3A_129, %dma_start3A_130] : memref<2x128xi32, #tpu.memory_space<vmem>> -> memref<1x128xi32, #tpu.memory_space<vmem>>
      %dma_start3A_132 = arith.constant 0 : i32
      %dma_start3A_133 = tpu.memref_slice %arg4[%add3A_28, %dma_start3A_132] : memref<2560x128xi32, #tpu.memory_space<hbm>> -> memref<1x128xi32, #tpu.memory_space<hbm>>
      tpu.enqueue_dma source(%dma_start3A_133 : memref<1x128xi32, #tpu.memory_space<hbm>>) target(%dma_start3A_131 : memref<1x128xi32, #tpu.memory_space<vmem>>) target_semaphore(%run_scoped3A : memref<!tpu.dma_semaphore, #tpu.memory_space<semaphore_mem>>)
      %dma_wait3A_134 = arith.constant 1 : i32
      %dma_wait3A_135 = arith.constant 0 : i32
      %dma_wait3A_136 = tpu.memref_slice %arg8[%dma_wait3A_134, %dma_wait3A_135] : memref<2x128xi32, #tpu.memory_space<vmem>> -> memref<1x128xi32, #tpu.memory_space<vmem>>
      %dma_wait3A_137 = arith.constant 0 : i32
      %dma_wait3A_138 = tpu.memref_slice %arg4[%add3A_28, %dma_wait3A_137] : memref<2560x128xi32, #tpu.memory_space<hbm>> -> memref<1x128xi32, #tpu.memory_space<hbm>>
      %dma_wait3A_139 = arith.constant 1 : i32
      %dma_wait3A_140 = arith.constant 0 : i32
      %dma_wait3A_141 = tpu.memref_slice %arg8[%dma_wait3A_139, %dma_wait3A_140] : memref<2x128xi32, #tpu.memory_space<vmem>> -> memref<1x128xi32, #tpu.memory_space<vmem>>
      %dma_wait3A_142 = arith.constant 0 : i32
      %dma_wait3A_143 = tpu.memref_slice %arg4[%add3A_28, %dma_wait3A_142] : memref<2560x128xi32, #tpu.memory_space<hbm>> -> memref<1x128xi32, #tpu.memory_space<hbm>>
      tpu.wait_dma2 semaphore(%run_scoped3A : memref<!tpu.dma_semaphore, #tpu.memory_space<semaphore_mem>>) src(%dma_wait3A_143 : memref<1x128xi32, #tpu.memory_space<hbm>>) dst(%dma_wait3A_141 : memref<1x128xi32, #tpu.memory_space<vmem>>)
      tpu.yield
    }) : () -> ()
    %dma_wait3A = arith.constant 0 : i32
    %dma_wait3A_29 = arith.constant 0 : i32
    %dma_wait3A_30 = arith.constant 0 : i32
    %dma_wait3A_31 = tpu.memref_slice %arg9[%dma_wait3A_29, %dma_wait3A_30] : memref<256x128xf32, #tpu.memory_space<vmem>> -> memref<128x128xf32, #tpu.memory_space<vmem>>
    %dma_wait3A_32 = arith.constant 0 : i32
    %dma_wait3A_33 = tpu.memref_slice %arg7[%dma_wait3A, %dma_wait3A_32] : memref<2x128xi32, #tpu.memory_space<vmem>> -> memref<1x128xi32, #tpu.memory_space<vmem>>
    %dma_wait3A_34 = tpu.memref_squeeze %dma_wait3A_33 : memref<1x128xi32, #tpu.memory_space<vmem>> -> memref<128xi32, #tpu.memory_space<vmem>>
    %dma_wait3A_35 = arith.constant 0 : i32
    %dma_wait3A_36 = arith.constant 0 : i32
    %dma_wait3A_37 = tpu.memref_slice %arg2[%dma_wait3A_35, %dma_wait3A_36] : memref<10000x128xf32, #tpu.memory_space<hbm>> -> memref<10000x128xf32, #tpu.memory_space<hbm>>
    tpu.wait_indirect_dma semaphore(%arg11 : memref<!tpu.dma_semaphore, #tpu.memory_space<semaphore_mem>>) src(%dma_wait3A_37 : memref<10000x128xf32, #tpu.memory_space<hbm>>) dst(%dma_wait3A_31 : memref<128x128xf32, #tpu.memory_space<vmem>>)
    %dma_start3A_38 = arith.constant 1 : i32
    %dma_start3A_39 = arith.constant 128 : i32
    %dma_start3A_40 = arith.constant 0 : i32
    %dma_start3A_41 = tpu.memref_slice %arg9[%dma_start3A_39, %dma_start3A_40] : memref<256x128xf32, #tpu.memory_space<vmem>> -> memref<128x128xf32, #tpu.memory_space<vmem>>
    %dma_start3A_42 = arith.constant 0 : i32
    %dma_start3A_43 = tpu.memref_slice %arg7[%dma_start3A_38, %dma_start3A_42] : memref<2x128xi32, #tpu.memory_space<vmem>> -> memref<1x128xi32, #tpu.memory_space<vmem>>
    %dma_start3A_44 = tpu.memref_squeeze %dma_start3A_43 : memref<1x128xi32, #tpu.memory_space<vmem>> -> memref<128xi32, #tpu.memory_space<vmem>>
    %dma_start3A_45 = arith.constant 0 : i32
    %dma_start3A_46 = arith.constant 0 : i32
    %dma_start3A_47 = tpu.memref_slice %arg2[%dma_start3A_45, %dma_start3A_46] : memref<10000x128xf32, #tpu.memory_space<hbm>> -> memref<10000x128xf32, #tpu.memory_space<hbm>>
    tpu.enqueue_indirect_dma source(%dma_start3A_47 : memref<10000x128xf32, #tpu.memory_space<hbm>>) target(%dma_start3A_41 : memref<128x128xf32, #tpu.memory_space<vmem>>) offsets(%dma_start3A_44 : memref<128xi32, #tpu.memory_space<vmem>>) semaphore(%arg11 : memref<!tpu.dma_semaphore, #tpu.memory_space<semaphore_mem>>)
    %dma_start3A_48 = arith.constant 0 : i32
    %dma_start3A_49 = arith.constant 0 : i32
    %dma_start3A_50 = arith.constant 0 : i32
    %dma_start3A_51 = tpu.memref_slice %arg9[%dma_start3A_49, %dma_start3A_50] : memref<256x128xf32, #tpu.memory_space<vmem>> -> memref<128x128xf32, #tpu.memory_space<vmem>>
    %dma_start3A_52 = arith.constant 0 : i32
    %dma_start3A_53 = tpu.memref_slice %arg8[%dma_start3A_48, %dma_start3A_52] : memref<2x128xi32, #tpu.memory_space<vmem>> -> memref<1x128xi32, #tpu.memory_space<vmem>>
    %dma_start3A_54 = tpu.memref_squeeze %dma_start3A_53 : memref<1x128xi32, #tpu.memory_space<vmem>> -> memref<128xi32, #tpu.memory_space<vmem>>
    %dma_start3A_55 = arith.constant 0 : i32
    %dma_start3A_56 = arith.constant 0 : i32
    %dma_start3A_57 = tpu.memref_slice %arg10[%dma_start3A_55, %dma_start3A_56] : memref<10112x128xf32, #tpu.memory_space<vmem_shared>> -> memref<10112x128xf32, #tpu.memory_space<vmem_shared>>
    tpu.enqueue_indirect_dma source(%dma_start3A_51 : memref<128x128xf32, #tpu.memory_space<vmem>>) target(%dma_start3A_57 : memref<10112x128xf32, #tpu.memory_space<vmem_shared>>) offsets(%dma_start3A_54 : memref<128xi32, #tpu.memory_space<vmem>>) semaphore(%arg12 : memref<!tpu.dma_semaphore, #tpu.memory_space<semaphore_mem>>) {add = true}
    %scan3A = arith.constant 0 : i32
    %scan3A_58 = arith.constant 0 : i32
    %scan3A_59 = arith.constant 39 : i32
    %scan3A_60 = arith.addi %scan3A_58, %scan3A_59 : i32
    %scan3A_61 = arith.constant 1 : i32
    scf.for %scan3A_124 = %scan3A_58 to %scan3A_60 step %scan3A_61  : i32 {
      %mul3A_125 = arith.constant 2 : i32
      %mul3A_126 = arith.muli %mul3A_125, %scan3A_124 : i32
      %add3A_127 = arith.constant 1 : i32
      %add3A_128 = arith.addi %mul3A_126, %add3A_127 : i32
      %dma_wait3A_129 = arith.constant 0 : i32
      %dma_wait3A_130 = arith.constant 0 : i32
      %dma_wait3A_131 = arith.constant 0 : i32
      %dma_wait3A_132 = tpu.memref_slice %arg9[%dma_wait3A_130, %dma_wait3A_131] : memref<256x128xf32, #tpu.memory_space<vmem>> -> memref<128x128xf32, #tpu.memory_space<vmem>>
      %dma_wait3A_133 = arith.constant 0 : i32
      %dma_wait3A_134 = tpu.memref_slice %arg8[%dma_wait3A_129, %dma_wait3A_133] : memref<2x128xi32, #tpu.memory_space<vmem>> -> memref<1x128xi32, #tpu.memory_space<vmem>>
      %dma_wait3A_135 = tpu.memref_squeeze %dma_wait3A_134 : memref<1x128xi32, #tpu.memory_space<vmem>> -> memref<128xi32, #tpu.memory_space<vmem>>
      %dma_wait3A_136 = arith.constant 0 : i32
      %dma_wait3A_137 = arith.constant 0 : i32
      %dma_wait3A_138 = tpu.memref_slice %arg10[%dma_wait3A_136, %dma_wait3A_137] : memref<10112x128xf32, #tpu.memory_space<vmem_shared>> -> memref<10112x128xf32, #tpu.memory_space<vmem_shared>>
      tpu.wait_indirect_dma semaphore(%arg12 : memref<!tpu.dma_semaphore, #tpu.memory_space<semaphore_mem>>) src(%dma_wait3A_132 : memref<128x128xf32, #tpu.memory_space<vmem>>) dst(%dma_wait3A_138 : memref<10112x128xf32, #tpu.memory_space<vmem_shared>>)
      %add3A_139 = arith.addi %add3A_14, %add3A_128 : i32
      %add3A_140 = arith.constant 1 : i32
      %add3A_141 = arith.addi %add3A_139, %add3A_140 : i32
      %min3A = arith.minsi %add3A_141, %sub3A_17 : i32
      "tpu.region"() ({
        %run_scoped3A = tpu.sem_alloc : memref<!tpu.dma_semaphore, #tpu.memory_space<semaphore_mem>>
        %dma_start3A_220 = arith.constant 0 : i32
        %dma_start3A_221 = arith.constant 0 : i32
        %dma_start3A_222 = tpu.memref_slice %arg7[%dma_start3A_220, %dma_start3A_221] : memref<2x128xi32, #tpu.memory_space<vmem>> -> memref<1x128xi32, #tpu.memory_space<vmem>>
        %dma_start3A_223 = arith.constant 0 : i32
        %dma_start3A_224 = tpu.memref_slice %arg3[%arg0, %min3A, %dma_start3A_223] : memref<2x2560x128xi32, #tpu.memory_space<hbm>> -> memref<1x1x128xi32, #tpu.memory_space<hbm>>
        %dma_start3A_225 = tpu.memref_squeeze %dma_start3A_224 : memref<1x1x128xi32, #tpu.memory_space<hbm>> -> memref<1x128xi32, #tpu.memory_space<hbm>>
        %dma_start3A_226 = arith.constant 0 : i32
        %dma_start3A_227 = arith.constant 0 : i32
        %dma_start3A_228 = tpu.memref_slice %arg7[%dma_start3A_226, %dma_start3A_227] : memref<2x128xi32, #tpu.memory_space<vmem>> -> memref<1x128xi32, #tpu.memory_space<vmem>>
        %dma_start3A_229 = arith.constant 0 : i32
        %dma_start3A_230 = tpu.memref_slice %arg3[%arg0, %min3A, %dma_start3A_229] : memref<2x2560x128xi32, #tpu.memory_space<hbm>> -> memref<1x1x128xi32, #tpu.memory_space<hbm>>
        %dma_start3A_231 = tpu.memref_squeeze %dma_start3A_230 : memref<1x1x128xi32, #tpu.memory_space<hbm>> -> memref<1x128xi32, #tpu.memory_space<hbm>>
        tpu.enqueue_dma source(%dma_start3A_231 : memref<1x128xi32, #tpu.memory_space<hbm>>) target(%dma_start3A_228 : memref<1x128xi32, #tpu.memory_space<vmem>>) target_semaphore(%run_scoped3A : memref<!tpu.dma_semaphore, #tpu.memory_space<semaphore_mem>>)
        %dma_wait3A_232 = arith.constant 0 : i32
        %dma_wait3A_233 = arith.constant 0 : i32
        %dma_wait3A_234 = tpu.memref_slice %arg7[%dma_wait3A_232, %dma_wait3A_233] : memref<2x128xi32, #tpu.memory_space<vmem>> -> memref<1x128xi32, #tpu.memory_space<vmem>>
        %dma_wait3A_235 = arith.constant 0 : i32
        %dma_wait3A_236 = tpu.memref_slice %arg3[%arg0, %min3A, %dma_wait3A_235] : memref<2x2560x128xi32, #tpu.memory_space<hbm>> -> memref<1x1x128xi32, #tpu.memory_space<hbm>>
        %dma_wait3A_237 = tpu.memref_squeeze %dma_wait3A_236 : memref<1x1x128xi32, #tpu.memory_space<hbm>> -> memref<1x128xi32, #tpu.memory_space<hbm>>
        %dma_wait3A_238 = arith.constant 0 : i32
        %dma_wait3A_239 = arith.constant 0 : i32
        %dma_wait3A_240 = tpu.memref_slice %arg7[%dma_wait3A_238, %dma_wait3A_239] : memref<2x128xi32, #tpu.memory_space<vmem>> -> memref<1x128xi32, #tpu.memory_space<vmem>>
        %dma_wait3A_241 = arith.constant 0 : i32
        %dma_wait3A_242 = tpu.memref_slice %arg3[%arg0, %min3A, %dma_wait3A_241] : memref<2x2560x128xi32, #tpu.memory_space<hbm>> -> memref<1x1x128xi32, #tpu.memory_space<hbm>>
        %dma_wait3A_243 = tpu.memref_squeeze %dma_wait3A_242 : memref<1x1x128xi32, #tpu.memory_space<hbm>> -> memref<1x128xi32, #tpu.memory_space<hbm>>
        tpu.wait_dma2 semaphore(%run_scoped3A : memref<!tpu.dma_semaphore, #tpu.memory_space<semaphore_mem>>) src(%dma_wait3A_243 : memref<1x128xi32, #tpu.memory_space<hbm>>) dst(%dma_wait3A_240 : memref<1x128xi32, #tpu.memory_space<vmem>>)
        tpu.yield
      }) : () -> ()
      "tpu.region"() ({
        %run_scoped3A = tpu.sem_alloc : memref<!tpu.dma_semaphore, #tpu.memory_space<semaphore_mem>>
        %dma_start3A_220 = arith.constant 0 : i32
        %dma_start3A_221 = arith.constant 0 : i32
        %dma_start3A_222 = tpu.memref_slice %arg8[%dma_start3A_220, %dma_start3A_221] : memref<2x128xi32, #tpu.memory_space<vmem>> -> memref<1x128xi32, #tpu.memory_space<vmem>>
        %dma_start3A_223 = arith.constant 0 : i32
        %dma_start3A_224 = tpu.memref_slice %arg4[%min3A, %dma_start3A_223] : memref<2560x128xi32, #tpu.memory_space<hbm>> -> memref<1x128xi32, #tpu.memory_space<hbm>>
        %dma_start3A_225 = arith.constant 0 : i32
        %dma_start3A_226 = arith.constant 0 : i32
        %dma_start3A_227 = tpu.memref_slice %arg8[%dma_start3A_225, %dma_start3A_226] : memref<2x128xi32, #tpu.memory_space<vmem>> -> memref<1x128xi32, #tpu.memory_space<vmem>>
        %dma_start3A_228 = arith.constant 0 : i32
        %dma_start3A_229 = tpu.memref_slice %arg4[%min3A, %dma_start3A_228] : memref<2560x128xi32, #tpu.memory_space<hbm>> -> memref<1x128xi32, #tpu.memory_space<hbm>>
        tpu.enqueue_dma source(%dma_start3A_229 : memref<1x128xi32, #tpu.memory_space<hbm>>) target(%dma_start3A_227 : memref<1x128xi32, #tpu.memory_space<vmem>>) target_semaphore(%run_scoped3A : memref<!tpu.dma_semaphore, #tpu.memory_space<semaphore_mem>>)
        %dma_wait3A_230 = arith.constant 0 : i32
        %dma_wait3A_231 = arith.constant 0 : i32
        %dma_wait3A_232 = tpu.memref_slice %arg8[%dma_wait3A_230, %dma_wait3A_231] : memref<2x128xi32, #tpu.memory_space<vmem>> -> memref<1x128xi32, #tpu.memory_space<vmem>>
        %dma_wait3A_233 = arith.constant 0 : i32
        %dma_wait3A_234 = tpu.memref_slice %arg4[%min3A, %dma_wait3A_233] : memref<2560x128xi32, #tpu.memory_space<hbm>> -> memref<1x128xi32, #tpu.memory_space<hbm>>
        %dma_wait3A_235 = arith.constant 0 : i32
        %dma_wait3A_236 = arith.constant 0 : i32
        %dma_wait3A_237 = tpu.memref_slice %arg8[%dma_wait3A_235, %dma_wait3A_236] : memref<2x128xi32, #tpu.memory_space<vmem>> -> memref<1x128xi32, #tpu.memory_space<vmem>>
        %dma_wait3A_238 = arith.constant 0 : i32
        %dma_wait3A_239 = tpu.memref_slice %arg4[%min3A, %dma_wait3A_238] : memref<2560x128xi32, #tpu.memory_space<hbm>> -> memref<1x128xi32, #tpu.memory_space<hbm>>
        tpu.wait_dma2 semaphore(%run_scoped3A : memref<!tpu.dma_semaphore, #tpu.memory_space<semaphore_mem>>) src(%dma_wait3A_239 : memref<1x128xi32, #tpu.memory_space<hbm>>) dst(%dma_wait3A_237 : memref<1x128xi32, #tpu.memory_space<vmem>>)
        tpu.yield
      }) : () -> ()
      %dma_wait3A_142 = arith.constant 0 : i32
      %dma_wait3A_143 = arith.constant 0 : i32
      %dma_wait3A_144 = arith.constant 0 : i32
      %dma_wait3A_145 = tpu.memref_slice %arg9[%dma_wait3A_143, %dma_wait3A_144] : memref<256x128xf32, #tpu.memory_space<vmem>> -> memref<128x128xf32, #tpu.memory_space<vmem>>
      %dma_wait3A_146 = arith.constant 0 : i32
      %dma_wait3A_147 = tpu.memref_slice %arg7[%dma_wait3A_142, %dma_wait3A_146] : memref<2x128xi32, #tpu.memory_space<vmem>> -> memref<1x128xi32, #tpu.memory_space<vmem>>
      %dma_wait3A_148 = tpu.memref_squeeze %dma_wait3A_147 : memref<1x128xi32, #tpu.memory_space<vmem>> -> memref<128xi32, #tpu.memory_space<vmem>>
      %dma_wait3A_149 = arith.constant 0 : i32
      %dma_wait3A_150 = arith.constant 0 : i32
      %dma_wait3A_151 = tpu.memref_slice %arg2[%dma_wait3A_149, %dma_wait3A_150] : memref<10000x128xf32, #tpu.memory_space<hbm>> -> memref<10000x128xf32, #tpu.memory_space<hbm>>
      tpu.wait_indirect_dma semaphore(%arg11 : memref<!tpu.dma_semaphore, #tpu.memory_space<semaphore_mem>>) src(%dma_wait3A_151 : memref<10000x128xf32, #tpu.memory_space<hbm>>) dst(%dma_wait3A_145 : memref<128x128xf32, #tpu.memory_space<vmem>>)
      %dma_start3A_152 = arith.constant 0 : i32
      %dma_start3A_153 = arith.constant 0 : i32
      %dma_start3A_154 = arith.constant 0 : i32
      %dma_start3A_155 = tpu.memref_slice %arg9[%dma_start3A_153, %dma_start3A_154] : memref<256x128xf32, #tpu.memory_space<vmem>> -> memref<128x128xf32, #tpu.memory_space<vmem>>
      %dma_start3A_156 = arith.constant 0 : i32
      %dma_start3A_157 = tpu.memref_slice %arg7[%dma_start3A_152, %dma_start3A_156] : memref<2x128xi32, #tpu.memory_space<vmem>> -> memref<1x128xi32, #tpu.memory_space<vmem>>
      %dma_start3A_158 = tpu.memref_squeeze %dma_start3A_157 : memref<1x128xi32, #tpu.memory_space<vmem>> -> memref<128xi32, #tpu.memory_space<vmem>>
      %dma_start3A_159 = arith.constant 0 : i32
      %dma_start3A_160 = arith.constant 0 : i32
      %dma_start3A_161 = tpu.memref_slice %arg2[%dma_start3A_159, %dma_start3A_160] : memref<10000x128xf32, #tpu.memory_space<hbm>> -> memref<10000x128xf32, #tpu.memory_space<hbm>>
      tpu.enqueue_indirect_dma source(%dma_start3A_161 : memref<10000x128xf32, #tpu.memory_space<hbm>>) target(%dma_start3A_155 : memref<128x128xf32, #tpu.memory_space<vmem>>) offsets(%dma_start3A_158 : memref<128xi32, #tpu.memory_space<vmem>>) semaphore(%arg11 : memref<!tpu.dma_semaphore, #tpu.memory_space<semaphore_mem>>)
      %dma_start3A_162 = arith.constant 1 : i32
      %dma_start3A_163 = arith.constant 128 : i32
      %dma_start3A_164 = arith.constant 0 : i32
      %dma_start3A_165 = tpu.memref_slice %arg9[%dma_start3A_163, %dma_start3A_164] : memref<256x128xf32, #tpu.memory_space<vmem>> -> memref<128x128xf32, #tpu.memory_space<vmem>>
      %dma_start3A_166 = arith.constant 0 : i32
      %dma_start3A_167 = tpu.memref_slice %arg8[%dma_start3A_162, %dma_start3A_166] : memref<2x128xi32, #tpu.memory_space<vmem>> -> memref<1x128xi32, #tpu.memory_space<vmem>>
      %dma_start3A_168 = tpu.memref_squeeze %dma_start3A_167 : memref<1x128xi32, #tpu.memory_space<vmem>> -> memref<128xi32, #tpu.memory_space<vmem>>
      %dma_start3A_169 = arith.constant 0 : i32
      %dma_start3A_170 = arith.constant 0 : i32
      %dma_start3A_171 = tpu.memref_slice %arg10[%dma_start3A_169, %dma_start3A_170] : memref<10112x128xf32, #tpu.memory_space<vmem_shared>> -> memref<10112x128xf32, #tpu.memory_space<vmem_shared>>
      tpu.enqueue_indirect_dma source(%dma_start3A_165 : memref<128x128xf32, #tpu.memory_space<vmem>>) target(%dma_start3A_171 : memref<10112x128xf32, #tpu.memory_space<vmem_shared>>) offsets(%dma_start3A_168 : memref<128xi32, #tpu.memory_space<vmem>>) semaphore(%arg12 : memref<!tpu.dma_semaphore, #tpu.memory_space<semaphore_mem>>) {add = true}
      %mul3A_172 = arith.constant 2 : i32
      %mul3A_173 = arith.muli %mul3A_172, %scan3A_124 : i32
      %add3A_174 = arith.constant 2 : i32
      %add3A_175 = arith.addi %mul3A_173, %add3A_174 : i32
      %dma_wait3A_176 = arith.constant 0 : i32
      %dma_wait3A_177 = arith.constant 0 : i32
      %dma_wait3A_178 = arith.constant 0 : i32
      %dma_wait3A_179 = tpu.memref_slice %arg9[%dma_wait3A_177, %dma_wait3A_178] : memref<256x128xf32, #tpu.memory_space<vmem>> -> memref<128x128xf32, #tpu.memory_space<vmem>>
      %dma_wait3A_180 = arith.constant 0 : i32
      %dma_wait3A_181 = tpu.memref_slice %arg8[%dma_wait3A_176, %dma_wait3A_180] : memref<2x128xi32, #tpu.memory_space<vmem>> -> memref<1x128xi32, #tpu.memory_space<vmem>>
      %dma_wait3A_182 = tpu.memref_squeeze %dma_wait3A_181 : memref<1x128xi32, #tpu.memory_space<vmem>> -> memref<128xi32, #tpu.memory_space<vmem>>
      %dma_wait3A_183 = arith.constant 0 : i32
      %dma_wait3A_184 = arith.constant 0 : i32
      %dma_wait3A_185 = tpu.memref_slice %arg10[%dma_wait3A_183, %dma_wait3A_184] : memref<10112x128xf32, #tpu.memory_space<vmem_shared>> -> memref<10112x128xf32, #tpu.memory_space<vmem_shared>>
      tpu.wait_indirect_dma semaphore(%arg12 : memref<!tpu.dma_semaphore, #tpu.memory_space<semaphore_mem>>) src(%dma_wait3A_179 : memref<128x128xf32, #tpu.memory_space<vmem>>) dst(%dma_wait3A_185 : memref<10112x128xf32, #tpu.memory_space<vmem_shared>>)
      %add3A_186 = arith.addi %add3A_14, %add3A_175 : i32
      %add3A_187 = arith.constant 1 : i32
      %add3A_188 = arith.addi %add3A_186, %add3A_187 : i32
      %min3A_189 = arith.minsi %add3A_188, %sub3A_17 : i32
      "tpu.region"() ({
        %run_scoped3A = tpu.sem_alloc : memref<!tpu.dma_semaphore, #tpu.memory_space<semaphore_mem>>
        %dma_start3A_220 = arith.constant 1 : i32
        %dma_start3A_221 = arith.constant 0 : i32
        %dma_start3A_222 = tpu.memref_slice %arg7[%dma_start3A_220, %dma_start3A_221] : memref<2x128xi32, #tpu.memory_space<vmem>> -> memref<1x128xi32, #tpu.memory_space<vmem>>
        %dma_start3A_223 = arith.constant 0 : i32
        %dma_start3A_224 = tpu.memref_slice %arg3[%arg0, %min3A_189, %dma_start3A_223] : memref<2x2560x128xi32, #tpu.memory_space<hbm>> -> memref<1x1x128xi32, #tpu.memory_space<hbm>>
        %dma_start3A_225 = tpu.memref_squeeze %dma_start3A_224 : memref<1x1x128xi32, #tpu.memory_space<hbm>> -> memref<1x128xi32, #tpu.memory_space<hbm>>
        %dma_start3A_226 = arith.constant 1 : i32
        %dma_start3A_227 = arith.constant 0 : i32
        %dma_start3A_228 = tpu.memref_slice %arg7[%dma_start3A_226, %dma_start3A_227] : memref<2x128xi32, #tpu.memory_space<vmem>> -> memref<1x128xi32, #tpu.memory_space<vmem>>
        %dma_start3A_229 = arith.constant 0 : i32
        %dma_start3A_230 = tpu.memref_slice %arg3[%arg0, %min3A_189, %dma_start3A_229] : memref<2x2560x128xi32, #tpu.memory_space<hbm>> -> memref<1x1x128xi32, #tpu.memory_space<hbm>>
        %dma_start3A_231 = tpu.memref_squeeze %dma_start3A_230 : memref<1x1x128xi32, #tpu.memory_space<hbm>> -> memref<1x128xi32, #tpu.memory_space<hbm>>
        tpu.enqueue_dma source(%dma_start3A_231 : memref<1x128xi32, #tpu.memory_space<hbm>>) target(%dma_start3A_228 : memref<1x128xi32, #tpu.memory_space<vmem>>) target_semaphore(%run_scoped3A : memref<!tpu.dma_semaphore, #tpu.memory_space<semaphore_mem>>)
        %dma_wait3A_232 = arith.constant 1 : i32
        %dma_wait3A_233 = arith.constant 0 : i32
        %dma_wait3A_234 = tpu.memref_slice %arg7[%dma_wait3A_232, %dma_wait3A_233] : memref<2x128xi32, #tpu.memory_space<vmem>> -> memref<1x128xi32, #tpu.memory_space<vmem>>
        %dma_wait3A_235 = arith.constant 0 : i32
        %dma_wait3A_236 = tpu.memref_slice %arg3[%arg0, %min3A_189, %dma_wait3A_235] : memref<2x2560x128xi32, #tpu.memory_space<hbm>> -> memref<1x1x128xi32, #tpu.memory_space<hbm>>
        %dma_wait3A_237 = tpu.memref_squeeze %dma_wait3A_236 : memref<1x1x128xi32, #tpu.memory_space<hbm>> -> memref<1x128xi32, #tpu.memory_space<hbm>>
        %dma_wait3A_238 = arith.constant 1 : i32
        %dma_wait3A_239 = arith.constant 0 : i32
        %dma_wait3A_240 = tpu.memref_slice %arg7[%dma_wait3A_238, %dma_wait3A_239] : memref<2x128xi32, #tpu.memory_space<vmem>> -> memref<1x128xi32, #tpu.memory_space<vmem>>
        %dma_wait3A_241 = arith.constant 0 : i32
        %dma_wait3A_242 = tpu.memref_slice %arg3[%arg0, %min3A_189, %dma_wait3A_241] : memref<2x2560x128xi32, #tpu.memory_space<hbm>> -> memref<1x1x128xi32, #tpu.memory_space<hbm>>
        %dma_wait3A_243 = tpu.memref_squeeze %dma_wait3A_242 : memref<1x1x128xi32, #tpu.memory_space<hbm>> -> memref<1x128xi32, #tpu.memory_space<hbm>>
        tpu.wait_dma2 semaphore(%run_scoped3A : memref<!tpu.dma_semaphore, #tpu.memory_space<semaphore_mem>>) src(%dma_wait3A_243 : memref<1x128xi32, #tpu.memory_space<hbm>>) dst(%dma_wait3A_240 : memref<1x128xi32, #tpu.memory_space<vmem>>)
        tpu.yield
      }) : () -> ()
      "tpu.region"() ({
        %run_scoped3A = tpu.sem_alloc : memref<!tpu.dma_semaphore, #tpu.memory_space<semaphore_mem>>
        %dma_start3A_220 = arith.constant 1 : i32
        %dma_start3A_221 = arith.constant 0 : i32
        %dma_start3A_222 = tpu.memref_slice %arg8[%dma_start3A_220, %dma_start3A_221] : memref<2x128xi32, #tpu.memory_space<vmem>> -> memref<1x128xi32, #tpu.memory_space<vmem>>
        %dma_start3A_223 = arith.constant 0 : i32
        %dma_start3A_224 = tpu.memref_slice %arg4[%min3A_189, %dma_start3A_223] : memref<2560x128xi32, #tpu.memory_space<hbm>> -> memref<1x128xi32, #tpu.memory_space<hbm>>
        %dma_start3A_225 = arith.constant 1 : i32
        %dma_start3A_226 = arith.constant 0 : i32
        %dma_start3A_227 = tpu.memref_slice %arg8[%dma_start3A_225, %dma_start3A_226] : memref<2x128xi32, #tpu.memory_space<vmem>> -> memref<1x128xi32, #tpu.memory_space<vmem>>
        %dma_start3A_228 = arith.constant 0 : i32
        %dma_start3A_229 = tpu.memref_slice %arg4[%min3A_189, %dma_start3A_228] : memref<2560x128xi32, #tpu.memory_space<hbm>> -> memref<1x128xi32, #tpu.memory_space<hbm>>
        tpu.enqueue_dma source(%dma_start3A_229 : memref<1x128xi32, #tpu.memory_space<hbm>>) target(%dma_start3A_227 : memref<1x128xi32, #tpu.memory_space<vmem>>) target_semaphore(%run_scoped3A : memref<!tpu.dma_semaphore, #tpu.memory_space<semaphore_mem>>)
        %dma_wait3A_230 = arith.constant 1 : i32
        %dma_wait3A_231 = arith.constant 0 : i32
        %dma_wait3A_232 = tpu.memref_slice %arg8[%dma_wait3A_230, %dma_wait3A_231] : memref<2x128xi32, #tpu.memory_space<vmem>> -> memref<1x128xi32, #tpu.memory_space<vmem>>
        %dma_wait3A_233 = arith.constant 0 : i32
        %dma_wait3A_234 = tpu.memref_slice %arg4[%min3A_189, %dma_wait3A_233] : memref<2560x128xi32, #tpu.memory_space<hbm>> -> memref<1x128xi32, #tpu.memory_space<hbm>>
        %dma_wait3A_235 = arith.constant 1 : i32
        %dma_wait3A_236 = arith.constant 0 : i32
        %dma_wait3A_237 = tpu.memref_slice %arg8[%dma_wait3A_235, %dma_wait3A_236] : memref<2x128xi32, #tpu.memory_space<vmem>> -> memref<1x128xi32, #tpu.memory_space<vmem>>
        %dma_wait3A_238 = arith.constant 0 : i32
        %dma_wait3A_239 = tpu.memref_slice %arg4[%min3A_189, %dma_wait3A_238] : memref<2560x128xi32, #tpu.memory_space<hbm>> -> memref<1x128xi32, #tpu.memory_space<hbm>>
        tpu.wait_dma2 semaphore(%run_scoped3A : memref<!tpu.dma_semaphore, #tpu.memory_space<semaphore_mem>>) src(%dma_wait3A_239 : memref<1x128xi32, #tpu.memory_space<hbm>>) dst(%dma_wait3A_237 : memref<1x128xi32, #tpu.memory_space<vmem>>)
        tpu.yield
      }) : () -> ()
      %dma_wait3A_190 = arith.constant 0 : i32
      %dma_wait3A_191 = arith.constant 0 : i32
      %dma_wait3A_192 = arith.constant 0 : i32
      %dma_wait3A_193 = tpu.memref_slice %arg9[%dma_wait3A_191, %dma_wait3A_192] : memref<256x128xf32, #tpu.memory_space<vmem>> -> memref<128x128xf32, #tpu.memory_space<vmem>>
      %dma_wait3A_194 = arith.constant 0 : i32
      %dma_wait3A_195 = tpu.memref_slice %arg7[%dma_wait3A_190, %dma_wait3A_194] : memref<2x128xi32, #tpu.memory_space<vmem>> -> memref<1x128xi32, #tpu.memory_space<vmem>>
      %dma_wait3A_196 = tpu.memref_squeeze %dma_wait3A_195 : memref<1x128xi32, #tpu.memory_space<vmem>> -> memref<128xi32, #tpu.memory_space<vmem>>
      %dma_wait3A_197 = arith.constant 0 : i32
      %dma_wait3A_198 = arith.constant 0 : i32
      %dma_wait3A_199 = tpu.memref_slice %arg2[%dma_wait3A_197, %dma_wait3A_198] : memref<10000x128xf32, #tpu.memory_space<hbm>> -> memref<10000x128xf32, #tpu.memory_space<hbm>>
      tpu.wait_indirect_dma semaphore(%arg11 : memref<!tpu.dma_semaphore, #tpu.memory_space<semaphore_mem>>) src(%dma_wait3A_199 : memref<10000x128xf32, #tpu.memory_space<hbm>>) dst(%dma_wait3A_193 : memref<128x128xf32, #tpu.memory_space<vmem>>)
      %dma_start3A_200 = arith.constant 1 : i32
      %dma_start3A_201 = arith.constant 128 : i32
      %dma_start3A_202 = arith.constant 0 : i32
      %dma_start3A_203 = tpu.memref_slice %arg9[%dma_start3A_201, %dma_start3A_202] : memref<256x128xf32, #tpu.memory_space<vmem>> -> memref<128x128xf32, #tpu.memory_space<vmem>>
      %dma_start3A_204 = arith.constant 0 : i32
      %dma_start3A_205 = tpu.memref_slice %arg7[%dma_start3A_200, %dma_start3A_204] : memref<2x128xi32, #tpu.memory_space<vmem>> -> memref<1x128xi32, #tpu.memory_space<vmem>>
      %dma_start3A_206 = tpu.memref_squeeze %dma_start3A_205 : memref<1x128xi32, #tpu.memory_space<vmem>> -> memref<128xi32, #tpu.memory_space<vmem>>
      %dma_start3A_207 = arith.constant 0 : i32
      %dma_start3A_208 = arith.constant 0 : i32
      %dma_start3A_209 = tpu.memref_slice %arg2[%dma_start3A_207, %dma_start3A_208] : memref<10000x128xf32, #tpu.memory_space<hbm>> -> memref<10000x128xf32, #tpu.memory_space<hbm>>
      tpu.enqueue_indirect_dma source(%dma_start3A_209 : memref<10000x128xf32, #tpu.memory_space<hbm>>) target(%dma_start3A_203 : memref<128x128xf32, #tpu.memory_space<vmem>>) offsets(%dma_start3A_206 : memref<128xi32, #tpu.memory_space<vmem>>) semaphore(%arg11 : memref<!tpu.dma_semaphore, #tpu.memory_space<semaphore_mem>>)
      %dma_start3A_210 = arith.constant 0 : i32
      %dma_start3A_211 = arith.constant 0 : i32
      %dma_start3A_212 = arith.constant 0 : i32
      %dma_start3A_213 = tpu.memref_slice %arg9[%dma_start3A_211, %dma_start3A_212] : memref<256x128xf32, #tpu.memory_space<vmem>> -> memref<128x128xf32, #tpu.memory_space<vmem>>
      %dma_start3A_214 = arith.constant 0 : i32
      %dma_start3A_215 = tpu.memref_slice %arg8[%dma_start3A_210, %dma_start3A_214] : memref<2x128xi32, #tpu.memory_space<vmem>> -> memref<1x128xi32, #tpu.memory_space<vmem>>
      %dma_start3A_216 = tpu.memref_squeeze %dma_start3A_215 : memref<1x128xi32, #tpu.memory_space<vmem>> -> memref<128xi32, #tpu.memory_space<vmem>>
      %dma_start3A_217 = arith.constant 0 : i32
      %dma_start3A_218 = arith.constant 0 : i32
      %dma_start3A_219 = tpu.memref_slice %arg10[%dma_start3A_217, %dma_start3A_218] : memref<10112x128xf32, #tpu.memory_space<vmem_shared>> -> memref<10112x128xf32, #tpu.memory_space<vmem_shared>>
      tpu.enqueue_indirect_dma source(%dma_start3A_213 : memref<128x128xf32, #tpu.memory_space<vmem>>) target(%dma_start3A_219 : memref<10112x128xf32, #tpu.memory_space<vmem_shared>>) offsets(%dma_start3A_216 : memref<128xi32, #tpu.memory_space<vmem>>) semaphore(%arg12 : memref<!tpu.dma_semaphore, #tpu.memory_space<semaphore_mem>>) {add = true}
    }
    %scan3A_62 = arith.constant 39 : i32
    %dma_wait3A_63 = arith.constant 0 : i32
    %dma_wait3A_64 = arith.constant 0 : i32
    %dma_wait3A_65 = arith.constant 0 : i32
    %dma_wait3A_66 = tpu.memref_slice %arg9[%dma_wait3A_64, %dma_wait3A_65] : memref<256x128xf32, #tpu.memory_space<vmem>> -> memref<128x128xf32, #tpu.memory_space<vmem>>
    %dma_wait3A_67 = arith.constant 0 : i32
    %dma_wait3A_68 = tpu.memref_slice %arg8[%dma_wait3A_63, %dma_wait3A_67] : memref<2x128xi32, #tpu.memory_space<vmem>> -> memref<1x128xi32, #tpu.memory_space<vmem>>
    %dma_wait3A_69 = tpu.memref_squeeze %dma_wait3A_68 : memref<1x128xi32, #tpu.memory_space<vmem>> -> memref<128xi32, #tpu.memory_space<vmem>>
    %dma_wait3A_70 = arith.constant 0 : i32
    %dma_wait3A_71 = arith.constant 0 : i32
    %dma_wait3A_72 = tpu.memref_slice %arg10[%dma_wait3A_70, %dma_wait3A_71] : memref<10112x128xf32, #tpu.memory_space<vmem_shared>> -> memref<10112x128xf32, #tpu.memory_space<vmem_shared>>
    tpu.wait_indirect_dma semaphore(%arg12 : memref<!tpu.dma_semaphore, #tpu.memory_space<semaphore_mem>>) src(%dma_wait3A_66 : memref<128x128xf32, #tpu.memory_space<vmem>>) dst(%dma_wait3A_72 : memref<10112x128xf32, #tpu.memory_space<vmem_shared>>)
    %dma_wait3A_73 = arith.constant 0 : i32
    %dma_wait3A_74 = arith.constant 0 : i32
    %dma_wait3A_75 = arith.constant 0 : i32
    %dma_wait3A_76 = tpu.memref_slice %arg9[%dma_wait3A_74, %dma_wait3A_75] : memref<256x128xf32, #tpu.memory_space<vmem>> -> memref<128x128xf32, #tpu.memory_space<vmem>>
    %dma_wait3A_77 = arith.constant 0 : i32
    %dma_wait3A_78 = tpu.memref_slice %arg7[%dma_wait3A_73, %dma_wait3A_77] : memref<2x128xi32, #tpu.memory_space<vmem>> -> memref<1x128xi32, #tpu.memory_space<vmem>>
    %dma_wait3A_79 = tpu.memref_squeeze %dma_wait3A_78 : memref<1x128xi32, #tpu.memory_space<vmem>> -> memref<128xi32, #tpu.memory_space<vmem>>
    %dma_wait3A_80 = arith.constant 0 : i32
    %dma_wait3A_81 = arith.constant 0 : i32
    %dma_wait3A_82 = tpu.memref_slice %arg2[%dma_wait3A_80, %dma_wait3A_81] : memref<10000x128xf32, #tpu.memory_space<hbm>> -> memref<10000x128xf32, #tpu.memory_space<hbm>>
    tpu.wait_indirect_dma semaphore(%arg11 : memref<!tpu.dma_semaphore, #tpu.memory_space<semaphore_mem>>) src(%dma_wait3A_82 : memref<10000x128xf32, #tpu.memory_space<hbm>>) dst(%dma_wait3A_76 : memref<128x128xf32, #tpu.memory_space<vmem>>)
    %dma_start3A_83 = arith.constant 1 : i32
    %dma_start3A_84 = arith.constant 128 : i32
    %dma_start3A_85 = arith.constant 0 : i32
    %dma_start3A_86 = tpu.memref_slice %arg9[%dma_start3A_84, %dma_start3A_85] : memref<256x128xf32, #tpu.memory_space<vmem>> -> memref<128x128xf32, #tpu.memory_space<vmem>>
    %dma_start3A_87 = arith.constant 0 : i32
    %dma_start3A_88 = tpu.memref_slice %arg8[%dma_start3A_83, %dma_start3A_87] : memref<2x128xi32, #tpu.memory_space<vmem>> -> memref<1x128xi32, #tpu.memory_space<vmem>>
    %dma_start3A_89 = tpu.memref_squeeze %dma_start3A_88 : memref<1x128xi32, #tpu.memory_space<vmem>> -> memref<128xi32, #tpu.memory_space<vmem>>
    %dma_start3A_90 = arith.constant 0 : i32
    %dma_start3A_91 = arith.constant 0 : i32
    %dma_start3A_92 = tpu.memref_slice %arg10[%dma_start3A_90, %dma_start3A_91] : memref<10112x128xf32, #tpu.memory_space<vmem_shared>> -> memref<10112x128xf32, #tpu.memory_space<vmem_shared>>
    tpu.enqueue_indirect_dma source(%dma_start3A_86 : memref<128x128xf32, #tpu.memory_space<vmem>>) target(%dma_start3A_92 : memref<10112x128xf32, #tpu.memory_space<vmem_shared>>) offsets(%dma_start3A_89 : memref<128xi32, #tpu.memory_space<vmem>>) semaphore(%arg12 : memref<!tpu.dma_semaphore, #tpu.memory_space<semaphore_mem>>) {add = true}
    %dma_wait3A_93 = arith.constant 0 : i32
    %dma_wait3A_94 = arith.constant 0 : i32
    %dma_wait3A_95 = arith.constant 0 : i32
    %dma_wait3A_96 = tpu.memref_slice %arg9[%dma_wait3A_94, %dma_wait3A_95] : memref<256x128xf32, #tpu.memory_space<vmem>> -> memref<128x128xf32, #tpu.memory_space<vmem>>
    %dma_wait3A_97 = arith.constant 0 : i32
    %dma_wait3A_98 = tpu.memref_slice %arg8[%dma_wait3A_93, %dma_wait3A_97] : memref<2x128xi32, #tpu.memory_space<vmem>> -> memref<1x128xi32, #tpu.memory_space<vmem>>
    %dma_wait3A_99 = tpu.memref_squeeze %dma_wait3A_98 : memref<1x128xi32, #tpu.memory_space<vmem>> -> memref<128xi32, #tpu.memory_space<vmem>>
    %dma_wait3A_100 = arith.constant 0 : i32
    %dma_wait3A_101 = arith.constant 0 : i32
    %dma_wait3A_102 = tpu.memref_slice %arg10[%dma_wait3A_100, %dma_wait3A_101] : memref<10112x128xf32, #tpu.memory_space<vmem_shared>> -> memref<10112x128xf32, #tpu.memory_space<vmem_shared>>
    tpu.wait_indirect_dma semaphore(%arg12 : memref<!tpu.dma_semaphore, #tpu.memory_space<semaphore_mem>>) src(%dma_wait3A_96 : memref<128x128xf32, #tpu.memory_space<vmem>>) dst(%dma_wait3A_102 : memref<10112x128xf32, #tpu.memory_space<vmem_shared>>)
    %barrier3A_103 = arith.constant 0 : index
    tpu.barrier barrier_id(%barrier3A_103)
    %add3A_104 = arith.constant 0 : i32
    %add3A_105 = arith.addi %mul3A_0, %add3A_104 : i32
    "tpu.region"() ({
      %run_scoped3A = tpu.sem_alloc : memref<!tpu.dma_semaphore, #tpu.memory_space<semaphore_mem>>
      %dma_start3A_124 = arith.constant 0 : i32
      %dma_start3A_125 = arith.constant 0 : i32
      %dma_start3A_126 = tpu.memref_slice %arg9[%dma_start3A_124, %dma_start3A_125] : memref<256x128xf32, #tpu.memory_space<vmem>> -> memref<128x128xf32, #tpu.memory_space<vmem>>
      %dma_start3A_127 = arith.constant 0 : i32
      %dma_start3A_128 = tpu.memref_slice %arg10[%add3A_105, %dma_start3A_127] : memref<10112x128xf32, #tpu.memory_space<vmem_shared>> -> memref<128x128xf32, #tpu.memory_space<vmem_shared>>
      %dma_start3A_129 = arith.constant 0 : i32
      %dma_start3A_130 = arith.constant 0 : i32
      %dma_start3A_131 = tpu.memref_slice %arg9[%dma_start3A_129, %dma_start3A_130] : memref<256x128xf32, #tpu.memory_space<vmem>> -> memref<128x128xf32, #tpu.memory_space<vmem>>
      %dma_start3A_132 = arith.constant 0 : i32
      %dma_start3A_133 = tpu.memref_slice %arg10[%add3A_105, %dma_start3A_132] : memref<10112x128xf32, #tpu.memory_space<vmem_shared>> -> memref<128x128xf32, #tpu.memory_space<vmem_shared>>
      tpu.enqueue_dma source(%dma_start3A_133 : memref<128x128xf32, #tpu.memory_space<vmem_shared>>) target(%dma_start3A_131 : memref<128x128xf32, #tpu.memory_space<vmem>>) target_semaphore(%run_scoped3A : memref<!tpu.dma_semaphore, #tpu.memory_space<semaphore_mem>>)
      %dma_wait3A_134 = arith.constant 0 : i32
      %dma_wait3A_135 = arith.constant 0 : i32
      %dma_wait3A_136 = tpu.memref_slice %arg9[%dma_wait3A_134, %dma_wait3A_135] : memref<256x128xf32, #tpu.memory_space<vmem>> -> memref<128x128xf32, #tpu.memory_space<vmem>>
      %dma_wait3A_137 = arith.constant 0 : i32
      %dma_wait3A_138 = tpu.memref_slice %arg10[%add3A_105, %dma_wait3A_137] : memref<10112x128xf32, #tpu.memory_space<vmem_shared>> -> memref<128x128xf32, #tpu.memory_space<vmem_shared>>
      %dma_wait3A_139 = arith.constant 0 : i32
      %dma_wait3A_140 = arith.constant 0 : i32
      %dma_wait3A_141 = tpu.memref_slice %arg9[%dma_wait3A_139, %dma_wait3A_140] : memref<256x128xf32, #tpu.memory_space<vmem>> -> memref<128x128xf32, #tpu.memory_space<vmem>>
      %dma_wait3A_142 = arith.constant 0 : i32
      %dma_wait3A_143 = tpu.memref_slice %arg10[%add3A_105, %dma_wait3A_142] : memref<10112x128xf32, #tpu.memory_space<vmem_shared>> -> memref<128x128xf32, #tpu.memory_space<vmem_shared>>
      tpu.wait_dma2 semaphore(%run_scoped3A : memref<!tpu.dma_semaphore, #tpu.memory_space<semaphore_mem>>) src(%dma_wait3A_143 : memref<128x128xf32, #tpu.memory_space<vmem_shared>>) dst(%dma_wait3A_141 : memref<128x128xf32, #tpu.memory_space<vmem>>)
      tpu.yield
    }) : () -> ()
    %add3A_106 = arith.constant 0 : i32
    %add3A_107 = arith.addi %mul3A_0, %add3A_106 : i32
    "tpu.region"() ({
      %run_scoped3A = tpu.sem_alloc : memref<!tpu.dma_semaphore, #tpu.memory_space<semaphore_mem>>
      %dma_start3A_124 = arith.constant 0 : i32
      %dma_start3A_125 = arith.constant 0 : i32
      %dma_start3A_126 = tpu.memref_slice %arg9[%dma_start3A_124, %dma_start3A_125] : memref<256x128xf32, #tpu.memory_space<vmem>> -> memref<128x128xf32, #tpu.memory_space<vmem>>
      %dma_start3A_127 = arith.constant 0 : i32
      %dma_start3A_128 = tpu.memref_slice %arg6[%arg0, %add3A_107, %dma_start3A_127] : memref<2x10112x128xf32, #tpu.memory_space<hbm>> -> memref<1x128x128xf32, #tpu.memory_space<hbm>>
      %dma_start3A_129 = tpu.memref_squeeze %dma_start3A_128 : memref<1x128x128xf32, #tpu.memory_space<hbm>> -> memref<128x128xf32, #tpu.memory_space<hbm>>
      %dma_start3A_130 = arith.constant 0 : i32
      %dma_start3A_131 = tpu.memref_slice %arg6[%arg0, %add3A_107, %dma_start3A_130] : memref<2x10112x128xf32, #tpu.memory_space<hbm>> -> memref<1x128x128xf32, #tpu.memory_space<hbm>>
      %dma_start3A_132 = tpu.memref_squeeze %dma_start3A_131 : memref<1x128x128xf32, #tpu.memory_space<hbm>> -> memref<128x128xf32, #tpu.memory_space<hbm>>
      %dma_start3A_133 = arith.constant 0 : i32
      %dma_start3A_134 = arith.constant 0 : i32
      %dma_start3A_135 = tpu.memref_slice %arg9[%dma_start3A_133, %dma_start3A_134] : memref<256x128xf32, #tpu.memory_space<vmem>> -> memref<128x128xf32, #tpu.memory_space<vmem>>
      tpu.enqueue_dma source(%dma_start3A_135 : memref<128x128xf32, #tpu.memory_space<vmem>>) target(%dma_start3A_132 : memref<128x128xf32, #tpu.memory_space<hbm>>) target_semaphore(%run_scoped3A : memref<!tpu.dma_semaphore, #tpu.memory_space<semaphore_mem>>)
      %dma_wait3A_136 = arith.constant 0 : i32
      %dma_wait3A_137 = arith.constant 0 : i32
      %dma_wait3A_138 = tpu.memref_slice %arg9[%dma_wait3A_136, %dma_wait3A_137] : memref<256x128xf32, #tpu.memory_space<vmem>> -> memref<128x128xf32, #tpu.memory_space<vmem>>
      %dma_wait3A_139 = arith.constant 0 : i32
      %dma_wait3A_140 = tpu.memref_slice %arg6[%arg0, %add3A_107, %dma_wait3A_139] : memref<2x10112x128xf32, #tpu.memory_space<hbm>> -> memref<1x128x128xf32, #tpu.memory_space<hbm>>
      %dma_wait3A_141 = tpu.memref_squeeze %dma_wait3A_140 : memref<1x128x128xf32, #tpu.memory_space<hbm>> -> memref<128x128xf32, #tpu.memory_space<hbm>>
      %dma_wait3A_142 = arith.constant 0 : i32
      %dma_wait3A_143 = tpu.memref_slice %arg6[%arg0, %add3A_107, %dma_wait3A_142] : memref<2x10112x128xf32, #tpu.memory_space<hbm>> -> memref<1x128x128xf32, #tpu.memory_space<hbm>>
      %dma_wait3A_144 = tpu.memref_squeeze %dma_wait3A_143 : memref<1x128x128xf32, #tpu.memory_space<hbm>> -> memref<128x128xf32, #tpu.memory_space<hbm>>
      %dma_wait3A_145 = arith.constant 0 : i32
      %dma_wait3A_146 = arith.constant 0 : i32
      %dma_wait3A_147 = tpu.memref_slice %arg9[%dma_wait3A_145, %dma_wait3A_146] : memref<256x128xf32, #tpu.memory_space<vmem>> -> memref<128x128xf32, #tpu.memory_space<vmem>>
      tpu.wait_dma2 semaphore(%run_scoped3A : memref<!tpu.dma_semaphore, #tpu.memory_space<semaphore_mem>>) src(%dma_wait3A_147 : memref<128x128xf32, #tpu.memory_space<vmem>>) dst(%dma_wait3A_144 : memref<128x128xf32, #tpu.memory_space<hbm>>)
      tpu.yield
    }) : () -> ()
    %add3A_108 = arith.constant 128 : i32
    %add3A_109 = arith.addi %mul3A_0, %add3A_108 : i32
    "tpu.region"() ({
      %run_scoped3A = tpu.sem_alloc : memref<!tpu.dma_semaphore, #tpu.memory_space<semaphore_mem>>
      %dma_start3A_124 = arith.constant 0 : i32
      %dma_start3A_125 = arith.constant 0 : i32
      %dma_start3A_126 = tpu.memref_slice %arg9[%dma_start3A_124, %dma_start3A_125] : memref<256x128xf32, #tpu.memory_space<vmem>> -> memref<128x128xf32, #tpu.memory_space<vmem>>
      %dma_start3A_127 = arith.constant 0 : i32
      %dma_start3A_128 = tpu.memref_slice %arg10[%add3A_109, %dma_start3A_127] : memref<10112x128xf32, #tpu.memory_space<vmem_shared>> -> memref<128x128xf32, #tpu.memory_space<vmem_shared>>
      %dma_start3A_129 = arith.constant 0 : i32
      %dma_start3A_130 = arith.constant 0 : i32
      %dma_start3A_131 = tpu.memref_slice %arg9[%dma_start3A_129, %dma_start3A_130] : memref<256x128xf32, #tpu.memory_space<vmem>> -> memref<128x128xf32, #tpu.memory_space<vmem>>
      %dma_start3A_132 = arith.constant 0 : i32
      %dma_start3A_133 = tpu.memref_slice %arg10[%add3A_109, %dma_start3A_132] : memref<10112x128xf32, #tpu.memory_space<vmem_shared>> -> memref<128x128xf32, #tpu.memory_space<vmem_shared>>
      tpu.enqueue_dma source(%dma_start3A_133 : memref<128x128xf32, #tpu.memory_space<vmem_shared>>) target(%dma_start3A_131 : memref<128x128xf32, #tpu.memory_space<vmem>>) target_semaphore(%run_scoped3A : memref<!tpu.dma_semaphore, #tpu.memory_space<semaphore_mem>>)
      %dma_wait3A_134 = arith.constant 0 : i32
      %dma_wait3A_135 = arith.constant 0 : i32
      %dma_wait3A_136 = tpu.memref_slice %arg9[%dma_wait3A_134, %dma_wait3A_135] : memref<256x128xf32, #tpu.memory_space<vmem>> -> memref<128x128xf32, #tpu.memory_space<vmem>>
      %dma_wait3A_137 = arith.constant 0 : i32
      %dma_wait3A_138 = tpu.memref_slice %arg10[%add3A_109, %dma_wait3A_137] : memref<10112x128xf32, #tpu.memory_space<vmem_shared>> -> memref<128x128xf32, #tpu.memory_space<vmem_shared>>
      %dma_wait3A_139 = arith.constant 0 : i32
      %dma_wait3A_140 = arith.constant 0 : i32
      %dma_wait3A_141 = tpu.memref_slice %arg9[%dma_wait3A_139, %dma_wait3A_140] : memref<256x128xf32, #tpu.memory_space<vmem>> -> memref<128x128xf32, #tpu.memory_space<vmem>>
      %dma_wait3A_142 = arith.constant 0 : i32
      %dma_wait3A_143 = tpu.memref_slice %arg10[%add3A_109, %dma_wait3A_142] : memref<10112x128xf32, #tpu.memory_space<vmem_shared>> -> memref<128x128xf32, #tpu.memory_space<vmem_shared>>
      tpu.wait_dma2 semaphore(%run_scoped3A : memref<!tpu.dma_semaphore, #tpu.memory_space<semaphore_mem>>) src(%dma_wait3A_143 : memref<128x128xf32, #tpu.memory_space<vmem_shared>>) dst(%dma_wait3A_141 : memref<128x128xf32, #tpu.memory_space<vmem>>)
      tpu.yield
    }) : () -> ()
    %add3A_110 = arith.constant 128 : i32
    %add3A_111 = arith.addi %mul3A_0, %add3A_110 : i32
    "tpu.region"() ({
      %run_scoped3A = tpu.sem_alloc : memref<!tpu.dma_semaphore, #tpu.memory_space<semaphore_mem>>
      %dma_start3A_124 = arith.constant 0 : i32
      %dma_start3A_125 = arith.constant 0 : i32
      %dma_start3A_126 = tpu.memref_slice %arg9[%dma_start3A_124, %dma_start3A_125] : memref<256x128xf32, #tpu.memory_space<vmem>> -> memref<128x128xf32, #tpu.memory_space<vmem>>
      %dma_start3A_127 = arith.constant 0 : i32
      %dma_start3A_128 = tpu.memref_slice %arg6[%arg0, %add3A_111, %dma_start3A_127] : memref<2x10112x128xf32, #tpu.memory_space<hbm>> -> memref<1x128x128xf32, #tpu.memory_space<hbm>>
      %dma_start3A_129 = tpu.memref_squeeze %dma_start3A_128 : memref<1x128x128xf32, #tpu.memory_space<hbm>> -> memref<128x128xf32, #tpu.memory_space<hbm>>
      %dma_start3A_130 = arith.constant 0 : i32
      %dma_start3A_131 = tpu.memref_slice %arg6[%arg0, %add3A_111, %dma_start3A_130] : memref<2x10112x128xf32, #tpu.memory_space<hbm>> -> memref<1x128x128xf32, #tpu.memory_space<hbm>>
      %dma_start3A_132 = tpu.memref_squeeze %dma_start3A_131 : memref<1x128x128xf32, #tpu.memory_space<hbm>> -> memref<128x128xf32, #tpu.memory_space<hbm>>
      %dma_start3A_133 = arith.constant 0 : i32
      %dma_start3A_134 = arith.constant 0 : i32
      %dma_start3A_135 = tpu.memref_slice %arg9[%dma_start3A_133, %dma_start3A_134] : memref<256x128xf32, #tpu.memory_space<vmem>> -> memref<128x128xf32, #tpu.memory_space<vmem>>
      tpu.enqueue_dma source(%dma_start3A_135 : memref<128x128xf32, #tpu.memory_space<vmem>>) target(%dma_start3A_132 : memref<128x128xf32, #tpu.memory_space<hbm>>) target_semaphore(%run_scoped3A : memref<!tpu.dma_semaphore, #tpu.memory_space<semaphore_mem>>)
      %dma_wait3A_136 = arith.constant 0 : i32
      %dma_wait3A_137 = arith.constant 0 : i32
      %dma_wait3A_138 = tpu.memref_slice %arg9[%dma_wait3A_136, %dma_wait3A_137] : memref<256x128xf32, #tpu.memory_space<vmem>> -> memref<128x128xf32, #tpu.memory_space<vmem>>
      %dma_wait3A_139 = arith.constant 0 : i32
      %dma_wait3A_140 = tpu.memref_slice %arg6[%arg0, %add3A_111, %dma_wait3A_139] : memref<2x10112x128xf32, #tpu.memory_space<hbm>> -> memref<1x128x128xf32, #tpu.memory_space<hbm>>
      %dma_wait3A_141 = tpu.memref_squeeze %dma_wait3A_140 : memref<1x128x128xf32, #tpu.memory_space<hbm>> -> memref<128x128xf32, #tpu.memory_space<hbm>>
      %dma_wait3A_142 = arith.constant 0 : i32
      %dma_wait3A_143 = tpu.memref_slice %arg6[%arg0, %add3A_111, %dma_wait3A_142] : memref<2x10112x128xf32, #tpu.memory_space<hbm>> -> memref<1x128x128xf32, #tpu.memory_space<hbm>>
      %dma_wait3A_144 = tpu.memref_squeeze %dma_wait3A_143 : memref<1x128x128xf32, #tpu.memory_space<hbm>> -> memref<128x128xf32, #tpu.memory_space<hbm>>
      %dma_wait3A_145 = arith.constant 0 : i32
      %dma_wait3A_146 = arith.constant 0 : i32
      %dma_wait3A_147 = tpu.memref_slice %arg9[%dma_wait3A_145, %dma_wait3A_146] : memref<256x128xf32, #tpu.memory_space<vmem>> -> memref<128x128xf32, #tpu.memory_space<vmem>>
      tpu.wait_dma2 semaphore(%run_scoped3A : memref<!tpu.dma_semaphore, #tpu.memory_space<semaphore_mem>>) src(%dma_wait3A_147 : memref<128x128xf32, #tpu.memory_space<vmem>>) dst(%dma_wait3A_144 : memref<128x128xf32, #tpu.memory_space<hbm>>)
      tpu.yield
    }) : () -> ()
    %add3A_112 = arith.constant 256 : i32
    %add3A_113 = arith.addi %mul3A_0, %add3A_112 : i32
    "tpu.region"() ({
      %run_scoped3A = tpu.sem_alloc : memref<!tpu.dma_semaphore, #tpu.memory_space<semaphore_mem>>
      %dma_start3A_124 = arith.constant 0 : i32
      %dma_start3A_125 = arith.constant 0 : i32
      %dma_start3A_126 = tpu.memref_slice %arg9[%dma_start3A_124, %dma_start3A_125] : memref<256x128xf32, #tpu.memory_space<vmem>> -> memref<128x128xf32, #tpu.memory_space<vmem>>
      %dma_start3A_127 = arith.constant 0 : i32
      %dma_start3A_128 = tpu.memref_slice %arg10[%add3A_113, %dma_start3A_127] : memref<10112x128xf32, #tpu.memory_space<vmem_shared>> -> memref<128x128xf32, #tpu.memory_space<vmem_shared>>
      %dma_start3A_129 = arith.constant 0 : i32
      %dma_start3A_130 = arith.constant 0 : i32
      %dma_start3A_131 = tpu.memref_slice %arg9[%dma_start3A_129, %dma_start3A_130] : memref<256x128xf32, #tpu.memory_space<vmem>> -> memref<128x128xf32, #tpu.memory_space<vmem>>
      %dma_start3A_132 = arith.constant 0 : i32
      %dma_start3A_133 = tpu.memref_slice %arg10[%add3A_113, %dma_start3A_132] : memref<10112x128xf32, #tpu.memory_space<vmem_shared>> -> memref<128x128xf32, #tpu.memory_space<vmem_shared>>
      tpu.enqueue_dma source(%dma_start3A_133 : memref<128x128xf32, #tpu.memory_space<vmem_shared>>) target(%dma_start3A_131 : memref<128x128xf32, #tpu.memory_space<vmem>>) target_semaphore(%run_scoped3A : memref<!tpu.dma_semaphore, #tpu.memory_space<semaphore_mem>>)
      %dma_wait3A_134 = arith.constant 0 : i32
      %dma_wait3A_135 = arith.constant 0 : i32
      %dma_wait3A_136 = tpu.memref_slice %arg9[%dma_wait3A_134, %dma_wait3A_135] : memref<256x128xf32, #tpu.memory_space<vmem>> -> memref<128x128xf32, #tpu.memory_space<vmem>>
      %dma_wait3A_137 = arith.constant 0 : i32
      %dma_wait3A_138 = tpu.memref_slice %arg10[%add3A_113, %dma_wait3A_137] : memref<10112x128xf32, #tpu.memory_space<vmem_shared>> -> memref<128x128xf32, #tpu.memory_space<vmem_shared>>
      %dma_wait3A_139 = arith.constant 0 : i32
      %dma_wait3A_140 = arith.constant 0 : i32
      %dma_wait3A_141 = tpu.memref_slice %arg9[%dma_wait3A_139, %dma_wait3A_140] : memref<256x128xf32, #tpu.memory_space<vmem>> -> memref<128x128xf32, #tpu.memory_space<vmem>>
      %dma_wait3A_142 = arith.constant 0 : i32
      %dma_wait3A_143 = tpu.memref_slice %arg10[%add3A_113, %dma_wait3A_142] : memref<10112x128xf32, #tpu.memory_space<vmem_shared>> -> memref<128x128xf32, #tpu.memory_space<vmem_shared>>
      tpu.wait_dma2 semaphore(%run_scoped3A : memref<!tpu.dma_semaphore, #tpu.memory_space<semaphore_mem>>) src(%dma_wait3A_143 : memref<128x128xf32, #tpu.memory_space<vmem_shared>>) dst(%dma_wait3A_141 : memref<128x128xf32, #tpu.memory_space<vmem>>)
      tpu.yield
    }) : () -> ()
    %add3A_114 = arith.constant 256 : i32
    %add3A_115 = arith.addi %mul3A_0, %add3A_114 : i32
    "tpu.region"() ({
      %run_scoped3A = tpu.sem_alloc : memref<!tpu.dma_semaphore, #tpu.memory_space<semaphore_mem>>
      %dma_start3A_124 = arith.constant 0 : i32
      %dma_start3A_125 = arith.constant 0 : i32
      %dma_start3A_126 = tpu.memref_slice %arg9[%dma_start3A_124, %dma_start3A_125] : memref<256x128xf32, #tpu.memory_space<vmem>> -> memref<128x128xf32, #tpu.memory_space<vmem>>
      %dma_start3A_127 = arith.constant 0 : i32
      %dma_start3A_128 = tpu.memref_slice %arg6[%arg0, %add3A_115, %dma_start3A_127] : memref<2x10112x128xf32, #tpu.memory_space<hbm>> -> memref<1x128x128xf32, #tpu.memory_space<hbm>>
      %dma_start3A_129 = tpu.memref_squeeze %dma_start3A_128 : memref<1x128x128xf32, #tpu.memory_space<hbm>> -> memref<128x128xf32, #tpu.memory_space<hbm>>
      %dma_start3A_130 = arith.constant 0 : i32
      %dma_start3A_131 = tpu.memref_slice %arg6[%arg0, %add3A_115, %dma_start3A_130] : memref<2x10112x128xf32, #tpu.memory_space<hbm>> -> memref<1x128x128xf32, #tpu.memory_space<hbm>>
      %dma_start3A_132 = tpu.memref_squeeze %dma_start3A_131 : memref<1x128x128xf32, #tpu.memory_space<hbm>> -> memref<128x128xf32, #tpu.memory_space<hbm>>
      %dma_start3A_133 = arith.constant 0 : i32
      %dma_start3A_134 = arith.constant 0 : i32
      %dma_start3A_135 = tpu.memref_slice %arg9[%dma_start3A_133, %dma_start3A_134] : memref<256x128xf32, #tpu.memory_space<vmem>> -> memref<128x128xf32, #tpu.memory_space<vmem>>
      tpu.enqueue_dma source(%dma_start3A_135 : memref<128x128xf32, #tpu.memory_space<vmem>>) target(%dma_start3A_132 : memref<128x128xf32, #tpu.memory_space<hbm>>) target_semaphore(%run_scoped3A : memref<!tpu.dma_semaphore, #tpu.memory_space<semaphore_mem>>)
      %dma_wait3A_136 = arith.constant 0 : i32
      %dma_wait3A_137 = arith.constant 0 : i32
      %dma_wait3A_138 = tpu.memref_slice %arg9[%dma_wait3A_136, %dma_wait3A_137] : memref<256x128xf32, #tpu.memory_space<vmem>> -> memref<128x128xf32, #tpu.memory_space<vmem>>
      %dma_wait3A_139 = arith.constant 0 : i32
      %dma_wait3A_140 = tpu.memref_slice %arg6[%arg0, %add3A_115, %dma_wait3A_139] : memref<2x10112x128xf32, #tpu.memory_space<hbm>> -> memref<1x128x128xf32, #tpu.memory_space<hbm>>
      %dma_wait3A_141 = tpu.memref_squeeze %dma_wait3A_140 : memref<1x128x128xf32, #tpu.memory_space<hbm>> -> memref<128x128xf32, #tpu.memory_space<hbm>>
      %dma_wait3A_142 = arith.constant 0 : i32
      %dma_wait3A_143 = tpu.memref_slice %arg6[%arg0, %add3A_115, %dma_wait3A_142] : memref<2x10112x128xf32, #tpu.memory_space<hbm>> -> memref<1x128x128xf32, #tpu.memory_space<hbm>>
      %dma_wait3A_144 = tpu.memref_squeeze %dma_wait3A_143 : memref<1x128x128xf32, #tpu.memory_space<hbm>> -> memref<128x128xf32, #tpu.memory_space<hbm>>
      %dma_wait3A_145 = arith.constant 0 : i32
      %dma_wait3A_146 = arith.constant 0 : i32
      %dma_wait3A_147 = tpu.memref_slice %arg9[%dma_wait3A_145, %dma_wait3A_146] : memref<256x128xf32, #tpu.memory_space<vmem>> -> memref<128x128xf32, #tpu.memory_space<vmem>>
      tpu.wait_dma2 semaphore(%run_scoped3A : memref<!tpu.dma_semaphore, #tpu.memory_space<semaphore_mem>>) src(%dma_wait3A_147 : memref<128x128xf32, #tpu.memory_space<vmem>>) dst(%dma_wait3A_144 : memref<128x128xf32, #tpu.memory_space<hbm>>)
      tpu.yield
    }) : () -> ()
    %add3A_116 = arith.constant 384 : i32
    %add3A_117 = arith.addi %mul3A_0, %add3A_116 : i32
    "tpu.region"() ({
      %run_scoped3A = tpu.sem_alloc : memref<!tpu.dma_semaphore, #tpu.memory_space<semaphore_mem>>
      %dma_start3A_124 = arith.constant 0 : i32
      %dma_start3A_125 = arith.constant 0 : i32
      %dma_start3A_126 = tpu.memref_slice %arg9[%dma_start3A_124, %dma_start3A_125] : memref<256x128xf32, #tpu.memory_space<vmem>> -> memref<128x128xf32, #tpu.memory_space<vmem>>
      %dma_start3A_127 = arith.constant 0 : i32
      %dma_start3A_128 = tpu.memref_slice %arg10[%add3A_117, %dma_start3A_127] : memref<10112x128xf32, #tpu.memory_space<vmem_shared>> -> memref<128x128xf32, #tpu.memory_space<vmem_shared>>
      %dma_start3A_129 = arith.constant 0 : i32
      %dma_start3A_130 = arith.constant 0 : i32
      %dma_start3A_131 = tpu.memref_slice %arg9[%dma_start3A_129, %dma_start3A_130] : memref<256x128xf32, #tpu.memory_space<vmem>> -> memref<128x128xf32, #tpu.memory_space<vmem>>
      %dma_start3A_132 = arith.constant 0 : i32
      %dma_start3A_133 = tpu.memref_slice %arg10[%add3A_117, %dma_start3A_132] : memref<10112x128xf32, #tpu.memory_space<vmem_shared>> -> memref<128x128xf32, #tpu.memory_space<vmem_shared>>
      tpu.enqueue_dma source(%dma_start3A_133 : memref<128x128xf32, #tpu.memory_space<vmem_shared>>) target(%dma_start3A_131 : memref<128x128xf32, #tpu.memory_space<vmem>>) target_semaphore(%run_scoped3A : memref<!tpu.dma_semaphore, #tpu.memory_space<semaphore_mem>>)
      %dma_wait3A_134 = arith.constant 0 : i32
      %dma_wait3A_135 = arith.constant 0 : i32
      %dma_wait3A_136 = tpu.memref_slice %arg9[%dma_wait3A_134, %dma_wait3A_135] : memref<256x128xf32, #tpu.memory_space<vmem>> -> memref<128x128xf32, #tpu.memory_space<vmem>>
      %dma_wait3A_137 = arith.constant 0 : i32
      %dma_wait3A_138 = tpu.memref_slice %arg10[%add3A_117, %dma_wait3A_137] : memref<10112x128xf32, #tpu.memory_space<vmem_shared>> -> memref<128x128xf32, #tpu.memory_space<vmem_shared>>
      %dma_wait3A_139 = arith.constant 0 : i32
      %dma_wait3A_140 = arith.constant 0 : i32
      %dma_wait3A_141 = tpu.memref_slice %arg9[%dma_wait3A_139, %dma_wait3A_140] : memref<256x128xf32, #tpu.memory_space<vmem>> -> memref<128x128xf32, #tpu.memory_space<vmem>>
      %dma_wait3A_142 = arith.constant 0 : i32
      %dma_wait3A_143 = tpu.memref_slice %arg10[%add3A_117, %dma_wait3A_142] : memref<10112x128xf32, #tpu.memory_space<vmem_shared>> -> memref<128x128xf32, #tpu.memory_space<vmem_shared>>
      tpu.wait_dma2 semaphore(%run_scoped3A : memref<!tpu.dma_semaphore, #tpu.memory_space<semaphore_mem>>) src(%dma_wait3A_143 : memref<128x128xf32, #tpu.memory_space<vmem_shared>>) dst(%dma_wait3A_141 : memref<128x128xf32, #tpu.memory_space<vmem>>)
      tpu.yield
    }) : () -> ()
    %add3A_118 = arith.constant 384 : i32
    %add3A_119 = arith.addi %mul3A_0, %add3A_118 : i32
    "tpu.region"() ({
      %run_scoped3A = tpu.sem_alloc : memref<!tpu.dma_semaphore, #tpu.memory_space<semaphore_mem>>
      %dma_start3A_124 = arith.constant 0 : i32
      %dma_start3A_125 = arith.constant 0 : i32
      %dma_start3A_126 = tpu.memref_slice %arg9[%dma_start3A_124, %dma_start3A_125] : memref<256x128xf32, #tpu.memory_space<vmem>> -> memref<128x128xf32, #tpu.memory_space<vmem>>
      %dma_start3A_127 = arith.constant 0 : i32
      %dma_start3A_128 = tpu.memref_slice %arg6[%arg0, %add3A_119, %dma_start3A_127] : memref<2x10112x128xf32, #tpu.memory_space<hbm>> -> memref<1x128x128xf32, #tpu.memory_space<hbm>>
      %dma_start3A_129 = tpu.memref_squeeze %dma_start3A_128 : memref<1x128x128xf32, #tpu.memory_space<hbm>> -> memref<128x128xf32, #tpu.memory_space<hbm>>
      %dma_start3A_130 = arith.constant 0 : i32
      %dma_start3A_131 = tpu.memref_slice %arg6[%arg0, %add3A_119, %dma_start3A_130] : memref<2x10112x128xf32, #tpu.memory_space<hbm>> -> memref<1x128x128xf32, #tpu.memory_space<hbm>>
      %dma_start3A_132 = tpu.memref_squeeze %dma_start3A_131 : memref<1x128x128xf32, #tpu.memory_space<hbm>> -> memref<128x128xf32, #tpu.memory_space<hbm>>
      %dma_start3A_133 = arith.constant 0 : i32
      %dma_start3A_134 = arith.constant 0 : i32
      %dma_start3A_135 = tpu.memref_slice %arg9[%dma_start3A_133, %dma_start3A_134] : memref<256x128xf32, #tpu.memory_space<vmem>> -> memref<128x128xf32, #tpu.memory_space<vmem>>
      tpu.enqueue_dma source(%dma_start3A_135 : memref<128x128xf32, #tpu.memory_space<vmem>>) target(%dma_start3A_132 : memref<128x128xf32, #tpu.memory_space<hbm>>) target_semaphore(%run_scoped3A : memref<!tpu.dma_semaphore, #tpu.memory_space<semaphore_mem>>)
      %dma_wait3A_136 = arith.constant 0 : i32
      %dma_wait3A_137 = arith.constant 0 : i32
      %dma_wait3A_138 = tpu.memref_slice %arg9[%dma_wait3A_136, %dma_wait3A_137] : memref<256x128xf32, #tpu.memory_space<vmem>> -> memref<128x128xf32, #tpu.memory_space<vmem>>
      %dma_wait3A_139 = arith.constant 0 : i32
      %dma_wait3A_140 = tpu.memref_slice %arg6[%arg0, %add3A_119, %dma_wait3A_139] : memref<2x10112x128xf32, #tpu.memory_space<hbm>> -> memref<1x128x128xf32, #tpu.memory_space<hbm>>
      %dma_wait3A_141 = tpu.memref_squeeze %dma_wait3A_140 : memref<1x128x128xf32, #tpu.memory_space<hbm>> -> memref<128x128xf32, #tpu.memory_space<hbm>>
      %dma_wait3A_142 = arith.constant 0 : i32
      %dma_wait3A_143 = tpu.memref_slice %arg6[%arg0, %add3A_119, %dma_wait3A_142] : memref<2x10112x128xf32, #tpu.memory_space<hbm>> -> memref<1x128x128xf32, #tpu.memory_space<hbm>>
      %dma_wait3A_144 = tpu.memref_squeeze %dma_wait3A_143 : memref<1x128x128xf32, #tpu.memory_space<hbm>> -> memref<128x128xf32, #tpu.memory_space<hbm>>
      %dma_wait3A_145 = arith.constant 0 : i32
      %dma_wait3A_146 = arith.constant 0 : i32
      %dma_wait3A_147 = tpu.memref_slice %arg9[%dma_wait3A_145, %dma_wait3A_146] : memref<256x128xf32, #tpu.memory_space<vmem>> -> memref<128x128xf32, #tpu.memory_space<vmem>>
      tpu.wait_dma2 semaphore(%run_scoped3A : memref<!tpu.dma_semaphore, #tpu.memory_space<semaphore_mem>>) src(%dma_wait3A_147 : memref<128x128xf32, #tpu.memory_space<vmem>>) dst(%dma_wait3A_144 : memref<128x128xf32, #tpu.memory_space<hbm>>)
      tpu.yield
    }) : () -> ()
    %add3A_120 = arith.constant 512 : i32
    %add3A_121 = arith.addi %mul3A_0, %add3A_120 : i32
    "tpu.region"() ({
      %run_scoped3A = tpu.sem_alloc : memref<!tpu.dma_semaphore, #tpu.memory_space<semaphore_mem>>
      %dma_start3A_124 = arith.constant 0 : i32
      %dma_start3A_125 = arith.constant 0 : i32
      %dma_start3A_126 = tpu.memref_slice %arg9[%dma_start3A_124, %dma_start3A_125] : memref<256x128xf32, #tpu.memory_space<vmem>> -> memref<120x128xf32, #tpu.memory_space<vmem>>
      %dma_start3A_127 = arith.constant 0 : i32
      %dma_start3A_128 = tpu.memref_slice %arg10[%add3A_121, %dma_start3A_127] : memref<10112x128xf32, #tpu.memory_space<vmem_shared>> -> memref<120x128xf32, #tpu.memory_space<vmem_shared>>
      %dma_start3A_129 = arith.constant 0 : i32
      %dma_start3A_130 = arith.constant 0 : i32
      %dma_start3A_131 = tpu.memref_slice %arg9[%dma_start3A_129, %dma_start3A_130] : memref<256x128xf32, #tpu.memory_space<vmem>> -> memref<120x128xf32, #tpu.memory_space<vmem>>
      %dma_start3A_132 = arith.constant 0 : i32
      %dma_start3A_133 = tpu.memref_slice %arg10[%add3A_121, %dma_start3A_132] : memref<10112x128xf32, #tpu.memory_space<vmem_shared>> -> memref<120x128xf32, #tpu.memory_space<vmem_shared>>
      tpu.enqueue_dma source(%dma_start3A_133 : memref<120x128xf32, #tpu.memory_space<vmem_shared>>) target(%dma_start3A_131 : memref<120x128xf32, #tpu.memory_space<vmem>>) target_semaphore(%run_scoped3A : memref<!tpu.dma_semaphore, #tpu.memory_space<semaphore_mem>>)
      %dma_wait3A_134 = arith.constant 0 : i32
      %dma_wait3A_135 = arith.constant 0 : i32
      %dma_wait3A_136 = tpu.memref_slice %arg9[%dma_wait3A_134, %dma_wait3A_135] : memref<256x128xf32, #tpu.memory_space<vmem>> -> memref<120x128xf32, #tpu.memory_space<vmem>>
      %dma_wait3A_137 = arith.constant 0 : i32
      %dma_wait3A_138 = tpu.memref_slice %arg10[%add3A_121, %dma_wait3A_137] : memref<10112x128xf32, #tpu.memory_space<vmem_shared>> -> memref<120x128xf32, #tpu.memory_space<vmem_shared>>
      %dma_wait3A_139 = arith.constant 0 : i32
      %dma_wait3A_140 = arith.constant 0 : i32
      %dma_wait3A_141 = tpu.memref_slice %arg9[%dma_wait3A_139, %dma_wait3A_140] : memref<256x128xf32, #tpu.memory_space<vmem>> -> memref<120x128xf32, #tpu.memory_space<vmem>>
      %dma_wait3A_142 = arith.constant 0 : i32
      %dma_wait3A_143 = tpu.memref_slice %arg10[%add3A_121, %dma_wait3A_142] : memref<10112x128xf32, #tpu.memory_space<vmem_shared>> -> memref<120x128xf32, #tpu.memory_space<vmem_shared>>
      tpu.wait_dma2 semaphore(%run_scoped3A : memref<!tpu.dma_semaphore, #tpu.memory_space<semaphore_mem>>) src(%dma_wait3A_143 : memref<120x128xf32, #tpu.memory_space<vmem_shared>>) dst(%dma_wait3A_141 : memref<120x128xf32, #tpu.memory_space<vmem>>)
      tpu.yield
    }) : () -> ()
    %add3A_122 = arith.constant 512 : i32
    %add3A_123 = arith.addi %mul3A_0, %add3A_122 : i32
    "tpu.region"() ({
      %run_scoped3A = tpu.sem_alloc : memref<!tpu.dma_semaphore, #tpu.memory_space<semaphore_mem>>
      %dma_start3A_124 = arith.constant 0 : i32
      %dma_start3A_125 = arith.constant 0 : i32
      %dma_start3A_126 = tpu.memref_slice %arg9[%dma_start3A_124, %dma_start3A_125] : memref<256x128xf32, #tpu.memory_space<vmem>> -> memref<120x128xf32, #tpu.memory_space<vmem>>
      %dma_start3A_127 = arith.constant 0 : i32
      %dma_start3A_128 = tpu.memref_slice %arg6[%arg0, %add3A_123, %dma_start3A_127] : memref<2x10112x128xf32, #tpu.memory_space<hbm>> -> memref<1x120x128xf32, #tpu.memory_space<hbm>>
      %dma_start3A_129 = tpu.memref_squeeze %dma_start3A_128 : memref<1x120x128xf32, #tpu.memory_space<hbm>> -> memref<120x128xf32, #tpu.memory_space<hbm>>
      %dma_start3A_130 = arith.constant 0 : i32
      %dma_start3A_131 = tpu.memref_slice %arg6[%arg0, %add3A_123, %dma_start3A_130] : memref<2x10112x128xf32, #tpu.memory_space<hbm>> -> memref<1x120x128xf32, #tpu.memory_space<hbm>>
      %dma_start3A_132 = tpu.memref_squeeze %dma_start3A_131 : memref<1x120x128xf32, #tpu.memory_space<hbm>> -> memref<120x128xf32, #tpu.memory_space<hbm>>
      %dma_start3A_133 = arith.constant 0 : i32
      %dma_start3A_134 = arith.constant 0 : i32
      %dma_start3A_135 = tpu.memref_slice %arg9[%dma_start3A_133, %dma_start3A_134] : memref<256x128xf32, #tpu.memory_space<vmem>> -> memref<120x128xf32, #tpu.memory_space<vmem>>
      tpu.enqueue_dma source(%dma_start3A_135 : memref<120x128xf32, #tpu.memory_space<vmem>>) target(%dma_start3A_132 : memref<120x128xf32, #tpu.memory_space<hbm>>) target_semaphore(%run_scoped3A : memref<!tpu.dma_semaphore, #tpu.memory_space<semaphore_mem>>)
      %dma_wait3A_136 = arith.constant 0 : i32
      %dma_wait3A_137 = arith.constant 0 : i32
      %dma_wait3A_138 = tpu.memref_slice %arg9[%dma_wait3A_136, %dma_wait3A_137] : memref<256x128xf32, #tpu.memory_space<vmem>> -> memref<120x128xf32, #tpu.memory_space<vmem>>
      %dma_wait3A_139 = arith.constant 0 : i32
      %dma_wait3A_140 = tpu.memref_slice %arg6[%arg0, %add3A_123, %dma_wait3A_139] : memref<2x10112x128xf32, #tpu.memory_space<hbm>> -> memref<1x120x128xf32, #tpu.memory_space<hbm>>
      %dma_wait3A_141 = tpu.memref_squeeze %dma_wait3A_140 : memref<1x120x128xf32, #tpu.memory_space<hbm>> -> memref<120x128xf32, #tpu.memory_space<hbm>>
      %dma_wait3A_142 = arith.constant 0 : i32
      %dma_wait3A_143 = tpu.memref_slice %arg6[%arg0, %add3A_123, %dma_wait3A_142] : memref<2x10112x128xf32, #tpu.memory_space<hbm>> -> memref<1x120x128xf32, #tpu.memory_space<hbm>>
      %dma_wait3A_144 = tpu.memref_squeeze %dma_wait3A_143 : memref<1x120x128xf32, #tpu.memory_space<hbm>> -> memref<120x128xf32, #tpu.memory_space<hbm>>
      %dma_wait3A_145 = arith.constant 0 : i32
      %dma_wait3A_146 = arith.constant 0 : i32
      %dma_wait3A_147 = tpu.memref_slice %arg9[%dma_wait3A_145, %dma_wait3A_146] : memref<256x128xf32, #tpu.memory_space<vmem>> -> memref<120x128xf32, #tpu.memory_space<vmem>>
      tpu.wait_dma2 semaphore(%run_scoped3A : memref<!tpu.dma_semaphore, #tpu.memory_space<semaphore_mem>>) src(%dma_wait3A_147 : memref<120x128xf32, #tpu.memory_space<vmem>>) dst(%dma_wait3A_144 : memref<120x128xf32, #tpu.memory_space<hbm>>)
      tpu.yield
    }) : () -> ()
    return
  }
}

#map = affine_map<(d0, d1) -> (0, 0)>
#map1 = affine_map<(d0, d1) -> (0, 0, 0)>
module attributes {stable_mosaic.version = 14 : i64} {
  func.func @body(%arg0: i32, %arg1: i32, %arg2: memref<20000x128xf32, #tpu.memory_space<hbm>>, %arg3: memref<2x2560x128xi32, #tpu.memory_space<hbm>>, %arg4: memref<2560x128xi32, #tpu.memory_space<hbm>>, %arg5: memref<32x128xf32, #tpu.memory_space<hbm>>, %arg6: memref<2x10112x128xf32, #tpu.memory_space<hbm>>, %arg7: memref<2x128xi32, #tpu.memory_space<vmem>>, %arg8: memref<2x128xi32, #tpu.memory_space<vmem>>, %arg9: memref<256x128xf32, #tpu.memory_space<vmem>>, %arg10: memref<10112x128xf32, #tpu.memory_space<vmem_shared>>, %arg11: memref<!tpu.dma_semaphore, #tpu.memory_space<semaphore_mem>>, %arg12: memref<!tpu.dma_semaphore, #tpu.memory_space<semaphore_mem>>) attributes {dimension_semantics = [#tpu.dimension_semantics<core_parallel>, #tpu.dimension_semantics<subcore_parallel>], iteration_bounds = array<i64: 2, 16>, scalar_prefetch = 0 : i64, scratch_operands = 6 : i64, tpu.core_type = #tpu.core_type<sc_vector_subcore>, window_params = [{transform_indices = #map}, {transform_indices = #map1}, {transform_indices = #map}, {transform_indices = #map}, {transform_indices = #map1}]} {
    %mul3A = arith.constant 632 : i32
    %mul3A_0 = arith.muli %arg1, %mul3A : i32
    "tpu.region"() ({
      %run_scoped3A = tpu.sem_alloc : memref<!tpu.dma_semaphore, #tpu.memory_space<semaphore_mem>>
      %dma_start3A_121 = arith.constant 0 : i32
      %dma_start3A_122 = arith.constant 0 : i32
      %dma_start3A_123 = tpu.memref_slice %arg9[%dma_start3A_121, %dma_start3A_122] : memref<256x128xf32, #tpu.memory_space<vmem>> -> memref<32x128xf32, #tpu.memory_space<vmem>>
      %dma_start3A_124 = arith.constant 0 : i32
      %dma_start3A_125 = arith.constant 0 : i32
      %dma_start3A_126 = tpu.memref_slice %arg9[%dma_start3A_124, %dma_start3A_125] : memref<256x128xf32, #tpu.memory_space<vmem>> -> memref<32x128xf32, #tpu.memory_space<vmem>>
      tpu.enqueue_dma source(%arg5 : memref<32x128xf32, #tpu.memory_space<hbm>>) target(%dma_start3A_126 : memref<32x128xf32, #tpu.memory_space<vmem>>) target_semaphore(%run_scoped3A : memref<!tpu.dma_semaphore, #tpu.memory_space<semaphore_mem>>)
      %dma_wait3A_127 = arith.constant 0 : i32
      %dma_wait3A_128 = arith.constant 0 : i32
      %dma_wait3A_129 = tpu.memref_slice %arg9[%dma_wait3A_127, %dma_wait3A_128] : memref<256x128xf32, #tpu.memory_space<vmem>> -> memref<32x128xf32, #tpu.memory_space<vmem>>
      %dma_wait3A_130 = arith.constant 0 : i32
      %dma_wait3A_131 = arith.constant 0 : i32
      %dma_wait3A_132 = tpu.memref_slice %arg9[%dma_wait3A_130, %dma_wait3A_131] : memref<256x128xf32, #tpu.memory_space<vmem>> -> memref<32x128xf32, #tpu.memory_space<vmem>>
      tpu.wait_dma2 semaphore(%run_scoped3A : memref<!tpu.dma_semaphore, #tpu.memory_space<semaphore_mem>>) src(%arg5 : memref<32x128xf32, #tpu.memory_space<hbm>>) dst(%dma_wait3A_132 : memref<32x128xf32, #tpu.memory_space<vmem>>)
      tpu.yield
    }) : () -> ()
    "tpu.region"() ({
      %run_scoped3A = tpu.sem_alloc : memref<!tpu.dma_semaphore, #tpu.memory_space<semaphore_mem>>
      %dma_start3A_121 = arith.constant 32 : i32
      %dma_start3A_122 = arith.constant 0 : i32
      %dma_start3A_123 = tpu.memref_slice %arg9[%dma_start3A_121, %dma_start3A_122] : memref<256x128xf32, #tpu.memory_space<vmem>> -> memref<32x128xf32, #tpu.memory_space<vmem>>
      %dma_start3A_124 = arith.constant 32 : i32
      %dma_start3A_125 = arith.constant 0 : i32
      %dma_start3A_126 = tpu.memref_slice %arg9[%dma_start3A_124, %dma_start3A_125] : memref<256x128xf32, #tpu.memory_space<vmem>> -> memref<32x128xf32, #tpu.memory_space<vmem>>
      tpu.enqueue_dma source(%arg5 : memref<32x128xf32, #tpu.memory_space<hbm>>) target(%dma_start3A_126 : memref<32x128xf32, #tpu.memory_space<vmem>>) target_semaphore(%run_scoped3A : memref<!tpu.dma_semaphore, #tpu.memory_space<semaphore_mem>>)
      %dma_wait3A_127 = arith.constant 32 : i32
      %dma_wait3A_128 = arith.constant 0 : i32
      %dma_wait3A_129 = tpu.memref_slice %arg9[%dma_wait3A_127, %dma_wait3A_128] : memref<256x128xf32, #tpu.memory_space<vmem>> -> memref<32x128xf32, #tpu.memory_space<vmem>>
      %dma_wait3A_130 = arith.constant 32 : i32
      %dma_wait3A_131 = arith.constant 0 : i32
      %dma_wait3A_132 = tpu.memref_slice %arg9[%dma_wait3A_130, %dma_wait3A_131] : memref<256x128xf32, #tpu.memory_space<vmem>> -> memref<32x128xf32, #tpu.memory_space<vmem>>
      tpu.wait_dma2 semaphore(%run_scoped3A : memref<!tpu.dma_semaphore, #tpu.memory_space<semaphore_mem>>) src(%arg5 : memref<32x128xf32, #tpu.memory_space<hbm>>) dst(%dma_wait3A_132 : memref<32x128xf32, #tpu.memory_space<vmem>>)
      tpu.yield
    }) : () -> ()
    "tpu.region"() ({
      %run_scoped3A = tpu.sem_alloc : memref<!tpu.dma_semaphore, #tpu.memory_space<semaphore_mem>>
      %dma_start3A_121 = arith.constant 64 : i32
      %dma_start3A_122 = arith.constant 0 : i32
      %dma_start3A_123 = tpu.memref_slice %arg9[%dma_start3A_121, %dma_start3A_122] : memref<256x128xf32, #tpu.memory_space<vmem>> -> memref<32x128xf32, #tpu.memory_space<vmem>>
      %dma_start3A_124 = arith.constant 64 : i32
      %dma_start3A_125 = arith.constant 0 : i32
      %dma_start3A_126 = tpu.memref_slice %arg9[%dma_start3A_124, %dma_start3A_125] : memref<256x128xf32, #tpu.memory_space<vmem>> -> memref<32x128xf32, #tpu.memory_space<vmem>>
      tpu.enqueue_dma source(%arg5 : memref<32x128xf32, #tpu.memory_space<hbm>>) target(%dma_start3A_126 : memref<32x128xf32, #tpu.memory_space<vmem>>) target_semaphore(%run_scoped3A : memref<!tpu.dma_semaphore, #tpu.memory_space<semaphore_mem>>)
      %dma_wait3A_127 = arith.constant 64 : i32
      %dma_wait3A_128 = arith.constant 0 : i32
      %dma_wait3A_129 = tpu.memref_slice %arg9[%dma_wait3A_127, %dma_wait3A_128] : memref<256x128xf32, #tpu.memory_space<vmem>> -> memref<32x128xf32, #tpu.memory_space<vmem>>
      %dma_wait3A_130 = arith.constant 64 : i32
      %dma_wait3A_131 = arith.constant 0 : i32
      %dma_wait3A_132 = tpu.memref_slice %arg9[%dma_wait3A_130, %dma_wait3A_131] : memref<256x128xf32, #tpu.memory_space<vmem>> -> memref<32x128xf32, #tpu.memory_space<vmem>>
      tpu.wait_dma2 semaphore(%run_scoped3A : memref<!tpu.dma_semaphore, #tpu.memory_space<semaphore_mem>>) src(%arg5 : memref<32x128xf32, #tpu.memory_space<hbm>>) dst(%dma_wait3A_132 : memref<32x128xf32, #tpu.memory_space<vmem>>)
      tpu.yield
    }) : () -> ()
    "tpu.region"() ({
      %run_scoped3A = tpu.sem_alloc : memref<!tpu.dma_semaphore, #tpu.memory_space<semaphore_mem>>
      %dma_start3A_121 = arith.constant 96 : i32
      %dma_start3A_122 = arith.constant 0 : i32
      %dma_start3A_123 = tpu.memref_slice %arg9[%dma_start3A_121, %dma_start3A_122] : memref<256x128xf32, #tpu.memory_space<vmem>> -> memref<32x128xf32, #tpu.memory_space<vmem>>
      %dma_start3A_124 = arith.constant 96 : i32
      %dma_start3A_125 = arith.constant 0 : i32
      %dma_start3A_126 = tpu.memref_slice %arg9[%dma_start3A_124, %dma_start3A_125] : memref<256x128xf32, #tpu.memory_space<vmem>> -> memref<32x128xf32, #tpu.memory_space<vmem>>
      tpu.enqueue_dma source(%arg5 : memref<32x128xf32, #tpu.memory_space<hbm>>) target(%dma_start3A_126 : memref<32x128xf32, #tpu.memory_space<vmem>>) target_semaphore(%run_scoped3A : memref<!tpu.dma_semaphore, #tpu.memory_space<semaphore_mem>>)
      %dma_wait3A_127 = arith.constant 96 : i32
      %dma_wait3A_128 = arith.constant 0 : i32
      %dma_wait3A_129 = tpu.memref_slice %arg9[%dma_wait3A_127, %dma_wait3A_128] : memref<256x128xf32, #tpu.memory_space<vmem>> -> memref<32x128xf32, #tpu.memory_space<vmem>>
      %dma_wait3A_130 = arith.constant 96 : i32
      %dma_wait3A_131 = arith.constant 0 : i32
      %dma_wait3A_132 = tpu.memref_slice %arg9[%dma_wait3A_130, %dma_wait3A_131] : memref<256x128xf32, #tpu.memory_space<vmem>> -> memref<32x128xf32, #tpu.memory_space<vmem>>
      tpu.wait_dma2 semaphore(%run_scoped3A : memref<!tpu.dma_semaphore, #tpu.memory_space<semaphore_mem>>) src(%arg5 : memref<32x128xf32, #tpu.memory_space<hbm>>) dst(%dma_wait3A_132 : memref<32x128xf32, #tpu.memory_space<vmem>>)
      tpu.yield
    }) : () -> ()
    %add3A = arith.constant 0 : i32
    %add3A_1 = arith.addi %mul3A_0, %add3A : i32
    "tpu.region"() ({
      %run_scoped3A = tpu.sem_alloc : memref<!tpu.dma_semaphore, #tpu.memory_space<semaphore_mem>>
      %dma_start3A_121 = arith.constant 0 : i32
      %dma_start3A_122 = arith.constant 0 : i32
      %dma_start3A_123 = tpu.memref_slice %arg9[%dma_start3A_121, %dma_start3A_122] : memref<256x128xf32, #tpu.memory_space<vmem>> -> memref<128x128xf32, #tpu.memory_space<vmem>>
      %dma_start3A_124 = arith.constant 0 : i32
      %dma_start3A_125 = tpu.memref_slice %arg10[%add3A_1, %dma_start3A_124] : memref<10112x128xf32, #tpu.memory_space<vmem_shared>> -> memref<128x128xf32, #tpu.memory_space<vmem_shared>>
      %dma_start3A_126 = arith.constant 0 : i32
      %dma_start3A_127 = tpu.memref_slice %arg10[%add3A_1, %dma_start3A_126] : memref<10112x128xf32, #tpu.memory_space<vmem_shared>> -> memref<128x128xf32, #tpu.memory_space<vmem_shared>>
      %dma_start3A_128 = arith.constant 0 : i32
      %dma_start3A_129 = arith.constant 0 : i32
      %dma_start3A_130 = tpu.memref_slice %arg9[%dma_start3A_128, %dma_start3A_129] : memref<256x128xf32, #tpu.memory_space<vmem>> -> memref<128x128xf32, #tpu.memory_space<vmem>>
      tpu.enqueue_dma source(%dma_start3A_130 : memref<128x128xf32, #tpu.memory_space<vmem>>) target(%dma_start3A_127 : memref<128x128xf32, #tpu.memory_space<vmem_shared>>) target_semaphore(%run_scoped3A : memref<!tpu.dma_semaphore, #tpu.memory_space<semaphore_mem>>)
      %dma_wait3A_131 = arith.constant 0 : i32
      %dma_wait3A_132 = arith.constant 0 : i32
      %dma_wait3A_133 = tpu.memref_slice %arg9[%dma_wait3A_131, %dma_wait3A_132] : memref<256x128xf32, #tpu.memory_space<vmem>> -> memref<128x128xf32, #tpu.memory_space<vmem>>
      %dma_wait3A_134 = arith.constant 0 : i32
      %dma_wait3A_135 = tpu.memref_slice %arg10[%add3A_1, %dma_wait3A_134] : memref<10112x128xf32, #tpu.memory_space<vmem_shared>> -> memref<128x128xf32, #tpu.memory_space<vmem_shared>>
      %dma_wait3A_136 = arith.constant 0 : i32
      %dma_wait3A_137 = tpu.memref_slice %arg10[%add3A_1, %dma_wait3A_136] : memref<10112x128xf32, #tpu.memory_space<vmem_shared>> -> memref<128x128xf32, #tpu.memory_space<vmem_shared>>
      %dma_wait3A_138 = arith.constant 0 : i32
      %dma_wait3A_139 = arith.constant 0 : i32
      %dma_wait3A_140 = tpu.memref_slice %arg9[%dma_wait3A_138, %dma_wait3A_139] : memref<256x128xf32, #tpu.memory_space<vmem>> -> memref<128x128xf32, #tpu.memory_space<vmem>>
      tpu.wait_dma2 semaphore(%run_scoped3A : memref<!tpu.dma_semaphore, #tpu.memory_space<semaphore_mem>>) src(%dma_wait3A_140 : memref<128x128xf32, #tpu.memory_space<vmem>>) dst(%dma_wait3A_137 : memref<128x128xf32, #tpu.memory_space<vmem_shared>>)
      tpu.yield
    }) : () -> ()
    %add3A_2 = arith.constant 128 : i32
    %add3A_3 = arith.addi %mul3A_0, %add3A_2 : i32
    "tpu.region"() ({
      %run_scoped3A = tpu.sem_alloc : memref<!tpu.dma_semaphore, #tpu.memory_space<semaphore_mem>>
      %dma_start3A_121 = arith.constant 0 : i32
      %dma_start3A_122 = arith.constant 0 : i32
      %dma_start3A_123 = tpu.memref_slice %arg9[%dma_start3A_121, %dma_start3A_122] : memref<256x128xf32, #tpu.memory_space<vmem>> -> memref<128x128xf32, #tpu.memory_space<vmem>>
      %dma_start3A_124 = arith.constant 0 : i32
      %dma_start3A_125 = tpu.memref_slice %arg10[%add3A_3, %dma_start3A_124] : memref<10112x128xf32, #tpu.memory_space<vmem_shared>> -> memref<128x128xf32, #tpu.memory_space<vmem_shared>>
      %dma_start3A_126 = arith.constant 0 : i32
      %dma_start3A_127 = tpu.memref_slice %arg10[%add3A_3, %dma_start3A_126] : memref<10112x128xf32, #tpu.memory_space<vmem_shared>> -> memref<128x128xf32, #tpu.memory_space<vmem_shared>>
      %dma_start3A_128 = arith.constant 0 : i32
      %dma_start3A_129 = arith.constant 0 : i32
      %dma_start3A_130 = tpu.memref_slice %arg9[%dma_start3A_128, %dma_start3A_129] : memref<256x128xf32, #tpu.memory_space<vmem>> -> memref<128x128xf32, #tpu.memory_space<vmem>>
      tpu.enqueue_dma source(%dma_start3A_130 : memref<128x128xf32, #tpu.memory_space<vmem>>) target(%dma_start3A_127 : memref<128x128xf32, #tpu.memory_space<vmem_shared>>) target_semaphore(%run_scoped3A : memref<!tpu.dma_semaphore, #tpu.memory_space<semaphore_mem>>)
      %dma_wait3A_131 = arith.constant 0 : i32
      %dma_wait3A_132 = arith.constant 0 : i32
      %dma_wait3A_133 = tpu.memref_slice %arg9[%dma_wait3A_131, %dma_wait3A_132] : memref<256x128xf32, #tpu.memory_space<vmem>> -> memref<128x128xf32, #tpu.memory_space<vmem>>
      %dma_wait3A_134 = arith.constant 0 : i32
      %dma_wait3A_135 = tpu.memref_slice %arg10[%add3A_3, %dma_wait3A_134] : memref<10112x128xf32, #tpu.memory_space<vmem_shared>> -> memref<128x128xf32, #tpu.memory_space<vmem_shared>>
      %dma_wait3A_136 = arith.constant 0 : i32
      %dma_wait3A_137 = tpu.memref_slice %arg10[%add3A_3, %dma_wait3A_136] : memref<10112x128xf32, #tpu.memory_space<vmem_shared>> -> memref<128x128xf32, #tpu.memory_space<vmem_shared>>
      %dma_wait3A_138 = arith.constant 0 : i32
      %dma_wait3A_139 = arith.constant 0 : i32
      %dma_wait3A_140 = tpu.memref_slice %arg9[%dma_wait3A_138, %dma_wait3A_139] : memref<256x128xf32, #tpu.memory_space<vmem>> -> memref<128x128xf32, #tpu.memory_space<vmem>>
      tpu.wait_dma2 semaphore(%run_scoped3A : memref<!tpu.dma_semaphore, #tpu.memory_space<semaphore_mem>>) src(%dma_wait3A_140 : memref<128x128xf32, #tpu.memory_space<vmem>>) dst(%dma_wait3A_137 : memref<128x128xf32, #tpu.memory_space<vmem_shared>>)
      tpu.yield
    }) : () -> ()
    %add3A_4 = arith.constant 256 : i32
    %add3A_5 = arith.addi %mul3A_0, %add3A_4 : i32
    "tpu.region"() ({
      %run_scoped3A = tpu.sem_alloc : memref<!tpu.dma_semaphore, #tpu.memory_space<semaphore_mem>>
      %dma_start3A_121 = arith.constant 0 : i32
      %dma_start3A_122 = arith.constant 0 : i32
      %dma_start3A_123 = tpu.memref_slice %arg9[%dma_start3A_121, %dma_start3A_122] : memref<256x128xf32, #tpu.memory_space<vmem>> -> memref<128x128xf32, #tpu.memory_space<vmem>>
      %dma_start3A_124 = arith.constant 0 : i32
      %dma_start3A_125 = tpu.memref_slice %arg10[%add3A_5, %dma_start3A_124] : memref<10112x128xf32, #tpu.memory_space<vmem_shared>> -> memref<128x128xf32, #tpu.memory_space<vmem_shared>>
      %dma_start3A_126 = arith.constant 0 : i32
      %dma_start3A_127 = tpu.memref_slice %arg10[%add3A_5, %dma_start3A_126] : memref<10112x128xf32, #tpu.memory_space<vmem_shared>> -> memref<128x128xf32, #tpu.memory_space<vmem_shared>>
      %dma_start3A_128 = arith.constant 0 : i32
      %dma_start3A_129 = arith.constant 0 : i32
      %dma_start3A_130 = tpu.memref_slice %arg9[%dma_start3A_128, %dma_start3A_129] : memref<256x128xf32, #tpu.memory_space<vmem>> -> memref<128x128xf32, #tpu.memory_space<vmem>>
      tpu.enqueue_dma source(%dma_start3A_130 : memref<128x128xf32, #tpu.memory_space<vmem>>) target(%dma_start3A_127 : memref<128x128xf32, #tpu.memory_space<vmem_shared>>) target_semaphore(%run_scoped3A : memref<!tpu.dma_semaphore, #tpu.memory_space<semaphore_mem>>)
      %dma_wait3A_131 = arith.constant 0 : i32
      %dma_wait3A_132 = arith.constant 0 : i32
      %dma_wait3A_133 = tpu.memref_slice %arg9[%dma_wait3A_131, %dma_wait3A_132] : memref<256x128xf32, #tpu.memory_space<vmem>> -> memref<128x128xf32, #tpu.memory_space<vmem>>
      %dma_wait3A_134 = arith.constant 0 : i32
      %dma_wait3A_135 = tpu.memref_slice %arg10[%add3A_5, %dma_wait3A_134] : memref<10112x128xf32, #tpu.memory_space<vmem_shared>> -> memref<128x128xf32, #tpu.memory_space<vmem_shared>>
      %dma_wait3A_136 = arith.constant 0 : i32
      %dma_wait3A_137 = tpu.memref_slice %arg10[%add3A_5, %dma_wait3A_136] : memref<10112x128xf32, #tpu.memory_space<vmem_shared>> -> memref<128x128xf32, #tpu.memory_space<vmem_shared>>
      %dma_wait3A_138 = arith.constant 0 : i32
      %dma_wait3A_139 = arith.constant 0 : i32
      %dma_wait3A_140 = tpu.memref_slice %arg9[%dma_wait3A_138, %dma_wait3A_139] : memref<256x128xf32, #tpu.memory_space<vmem>> -> memref<128x128xf32, #tpu.memory_space<vmem>>
      tpu.wait_dma2 semaphore(%run_scoped3A : memref<!tpu.dma_semaphore, #tpu.memory_space<semaphore_mem>>) src(%dma_wait3A_140 : memref<128x128xf32, #tpu.memory_space<vmem>>) dst(%dma_wait3A_137 : memref<128x128xf32, #tpu.memory_space<vmem_shared>>)
      tpu.yield
    }) : () -> ()
    %add3A_6 = arith.constant 384 : i32
    %add3A_7 = arith.addi %mul3A_0, %add3A_6 : i32
    "tpu.region"() ({
      %run_scoped3A = tpu.sem_alloc : memref<!tpu.dma_semaphore, #tpu.memory_space<semaphore_mem>>
      %dma_start3A_121 = arith.constant 0 : i32
      %dma_start3A_122 = arith.constant 0 : i32
      %dma_start3A_123 = tpu.memref_slice %arg9[%dma_start3A_121, %dma_start3A_122] : memref<256x128xf32, #tpu.memory_space<vmem>> -> memref<128x128xf32, #tpu.memory_space<vmem>>
      %dma_start3A_124 = arith.constant 0 : i32
      %dma_start3A_125 = tpu.memref_slice %arg10[%add3A_7, %dma_start3A_124] : memref<10112x128xf32, #tpu.memory_space<vmem_shared>> -> memref<128x128xf32, #tpu.memory_space<vmem_shared>>
      %dma_start3A_126 = arith.constant 0 : i32
      %dma_start3A_127 = tpu.memref_slice %arg10[%add3A_7, %dma_start3A_126] : memref<10112x128xf32, #tpu.memory_space<vmem_shared>> -> memref<128x128xf32, #tpu.memory_space<vmem_shared>>
      %dma_start3A_128 = arith.constant 0 : i32
      %dma_start3A_129 = arith.constant 0 : i32
      %dma_start3A_130 = tpu.memref_slice %arg9[%dma_start3A_128, %dma_start3A_129] : memref<256x128xf32, #tpu.memory_space<vmem>> -> memref<128x128xf32, #tpu.memory_space<vmem>>
      tpu.enqueue_dma source(%dma_start3A_130 : memref<128x128xf32, #tpu.memory_space<vmem>>) target(%dma_start3A_127 : memref<128x128xf32, #tpu.memory_space<vmem_shared>>) target_semaphore(%run_scoped3A : memref<!tpu.dma_semaphore, #tpu.memory_space<semaphore_mem>>)
      %dma_wait3A_131 = arith.constant 0 : i32
      %dma_wait3A_132 = arith.constant 0 : i32
      %dma_wait3A_133 = tpu.memref_slice %arg9[%dma_wait3A_131, %dma_wait3A_132] : memref<256x128xf32, #tpu.memory_space<vmem>> -> memref<128x128xf32, #tpu.memory_space<vmem>>
      %dma_wait3A_134 = arith.constant 0 : i32
      %dma_wait3A_135 = tpu.memref_slice %arg10[%add3A_7, %dma_wait3A_134] : memref<10112x128xf32, #tpu.memory_space<vmem_shared>> -> memref<128x128xf32, #tpu.memory_space<vmem_shared>>
      %dma_wait3A_136 = arith.constant 0 : i32
      %dma_wait3A_137 = tpu.memref_slice %arg10[%add3A_7, %dma_wait3A_136] : memref<10112x128xf32, #tpu.memory_space<vmem_shared>> -> memref<128x128xf32, #tpu.memory_space<vmem_shared>>
      %dma_wait3A_138 = arith.constant 0 : i32
      %dma_wait3A_139 = arith.constant 0 : i32
      %dma_wait3A_140 = tpu.memref_slice %arg9[%dma_wait3A_138, %dma_wait3A_139] : memref<256x128xf32, #tpu.memory_space<vmem>> -> memref<128x128xf32, #tpu.memory_space<vmem>>
      tpu.wait_dma2 semaphore(%run_scoped3A : memref<!tpu.dma_semaphore, #tpu.memory_space<semaphore_mem>>) src(%dma_wait3A_140 : memref<128x128xf32, #tpu.memory_space<vmem>>) dst(%dma_wait3A_137 : memref<128x128xf32, #tpu.memory_space<vmem_shared>>)
      tpu.yield
    }) : () -> ()
    %add3A_8 = arith.constant 512 : i32
    %add3A_9 = arith.addi %mul3A_0, %add3A_8 : i32
    "tpu.region"() ({
      %run_scoped3A = tpu.sem_alloc : memref<!tpu.dma_semaphore, #tpu.memory_space<semaphore_mem>>
      %dma_start3A_121 = arith.constant 0 : i32
      %dma_start3A_122 = arith.constant 0 : i32
      %dma_start3A_123 = tpu.memref_slice %arg9[%dma_start3A_121, %dma_start3A_122] : memref<256x128xf32, #tpu.memory_space<vmem>> -> memref<120x128xf32, #tpu.memory_space<vmem>>
      %dma_start3A_124 = arith.constant 0 : i32
      %dma_start3A_125 = tpu.memref_slice %arg10[%add3A_9, %dma_start3A_124] : memref<10112x128xf32, #tpu.memory_space<vmem_shared>> -> memref<120x128xf32, #tpu.memory_space<vmem_shared>>
      %dma_start3A_126 = arith.constant 0 : i32
      %dma_start3A_127 = tpu.memref_slice %arg10[%add3A_9, %dma_start3A_126] : memref<10112x128xf32, #tpu.memory_space<vmem_shared>> -> memref<120x128xf32, #tpu.memory_space<vmem_shared>>
      %dma_start3A_128 = arith.constant 0 : i32
      %dma_start3A_129 = arith.constant 0 : i32
      %dma_start3A_130 = tpu.memref_slice %arg9[%dma_start3A_128, %dma_start3A_129] : memref<256x128xf32, #tpu.memory_space<vmem>> -> memref<120x128xf32, #tpu.memory_space<vmem>>
      tpu.enqueue_dma source(%dma_start3A_130 : memref<120x128xf32, #tpu.memory_space<vmem>>) target(%dma_start3A_127 : memref<120x128xf32, #tpu.memory_space<vmem_shared>>) target_semaphore(%run_scoped3A : memref<!tpu.dma_semaphore, #tpu.memory_space<semaphore_mem>>)
      %dma_wait3A_131 = arith.constant 0 : i32
      %dma_wait3A_132 = arith.constant 0 : i32
      %dma_wait3A_133 = tpu.memref_slice %arg9[%dma_wait3A_131, %dma_wait3A_132] : memref<256x128xf32, #tpu.memory_space<vmem>> -> memref<120x128xf32, #tpu.memory_space<vmem>>
      %dma_wait3A_134 = arith.constant 0 : i32
      %dma_wait3A_135 = tpu.memref_slice %arg10[%add3A_9, %dma_wait3A_134] : memref<10112x128xf32, #tpu.memory_space<vmem_shared>> -> memref<120x128xf32, #tpu.memory_space<vmem_shared>>
      %dma_wait3A_136 = arith.constant 0 : i32
      %dma_wait3A_137 = tpu.memref_slice %arg10[%add3A_9, %dma_wait3A_136] : memref<10112x128xf32, #tpu.memory_space<vmem_shared>> -> memref<120x128xf32, #tpu.memory_space<vmem_shared>>
      %dma_wait3A_138 = arith.constant 0 : i32
      %dma_wait3A_139 = arith.constant 0 : i32
      %dma_wait3A_140 = tpu.memref_slice %arg9[%dma_wait3A_138, %dma_wait3A_139] : memref<256x128xf32, #tpu.memory_space<vmem>> -> memref<120x128xf32, #tpu.memory_space<vmem>>
      tpu.wait_dma2 semaphore(%run_scoped3A : memref<!tpu.dma_semaphore, #tpu.memory_space<semaphore_mem>>) src(%dma_wait3A_140 : memref<120x128xf32, #tpu.memory_space<vmem>>) dst(%dma_wait3A_137 : memref<120x128xf32, #tpu.memory_space<vmem_shared>>)
      tpu.yield
    }) : () -> ()
    %barrier3A = arith.constant 0 : index
    tpu.barrier barrier_id(%barrier3A)
    %mul3A_10 = arith.constant 160 : i32
    %mul3A_11 = arith.muli %arg1, %mul3A_10 : i32
    %add3A_12 = arith.constant 160 : i32
    %add3A_13 = arith.addi %mul3A_11, %add3A_12 : i32
    %sub3A = arith.constant 1 : i32
    %sub3A_14 = arith.subi %add3A_13, %sub3A : i32
    "tpu.region"() ({
      %run_scoped3A = tpu.sem_alloc : memref<!tpu.dma_semaphore, #tpu.memory_space<semaphore_mem>>
      %dma_start3A_121 = arith.constant 0 : i32
      %dma_start3A_122 = arith.constant 0 : i32
      %dma_start3A_123 = tpu.memref_slice %arg7[%dma_start3A_121, %dma_start3A_122] : memref<2x128xi32, #tpu.memory_space<vmem>> -> memref<1x128xi32, #tpu.memory_space<vmem>>
      %dma_start3A_124 = arith.constant 0 : i32
      %dma_start3A_125 = tpu.memref_slice %arg3[%arg0, %mul3A_11, %dma_start3A_124] : memref<2x2560x128xi32, #tpu.memory_space<hbm>> -> memref<1x1x128xi32, #tpu.memory_space<hbm>>
      %dma_start3A_126 = tpu.memref_squeeze %dma_start3A_125 : memref<1x1x128xi32, #tpu.memory_space<hbm>> -> memref<1x128xi32, #tpu.memory_space<hbm>>
      %dma_start3A_127 = arith.constant 0 : i32
      %dma_start3A_128 = arith.constant 0 : i32
      %dma_start3A_129 = tpu.memref_slice %arg7[%dma_start3A_127, %dma_start3A_128] : memref<2x128xi32, #tpu.memory_space<vmem>> -> memref<1x128xi32, #tpu.memory_space<vmem>>
      %dma_start3A_130 = arith.constant 0 : i32
      %dma_start3A_131 = tpu.memref_slice %arg3[%arg0, %mul3A_11, %dma_start3A_130] : memref<2x2560x128xi32, #tpu.memory_space<hbm>> -> memref<1x1x128xi32, #tpu.memory_space<hbm>>
      %dma_start3A_132 = tpu.memref_squeeze %dma_start3A_131 : memref<1x1x128xi32, #tpu.memory_space<hbm>> -> memref<1x128xi32, #tpu.memory_space<hbm>>
      tpu.enqueue_dma source(%dma_start3A_132 : memref<1x128xi32, #tpu.memory_space<hbm>>) target(%dma_start3A_129 : memref<1x128xi32, #tpu.memory_space<vmem>>) target_semaphore(%run_scoped3A : memref<!tpu.dma_semaphore, #tpu.memory_space<semaphore_mem>>)
      %dma_wait3A_133 = arith.constant 0 : i32
      %dma_wait3A_134 = arith.constant 0 : i32
      %dma_wait3A_135 = tpu.memref_slice %arg7[%dma_wait3A_133, %dma_wait3A_134] : memref<2x128xi32, #tpu.memory_space<vmem>> -> memref<1x128xi32, #tpu.memory_space<vmem>>
      %dma_wait3A_136 = arith.constant 0 : i32
      %dma_wait3A_137 = tpu.memref_slice %arg3[%arg0, %mul3A_11, %dma_wait3A_136] : memref<2x2560x128xi32, #tpu.memory_space<hbm>> -> memref<1x1x128xi32, #tpu.memory_space<hbm>>
      %dma_wait3A_138 = tpu.memref_squeeze %dma_wait3A_137 : memref<1x1x128xi32, #tpu.memory_space<hbm>> -> memref<1x128xi32, #tpu.memory_space<hbm>>
      %dma_wait3A_139 = arith.constant 0 : i32
      %dma_wait3A_140 = arith.constant 0 : i32
      %dma_wait3A_141 = tpu.memref_slice %arg7[%dma_wait3A_139, %dma_wait3A_140] : memref<2x128xi32, #tpu.memory_space<vmem>> -> memref<1x128xi32, #tpu.memory_space<vmem>>
      %dma_wait3A_142 = arith.constant 0 : i32
      %dma_wait3A_143 = tpu.memref_slice %arg3[%arg0, %mul3A_11, %dma_wait3A_142] : memref<2x2560x128xi32, #tpu.memory_space<hbm>> -> memref<1x1x128xi32, #tpu.memory_space<hbm>>
      %dma_wait3A_144 = tpu.memref_squeeze %dma_wait3A_143 : memref<1x1x128xi32, #tpu.memory_space<hbm>> -> memref<1x128xi32, #tpu.memory_space<hbm>>
      tpu.wait_dma2 semaphore(%run_scoped3A : memref<!tpu.dma_semaphore, #tpu.memory_space<semaphore_mem>>) src(%dma_wait3A_144 : memref<1x128xi32, #tpu.memory_space<hbm>>) dst(%dma_wait3A_141 : memref<1x128xi32, #tpu.memory_space<vmem>>)
      tpu.yield
    }) : () -> ()
    "tpu.region"() ({
      %run_scoped3A = tpu.sem_alloc : memref<!tpu.dma_semaphore, #tpu.memory_space<semaphore_mem>>
      %dma_start3A_121 = arith.constant 0 : i32
      %dma_start3A_122 = arith.constant 0 : i32
      %dma_start3A_123 = tpu.memref_slice %arg8[%dma_start3A_121, %dma_start3A_122] : memref<2x128xi32, #tpu.memory_space<vmem>> -> memref<1x128xi32, #tpu.memory_space<vmem>>
      %dma_start3A_124 = arith.constant 0 : i32
      %dma_start3A_125 = tpu.memref_slice %arg4[%mul3A_11, %dma_start3A_124] : memref<2560x128xi32, #tpu.memory_space<hbm>> -> memref<1x128xi32, #tpu.memory_space<hbm>>
      %dma_start3A_126 = arith.constant 0 : i32
      %dma_start3A_127 = arith.constant 0 : i32
      %dma_start3A_128 = tpu.memref_slice %arg8[%dma_start3A_126, %dma_start3A_127] : memref<2x128xi32, #tpu.memory_space<vmem>> -> memref<1x128xi32, #tpu.memory_space<vmem>>
      %dma_start3A_129 = arith.constant 0 : i32
      %dma_start3A_130 = tpu.memref_slice %arg4[%mul3A_11, %dma_start3A_129] : memref<2560x128xi32, #tpu.memory_space<hbm>> -> memref<1x128xi32, #tpu.memory_space<hbm>>
      tpu.enqueue_dma source(%dma_start3A_130 : memref<1x128xi32, #tpu.memory_space<hbm>>) target(%dma_start3A_128 : memref<1x128xi32, #tpu.memory_space<vmem>>) target_semaphore(%run_scoped3A : memref<!tpu.dma_semaphore, #tpu.memory_space<semaphore_mem>>)
      %dma_wait3A_131 = arith.constant 0 : i32
      %dma_wait3A_132 = arith.constant 0 : i32
      %dma_wait3A_133 = tpu.memref_slice %arg8[%dma_wait3A_131, %dma_wait3A_132] : memref<2x128xi32, #tpu.memory_space<vmem>> -> memref<1x128xi32, #tpu.memory_space<vmem>>
      %dma_wait3A_134 = arith.constant 0 : i32
      %dma_wait3A_135 = tpu.memref_slice %arg4[%mul3A_11, %dma_wait3A_134] : memref<2560x128xi32, #tpu.memory_space<hbm>> -> memref<1x128xi32, #tpu.memory_space<hbm>>
      %dma_wait3A_136 = arith.constant 0 : i32
      %dma_wait3A_137 = arith.constant 0 : i32
      %dma_wait3A_138 = tpu.memref_slice %arg8[%dma_wait3A_136, %dma_wait3A_137] : memref<2x128xi32, #tpu.memory_space<vmem>> -> memref<1x128xi32, #tpu.memory_space<vmem>>
      %dma_wait3A_139 = arith.constant 0 : i32
      %dma_wait3A_140 = tpu.memref_slice %arg4[%mul3A_11, %dma_wait3A_139] : memref<2560x128xi32, #tpu.memory_space<hbm>> -> memref<1x128xi32, #tpu.memory_space<hbm>>
      tpu.wait_dma2 semaphore(%run_scoped3A : memref<!tpu.dma_semaphore, #tpu.memory_space<semaphore_mem>>) src(%dma_wait3A_140 : memref<1x128xi32, #tpu.memory_space<hbm>>) dst(%dma_wait3A_138 : memref<1x128xi32, #tpu.memory_space<vmem>>)
      tpu.yield
    }) : () -> ()
    %dma_start3A = arith.constant 0 : i32
    %dma_start3A_15 = arith.constant 0 : i32
    %dma_start3A_16 = arith.constant 0 : i32
    %dma_start3A_17 = tpu.memref_slice %arg9[%dma_start3A_15, %dma_start3A_16] : memref<256x128xf32, #tpu.memory_space<vmem>> -> memref<128x128xf32, #tpu.memory_space<vmem>>
    %dma_start3A_18 = arith.constant 0 : i32
    %dma_start3A_19 = tpu.memref_slice %arg7[%dma_start3A, %dma_start3A_18] : memref<2x128xi32, #tpu.memory_space<vmem>> -> memref<1x128xi32, #tpu.memory_space<vmem>>
    %dma_start3A_20 = tpu.memref_squeeze %dma_start3A_19 : memref<1x128xi32, #tpu.memory_space<vmem>> -> memref<128xi32, #tpu.memory_space<vmem>>
    %dma_start3A_21 = arith.constant 0 : i32
    %dma_start3A_22 = arith.constant 0 : i32
    %dma_start3A_23 = tpu.memref_slice %arg2[%dma_start3A_21, %dma_start3A_22] : memref<20000x128xf32, #tpu.memory_space<hbm>> -> memref<20000x128xf32, #tpu.memory_space<hbm>>
    tpu.enqueue_indirect_dma source(%dma_start3A_23 : memref<20000x128xf32, #tpu.memory_space<hbm>>) target(%dma_start3A_17 : memref<128x128xf32, #tpu.memory_space<vmem>>) offsets(%dma_start3A_20 : memref<128xi32, #tpu.memory_space<vmem>>) semaphore(%arg11 : memref<!tpu.dma_semaphore, #tpu.memory_space<semaphore_mem>>)
    %add3A_24 = arith.constant 1 : i32
    %add3A_25 = arith.addi %mul3A_11, %add3A_24 : i32
    "tpu.region"() ({
      %run_scoped3A = tpu.sem_alloc : memref<!tpu.dma_semaphore, #tpu.memory_space<semaphore_mem>>
      %dma_start3A_121 = arith.constant 1 : i32
      %dma_start3A_122 = arith.constant 0 : i32
      %dma_start3A_123 = tpu.memref_slice %arg7[%dma_start3A_121, %dma_start3A_122] : memref<2x128xi32, #tpu.memory_space<vmem>> -> memref<1x128xi32, #tpu.memory_space<vmem>>
      %dma_start3A_124 = arith.constant 0 : i32
      %dma_start3A_125 = tpu.memref_slice %arg3[%arg0, %add3A_25, %dma_start3A_124] : memref<2x2560x128xi32, #tpu.memory_space<hbm>> -> memref<1x1x128xi32, #tpu.memory_space<hbm>>
      %dma_start3A_126 = tpu.memref_squeeze %dma_start3A_125 : memref<1x1x128xi32, #tpu.memory_space<hbm>> -> memref<1x128xi32, #tpu.memory_space<hbm>>
      %dma_start3A_127 = arith.constant 1 : i32
      %dma_start3A_128 = arith.constant 0 : i32
      %dma_start3A_129 = tpu.memref_slice %arg7[%dma_start3A_127, %dma_start3A_128] : memref<2x128xi32, #tpu.memory_space<vmem>> -> memref<1x128xi32, #tpu.memory_space<vmem>>
      %dma_start3A_130 = arith.constant 0 : i32
      %dma_start3A_131 = tpu.memref_slice %arg3[%arg0, %add3A_25, %dma_start3A_130] : memref<2x2560x128xi32, #tpu.memory_space<hbm>> -> memref<1x1x128xi32, #tpu.memory_space<hbm>>
      %dma_start3A_132 = tpu.memref_squeeze %dma_start3A_131 : memref<1x1x128xi32, #tpu.memory_space<hbm>> -> memref<1x128xi32, #tpu.memory_space<hbm>>
      tpu.enqueue_dma source(%dma_start3A_132 : memref<1x128xi32, #tpu.memory_space<hbm>>) target(%dma_start3A_129 : memref<1x128xi32, #tpu.memory_space<vmem>>) target_semaphore(%run_scoped3A : memref<!tpu.dma_semaphore, #tpu.memory_space<semaphore_mem>>)
      %dma_wait3A_133 = arith.constant 1 : i32
      %dma_wait3A_134 = arith.constant 0 : i32
      %dma_wait3A_135 = tpu.memref_slice %arg7[%dma_wait3A_133, %dma_wait3A_134] : memref<2x128xi32, #tpu.memory_space<vmem>> -> memref<1x128xi32, #tpu.memory_space<vmem>>
      %dma_wait3A_136 = arith.constant 0 : i32
      %dma_wait3A_137 = tpu.memref_slice %arg3[%arg0, %add3A_25, %dma_wait3A_136] : memref<2x2560x128xi32, #tpu.memory_space<hbm>> -> memref<1x1x128xi32, #tpu.memory_space<hbm>>
      %dma_wait3A_138 = tpu.memref_squeeze %dma_wait3A_137 : memref<1x1x128xi32, #tpu.memory_space<hbm>> -> memref<1x128xi32, #tpu.memory_space<hbm>>
      %dma_wait3A_139 = arith.constant 1 : i32
      %dma_wait3A_140 = arith.constant 0 : i32
      %dma_wait3A_141 = tpu.memref_slice %arg7[%dma_wait3A_139, %dma_wait3A_140] : memref<2x128xi32, #tpu.memory_space<vmem>> -> memref<1x128xi32, #tpu.memory_space<vmem>>
      %dma_wait3A_142 = arith.constant 0 : i32
      %dma_wait3A_143 = tpu.memref_slice %arg3[%arg0, %add3A_25, %dma_wait3A_142] : memref<2x2560x128xi32, #tpu.memory_space<hbm>> -> memref<1x1x128xi32, #tpu.memory_space<hbm>>
      %dma_wait3A_144 = tpu.memref_squeeze %dma_wait3A_143 : memref<1x1x128xi32, #tpu.memory_space<hbm>> -> memref<1x128xi32, #tpu.memory_space<hbm>>
      tpu.wait_dma2 semaphore(%run_scoped3A : memref<!tpu.dma_semaphore, #tpu.memory_space<semaphore_mem>>) src(%dma_wait3A_144 : memref<1x128xi32, #tpu.memory_space<hbm>>) dst(%dma_wait3A_141 : memref<1x128xi32, #tpu.memory_space<vmem>>)
      tpu.yield
    }) : () -> ()
    "tpu.region"() ({
      %run_scoped3A = tpu.sem_alloc : memref<!tpu.dma_semaphore, #tpu.memory_space<semaphore_mem>>
      %dma_start3A_121 = arith.constant 1 : i32
      %dma_start3A_122 = arith.constant 0 : i32
      %dma_start3A_123 = tpu.memref_slice %arg8[%dma_start3A_121, %dma_start3A_122] : memref<2x128xi32, #tpu.memory_space<vmem>> -> memref<1x128xi32, #tpu.memory_space<vmem>>
      %dma_start3A_124 = arith.constant 0 : i32
      %dma_start3A_125 = tpu.memref_slice %arg4[%add3A_25, %dma_start3A_124] : memref<2560x128xi32, #tpu.memory_space<hbm>> -> memref<1x128xi32, #tpu.memory_space<hbm>>
      %dma_start3A_126 = arith.constant 1 : i32
      %dma_start3A_127 = arith.constant 0 : i32
      %dma_start3A_128 = tpu.memref_slice %arg8[%dma_start3A_126, %dma_start3A_127] : memref<2x128xi32, #tpu.memory_space<vmem>> -> memref<1x128xi32, #tpu.memory_space<vmem>>
      %dma_start3A_129 = arith.constant 0 : i32
      %dma_start3A_130 = tpu.memref_slice %arg4[%add3A_25, %dma_start3A_129] : memref<2560x128xi32, #tpu.memory_space<hbm>> -> memref<1x128xi32, #tpu.memory_space<hbm>>
      tpu.enqueue_dma source(%dma_start3A_130 : memref<1x128xi32, #tpu.memory_space<hbm>>) target(%dma_start3A_128 : memref<1x128xi32, #tpu.memory_space<vmem>>) target_semaphore(%run_scoped3A : memref<!tpu.dma_semaphore, #tpu.memory_space<semaphore_mem>>)
      %dma_wait3A_131 = arith.constant 1 : i32
      %dma_wait3A_132 = arith.constant 0 : i32
      %dma_wait3A_133 = tpu.memref_slice %arg8[%dma_wait3A_131, %dma_wait3A_132] : memref<2x128xi32, #tpu.memory_space<vmem>> -> memref<1x128xi32, #tpu.memory_space<vmem>>
      %dma_wait3A_134 = arith.constant 0 : i32
      %dma_wait3A_135 = tpu.memref_slice %arg4[%add3A_25, %dma_wait3A_134] : memref<2560x128xi32, #tpu.memory_space<hbm>> -> memref<1x128xi32, #tpu.memory_space<hbm>>
      %dma_wait3A_136 = arith.constant 1 : i32
      %dma_wait3A_137 = arith.constant 0 : i32
      %dma_wait3A_138 = tpu.memref_slice %arg8[%dma_wait3A_136, %dma_wait3A_137] : memref<2x128xi32, #tpu.memory_space<vmem>> -> memref<1x128xi32, #tpu.memory_space<vmem>>
      %dma_wait3A_139 = arith.constant 0 : i32
      %dma_wait3A_140 = tpu.memref_slice %arg4[%add3A_25, %dma_wait3A_139] : memref<2560x128xi32, #tpu.memory_space<hbm>> -> memref<1x128xi32, #tpu.memory_space<hbm>>
      tpu.wait_dma2 semaphore(%run_scoped3A : memref<!tpu.dma_semaphore, #tpu.memory_space<semaphore_mem>>) src(%dma_wait3A_140 : memref<1x128xi32, #tpu.memory_space<hbm>>) dst(%dma_wait3A_138 : memref<1x128xi32, #tpu.memory_space<vmem>>)
      tpu.yield
    }) : () -> ()
    %dma_wait3A = arith.constant 0 : i32
    %dma_wait3A_26 = arith.constant 0 : i32
    %dma_wait3A_27 = arith.constant 0 : i32
    %dma_wait3A_28 = tpu.memref_slice %arg9[%dma_wait3A_26, %dma_wait3A_27] : memref<256x128xf32, #tpu.memory_space<vmem>> -> memref<128x128xf32, #tpu.memory_space<vmem>>
    %dma_wait3A_29 = arith.constant 0 : i32
    %dma_wait3A_30 = tpu.memref_slice %arg7[%dma_wait3A, %dma_wait3A_29] : memref<2x128xi32, #tpu.memory_space<vmem>> -> memref<1x128xi32, #tpu.memory_space<vmem>>
    %dma_wait3A_31 = tpu.memref_squeeze %dma_wait3A_30 : memref<1x128xi32, #tpu.memory_space<vmem>> -> memref<128xi32, #tpu.memory_space<vmem>>
    %dma_wait3A_32 = arith.constant 0 : i32
    %dma_wait3A_33 = arith.constant 0 : i32
    %dma_wait3A_34 = tpu.memref_slice %arg2[%dma_wait3A_32, %dma_wait3A_33] : memref<20000x128xf32, #tpu.memory_space<hbm>> -> memref<20000x128xf32, #tpu.memory_space<hbm>>
    tpu.wait_indirect_dma semaphore(%arg11 : memref<!tpu.dma_semaphore, #tpu.memory_space<semaphore_mem>>) src(%dma_wait3A_34 : memref<20000x128xf32, #tpu.memory_space<hbm>>) dst(%dma_wait3A_28 : memref<128x128xf32, #tpu.memory_space<vmem>>)
    %dma_start3A_35 = arith.constant 1 : i32
    %dma_start3A_36 = arith.constant 128 : i32
    %dma_start3A_37 = arith.constant 0 : i32
    %dma_start3A_38 = tpu.memref_slice %arg9[%dma_start3A_36, %dma_start3A_37] : memref<256x128xf32, #tpu.memory_space<vmem>> -> memref<128x128xf32, #tpu.memory_space<vmem>>
    %dma_start3A_39 = arith.constant 0 : i32
    %dma_start3A_40 = tpu.memref_slice %arg7[%dma_start3A_35, %dma_start3A_39] : memref<2x128xi32, #tpu.memory_space<vmem>> -> memref<1x128xi32, #tpu.memory_space<vmem>>
    %dma_start3A_41 = tpu.memref_squeeze %dma_start3A_40 : memref<1x128xi32, #tpu.memory_space<vmem>> -> memref<128xi32, #tpu.memory_space<vmem>>
    %dma_start3A_42 = arith.constant 0 : i32
    %dma_start3A_43 = arith.constant 0 : i32
    %dma_start3A_44 = tpu.memref_slice %arg2[%dma_start3A_42, %dma_start3A_43] : memref<20000x128xf32, #tpu.memory_space<hbm>> -> memref<20000x128xf32, #tpu.memory_space<hbm>>
    tpu.enqueue_indirect_dma source(%dma_start3A_44 : memref<20000x128xf32, #tpu.memory_space<hbm>>) target(%dma_start3A_38 : memref<128x128xf32, #tpu.memory_space<vmem>>) offsets(%dma_start3A_41 : memref<128xi32, #tpu.memory_space<vmem>>) semaphore(%arg11 : memref<!tpu.dma_semaphore, #tpu.memory_space<semaphore_mem>>)
    %dma_start3A_45 = arith.constant 0 : i32
    %dma_start3A_46 = arith.constant 0 : i32
    %dma_start3A_47 = arith.constant 0 : i32
    %dma_start3A_48 = tpu.memref_slice %arg9[%dma_start3A_46, %dma_start3A_47] : memref<256x128xf32, #tpu.memory_space<vmem>> -> memref<128x128xf32, #tpu.memory_space<vmem>>
    %dma_start3A_49 = arith.constant 0 : i32
    %dma_start3A_50 = tpu.memref_slice %arg8[%dma_start3A_45, %dma_start3A_49] : memref<2x128xi32, #tpu.memory_space<vmem>> -> memref<1x128xi32, #tpu.memory_space<vmem>>
    %dma_start3A_51 = tpu.memref_squeeze %dma_start3A_50 : memref<1x128xi32, #tpu.memory_space<vmem>> -> memref<128xi32, #tpu.memory_space<vmem>>
    %dma_start3A_52 = arith.constant 0 : i32
    %dma_start3A_53 = arith.constant 0 : i32
    %dma_start3A_54 = tpu.memref_slice %arg10[%dma_start3A_52, %dma_start3A_53] : memref<10112x128xf32, #tpu.memory_space<vmem_shared>> -> memref<10112x128xf32, #tpu.memory_space<vmem_shared>>
    tpu.enqueue_indirect_dma source(%dma_start3A_48 : memref<128x128xf32, #tpu.memory_space<vmem>>) target(%dma_start3A_54 : memref<10112x128xf32, #tpu.memory_space<vmem_shared>>) offsets(%dma_start3A_51 : memref<128xi32, #tpu.memory_space<vmem>>) semaphore(%arg12 : memref<!tpu.dma_semaphore, #tpu.memory_space<semaphore_mem>>) {add = true}
    %scan3A = arith.constant 0 : i32
    %scan3A_55 = arith.constant 0 : i32
    %scan3A_56 = arith.constant 79 : i32
    %scan3A_57 = arith.addi %scan3A_55, %scan3A_56 : i32
    %scan3A_58 = arith.constant 1 : i32
    scf.for %scan3A_121 = %scan3A_55 to %scan3A_57 step %scan3A_58  : i32 {
      %mul3A_122 = arith.constant 2 : i32
      %mul3A_123 = arith.muli %mul3A_122, %scan3A_121 : i32
      %add3A_124 = arith.constant 1 : i32
      %add3A_125 = arith.addi %mul3A_123, %add3A_124 : i32
      %dma_wait3A_126 = arith.constant 0 : i32
      %dma_wait3A_127 = arith.constant 0 : i32
      %dma_wait3A_128 = arith.constant 0 : i32
      %dma_wait3A_129 = tpu.memref_slice %arg9[%dma_wait3A_127, %dma_wait3A_128] : memref<256x128xf32, #tpu.memory_space<vmem>> -> memref<128x128xf32, #tpu.memory_space<vmem>>
      %dma_wait3A_130 = arith.constant 0 : i32
      %dma_wait3A_131 = tpu.memref_slice %arg8[%dma_wait3A_126, %dma_wait3A_130] : memref<2x128xi32, #tpu.memory_space<vmem>> -> memref<1x128xi32, #tpu.memory_space<vmem>>
      %dma_wait3A_132 = tpu.memref_squeeze %dma_wait3A_131 : memref<1x128xi32, #tpu.memory_space<vmem>> -> memref<128xi32, #tpu.memory_space<vmem>>
      %dma_wait3A_133 = arith.constant 0 : i32
      %dma_wait3A_134 = arith.constant 0 : i32
      %dma_wait3A_135 = tpu.memref_slice %arg10[%dma_wait3A_133, %dma_wait3A_134] : memref<10112x128xf32, #tpu.memory_space<vmem_shared>> -> memref<10112x128xf32, #tpu.memory_space<vmem_shared>>
      tpu.wait_indirect_dma semaphore(%arg12 : memref<!tpu.dma_semaphore, #tpu.memory_space<semaphore_mem>>) src(%dma_wait3A_129 : memref<128x128xf32, #tpu.memory_space<vmem>>) dst(%dma_wait3A_135 : memref<10112x128xf32, #tpu.memory_space<vmem_shared>>)
      %add3A_136 = arith.addi %mul3A_11, %add3A_125 : i32
      %add3A_137 = arith.constant 1 : i32
      %add3A_138 = arith.addi %add3A_136, %add3A_137 : i32
      %min3A = arith.minsi %add3A_138, %sub3A_14 : i32
      "tpu.region"() ({
        %run_scoped3A = tpu.sem_alloc : memref<!tpu.dma_semaphore, #tpu.memory_space<semaphore_mem>>
        %dma_start3A_217 = arith.constant 0 : i32
        %dma_start3A_218 = arith.constant 0 : i32
        %dma_start3A_219 = tpu.memref_slice %arg7[%dma_start3A_217, %dma_start3A_218] : memref<2x128xi32, #tpu.memory_space<vmem>> -> memref<1x128xi32, #tpu.memory_space<vmem>>
        %dma_start3A_220 = arith.constant 0 : i32
        %dma_start3A_221 = tpu.memref_slice %arg3[%arg0, %min3A, %dma_start3A_220] : memref<2x2560x128xi32, #tpu.memory_space<hbm>> -> memref<1x1x128xi32, #tpu.memory_space<hbm>>
        %dma_start3A_222 = tpu.memref_squeeze %dma_start3A_221 : memref<1x1x128xi32, #tpu.memory_space<hbm>> -> memref<1x128xi32, #tpu.memory_space<hbm>>
        %dma_start3A_223 = arith.constant 0 : i32
        %dma_start3A_224 = arith.constant 0 : i32
        %dma_start3A_225 = tpu.memref_slice %arg7[%dma_start3A_223, %dma_start3A_224] : memref<2x128xi32, #tpu.memory_space<vmem>> -> memref<1x128xi32, #tpu.memory_space<vmem>>
        %dma_start3A_226 = arith.constant 0 : i32
        %dma_start3A_227 = tpu.memref_slice %arg3[%arg0, %min3A, %dma_start3A_226] : memref<2x2560x128xi32, #tpu.memory_space<hbm>> -> memref<1x1x128xi32, #tpu.memory_space<hbm>>
        %dma_start3A_228 = tpu.memref_squeeze %dma_start3A_227 : memref<1x1x128xi32, #tpu.memory_space<hbm>> -> memref<1x128xi32, #tpu.memory_space<hbm>>
        tpu.enqueue_dma source(%dma_start3A_228 : memref<1x128xi32, #tpu.memory_space<hbm>>) target(%dma_start3A_225 : memref<1x128xi32, #tpu.memory_space<vmem>>) target_semaphore(%run_scoped3A : memref<!tpu.dma_semaphore, #tpu.memory_space<semaphore_mem>>)
        %dma_wait3A_229 = arith.constant 0 : i32
        %dma_wait3A_230 = arith.constant 0 : i32
        %dma_wait3A_231 = tpu.memref_slice %arg7[%dma_wait3A_229, %dma_wait3A_230] : memref<2x128xi32, #tpu.memory_space<vmem>> -> memref<1x128xi32, #tpu.memory_space<vmem>>
        %dma_wait3A_232 = arith.constant 0 : i32
        %dma_wait3A_233 = tpu.memref_slice %arg3[%arg0, %min3A, %dma_wait3A_232] : memref<2x2560x128xi32, #tpu.memory_space<hbm>> -> memref<1x1x128xi32, #tpu.memory_space<hbm>>
        %dma_wait3A_234 = tpu.memref_squeeze %dma_wait3A_233 : memref<1x1x128xi32, #tpu.memory_space<hbm>> -> memref<1x128xi32, #tpu.memory_space<hbm>>
        %dma_wait3A_235 = arith.constant 0 : i32
        %dma_wait3A_236 = arith.constant 0 : i32
        %dma_wait3A_237 = tpu.memref_slice %arg7[%dma_wait3A_235, %dma_wait3A_236] : memref<2x128xi32, #tpu.memory_space<vmem>> -> memref<1x128xi32, #tpu.memory_space<vmem>>
        %dma_wait3A_238 = arith.constant 0 : i32
        %dma_wait3A_239 = tpu.memref_slice %arg3[%arg0, %min3A, %dma_wait3A_238] : memref<2x2560x128xi32, #tpu.memory_space<hbm>> -> memref<1x1x128xi32, #tpu.memory_space<hbm>>
        %dma_wait3A_240 = tpu.memref_squeeze %dma_wait3A_239 : memref<1x1x128xi32, #tpu.memory_space<hbm>> -> memref<1x128xi32, #tpu.memory_space<hbm>>
        tpu.wait_dma2 semaphore(%run_scoped3A : memref<!tpu.dma_semaphore, #tpu.memory_space<semaphore_mem>>) src(%dma_wait3A_240 : memref<1x128xi32, #tpu.memory_space<hbm>>) dst(%dma_wait3A_237 : memref<1x128xi32, #tpu.memory_space<vmem>>)
        tpu.yield
      }) : () -> ()
      "tpu.region"() ({
        %run_scoped3A = tpu.sem_alloc : memref<!tpu.dma_semaphore, #tpu.memory_space<semaphore_mem>>
        %dma_start3A_217 = arith.constant 0 : i32
        %dma_start3A_218 = arith.constant 0 : i32
        %dma_start3A_219 = tpu.memref_slice %arg8[%dma_start3A_217, %dma_start3A_218] : memref<2x128xi32, #tpu.memory_space<vmem>> -> memref<1x128xi32, #tpu.memory_space<vmem>>
        %dma_start3A_220 = arith.constant 0 : i32
        %dma_start3A_221 = tpu.memref_slice %arg4[%min3A, %dma_start3A_220] : memref<2560x128xi32, #tpu.memory_space<hbm>> -> memref<1x128xi32, #tpu.memory_space<hbm>>
        %dma_start3A_222 = arith.constant 0 : i32
        %dma_start3A_223 = arith.constant 0 : i32
        %dma_start3A_224 = tpu.memref_slice %arg8[%dma_start3A_222, %dma_start3A_223] : memref<2x128xi32, #tpu.memory_space<vmem>> -> memref<1x128xi32, #tpu.memory_space<vmem>>
        %dma_start3A_225 = arith.constant 0 : i32
        %dma_start3A_226 = tpu.memref_slice %arg4[%min3A, %dma_start3A_225] : memref<2560x128xi32, #tpu.memory_space<hbm>> -> memref<1x128xi32, #tpu.memory_space<hbm>>
        tpu.enqueue_dma source(%dma_start3A_226 : memref<1x128xi32, #tpu.memory_space<hbm>>) target(%dma_start3A_224 : memref<1x128xi32, #tpu.memory_space<vmem>>) target_semaphore(%run_scoped3A : memref<!tpu.dma_semaphore, #tpu.memory_space<semaphore_mem>>)
        %dma_wait3A_227 = arith.constant 0 : i32
        %dma_wait3A_228 = arith.constant 0 : i32
        %dma_wait3A_229 = tpu.memref_slice %arg8[%dma_wait3A_227, %dma_wait3A_228] : memref<2x128xi32, #tpu.memory_space<vmem>> -> memref<1x128xi32, #tpu.memory_space<vmem>>
        %dma_wait3A_230 = arith.constant 0 : i32
        %dma_wait3A_231 = tpu.memref_slice %arg4[%min3A, %dma_wait3A_230] : memref<2560x128xi32, #tpu.memory_space<hbm>> -> memref<1x128xi32, #tpu.memory_space<hbm>>
        %dma_wait3A_232 = arith.constant 0 : i32
        %dma_wait3A_233 = arith.constant 0 : i32
        %dma_wait3A_234 = tpu.memref_slice %arg8[%dma_wait3A_232, %dma_wait3A_233] : memref<2x128xi32, #tpu.memory_space<vmem>> -> memref<1x128xi32, #tpu.memory_space<vmem>>
        %dma_wait3A_235 = arith.constant 0 : i32
        %dma_wait3A_236 = tpu.memref_slice %arg4[%min3A, %dma_wait3A_235] : memref<2560x128xi32, #tpu.memory_space<hbm>> -> memref<1x128xi32, #tpu.memory_space<hbm>>
        tpu.wait_dma2 semaphore(%run_scoped3A : memref<!tpu.dma_semaphore, #tpu.memory_space<semaphore_mem>>) src(%dma_wait3A_236 : memref<1x128xi32, #tpu.memory_space<hbm>>) dst(%dma_wait3A_234 : memref<1x128xi32, #tpu.memory_space<vmem>>)
        tpu.yield
      }) : () -> ()
      %dma_wait3A_139 = arith.constant 0 : i32
      %dma_wait3A_140 = arith.constant 0 : i32
      %dma_wait3A_141 = arith.constant 0 : i32
      %dma_wait3A_142 = tpu.memref_slice %arg9[%dma_wait3A_140, %dma_wait3A_141] : memref<256x128xf32, #tpu.memory_space<vmem>> -> memref<128x128xf32, #tpu.memory_space<vmem>>
      %dma_wait3A_143 = arith.constant 0 : i32
      %dma_wait3A_144 = tpu.memref_slice %arg7[%dma_wait3A_139, %dma_wait3A_143] : memref<2x128xi32, #tpu.memory_space<vmem>> -> memref<1x128xi32, #tpu.memory_space<vmem>>
      %dma_wait3A_145 = tpu.memref_squeeze %dma_wait3A_144 : memref<1x128xi32, #tpu.memory_space<vmem>> -> memref<128xi32, #tpu.memory_space<vmem>>
      %dma_wait3A_146 = arith.constant 0 : i32
      %dma_wait3A_147 = arith.constant 0 : i32
      %dma_wait3A_148 = tpu.memref_slice %arg2[%dma_wait3A_146, %dma_wait3A_147] : memref<20000x128xf32, #tpu.memory_space<hbm>> -> memref<20000x128xf32, #tpu.memory_space<hbm>>
      tpu.wait_indirect_dma semaphore(%arg11 : memref<!tpu.dma_semaphore, #tpu.memory_space<semaphore_mem>>) src(%dma_wait3A_148 : memref<20000x128xf32, #tpu.memory_space<hbm>>) dst(%dma_wait3A_142 : memref<128x128xf32, #tpu.memory_space<vmem>>)
      %dma_start3A_149 = arith.constant 0 : i32
      %dma_start3A_150 = arith.constant 0 : i32
      %dma_start3A_151 = arith.constant 0 : i32
      %dma_start3A_152 = tpu.memref_slice %arg9[%dma_start3A_150, %dma_start3A_151] : memref<256x128xf32, #tpu.memory_space<vmem>> -> memref<128x128xf32, #tpu.memory_space<vmem>>
      %dma_start3A_153 = arith.constant 0 : i32
      %dma_start3A_154 = tpu.memref_slice %arg7[%dma_start3A_149, %dma_start3A_153] : memref<2x128xi32, #tpu.memory_space<vmem>> -> memref<1x128xi32, #tpu.memory_space<vmem>>
      %dma_start3A_155 = tpu.memref_squeeze %dma_start3A_154 : memref<1x128xi32, #tpu.memory_space<vmem>> -> memref<128xi32, #tpu.memory_space<vmem>>
      %dma_start3A_156 = arith.constant 0 : i32
      %dma_start3A_157 = arith.constant 0 : i32
      %dma_start3A_158 = tpu.memref_slice %arg2[%dma_start3A_156, %dma_start3A_157] : memref<20000x128xf32, #tpu.memory_space<hbm>> -> memref<20000x128xf32, #tpu.memory_space<hbm>>
      tpu.enqueue_indirect_dma source(%dma_start3A_158 : memref<20000x128xf32, #tpu.memory_space<hbm>>) target(%dma_start3A_152 : memref<128x128xf32, #tpu.memory_space<vmem>>) offsets(%dma_start3A_155 : memref<128xi32, #tpu.memory_space<vmem>>) semaphore(%arg11 : memref<!tpu.dma_semaphore, #tpu.memory_space<semaphore_mem>>)
      %dma_start3A_159 = arith.constant 1 : i32
      %dma_start3A_160 = arith.constant 128 : i32
      %dma_start3A_161 = arith.constant 0 : i32
      %dma_start3A_162 = tpu.memref_slice %arg9[%dma_start3A_160, %dma_start3A_161] : memref<256x128xf32, #tpu.memory_space<vmem>> -> memref<128x128xf32, #tpu.memory_space<vmem>>
      %dma_start3A_163 = arith.constant 0 : i32
      %dma_start3A_164 = tpu.memref_slice %arg8[%dma_start3A_159, %dma_start3A_163] : memref<2x128xi32, #tpu.memory_space<vmem>> -> memref<1x128xi32, #tpu.memory_space<vmem>>
      %dma_start3A_165 = tpu.memref_squeeze %dma_start3A_164 : memref<1x128xi32, #tpu.memory_space<vmem>> -> memref<128xi32, #tpu.memory_space<vmem>>
      %dma_start3A_166 = arith.constant 0 : i32
      %dma_start3A_167 = arith.constant 0 : i32
      %dma_start3A_168 = tpu.memref_slice %arg10[%dma_start3A_166, %dma_start3A_167] : memref<10112x128xf32, #tpu.memory_space<vmem_shared>> -> memref<10112x128xf32, #tpu.memory_space<vmem_shared>>
      tpu.enqueue_indirect_dma source(%dma_start3A_162 : memref<128x128xf32, #tpu.memory_space<vmem>>) target(%dma_start3A_168 : memref<10112x128xf32, #tpu.memory_space<vmem_shared>>) offsets(%dma_start3A_165 : memref<128xi32, #tpu.memory_space<vmem>>) semaphore(%arg12 : memref<!tpu.dma_semaphore, #tpu.memory_space<semaphore_mem>>) {add = true}
      %mul3A_169 = arith.constant 2 : i32
      %mul3A_170 = arith.muli %mul3A_169, %scan3A_121 : i32
      %add3A_171 = arith.constant 2 : i32
      %add3A_172 = arith.addi %mul3A_170, %add3A_171 : i32
      %dma_wait3A_173 = arith.constant 0 : i32
      %dma_wait3A_174 = arith.constant 0 : i32
      %dma_wait3A_175 = arith.constant 0 : i32
      %dma_wait3A_176 = tpu.memref_slice %arg9[%dma_wait3A_174, %dma_wait3A_175] : memref<256x128xf32, #tpu.memory_space<vmem>> -> memref<128x128xf32, #tpu.memory_space<vmem>>
      %dma_wait3A_177 = arith.constant 0 : i32
      %dma_wait3A_178 = tpu.memref_slice %arg8[%dma_wait3A_173, %dma_wait3A_177] : memref<2x128xi32, #tpu.memory_space<vmem>> -> memref<1x128xi32, #tpu.memory_space<vmem>>
      %dma_wait3A_179 = tpu.memref_squeeze %dma_wait3A_178 : memref<1x128xi32, #tpu.memory_space<vmem>> -> memref<128xi32, #tpu.memory_space<vmem>>
      %dma_wait3A_180 = arith.constant 0 : i32
      %dma_wait3A_181 = arith.constant 0 : i32
      %dma_wait3A_182 = tpu.memref_slice %arg10[%dma_wait3A_180, %dma_wait3A_181] : memref<10112x128xf32, #tpu.memory_space<vmem_shared>> -> memref<10112x128xf32, #tpu.memory_space<vmem_shared>>
      tpu.wait_indirect_dma semaphore(%arg12 : memref<!tpu.dma_semaphore, #tpu.memory_space<semaphore_mem>>) src(%dma_wait3A_176 : memref<128x128xf32, #tpu.memory_space<vmem>>) dst(%dma_wait3A_182 : memref<10112x128xf32, #tpu.memory_space<vmem_shared>>)
      %add3A_183 = arith.addi %mul3A_11, %add3A_172 : i32
      %add3A_184 = arith.constant 1 : i32
      %add3A_185 = arith.addi %add3A_183, %add3A_184 : i32
      %min3A_186 = arith.minsi %add3A_185, %sub3A_14 : i32
      "tpu.region"() ({
        %run_scoped3A = tpu.sem_alloc : memref<!tpu.dma_semaphore, #tpu.memory_space<semaphore_mem>>
        %dma_start3A_217 = arith.constant 1 : i32
        %dma_start3A_218 = arith.constant 0 : i32
        %dma_start3A_219 = tpu.memref_slice %arg7[%dma_start3A_217, %dma_start3A_218] : memref<2x128xi32, #tpu.memory_space<vmem>> -> memref<1x128xi32, #tpu.memory_space<vmem>>
        %dma_start3A_220 = arith.constant 0 : i32
        %dma_start3A_221 = tpu.memref_slice %arg3[%arg0, %min3A_186, %dma_start3A_220] : memref<2x2560x128xi32, #tpu.memory_space<hbm>> -> memref<1x1x128xi32, #tpu.memory_space<hbm>>
        %dma_start3A_222 = tpu.memref_squeeze %dma_start3A_221 : memref<1x1x128xi32, #tpu.memory_space<hbm>> -> memref<1x128xi32, #tpu.memory_space<hbm>>
        %dma_start3A_223 = arith.constant 1 : i32
        %dma_start3A_224 = arith.constant 0 : i32
        %dma_start3A_225 = tpu.memref_slice %arg7[%dma_start3A_223, %dma_start3A_224] : memref<2x128xi32, #tpu.memory_space<vmem>> -> memref<1x128xi32, #tpu.memory_space<vmem>>
        %dma_start3A_226 = arith.constant 0 : i32
        %dma_start3A_227 = tpu.memref_slice %arg3[%arg0, %min3A_186, %dma_start3A_226] : memref<2x2560x128xi32, #tpu.memory_space<hbm>> -> memref<1x1x128xi32, #tpu.memory_space<hbm>>
        %dma_start3A_228 = tpu.memref_squeeze %dma_start3A_227 : memref<1x1x128xi32, #tpu.memory_space<hbm>> -> memref<1x128xi32, #tpu.memory_space<hbm>>
        tpu.enqueue_dma source(%dma_start3A_228 : memref<1x128xi32, #tpu.memory_space<hbm>>) target(%dma_start3A_225 : memref<1x128xi32, #tpu.memory_space<vmem>>) target_semaphore(%run_scoped3A : memref<!tpu.dma_semaphore, #tpu.memory_space<semaphore_mem>>)
        %dma_wait3A_229 = arith.constant 1 : i32
        %dma_wait3A_230 = arith.constant 0 : i32
        %dma_wait3A_231 = tpu.memref_slice %arg7[%dma_wait3A_229, %dma_wait3A_230] : memref<2x128xi32, #tpu.memory_space<vmem>> -> memref<1x128xi32, #tpu.memory_space<vmem>>
        %dma_wait3A_232 = arith.constant 0 : i32
        %dma_wait3A_233 = tpu.memref_slice %arg3[%arg0, %min3A_186, %dma_wait3A_232] : memref<2x2560x128xi32, #tpu.memory_space<hbm>> -> memref<1x1x128xi32, #tpu.memory_space<hbm>>
        %dma_wait3A_234 = tpu.memref_squeeze %dma_wait3A_233 : memref<1x1x128xi32, #tpu.memory_space<hbm>> -> memref<1x128xi32, #tpu.memory_space<hbm>>
        %dma_wait3A_235 = arith.constant 1 : i32
        %dma_wait3A_236 = arith.constant 0 : i32
        %dma_wait3A_237 = tpu.memref_slice %arg7[%dma_wait3A_235, %dma_wait3A_236] : memref<2x128xi32, #tpu.memory_space<vmem>> -> memref<1x128xi32, #tpu.memory_space<vmem>>
        %dma_wait3A_238 = arith.constant 0 : i32
        %dma_wait3A_239 = tpu.memref_slice %arg3[%arg0, %min3A_186, %dma_wait3A_238] : memref<2x2560x128xi32, #tpu.memory_space<hbm>> -> memref<1x1x128xi32, #tpu.memory_space<hbm>>
        %dma_wait3A_240 = tpu.memref_squeeze %dma_wait3A_239 : memref<1x1x128xi32, #tpu.memory_space<hbm>> -> memref<1x128xi32, #tpu.memory_space<hbm>>
        tpu.wait_dma2 semaphore(%run_scoped3A : memref<!tpu.dma_semaphore, #tpu.memory_space<semaphore_mem>>) src(%dma_wait3A_240 : memref<1x128xi32, #tpu.memory_space<hbm>>) dst(%dma_wait3A_237 : memref<1x128xi32, #tpu.memory_space<vmem>>)
        tpu.yield
      }) : () -> ()
      "tpu.region"() ({
        %run_scoped3A = tpu.sem_alloc : memref<!tpu.dma_semaphore, #tpu.memory_space<semaphore_mem>>
        %dma_start3A_217 = arith.constant 1 : i32
        %dma_start3A_218 = arith.constant 0 : i32
        %dma_start3A_219 = tpu.memref_slice %arg8[%dma_start3A_217, %dma_start3A_218] : memref<2x128xi32, #tpu.memory_space<vmem>> -> memref<1x128xi32, #tpu.memory_space<vmem>>
        %dma_start3A_220 = arith.constant 0 : i32
        %dma_start3A_221 = tpu.memref_slice %arg4[%min3A_186, %dma_start3A_220] : memref<2560x128xi32, #tpu.memory_space<hbm>> -> memref<1x128xi32, #tpu.memory_space<hbm>>
        %dma_start3A_222 = arith.constant 1 : i32
        %dma_start3A_223 = arith.constant 0 : i32
        %dma_start3A_224 = tpu.memref_slice %arg8[%dma_start3A_222, %dma_start3A_223] : memref<2x128xi32, #tpu.memory_space<vmem>> -> memref<1x128xi32, #tpu.memory_space<vmem>>
        %dma_start3A_225 = arith.constant 0 : i32
        %dma_start3A_226 = tpu.memref_slice %arg4[%min3A_186, %dma_start3A_225] : memref<2560x128xi32, #tpu.memory_space<hbm>> -> memref<1x128xi32, #tpu.memory_space<hbm>>
        tpu.enqueue_dma source(%dma_start3A_226 : memref<1x128xi32, #tpu.memory_space<hbm>>) target(%dma_start3A_224 : memref<1x128xi32, #tpu.memory_space<vmem>>) target_semaphore(%run_scoped3A : memref<!tpu.dma_semaphore, #tpu.memory_space<semaphore_mem>>)
        %dma_wait3A_227 = arith.constant 1 : i32
        %dma_wait3A_228 = arith.constant 0 : i32
        %dma_wait3A_229 = tpu.memref_slice %arg8[%dma_wait3A_227, %dma_wait3A_228] : memref<2x128xi32, #tpu.memory_space<vmem>> -> memref<1x128xi32, #tpu.memory_space<vmem>>
        %dma_wait3A_230 = arith.constant 0 : i32
        %dma_wait3A_231 = tpu.memref_slice %arg4[%min3A_186, %dma_wait3A_230] : memref<2560x128xi32, #tpu.memory_space<hbm>> -> memref<1x128xi32, #tpu.memory_space<hbm>>
        %dma_wait3A_232 = arith.constant 1 : i32
        %dma_wait3A_233 = arith.constant 0 : i32
        %dma_wait3A_234 = tpu.memref_slice %arg8[%dma_wait3A_232, %dma_wait3A_233] : memref<2x128xi32, #tpu.memory_space<vmem>> -> memref<1x128xi32, #tpu.memory_space<vmem>>
        %dma_wait3A_235 = arith.constant 0 : i32
        %dma_wait3A_236 = tpu.memref_slice %arg4[%min3A_186, %dma_wait3A_235] : memref<2560x128xi32, #tpu.memory_space<hbm>> -> memref<1x128xi32, #tpu.memory_space<hbm>>
        tpu.wait_dma2 semaphore(%run_scoped3A : memref<!tpu.dma_semaphore, #tpu.memory_space<semaphore_mem>>) src(%dma_wait3A_236 : memref<1x128xi32, #tpu.memory_space<hbm>>) dst(%dma_wait3A_234 : memref<1x128xi32, #tpu.memory_space<vmem>>)
        tpu.yield
      }) : () -> ()
      %dma_wait3A_187 = arith.constant 0 : i32
      %dma_wait3A_188 = arith.constant 0 : i32
      %dma_wait3A_189 = arith.constant 0 : i32
      %dma_wait3A_190 = tpu.memref_slice %arg9[%dma_wait3A_188, %dma_wait3A_189] : memref<256x128xf32, #tpu.memory_space<vmem>> -> memref<128x128xf32, #tpu.memory_space<vmem>>
      %dma_wait3A_191 = arith.constant 0 : i32
      %dma_wait3A_192 = tpu.memref_slice %arg7[%dma_wait3A_187, %dma_wait3A_191] : memref<2x128xi32, #tpu.memory_space<vmem>> -> memref<1x128xi32, #tpu.memory_space<vmem>>
      %dma_wait3A_193 = tpu.memref_squeeze %dma_wait3A_192 : memref<1x128xi32, #tpu.memory_space<vmem>> -> memref<128xi32, #tpu.memory_space<vmem>>
      %dma_wait3A_194 = arith.constant 0 : i32
      %dma_wait3A_195 = arith.constant 0 : i32
      %dma_wait3A_196 = tpu.memref_slice %arg2[%dma_wait3A_194, %dma_wait3A_195] : memref<20000x128xf32, #tpu.memory_space<hbm>> -> memref<20000x128xf32, #tpu.memory_space<hbm>>
      tpu.wait_indirect_dma semaphore(%arg11 : memref<!tpu.dma_semaphore, #tpu.memory_space<semaphore_mem>>) src(%dma_wait3A_196 : memref<20000x128xf32, #tpu.memory_space<hbm>>) dst(%dma_wait3A_190 : memref<128x128xf32, #tpu.memory_space<vmem>>)
      %dma_start3A_197 = arith.constant 1 : i32
      %dma_start3A_198 = arith.constant 128 : i32
      %dma_start3A_199 = arith.constant 0 : i32
      %dma_start3A_200 = tpu.memref_slice %arg9[%dma_start3A_198, %dma_start3A_199] : memref<256x128xf32, #tpu.memory_space<vmem>> -> memref<128x128xf32, #tpu.memory_space<vmem>>
      %dma_start3A_201 = arith.constant 0 : i32
      %dma_start3A_202 = tpu.memref_slice %arg7[%dma_start3A_197, %dma_start3A_201] : memref<2x128xi32, #tpu.memory_space<vmem>> -> memref<1x128xi32, #tpu.memory_space<vmem>>
      %dma_start3A_203 = tpu.memref_squeeze %dma_start3A_202 : memref<1x128xi32, #tpu.memory_space<vmem>> -> memref<128xi32, #tpu.memory_space<vmem>>
      %dma_start3A_204 = arith.constant 0 : i32
      %dma_start3A_205 = arith.constant 0 : i32
      %dma_start3A_206 = tpu.memref_slice %arg2[%dma_start3A_204, %dma_start3A_205] : memref<20000x128xf32, #tpu.memory_space<hbm>> -> memref<20000x128xf32, #tpu.memory_space<hbm>>
      tpu.enqueue_indirect_dma source(%dma_start3A_206 : memref<20000x128xf32, #tpu.memory_space<hbm>>) target(%dma_start3A_200 : memref<128x128xf32, #tpu.memory_space<vmem>>) offsets(%dma_start3A_203 : memref<128xi32, #tpu.memory_space<vmem>>) semaphore(%arg11 : memref<!tpu.dma_semaphore, #tpu.memory_space<semaphore_mem>>)
      %dma_start3A_207 = arith.constant 0 : i32
      %dma_start3A_208 = arith.constant 0 : i32
      %dma_start3A_209 = arith.constant 0 : i32
      %dma_start3A_210 = tpu.memref_slice %arg9[%dma_start3A_208, %dma_start3A_209] : memref<256x128xf32, #tpu.memory_space<vmem>> -> memref<128x128xf32, #tpu.memory_space<vmem>>
      %dma_start3A_211 = arith.constant 0 : i32
      %dma_start3A_212 = tpu.memref_slice %arg8[%dma_start3A_207, %dma_start3A_211] : memref<2x128xi32, #tpu.memory_space<vmem>> -> memref<1x128xi32, #tpu.memory_space<vmem>>
      %dma_start3A_213 = tpu.memref_squeeze %dma_start3A_212 : memref<1x128xi32, #tpu.memory_space<vmem>> -> memref<128xi32, #tpu.memory_space<vmem>>
      %dma_start3A_214 = arith.constant 0 : i32
      %dma_start3A_215 = arith.constant 0 : i32
      %dma_start3A_216 = tpu.memref_slice %arg10[%dma_start3A_214, %dma_start3A_215] : memref<10112x128xf32, #tpu.memory_space<vmem_shared>> -> memref<10112x128xf32, #tpu.memory_space<vmem_shared>>
      tpu.enqueue_indirect_dma source(%dma_start3A_210 : memref<128x128xf32, #tpu.memory_space<vmem>>) target(%dma_start3A_216 : memref<10112x128xf32, #tpu.memory_space<vmem_shared>>) offsets(%dma_start3A_213 : memref<128xi32, #tpu.memory_space<vmem>>) semaphore(%arg12 : memref<!tpu.dma_semaphore, #tpu.memory_space<semaphore_mem>>) {add = true}
    }
    %scan3A_59 = arith.constant 79 : i32
    %dma_wait3A_60 = arith.constant 0 : i32
    %dma_wait3A_61 = arith.constant 0 : i32
    %dma_wait3A_62 = arith.constant 0 : i32
    %dma_wait3A_63 = tpu.memref_slice %arg9[%dma_wait3A_61, %dma_wait3A_62] : memref<256x128xf32, #tpu.memory_space<vmem>> -> memref<128x128xf32, #tpu.memory_space<vmem>>
    %dma_wait3A_64 = arith.constant 0 : i32
    %dma_wait3A_65 = tpu.memref_slice %arg8[%dma_wait3A_60, %dma_wait3A_64] : memref<2x128xi32, #tpu.memory_space<vmem>> -> memref<1x128xi32, #tpu.memory_space<vmem>>
    %dma_wait3A_66 = tpu.memref_squeeze %dma_wait3A_65 : memref<1x128xi32, #tpu.memory_space<vmem>> -> memref<128xi32, #tpu.memory_space<vmem>>
    %dma_wait3A_67 = arith.constant 0 : i32
    %dma_wait3A_68 = arith.constant 0 : i32
    %dma_wait3A_69 = tpu.memref_slice %arg10[%dma_wait3A_67, %dma_wait3A_68] : memref<10112x128xf32, #tpu.memory_space<vmem_shared>> -> memref<10112x128xf32, #tpu.memory_space<vmem_shared>>
    tpu.wait_indirect_dma semaphore(%arg12 : memref<!tpu.dma_semaphore, #tpu.memory_space<semaphore_mem>>) src(%dma_wait3A_63 : memref<128x128xf32, #tpu.memory_space<vmem>>) dst(%dma_wait3A_69 : memref<10112x128xf32, #tpu.memory_space<vmem_shared>>)
    %dma_wait3A_70 = arith.constant 0 : i32
    %dma_wait3A_71 = arith.constant 0 : i32
    %dma_wait3A_72 = arith.constant 0 : i32
    %dma_wait3A_73 = tpu.memref_slice %arg9[%dma_wait3A_71, %dma_wait3A_72] : memref<256x128xf32, #tpu.memory_space<vmem>> -> memref<128x128xf32, #tpu.memory_space<vmem>>
    %dma_wait3A_74 = arith.constant 0 : i32
    %dma_wait3A_75 = tpu.memref_slice %arg7[%dma_wait3A_70, %dma_wait3A_74] : memref<2x128xi32, #tpu.memory_space<vmem>> -> memref<1x128xi32, #tpu.memory_space<vmem>>
    %dma_wait3A_76 = tpu.memref_squeeze %dma_wait3A_75 : memref<1x128xi32, #tpu.memory_space<vmem>> -> memref<128xi32, #tpu.memory_space<vmem>>
    %dma_wait3A_77 = arith.constant 0 : i32
    %dma_wait3A_78 = arith.constant 0 : i32
    %dma_wait3A_79 = tpu.memref_slice %arg2[%dma_wait3A_77, %dma_wait3A_78] : memref<20000x128xf32, #tpu.memory_space<hbm>> -> memref<20000x128xf32, #tpu.memory_space<hbm>>
    tpu.wait_indirect_dma semaphore(%arg11 : memref<!tpu.dma_semaphore, #tpu.memory_space<semaphore_mem>>) src(%dma_wait3A_79 : memref<20000x128xf32, #tpu.memory_space<hbm>>) dst(%dma_wait3A_73 : memref<128x128xf32, #tpu.memory_space<vmem>>)
    %dma_start3A_80 = arith.constant 1 : i32
    %dma_start3A_81 = arith.constant 128 : i32
    %dma_start3A_82 = arith.constant 0 : i32
    %dma_start3A_83 = tpu.memref_slice %arg9[%dma_start3A_81, %dma_start3A_82] : memref<256x128xf32, #tpu.memory_space<vmem>> -> memref<128x128xf32, #tpu.memory_space<vmem>>
    %dma_start3A_84 = arith.constant 0 : i32
    %dma_start3A_85 = tpu.memref_slice %arg8[%dma_start3A_80, %dma_start3A_84] : memref<2x128xi32, #tpu.memory_space<vmem>> -> memref<1x128xi32, #tpu.memory_space<vmem>>
    %dma_start3A_86 = tpu.memref_squeeze %dma_start3A_85 : memref<1x128xi32, #tpu.memory_space<vmem>> -> memref<128xi32, #tpu.memory_space<vmem>>
    %dma_start3A_87 = arith.constant 0 : i32
    %dma_start3A_88 = arith.constant 0 : i32
    %dma_start3A_89 = tpu.memref_slice %arg10[%dma_start3A_87, %dma_start3A_88] : memref<10112x128xf32, #tpu.memory_space<vmem_shared>> -> memref<10112x128xf32, #tpu.memory_space<vmem_shared>>
    tpu.enqueue_indirect_dma source(%dma_start3A_83 : memref<128x128xf32, #tpu.memory_space<vmem>>) target(%dma_start3A_89 : memref<10112x128xf32, #tpu.memory_space<vmem_shared>>) offsets(%dma_start3A_86 : memref<128xi32, #tpu.memory_space<vmem>>) semaphore(%arg12 : memref<!tpu.dma_semaphore, #tpu.memory_space<semaphore_mem>>) {add = true}
    %dma_wait3A_90 = arith.constant 0 : i32
    %dma_wait3A_91 = arith.constant 0 : i32
    %dma_wait3A_92 = arith.constant 0 : i32
    %dma_wait3A_93 = tpu.memref_slice %arg9[%dma_wait3A_91, %dma_wait3A_92] : memref<256x128xf32, #tpu.memory_space<vmem>> -> memref<128x128xf32, #tpu.memory_space<vmem>>
    %dma_wait3A_94 = arith.constant 0 : i32
    %dma_wait3A_95 = tpu.memref_slice %arg8[%dma_wait3A_90, %dma_wait3A_94] : memref<2x128xi32, #tpu.memory_space<vmem>> -> memref<1x128xi32, #tpu.memory_space<vmem>>
    %dma_wait3A_96 = tpu.memref_squeeze %dma_wait3A_95 : memref<1x128xi32, #tpu.memory_space<vmem>> -> memref<128xi32, #tpu.memory_space<vmem>>
    %dma_wait3A_97 = arith.constant 0 : i32
    %dma_wait3A_98 = arith.constant 0 : i32
    %dma_wait3A_99 = tpu.memref_slice %arg10[%dma_wait3A_97, %dma_wait3A_98] : memref<10112x128xf32, #tpu.memory_space<vmem_shared>> -> memref<10112x128xf32, #tpu.memory_space<vmem_shared>>
    tpu.wait_indirect_dma semaphore(%arg12 : memref<!tpu.dma_semaphore, #tpu.memory_space<semaphore_mem>>) src(%dma_wait3A_93 : memref<128x128xf32, #tpu.memory_space<vmem>>) dst(%dma_wait3A_99 : memref<10112x128xf32, #tpu.memory_space<vmem_shared>>)
    %barrier3A_100 = arith.constant 0 : index
    tpu.barrier barrier_id(%barrier3A_100)
    %add3A_101 = arith.constant 0 : i32
    %add3A_102 = arith.addi %mul3A_0, %add3A_101 : i32
    "tpu.region"() ({
      %run_scoped3A = tpu.sem_alloc : memref<!tpu.dma_semaphore, #tpu.memory_space<semaphore_mem>>
      %dma_start3A_121 = arith.constant 0 : i32
      %dma_start3A_122 = arith.constant 0 : i32
      %dma_start3A_123 = tpu.memref_slice %arg9[%dma_start3A_121, %dma_start3A_122] : memref<256x128xf32, #tpu.memory_space<vmem>> -> memref<128x128xf32, #tpu.memory_space<vmem>>
      %dma_start3A_124 = arith.constant 0 : i32
      %dma_start3A_125 = tpu.memref_slice %arg10[%add3A_102, %dma_start3A_124] : memref<10112x128xf32, #tpu.memory_space<vmem_shared>> -> memref<128x128xf32, #tpu.memory_space<vmem_shared>>
      %dma_start3A_126 = arith.constant 0 : i32
      %dma_start3A_127 = arith.constant 0 : i32
      %dma_start3A_128 = tpu.memref_slice %arg9[%dma_start3A_126, %dma_start3A_127] : memref<256x128xf32, #tpu.memory_space<vmem>> -> memref<128x128xf32, #tpu.memory_space<vmem>>
      %dma_start3A_129 = arith.constant 0 : i32
      %dma_start3A_130 = tpu.memref_slice %arg10[%add3A_102, %dma_start3A_129] : memref<10112x128xf32, #tpu.memory_space<vmem_shared>> -> memref<128x128xf32, #tpu.memory_space<vmem_shared>>
      tpu.enqueue_dma source(%dma_start3A_130 : memref<128x128xf32, #tpu.memory_space<vmem_shared>>) target(%dma_start3A_128 : memref<128x128xf32, #tpu.memory_space<vmem>>) target_semaphore(%run_scoped3A : memref<!tpu.dma_semaphore, #tpu.memory_space<semaphore_mem>>)
      %dma_wait3A_131 = arith.constant 0 : i32
      %dma_wait3A_132 = arith.constant 0 : i32
      %dma_wait3A_133 = tpu.memref_slice %arg9[%dma_wait3A_131, %dma_wait3A_132] : memref<256x128xf32, #tpu.memory_space<vmem>> -> memref<128x128xf32, #tpu.memory_space<vmem>>
      %dma_wait3A_134 = arith.constant 0 : i32
      %dma_wait3A_135 = tpu.memref_slice %arg10[%add3A_102, %dma_wait3A_134] : memref<10112x128xf32, #tpu.memory_space<vmem_shared>> -> memref<128x128xf32, #tpu.memory_space<vmem_shared>>
      %dma_wait3A_136 = arith.constant 0 : i32
      %dma_wait3A_137 = arith.constant 0 : i32
      %dma_wait3A_138 = tpu.memref_slice %arg9[%dma_wait3A_136, %dma_wait3A_137] : memref<256x128xf32, #tpu.memory_space<vmem>> -> memref<128x128xf32, #tpu.memory_space<vmem>>
      %dma_wait3A_139 = arith.constant 0 : i32
      %dma_wait3A_140 = tpu.memref_slice %arg10[%add3A_102, %dma_wait3A_139] : memref<10112x128xf32, #tpu.memory_space<vmem_shared>> -> memref<128x128xf32, #tpu.memory_space<vmem_shared>>
      tpu.wait_dma2 semaphore(%run_scoped3A : memref<!tpu.dma_semaphore, #tpu.memory_space<semaphore_mem>>) src(%dma_wait3A_140 : memref<128x128xf32, #tpu.memory_space<vmem_shared>>) dst(%dma_wait3A_138 : memref<128x128xf32, #tpu.memory_space<vmem>>)
      tpu.yield
    }) : () -> ()
    %add3A_103 = arith.constant 0 : i32
    %add3A_104 = arith.addi %mul3A_0, %add3A_103 : i32
    "tpu.region"() ({
      %run_scoped3A = tpu.sem_alloc : memref<!tpu.dma_semaphore, #tpu.memory_space<semaphore_mem>>
      %dma_start3A_121 = arith.constant 0 : i32
      %dma_start3A_122 = arith.constant 0 : i32
      %dma_start3A_123 = tpu.memref_slice %arg9[%dma_start3A_121, %dma_start3A_122] : memref<256x128xf32, #tpu.memory_space<vmem>> -> memref<128x128xf32, #tpu.memory_space<vmem>>
      %dma_start3A_124 = arith.constant 0 : i32
      %dma_start3A_125 = tpu.memref_slice %arg6[%arg0, %add3A_104, %dma_start3A_124] : memref<2x10112x128xf32, #tpu.memory_space<hbm>> -> memref<1x128x128xf32, #tpu.memory_space<hbm>>
      %dma_start3A_126 = tpu.memref_squeeze %dma_start3A_125 : memref<1x128x128xf32, #tpu.memory_space<hbm>> -> memref<128x128xf32, #tpu.memory_space<hbm>>
      %dma_start3A_127 = arith.constant 0 : i32
      %dma_start3A_128 = tpu.memref_slice %arg6[%arg0, %add3A_104, %dma_start3A_127] : memref<2x10112x128xf32, #tpu.memory_space<hbm>> -> memref<1x128x128xf32, #tpu.memory_space<hbm>>
      %dma_start3A_129 = tpu.memref_squeeze %dma_start3A_128 : memref<1x128x128xf32, #tpu.memory_space<hbm>> -> memref<128x128xf32, #tpu.memory_space<hbm>>
      %dma_start3A_130 = arith.constant 0 : i32
      %dma_start3A_131 = arith.constant 0 : i32
      %dma_start3A_132 = tpu.memref_slice %arg9[%dma_start3A_130, %dma_start3A_131] : memref<256x128xf32, #tpu.memory_space<vmem>> -> memref<128x128xf32, #tpu.memory_space<vmem>>
      tpu.enqueue_dma source(%dma_start3A_132 : memref<128x128xf32, #tpu.memory_space<vmem>>) target(%dma_start3A_129 : memref<128x128xf32, #tpu.memory_space<hbm>>) target_semaphore(%run_scoped3A : memref<!tpu.dma_semaphore, #tpu.memory_space<semaphore_mem>>)
      %dma_wait3A_133 = arith.constant 0 : i32
      %dma_wait3A_134 = arith.constant 0 : i32
      %dma_wait3A_135 = tpu.memref_slice %arg9[%dma_wait3A_133, %dma_wait3A_134] : memref<256x128xf32, #tpu.memory_space<vmem>> -> memref<128x128xf32, #tpu.memory_space<vmem>>
      %dma_wait3A_136 = arith.constant 0 : i32
      %dma_wait3A_137 = tpu.memref_slice %arg6[%arg0, %add3A_104, %dma_wait3A_136] : memref<2x10112x128xf32, #tpu.memory_space<hbm>> -> memref<1x128x128xf32, #tpu.memory_space<hbm>>
      %dma_wait3A_138 = tpu.memref_squeeze %dma_wait3A_137 : memref<1x128x128xf32, #tpu.memory_space<hbm>> -> memref<128x128xf32, #tpu.memory_space<hbm>>
      %dma_wait3A_139 = arith.constant 0 : i32
      %dma_wait3A_140 = tpu.memref_slice %arg6[%arg0, %add3A_104, %dma_wait3A_139] : memref<2x10112x128xf32, #tpu.memory_space<hbm>> -> memref<1x128x128xf32, #tpu.memory_space<hbm>>
      %dma_wait3A_141 = tpu.memref_squeeze %dma_wait3A_140 : memref<1x128x128xf32, #tpu.memory_space<hbm>> -> memref<128x128xf32, #tpu.memory_space<hbm>>
      %dma_wait3A_142 = arith.constant 0 : i32
      %dma_wait3A_143 = arith.constant 0 : i32
      %dma_wait3A_144 = tpu.memref_slice %arg9[%dma_wait3A_142, %dma_wait3A_143] : memref<256x128xf32, #tpu.memory_space<vmem>> -> memref<128x128xf32, #tpu.memory_space<vmem>>
      tpu.wait_dma2 semaphore(%run_scoped3A : memref<!tpu.dma_semaphore, #tpu.memory_space<semaphore_mem>>) src(%dma_wait3A_144 : memref<128x128xf32, #tpu.memory_space<vmem>>) dst(%dma_wait3A_141 : memref<128x128xf32, #tpu.memory_space<hbm>>)
      tpu.yield
    }) : () -> ()
    %add3A_105 = arith.constant 128 : i32
    %add3A_106 = arith.addi %mul3A_0, %add3A_105 : i32
    "tpu.region"() ({
      %run_scoped3A = tpu.sem_alloc : memref<!tpu.dma_semaphore, #tpu.memory_space<semaphore_mem>>
      %dma_start3A_121 = arith.constant 0 : i32
      %dma_start3A_122 = arith.constant 0 : i32
      %dma_start3A_123 = tpu.memref_slice %arg9[%dma_start3A_121, %dma_start3A_122] : memref<256x128xf32, #tpu.memory_space<vmem>> -> memref<128x128xf32, #tpu.memory_space<vmem>>
      %dma_start3A_124 = arith.constant 0 : i32
      %dma_start3A_125 = tpu.memref_slice %arg10[%add3A_106, %dma_start3A_124] : memref<10112x128xf32, #tpu.memory_space<vmem_shared>> -> memref<128x128xf32, #tpu.memory_space<vmem_shared>>
      %dma_start3A_126 = arith.constant 0 : i32
      %dma_start3A_127 = arith.constant 0 : i32
      %dma_start3A_128 = tpu.memref_slice %arg9[%dma_start3A_126, %dma_start3A_127] : memref<256x128xf32, #tpu.memory_space<vmem>> -> memref<128x128xf32, #tpu.memory_space<vmem>>
      %dma_start3A_129 = arith.constant 0 : i32
      %dma_start3A_130 = tpu.memref_slice %arg10[%add3A_106, %dma_start3A_129] : memref<10112x128xf32, #tpu.memory_space<vmem_shared>> -> memref<128x128xf32, #tpu.memory_space<vmem_shared>>
      tpu.enqueue_dma source(%dma_start3A_130 : memref<128x128xf32, #tpu.memory_space<vmem_shared>>) target(%dma_start3A_128 : memref<128x128xf32, #tpu.memory_space<vmem>>) target_semaphore(%run_scoped3A : memref<!tpu.dma_semaphore, #tpu.memory_space<semaphore_mem>>)
      %dma_wait3A_131 = arith.constant 0 : i32
      %dma_wait3A_132 = arith.constant 0 : i32
      %dma_wait3A_133 = tpu.memref_slice %arg9[%dma_wait3A_131, %dma_wait3A_132] : memref<256x128xf32, #tpu.memory_space<vmem>> -> memref<128x128xf32, #tpu.memory_space<vmem>>
      %dma_wait3A_134 = arith.constant 0 : i32
      %dma_wait3A_135 = tpu.memref_slice %arg10[%add3A_106, %dma_wait3A_134] : memref<10112x128xf32, #tpu.memory_space<vmem_shared>> -> memref<128x128xf32, #tpu.memory_space<vmem_shared>>
      %dma_wait3A_136 = arith.constant 0 : i32
      %dma_wait3A_137 = arith.constant 0 : i32
      %dma_wait3A_138 = tpu.memref_slice %arg9[%dma_wait3A_136, %dma_wait3A_137] : memref<256x128xf32, #tpu.memory_space<vmem>> -> memref<128x128xf32, #tpu.memory_space<vmem>>
      %dma_wait3A_139 = arith.constant 0 : i32
      %dma_wait3A_140 = tpu.memref_slice %arg10[%add3A_106, %dma_wait3A_139] : memref<10112x128xf32, #tpu.memory_space<vmem_shared>> -> memref<128x128xf32, #tpu.memory_space<vmem_shared>>
      tpu.wait_dma2 semaphore(%run_scoped3A : memref<!tpu.dma_semaphore, #tpu.memory_space<semaphore_mem>>) src(%dma_wait3A_140 : memref<128x128xf32, #tpu.memory_space<vmem_shared>>) dst(%dma_wait3A_138 : memref<128x128xf32, #tpu.memory_space<vmem>>)
      tpu.yield
    }) : () -> ()
    %add3A_107 = arith.constant 128 : i32
    %add3A_108 = arith.addi %mul3A_0, %add3A_107 : i32
    "tpu.region"() ({
      %run_scoped3A = tpu.sem_alloc : memref<!tpu.dma_semaphore, #tpu.memory_space<semaphore_mem>>
      %dma_start3A_121 = arith.constant 0 : i32
      %dma_start3A_122 = arith.constant 0 : i32
      %dma_start3A_123 = tpu.memref_slice %arg9[%dma_start3A_121, %dma_start3A_122] : memref<256x128xf32, #tpu.memory_space<vmem>> -> memref<128x128xf32, #tpu.memory_space<vmem>>
      %dma_start3A_124 = arith.constant 0 : i32
      %dma_start3A_125 = tpu.memref_slice %arg6[%arg0, %add3A_108, %dma_start3A_124] : memref<2x10112x128xf32, #tpu.memory_space<hbm>> -> memref<1x128x128xf32, #tpu.memory_space<hbm>>
      %dma_start3A_126 = tpu.memref_squeeze %dma_start3A_125 : memref<1x128x128xf32, #tpu.memory_space<hbm>> -> memref<128x128xf32, #tpu.memory_space<hbm>>
      %dma_start3A_127 = arith.constant 0 : i32
      %dma_start3A_128 = tpu.memref_slice %arg6[%arg0, %add3A_108, %dma_start3A_127] : memref<2x10112x128xf32, #tpu.memory_space<hbm>> -> memref<1x128x128xf32, #tpu.memory_space<hbm>>
      %dma_start3A_129 = tpu.memref_squeeze %dma_start3A_128 : memref<1x128x128xf32, #tpu.memory_space<hbm>> -> memref<128x128xf32, #tpu.memory_space<hbm>>
      %dma_start3A_130 = arith.constant 0 : i32
      %dma_start3A_131 = arith.constant 0 : i32
      %dma_start3A_132 = tpu.memref_slice %arg9[%dma_start3A_130, %dma_start3A_131] : memref<256x128xf32, #tpu.memory_space<vmem>> -> memref<128x128xf32, #tpu.memory_space<vmem>>
      tpu.enqueue_dma source(%dma_start3A_132 : memref<128x128xf32, #tpu.memory_space<vmem>>) target(%dma_start3A_129 : memref<128x128xf32, #tpu.memory_space<hbm>>) target_semaphore(%run_scoped3A : memref<!tpu.dma_semaphore, #tpu.memory_space<semaphore_mem>>)
      %dma_wait3A_133 = arith.constant 0 : i32
      %dma_wait3A_134 = arith.constant 0 : i32
      %dma_wait3A_135 = tpu.memref_slice %arg9[%dma_wait3A_133, %dma_wait3A_134] : memref<256x128xf32, #tpu.memory_space<vmem>> -> memref<128x128xf32, #tpu.memory_space<vmem>>
      %dma_wait3A_136 = arith.constant 0 : i32
      %dma_wait3A_137 = tpu.memref_slice %arg6[%arg0, %add3A_108, %dma_wait3A_136] : memref<2x10112x128xf32, #tpu.memory_space<hbm>> -> memref<1x128x128xf32, #tpu.memory_space<hbm>>
      %dma_wait3A_138 = tpu.memref_squeeze %dma_wait3A_137 : memref<1x128x128xf32, #tpu.memory_space<hbm>> -> memref<128x128xf32, #tpu.memory_space<hbm>>
      %dma_wait3A_139 = arith.constant 0 : i32
      %dma_wait3A_140 = tpu.memref_slice %arg6[%arg0, %add3A_108, %dma_wait3A_139] : memref<2x10112x128xf32, #tpu.memory_space<hbm>> -> memref<1x128x128xf32, #tpu.memory_space<hbm>>
      %dma_wait3A_141 = tpu.memref_squeeze %dma_wait3A_140 : memref<1x128x128xf32, #tpu.memory_space<hbm>> -> memref<128x128xf32, #tpu.memory_space<hbm>>
      %dma_wait3A_142 = arith.constant 0 : i32
      %dma_wait3A_143 = arith.constant 0 : i32
      %dma_wait3A_144 = tpu.memref_slice %arg9[%dma_wait3A_142, %dma_wait3A_143] : memref<256x128xf32, #tpu.memory_space<vmem>> -> memref<128x128xf32, #tpu.memory_space<vmem>>
      tpu.wait_dma2 semaphore(%run_scoped3A : memref<!tpu.dma_semaphore, #tpu.memory_space<semaphore_mem>>) src(%dma_wait3A_144 : memref<128x128xf32, #tpu.memory_space<vmem>>) dst(%dma_wait3A_141 : memref<128x128xf32, #tpu.memory_space<hbm>>)
      tpu.yield
    }) : () -> ()
    %add3A_109 = arith.constant 256 : i32
    %add3A_110 = arith.addi %mul3A_0, %add3A_109 : i32
    "tpu.region"() ({
      %run_scoped3A = tpu.sem_alloc : memref<!tpu.dma_semaphore, #tpu.memory_space<semaphore_mem>>
      %dma_start3A_121 = arith.constant 0 : i32
      %dma_start3A_122 = arith.constant 0 : i32
      %dma_start3A_123 = tpu.memref_slice %arg9[%dma_start3A_121, %dma_start3A_122] : memref<256x128xf32, #tpu.memory_space<vmem>> -> memref<128x128xf32, #tpu.memory_space<vmem>>
      %dma_start3A_124 = arith.constant 0 : i32
      %dma_start3A_125 = tpu.memref_slice %arg10[%add3A_110, %dma_start3A_124] : memref<10112x128xf32, #tpu.memory_space<vmem_shared>> -> memref<128x128xf32, #tpu.memory_space<vmem_shared>>
      %dma_start3A_126 = arith.constant 0 : i32
      %dma_start3A_127 = arith.constant 0 : i32
      %dma_start3A_128 = tpu.memref_slice %arg9[%dma_start3A_126, %dma_start3A_127] : memref<256x128xf32, #tpu.memory_space<vmem>> -> memref<128x128xf32, #tpu.memory_space<vmem>>
      %dma_start3A_129 = arith.constant 0 : i32
      %dma_start3A_130 = tpu.memref_slice %arg10[%add3A_110, %dma_start3A_129] : memref<10112x128xf32, #tpu.memory_space<vmem_shared>> -> memref<128x128xf32, #tpu.memory_space<vmem_shared>>
      tpu.enqueue_dma source(%dma_start3A_130 : memref<128x128xf32, #tpu.memory_space<vmem_shared>>) target(%dma_start3A_128 : memref<128x128xf32, #tpu.memory_space<vmem>>) target_semaphore(%run_scoped3A : memref<!tpu.dma_semaphore, #tpu.memory_space<semaphore_mem>>)
      %dma_wait3A_131 = arith.constant 0 : i32
      %dma_wait3A_132 = arith.constant 0 : i32
      %dma_wait3A_133 = tpu.memref_slice %arg9[%dma_wait3A_131, %dma_wait3A_132] : memref<256x128xf32, #tpu.memory_space<vmem>> -> memref<128x128xf32, #tpu.memory_space<vmem>>
      %dma_wait3A_134 = arith.constant 0 : i32
      %dma_wait3A_135 = tpu.memref_slice %arg10[%add3A_110, %dma_wait3A_134] : memref<10112x128xf32, #tpu.memory_space<vmem_shared>> -> memref<128x128xf32, #tpu.memory_space<vmem_shared>>
      %dma_wait3A_136 = arith.constant 0 : i32
      %dma_wait3A_137 = arith.constant 0 : i32
      %dma_wait3A_138 = tpu.memref_slice %arg9[%dma_wait3A_136, %dma_wait3A_137] : memref<256x128xf32, #tpu.memory_space<vmem>> -> memref<128x128xf32, #tpu.memory_space<vmem>>
      %dma_wait3A_139 = arith.constant 0 : i32
      %dma_wait3A_140 = tpu.memref_slice %arg10[%add3A_110, %dma_wait3A_139] : memref<10112x128xf32, #tpu.memory_space<vmem_shared>> -> memref<128x128xf32, #tpu.memory_space<vmem_shared>>
      tpu.wait_dma2 semaphore(%run_scoped3A : memref<!tpu.dma_semaphore, #tpu.memory_space<semaphore_mem>>) src(%dma_wait3A_140 : memref<128x128xf32, #tpu.memory_space<vmem_shared>>) dst(%dma_wait3A_138 : memref<128x128xf32, #tpu.memory_space<vmem>>)
      tpu.yield
    }) : () -> ()
    %add3A_111 = arith.constant 256 : i32
    %add3A_112 = arith.addi %mul3A_0, %add3A_111 : i32
    "tpu.region"() ({
      %run_scoped3A = tpu.sem_alloc : memref<!tpu.dma_semaphore, #tpu.memory_space<semaphore_mem>>
      %dma_start3A_121 = arith.constant 0 : i32
      %dma_start3A_122 = arith.constant 0 : i32
      %dma_start3A_123 = tpu.memref_slice %arg9[%dma_start3A_121, %dma_start3A_122] : memref<256x128xf32, #tpu.memory_space<vmem>> -> memref<128x128xf32, #tpu.memory_space<vmem>>
      %dma_start3A_124 = arith.constant 0 : i32
      %dma_start3A_125 = tpu.memref_slice %arg6[%arg0, %add3A_112, %dma_start3A_124] : memref<2x10112x128xf32, #tpu.memory_space<hbm>> -> memref<1x128x128xf32, #tpu.memory_space<hbm>>
      %dma_start3A_126 = tpu.memref_squeeze %dma_start3A_125 : memref<1x128x128xf32, #tpu.memory_space<hbm>> -> memref<128x128xf32, #tpu.memory_space<hbm>>
      %dma_start3A_127 = arith.constant 0 : i32
      %dma_start3A_128 = tpu.memref_slice %arg6[%arg0, %add3A_112, %dma_start3A_127] : memref<2x10112x128xf32, #tpu.memory_space<hbm>> -> memref<1x128x128xf32, #tpu.memory_space<hbm>>
      %dma_start3A_129 = tpu.memref_squeeze %dma_start3A_128 : memref<1x128x128xf32, #tpu.memory_space<hbm>> -> memref<128x128xf32, #tpu.memory_space<hbm>>
      %dma_start3A_130 = arith.constant 0 : i32
      %dma_start3A_131 = arith.constant 0 : i32
      %dma_start3A_132 = tpu.memref_slice %arg9[%dma_start3A_130, %dma_start3A_131] : memref<256x128xf32, #tpu.memory_space<vmem>> -> memref<128x128xf32, #tpu.memory_space<vmem>>
      tpu.enqueue_dma source(%dma_start3A_132 : memref<128x128xf32, #tpu.memory_space<vmem>>) target(%dma_start3A_129 : memref<128x128xf32, #tpu.memory_space<hbm>>) target_semaphore(%run_scoped3A : memref<!tpu.dma_semaphore, #tpu.memory_space<semaphore_mem>>)
      %dma_wait3A_133 = arith.constant 0 : i32
      %dma_wait3A_134 = arith.constant 0 : i32
      %dma_wait3A_135 = tpu.memref_slice %arg9[%dma_wait3A_133, %dma_wait3A_134] : memref<256x128xf32, #tpu.memory_space<vmem>> -> memref<128x128xf32, #tpu.memory_space<vmem>>
      %dma_wait3A_136 = arith.constant 0 : i32
      %dma_wait3A_137 = tpu.memref_slice %arg6[%arg0, %add3A_112, %dma_wait3A_136] : memref<2x10112x128xf32, #tpu.memory_space<hbm>> -> memref<1x128x128xf32, #tpu.memory_space<hbm>>
      %dma_wait3A_138 = tpu.memref_squeeze %dma_wait3A_137 : memref<1x128x128xf32, #tpu.memory_space<hbm>> -> memref<128x128xf32, #tpu.memory_space<hbm>>
      %dma_wait3A_139 = arith.constant 0 : i32
      %dma_wait3A_140 = tpu.memref_slice %arg6[%arg0, %add3A_112, %dma_wait3A_139] : memref<2x10112x128xf32, #tpu.memory_space<hbm>> -> memref<1x128x128xf32, #tpu.memory_space<hbm>>
      %dma_wait3A_141 = tpu.memref_squeeze %dma_wait3A_140 : memref<1x128x128xf32, #tpu.memory_space<hbm>> -> memref<128x128xf32, #tpu.memory_space<hbm>>
      %dma_wait3A_142 = arith.constant 0 : i32
      %dma_wait3A_143 = arith.constant 0 : i32
      %dma_wait3A_144 = tpu.memref_slice %arg9[%dma_wait3A_142, %dma_wait3A_143] : memref<256x128xf32, #tpu.memory_space<vmem>> -> memref<128x128xf32, #tpu.memory_space<vmem>>
      tpu.wait_dma2 semaphore(%run_scoped3A : memref<!tpu.dma_semaphore, #tpu.memory_space<semaphore_mem>>) src(%dma_wait3A_144 : memref<128x128xf32, #tpu.memory_space<vmem>>) dst(%dma_wait3A_141 : memref<128x128xf32, #tpu.memory_space<hbm>>)
      tpu.yield
    }) : () -> ()
    %add3A_113 = arith.constant 384 : i32
    %add3A_114 = arith.addi %mul3A_0, %add3A_113 : i32
    "tpu.region"() ({
      %run_scoped3A = tpu.sem_alloc : memref<!tpu.dma_semaphore, #tpu.memory_space<semaphore_mem>>
      %dma_start3A_121 = arith.constant 0 : i32
      %dma_start3A_122 = arith.constant 0 : i32
      %dma_start3A_123 = tpu.memref_slice %arg9[%dma_start3A_121, %dma_start3A_122] : memref<256x128xf32, #tpu.memory_space<vmem>> -> memref<128x128xf32, #tpu.memory_space<vmem>>
      %dma_start3A_124 = arith.constant 0 : i32
      %dma_start3A_125 = tpu.memref_slice %arg10[%add3A_114, %dma_start3A_124] : memref<10112x128xf32, #tpu.memory_space<vmem_shared>> -> memref<128x128xf32, #tpu.memory_space<vmem_shared>>
      %dma_start3A_126 = arith.constant 0 : i32
      %dma_start3A_127 = arith.constant 0 : i32
      %dma_start3A_128 = tpu.memref_slice %arg9[%dma_start3A_126, %dma_start3A_127] : memref<256x128xf32, #tpu.memory_space<vmem>> -> memref<128x128xf32, #tpu.memory_space<vmem>>
      %dma_start3A_129 = arith.constant 0 : i32
      %dma_start3A_130 = tpu.memref_slice %arg10[%add3A_114, %dma_start3A_129] : memref<10112x128xf32, #tpu.memory_space<vmem_shared>> -> memref<128x128xf32, #tpu.memory_space<vmem_shared>>
      tpu.enqueue_dma source(%dma_start3A_130 : memref<128x128xf32, #tpu.memory_space<vmem_shared>>) target(%dma_start3A_128 : memref<128x128xf32, #tpu.memory_space<vmem>>) target_semaphore(%run_scoped3A : memref<!tpu.dma_semaphore, #tpu.memory_space<semaphore_mem>>)
      %dma_wait3A_131 = arith.constant 0 : i32
      %dma_wait3A_132 = arith.constant 0 : i32
      %dma_wait3A_133 = tpu.memref_slice %arg9[%dma_wait3A_131, %dma_wait3A_132] : memref<256x128xf32, #tpu.memory_space<vmem>> -> memref<128x128xf32, #tpu.memory_space<vmem>>
      %dma_wait3A_134 = arith.constant 0 : i32
      %dma_wait3A_135 = tpu.memref_slice %arg10[%add3A_114, %dma_wait3A_134] : memref<10112x128xf32, #tpu.memory_space<vmem_shared>> -> memref<128x128xf32, #tpu.memory_space<vmem_shared>>
      %dma_wait3A_136 = arith.constant 0 : i32
      %dma_wait3A_137 = arith.constant 0 : i32
      %dma_wait3A_138 = tpu.memref_slice %arg9[%dma_wait3A_136, %dma_wait3A_137] : memref<256x128xf32, #tpu.memory_space<vmem>> -> memref<128x128xf32, #tpu.memory_space<vmem>>
      %dma_wait3A_139 = arith.constant 0 : i32
      %dma_wait3A_140 = tpu.memref_slice %arg10[%add3A_114, %dma_wait3A_139] : memref<10112x128xf32, #tpu.memory_space<vmem_shared>> -> memref<128x128xf32, #tpu.memory_space<vmem_shared>>
      tpu.wait_dma2 semaphore(%run_scoped3A : memref<!tpu.dma_semaphore, #tpu.memory_space<semaphore_mem>>) src(%dma_wait3A_140 : memref<128x128xf32, #tpu.memory_space<vmem_shared>>) dst(%dma_wait3A_138 : memref<128x128xf32, #tpu.memory_space<vmem>>)
      tpu.yield
    }) : () -> ()
    %add3A_115 = arith.constant 384 : i32
    %add3A_116 = arith.addi %mul3A_0, %add3A_115 : i32
    "tpu.region"() ({
      %run_scoped3A = tpu.sem_alloc : memref<!tpu.dma_semaphore, #tpu.memory_space<semaphore_mem>>
      %dma_start3A_121 = arith.constant 0 : i32
      %dma_start3A_122 = arith.constant 0 : i32
      %dma_start3A_123 = tpu.memref_slice %arg9[%dma_start3A_121, %dma_start3A_122] : memref<256x128xf32, #tpu.memory_space<vmem>> -> memref<128x128xf32, #tpu.memory_space<vmem>>
      %dma_start3A_124 = arith.constant 0 : i32
      %dma_start3A_125 = tpu.memref_slice %arg6[%arg0, %add3A_116, %dma_start3A_124] : memref<2x10112x128xf32, #tpu.memory_space<hbm>> -> memref<1x128x128xf32, #tpu.memory_space<hbm>>
      %dma_start3A_126 = tpu.memref_squeeze %dma_start3A_125 : memref<1x128x128xf32, #tpu.memory_space<hbm>> -> memref<128x128xf32, #tpu.memory_space<hbm>>
      %dma_start3A_127 = arith.constant 0 : i32
      %dma_start3A_128 = tpu.memref_slice %arg6[%arg0, %add3A_116, %dma_start3A_127] : memref<2x10112x128xf32, #tpu.memory_space<hbm>> -> memref<1x128x128xf32, #tpu.memory_space<hbm>>
      %dma_start3A_129 = tpu.memref_squeeze %dma_start3A_128 : memref<1x128x128xf32, #tpu.memory_space<hbm>> -> memref<128x128xf32, #tpu.memory_space<hbm>>
      %dma_start3A_130 = arith.constant 0 : i32
      %dma_start3A_131 = arith.constant 0 : i32
      %dma_start3A_132 = tpu.memref_slice %arg9[%dma_start3A_130, %dma_start3A_131] : memref<256x128xf32, #tpu.memory_space<vmem>> -> memref<128x128xf32, #tpu.memory_space<vmem>>
      tpu.enqueue_dma source(%dma_start3A_132 : memref<128x128xf32, #tpu.memory_space<vmem>>) target(%dma_start3A_129 : memref<128x128xf32, #tpu.memory_space<hbm>>) target_semaphore(%run_scoped3A : memref<!tpu.dma_semaphore, #tpu.memory_space<semaphore_mem>>)
      %dma_wait3A_133 = arith.constant 0 : i32
      %dma_wait3A_134 = arith.constant 0 : i32
      %dma_wait3A_135 = tpu.memref_slice %arg9[%dma_wait3A_133, %dma_wait3A_134] : memref<256x128xf32, #tpu.memory_space<vmem>> -> memref<128x128xf32, #tpu.memory_space<vmem>>
      %dma_wait3A_136 = arith.constant 0 : i32
      %dma_wait3A_137 = tpu.memref_slice %arg6[%arg0, %add3A_116, %dma_wait3A_136] : memref<2x10112x128xf32, #tpu.memory_space<hbm>> -> memref<1x128x128xf32, #tpu.memory_space<hbm>>
      %dma_wait3A_138 = tpu.memref_squeeze %dma_wait3A_137 : memref<1x128x128xf32, #tpu.memory_space<hbm>> -> memref<128x128xf32, #tpu.memory_space<hbm>>
      %dma_wait3A_139 = arith.constant 0 : i32
      %dma_wait3A_140 = tpu.memref_slice %arg6[%arg0, %add3A_116, %dma_wait3A_139] : memref<2x10112x128xf32, #tpu.memory_space<hbm>> -> memref<1x128x128xf32, #tpu.memory_space<hbm>>
      %dma_wait3A_141 = tpu.memref_squeeze %dma_wait3A_140 : memref<1x128x128xf32, #tpu.memory_space<hbm>> -> memref<128x128xf32, #tpu.memory_space<hbm>>
      %dma_wait3A_142 = arith.constant 0 : i32
      %dma_wait3A_143 = arith.constant 0 : i32
      %dma_wait3A_144 = tpu.memref_slice %arg9[%dma_wait3A_142, %dma_wait3A_143] : memref<256x128xf32, #tpu.memory_space<vmem>> -> memref<128x128xf32, #tpu.memory_space<vmem>>
      tpu.wait_dma2 semaphore(%run_scoped3A : memref<!tpu.dma_semaphore, #tpu.memory_space<semaphore_mem>>) src(%dma_wait3A_144 : memref<128x128xf32, #tpu.memory_space<vmem>>) dst(%dma_wait3A_141 : memref<128x128xf32, #tpu.memory_space<hbm>>)
      tpu.yield
    }) : () -> ()
    %add3A_117 = arith.constant 512 : i32
    %add3A_118 = arith.addi %mul3A_0, %add3A_117 : i32
    "tpu.region"() ({
      %run_scoped3A = tpu.sem_alloc : memref<!tpu.dma_semaphore, #tpu.memory_space<semaphore_mem>>
      %dma_start3A_121 = arith.constant 0 : i32
      %dma_start3A_122 = arith.constant 0 : i32
      %dma_start3A_123 = tpu.memref_slice %arg9[%dma_start3A_121, %dma_start3A_122] : memref<256x128xf32, #tpu.memory_space<vmem>> -> memref<120x128xf32, #tpu.memory_space<vmem>>
      %dma_start3A_124 = arith.constant 0 : i32
      %dma_start3A_125 = tpu.memref_slice %arg10[%add3A_118, %dma_start3A_124] : memref<10112x128xf32, #tpu.memory_space<vmem_shared>> -> memref<120x128xf32, #tpu.memory_space<vmem_shared>>
      %dma_start3A_126 = arith.constant 0 : i32
      %dma_start3A_127 = arith.constant 0 : i32
      %dma_start3A_128 = tpu.memref_slice %arg9[%dma_start3A_126, %dma_start3A_127] : memref<256x128xf32, #tpu.memory_space<vmem>> -> memref<120x128xf32, #tpu.memory_space<vmem>>
      %dma_start3A_129 = arith.constant 0 : i32
      %dma_start3A_130 = tpu.memref_slice %arg10[%add3A_118, %dma_start3A_129] : memref<10112x128xf32, #tpu.memory_space<vmem_shared>> -> memref<120x128xf32, #tpu.memory_space<vmem_shared>>
      tpu.enqueue_dma source(%dma_start3A_130 : memref<120x128xf32, #tpu.memory_space<vmem_shared>>) target(%dma_start3A_128 : memref<120x128xf32, #tpu.memory_space<vmem>>) target_semaphore(%run_scoped3A : memref<!tpu.dma_semaphore, #tpu.memory_space<semaphore_mem>>)
      %dma_wait3A_131 = arith.constant 0 : i32
      %dma_wait3A_132 = arith.constant 0 : i32
      %dma_wait3A_133 = tpu.memref_slice %arg9[%dma_wait3A_131, %dma_wait3A_132] : memref<256x128xf32, #tpu.memory_space<vmem>> -> memref<120x128xf32, #tpu.memory_space<vmem>>
      %dma_wait3A_134 = arith.constant 0 : i32
      %dma_wait3A_135 = tpu.memref_slice %arg10[%add3A_118, %dma_wait3A_134] : memref<10112x128xf32, #tpu.memory_space<vmem_shared>> -> memref<120x128xf32, #tpu.memory_space<vmem_shared>>
      %dma_wait3A_136 = arith.constant 0 : i32
      %dma_wait3A_137 = arith.constant 0 : i32
      %dma_wait3A_138 = tpu.memref_slice %arg9[%dma_wait3A_136, %dma_wait3A_137] : memref<256x128xf32, #tpu.memory_space<vmem>> -> memref<120x128xf32, #tpu.memory_space<vmem>>
      %dma_wait3A_139 = arith.constant 0 : i32
      %dma_wait3A_140 = tpu.memref_slice %arg10[%add3A_118, %dma_wait3A_139] : memref<10112x128xf32, #tpu.memory_space<vmem_shared>> -> memref<120x128xf32, #tpu.memory_space<vmem_shared>>
      tpu.wait_dma2 semaphore(%run_scoped3A : memref<!tpu.dma_semaphore, #tpu.memory_space<semaphore_mem>>) src(%dma_wait3A_140 : memref<120x128xf32, #tpu.memory_space<vmem_shared>>) dst(%dma_wait3A_138 : memref<120x128xf32, #tpu.memory_space<vmem>>)
      tpu.yield
    }) : () -> ()
    %add3A_119 = arith.constant 512 : i32
    %add3A_120 = arith.addi %mul3A_0, %add3A_119 : i32
    "tpu.region"() ({
      %run_scoped3A = tpu.sem_alloc : memref<!tpu.dma_semaphore, #tpu.memory_space<semaphore_mem>>
      %dma_start3A_121 = arith.constant 0 : i32
      %dma_start3A_122 = arith.constant 0 : i32
      %dma_start3A_123 = tpu.memref_slice %arg9[%dma_start3A_121, %dma_start3A_122] : memref<256x128xf32, #tpu.memory_space<vmem>> -> memref<120x128xf32, #tpu.memory_space<vmem>>
      %dma_start3A_124 = arith.constant 0 : i32
      %dma_start3A_125 = tpu.memref_slice %arg6[%arg0, %add3A_120, %dma_start3A_124] : memref<2x10112x128xf32, #tpu.memory_space<hbm>> -> memref<1x120x128xf32, #tpu.memory_space<hbm>>
      %dma_start3A_126 = tpu.memref_squeeze %dma_start3A_125 : memref<1x120x128xf32, #tpu.memory_space<hbm>> -> memref<120x128xf32, #tpu.memory_space<hbm>>
      %dma_start3A_127 = arith.constant 0 : i32
      %dma_start3A_128 = tpu.memref_slice %arg6[%arg0, %add3A_120, %dma_start3A_127] : memref<2x10112x128xf32, #tpu.memory_space<hbm>> -> memref<1x120x128xf32, #tpu.memory_space<hbm>>
      %dma_start3A_129 = tpu.memref_squeeze %dma_start3A_128 : memref<1x120x128xf32, #tpu.memory_space<hbm>> -> memref<120x128xf32, #tpu.memory_space<hbm>>
      %dma_start3A_130 = arith.constant 0 : i32
      %dma_start3A_131 = arith.constant 0 : i32
      %dma_start3A_132 = tpu.memref_slice %arg9[%dma_start3A_130, %dma_start3A_131] : memref<256x128xf32, #tpu.memory_space<vmem>> -> memref<120x128xf32, #tpu.memory_space<vmem>>
      tpu.enqueue_dma source(%dma_start3A_132 : memref<120x128xf32, #tpu.memory_space<vmem>>) target(%dma_start3A_129 : memref<120x128xf32, #tpu.memory_space<hbm>>) target_semaphore(%run_scoped3A : memref<!tpu.dma_semaphore, #tpu.memory_space<semaphore_mem>>)
      %dma_wait3A_133 = arith.constant 0 : i32
      %dma_wait3A_134 = arith.constant 0 : i32
      %dma_wait3A_135 = tpu.memref_slice %arg9[%dma_wait3A_133, %dma_wait3A_134] : memref<256x128xf32, #tpu.memory_space<vmem>> -> memref<120x128xf32, #tpu.memory_space<vmem>>
      %dma_wait3A_136 = arith.constant 0 : i32
      %dma_wait3A_137 = tpu.memref_slice %arg6[%arg0, %add3A_120, %dma_wait3A_136] : memref<2x10112x128xf32, #tpu.memory_space<hbm>> -> memref<1x120x128xf32, #tpu.memory_space<hbm>>
      %dma_wait3A_138 = tpu.memref_squeeze %dma_wait3A_137 : memref<1x120x128xf32, #tpu.memory_space<hbm>> -> memref<120x128xf32, #tpu.memory_space<hbm>>
      %dma_wait3A_139 = arith.constant 0 : i32
      %dma_wait3A_140 = tpu.memref_slice %arg6[%arg0, %add3A_120, %dma_wait3A_139] : memref<2x10112x128xf32, #tpu.memory_space<hbm>> -> memref<1x120x128xf32, #tpu.memory_space<hbm>>
      %dma_wait3A_141 = tpu.memref_squeeze %dma_wait3A_140 : memref<1x120x128xf32, #tpu.memory_space<hbm>> -> memref<120x128xf32, #tpu.memory_space<hbm>>
      %dma_wait3A_142 = arith.constant 0 : i32
      %dma_wait3A_143 = arith.constant 0 : i32
      %dma_wait3A_144 = tpu.memref_slice %arg9[%dma_wait3A_142, %dma_wait3A_143] : memref<256x128xf32, #tpu.memory_space<vmem>> -> memref<120x128xf32, #tpu.memory_space<vmem>>
      tpu.wait_dma2 semaphore(%run_scoped3A : memref<!tpu.dma_semaphore, #tpu.memory_space<semaphore_mem>>) src(%dma_wait3A_144 : memref<120x128xf32, #tpu.memory_space<vmem>>) dst(%dma_wait3A_141 : memref<120x128xf32, #tpu.memory_space<hbm>>)
      tpu.yield
    }) : () -> ()
    return
  }
}

#map = affine_map<(d0, d1) -> (0, 0)>
#map1 = affine_map<(d0, d1) -> (0, 0, 0)>
module attributes {stable_mosaic.version = 14 : i64} {
  func.func @body(%arg0: i32, %arg1: i32, %arg2: memref<2560x128xi32, #tpu.memory_space<hbm>>, %arg3: memref<128x128xf32, #tpu.memory_space<hbm>>, %arg4: memref<128x128xf32, #tpu.memory_space<hbm>>, %arg5: memref<2x10112x128xf32, #tpu.memory_space<hbm>>, %arg6: memref<1x128xi32, #tpu.memory_space<vmem>>, %arg7: memref<128x128xf32, #tpu.memory_space<vmem>>, %arg8: memref<10112x128xf32, #tpu.memory_space<vmem_shared>>) attributes {dimension_semantics = [#tpu.dimension_semantics<core_parallel>, #tpu.dimension_semantics<subcore_parallel>], iteration_bounds = array<i64: 2, 16>, scalar_prefetch = 0 : i64, scratch_operands = 3 : i64, tpu.core_type = #tpu.core_type<sc_vector_subcore>, window_params = [{transform_indices = #map}, {transform_indices = #map}, {transform_indices = #map}, {transform_indices = #map1}]} {
    %mul3A = arith.constant 632 : i32
    %mul3A_0 = arith.muli %arg1, %mul3A : i32
    "tpu.region"() ({
      %run_scoped3A = tpu.sem_alloc : memref<!tpu.dma_semaphore, #tpu.memory_space<semaphore_mem>>
      tpu.enqueue_dma source(%arg3 : memref<128x128xf32, #tpu.memory_space<hbm>>) target(%arg7 : memref<128x128xf32, #tpu.memory_space<vmem>>) target_semaphore(%run_scoped3A : memref<!tpu.dma_semaphore, #tpu.memory_space<semaphore_mem>>)
      tpu.wait_dma2 semaphore(%run_scoped3A : memref<!tpu.dma_semaphore, #tpu.memory_space<semaphore_mem>>) src(%arg3 : memref<128x128xf32, #tpu.memory_space<hbm>>) dst(%arg7 : memref<128x128xf32, #tpu.memory_space<vmem>>)
      tpu.yield
    }) : () -> ()
    %add3A = arith.constant 0 : i32
    %add3A_1 = arith.addi %mul3A_0, %add3A : i32
    "tpu.region"() ({
      %run_scoped3A = tpu.sem_alloc : memref<!tpu.dma_semaphore, #tpu.memory_space<semaphore_mem>>
      %dma_start3A = arith.constant 0 : i32
      %dma_start3A_41 = arith.constant 0 : i32
      %dma_start3A_42 = tpu.memref_slice %arg7[%dma_start3A, %dma_start3A_41] : memref<128x128xf32, #tpu.memory_space<vmem>> -> memref<128x128xf32, #tpu.memory_space<vmem>>
      %dma_start3A_43 = arith.constant 0 : i32
      %dma_start3A_44 = tpu.memref_slice %arg8[%add3A_1, %dma_start3A_43] : memref<10112x128xf32, #tpu.memory_space<vmem_shared>> -> memref<128x128xf32, #tpu.memory_space<vmem_shared>>
      %dma_start3A_45 = arith.constant 0 : i32
      %dma_start3A_46 = tpu.memref_slice %arg8[%add3A_1, %dma_start3A_45] : memref<10112x128xf32, #tpu.memory_space<vmem_shared>> -> memref<128x128xf32, #tpu.memory_space<vmem_shared>>
      %dma_start3A_47 = arith.constant 0 : i32
      %dma_start3A_48 = arith.constant 0 : i32
      %dma_start3A_49 = tpu.memref_slice %arg7[%dma_start3A_47, %dma_start3A_48] : memref<128x128xf32, #tpu.memory_space<vmem>> -> memref<128x128xf32, #tpu.memory_space<vmem>>
      tpu.enqueue_dma source(%dma_start3A_49 : memref<128x128xf32, #tpu.memory_space<vmem>>) target(%dma_start3A_46 : memref<128x128xf32, #tpu.memory_space<vmem_shared>>) target_semaphore(%run_scoped3A : memref<!tpu.dma_semaphore, #tpu.memory_space<semaphore_mem>>)
      %dma_wait3A = arith.constant 0 : i32
      %dma_wait3A_50 = arith.constant 0 : i32
      %dma_wait3A_51 = tpu.memref_slice %arg7[%dma_wait3A, %dma_wait3A_50] : memref<128x128xf32, #tpu.memory_space<vmem>> -> memref<128x128xf32, #tpu.memory_space<vmem>>
      %dma_wait3A_52 = arith.constant 0 : i32
      %dma_wait3A_53 = tpu.memref_slice %arg8[%add3A_1, %dma_wait3A_52] : memref<10112x128xf32, #tpu.memory_space<vmem_shared>> -> memref<128x128xf32, #tpu.memory_space<vmem_shared>>
      %dma_wait3A_54 = arith.constant 0 : i32
      %dma_wait3A_55 = tpu.memref_slice %arg8[%add3A_1, %dma_wait3A_54] : memref<10112x128xf32, #tpu.memory_space<vmem_shared>> -> memref<128x128xf32, #tpu.memory_space<vmem_shared>>
      %dma_wait3A_56 = arith.constant 0 : i32
      %dma_wait3A_57 = arith.constant 0 : i32
      %dma_wait3A_58 = tpu.memref_slice %arg7[%dma_wait3A_56, %dma_wait3A_57] : memref<128x128xf32, #tpu.memory_space<vmem>> -> memref<128x128xf32, #tpu.memory_space<vmem>>
      tpu.wait_dma2 semaphore(%run_scoped3A : memref<!tpu.dma_semaphore, #tpu.memory_space<semaphore_mem>>) src(%dma_wait3A_58 : memref<128x128xf32, #tpu.memory_space<vmem>>) dst(%dma_wait3A_55 : memref<128x128xf32, #tpu.memory_space<vmem_shared>>)
      tpu.yield
    }) : () -> ()
    %add3A_2 = arith.constant 128 : i32
    %add3A_3 = arith.addi %mul3A_0, %add3A_2 : i32
    "tpu.region"() ({
      %run_scoped3A = tpu.sem_alloc : memref<!tpu.dma_semaphore, #tpu.memory_space<semaphore_mem>>
      %dma_start3A = arith.constant 0 : i32
      %dma_start3A_41 = arith.constant 0 : i32
      %dma_start3A_42 = tpu.memref_slice %arg7[%dma_start3A, %dma_start3A_41] : memref<128x128xf32, #tpu.memory_space<vmem>> -> memref<128x128xf32, #tpu.memory_space<vmem>>
      %dma_start3A_43 = arith.constant 0 : i32
      %dma_start3A_44 = tpu.memref_slice %arg8[%add3A_3, %dma_start3A_43] : memref<10112x128xf32, #tpu.memory_space<vmem_shared>> -> memref<128x128xf32, #tpu.memory_space<vmem_shared>>
      %dma_start3A_45 = arith.constant 0 : i32
      %dma_start3A_46 = tpu.memref_slice %arg8[%add3A_3, %dma_start3A_45] : memref<10112x128xf32, #tpu.memory_space<vmem_shared>> -> memref<128x128xf32, #tpu.memory_space<vmem_shared>>
      %dma_start3A_47 = arith.constant 0 : i32
      %dma_start3A_48 = arith.constant 0 : i32
      %dma_start3A_49 = tpu.memref_slice %arg7[%dma_start3A_47, %dma_start3A_48] : memref<128x128xf32, #tpu.memory_space<vmem>> -> memref<128x128xf32, #tpu.memory_space<vmem>>
      tpu.enqueue_dma source(%dma_start3A_49 : memref<128x128xf32, #tpu.memory_space<vmem>>) target(%dma_start3A_46 : memref<128x128xf32, #tpu.memory_space<vmem_shared>>) target_semaphore(%run_scoped3A : memref<!tpu.dma_semaphore, #tpu.memory_space<semaphore_mem>>)
      %dma_wait3A = arith.constant 0 : i32
      %dma_wait3A_50 = arith.constant 0 : i32
      %dma_wait3A_51 = tpu.memref_slice %arg7[%dma_wait3A, %dma_wait3A_50] : memref<128x128xf32, #tpu.memory_space<vmem>> -> memref<128x128xf32, #tpu.memory_space<vmem>>
      %dma_wait3A_52 = arith.constant 0 : i32
      %dma_wait3A_53 = tpu.memref_slice %arg8[%add3A_3, %dma_wait3A_52] : memref<10112x128xf32, #tpu.memory_space<vmem_shared>> -> memref<128x128xf32, #tpu.memory_space<vmem_shared>>
      %dma_wait3A_54 = arith.constant 0 : i32
      %dma_wait3A_55 = tpu.memref_slice %arg8[%add3A_3, %dma_wait3A_54] : memref<10112x128xf32, #tpu.memory_space<vmem_shared>> -> memref<128x128xf32, #tpu.memory_space<vmem_shared>>
      %dma_wait3A_56 = arith.constant 0 : i32
      %dma_wait3A_57 = arith.constant 0 : i32
      %dma_wait3A_58 = tpu.memref_slice %arg7[%dma_wait3A_56, %dma_wait3A_57] : memref<128x128xf32, #tpu.memory_space<vmem>> -> memref<128x128xf32, #tpu.memory_space<vmem>>
      tpu.wait_dma2 semaphore(%run_scoped3A : memref<!tpu.dma_semaphore, #tpu.memory_space<semaphore_mem>>) src(%dma_wait3A_58 : memref<128x128xf32, #tpu.memory_space<vmem>>) dst(%dma_wait3A_55 : memref<128x128xf32, #tpu.memory_space<vmem_shared>>)
      tpu.yield
    }) : () -> ()
    %add3A_4 = arith.constant 256 : i32
    %add3A_5 = arith.addi %mul3A_0, %add3A_4 : i32
    "tpu.region"() ({
      %run_scoped3A = tpu.sem_alloc : memref<!tpu.dma_semaphore, #tpu.memory_space<semaphore_mem>>
      %dma_start3A = arith.constant 0 : i32
      %dma_start3A_41 = arith.constant 0 : i32
      %dma_start3A_42 = tpu.memref_slice %arg7[%dma_start3A, %dma_start3A_41] : memref<128x128xf32, #tpu.memory_space<vmem>> -> memref<128x128xf32, #tpu.memory_space<vmem>>
      %dma_start3A_43 = arith.constant 0 : i32
      %dma_start3A_44 = tpu.memref_slice %arg8[%add3A_5, %dma_start3A_43] : memref<10112x128xf32, #tpu.memory_space<vmem_shared>> -> memref<128x128xf32, #tpu.memory_space<vmem_shared>>
      %dma_start3A_45 = arith.constant 0 : i32
      %dma_start3A_46 = tpu.memref_slice %arg8[%add3A_5, %dma_start3A_45] : memref<10112x128xf32, #tpu.memory_space<vmem_shared>> -> memref<128x128xf32, #tpu.memory_space<vmem_shared>>
      %dma_start3A_47 = arith.constant 0 : i32
      %dma_start3A_48 = arith.constant 0 : i32
      %dma_start3A_49 = tpu.memref_slice %arg7[%dma_start3A_47, %dma_start3A_48] : memref<128x128xf32, #tpu.memory_space<vmem>> -> memref<128x128xf32, #tpu.memory_space<vmem>>
      tpu.enqueue_dma source(%dma_start3A_49 : memref<128x128xf32, #tpu.memory_space<vmem>>) target(%dma_start3A_46 : memref<128x128xf32, #tpu.memory_space<vmem_shared>>) target_semaphore(%run_scoped3A : memref<!tpu.dma_semaphore, #tpu.memory_space<semaphore_mem>>)
      %dma_wait3A = arith.constant 0 : i32
      %dma_wait3A_50 = arith.constant 0 : i32
      %dma_wait3A_51 = tpu.memref_slice %arg7[%dma_wait3A, %dma_wait3A_50] : memref<128x128xf32, #tpu.memory_space<vmem>> -> memref<128x128xf32, #tpu.memory_space<vmem>>
      %dma_wait3A_52 = arith.constant 0 : i32
      %dma_wait3A_53 = tpu.memref_slice %arg8[%add3A_5, %dma_wait3A_52] : memref<10112x128xf32, #tpu.memory_space<vmem_shared>> -> memref<128x128xf32, #tpu.memory_space<vmem_shared>>
      %dma_wait3A_54 = arith.constant 0 : i32
      %dma_wait3A_55 = tpu.memref_slice %arg8[%add3A_5, %dma_wait3A_54] : memref<10112x128xf32, #tpu.memory_space<vmem_shared>> -> memref<128x128xf32, #tpu.memory_space<vmem_shared>>
      %dma_wait3A_56 = arith.constant 0 : i32
      %dma_wait3A_57 = arith.constant 0 : i32
      %dma_wait3A_58 = tpu.memref_slice %arg7[%dma_wait3A_56, %dma_wait3A_57] : memref<128x128xf32, #tpu.memory_space<vmem>> -> memref<128x128xf32, #tpu.memory_space<vmem>>
      tpu.wait_dma2 semaphore(%run_scoped3A : memref<!tpu.dma_semaphore, #tpu.memory_space<semaphore_mem>>) src(%dma_wait3A_58 : memref<128x128xf32, #tpu.memory_space<vmem>>) dst(%dma_wait3A_55 : memref<128x128xf32, #tpu.memory_space<vmem_shared>>)
      tpu.yield
    }) : () -> ()
    %add3A_6 = arith.constant 384 : i32
    %add3A_7 = arith.addi %mul3A_0, %add3A_6 : i32
    "tpu.region"() ({
      %run_scoped3A = tpu.sem_alloc : memref<!tpu.dma_semaphore, #tpu.memory_space<semaphore_mem>>
      %dma_start3A = arith.constant 0 : i32
      %dma_start3A_41 = arith.constant 0 : i32
      %dma_start3A_42 = tpu.memref_slice %arg7[%dma_start3A, %dma_start3A_41] : memref<128x128xf32, #tpu.memory_space<vmem>> -> memref<128x128xf32, #tpu.memory_space<vmem>>
      %dma_start3A_43 = arith.constant 0 : i32
      %dma_start3A_44 = tpu.memref_slice %arg8[%add3A_7, %dma_start3A_43] : memref<10112x128xf32, #tpu.memory_space<vmem_shared>> -> memref<128x128xf32, #tpu.memory_space<vmem_shared>>
      %dma_start3A_45 = arith.constant 0 : i32
      %dma_start3A_46 = tpu.memref_slice %arg8[%add3A_7, %dma_start3A_45] : memref<10112x128xf32, #tpu.memory_space<vmem_shared>> -> memref<128x128xf32, #tpu.memory_space<vmem_shared>>
      %dma_start3A_47 = arith.constant 0 : i32
      %dma_start3A_48 = arith.constant 0 : i32
      %dma_start3A_49 = tpu.memref_slice %arg7[%dma_start3A_47, %dma_start3A_48] : memref<128x128xf32, #tpu.memory_space<vmem>> -> memref<128x128xf32, #tpu.memory_space<vmem>>
      tpu.enqueue_dma source(%dma_start3A_49 : memref<128x128xf32, #tpu.memory_space<vmem>>) target(%dma_start3A_46 : memref<128x128xf32, #tpu.memory_space<vmem_shared>>) target_semaphore(%run_scoped3A : memref<!tpu.dma_semaphore, #tpu.memory_space<semaphore_mem>>)
      %dma_wait3A = arith.constant 0 : i32
      %dma_wait3A_50 = arith.constant 0 : i32
      %dma_wait3A_51 = tpu.memref_slice %arg7[%dma_wait3A, %dma_wait3A_50] : memref<128x128xf32, #tpu.memory_space<vmem>> -> memref<128x128xf32, #tpu.memory_space<vmem>>
      %dma_wait3A_52 = arith.constant 0 : i32
      %dma_wait3A_53 = tpu.memref_slice %arg8[%add3A_7, %dma_wait3A_52] : memref<10112x128xf32, #tpu.memory_space<vmem_shared>> -> memref<128x128xf32, #tpu.memory_space<vmem_shared>>
      %dma_wait3A_54 = arith.constant 0 : i32
      %dma_wait3A_55 = tpu.memref_slice %arg8[%add3A_7, %dma_wait3A_54] : memref<10112x128xf32, #tpu.memory_space<vmem_shared>> -> memref<128x128xf32, #tpu.memory_space<vmem_shared>>
      %dma_wait3A_56 = arith.constant 0 : i32
      %dma_wait3A_57 = arith.constant 0 : i32
      %dma_wait3A_58 = tpu.memref_slice %arg7[%dma_wait3A_56, %dma_wait3A_57] : memref<128x128xf32, #tpu.memory_space<vmem>> -> memref<128x128xf32, #tpu.memory_space<vmem>>
      tpu.wait_dma2 semaphore(%run_scoped3A : memref<!tpu.dma_semaphore, #tpu.memory_space<semaphore_mem>>) src(%dma_wait3A_58 : memref<128x128xf32, #tpu.memory_space<vmem>>) dst(%dma_wait3A_55 : memref<128x128xf32, #tpu.memory_space<vmem_shared>>)
      tpu.yield
    }) : () -> ()
    %add3A_8 = arith.constant 512 : i32
    %add3A_9 = arith.addi %mul3A_0, %add3A_8 : i32
    "tpu.region"() ({
      %run_scoped3A = tpu.sem_alloc : memref<!tpu.dma_semaphore, #tpu.memory_space<semaphore_mem>>
      %dma_start3A = arith.constant 0 : i32
      %dma_start3A_41 = arith.constant 0 : i32
      %dma_start3A_42 = tpu.memref_slice %arg7[%dma_start3A, %dma_start3A_41] : memref<128x128xf32, #tpu.memory_space<vmem>> -> memref<120x128xf32, #tpu.memory_space<vmem>>
      %dma_start3A_43 = arith.constant 0 : i32
      %dma_start3A_44 = tpu.memref_slice %arg8[%add3A_9, %dma_start3A_43] : memref<10112x128xf32, #tpu.memory_space<vmem_shared>> -> memref<120x128xf32, #tpu.memory_space<vmem_shared>>
      %dma_start3A_45 = arith.constant 0 : i32
      %dma_start3A_46 = tpu.memref_slice %arg8[%add3A_9, %dma_start3A_45] : memref<10112x128xf32, #tpu.memory_space<vmem_shared>> -> memref<120x128xf32, #tpu.memory_space<vmem_shared>>
      %dma_start3A_47 = arith.constant 0 : i32
      %dma_start3A_48 = arith.constant 0 : i32
      %dma_start3A_49 = tpu.memref_slice %arg7[%dma_start3A_47, %dma_start3A_48] : memref<128x128xf32, #tpu.memory_space<vmem>> -> memref<120x128xf32, #tpu.memory_space<vmem>>
      tpu.enqueue_dma source(%dma_start3A_49 : memref<120x128xf32, #tpu.memory_space<vmem>>) target(%dma_start3A_46 : memref<120x128xf32, #tpu.memory_space<vmem_shared>>) target_semaphore(%run_scoped3A : memref<!tpu.dma_semaphore, #tpu.memory_space<semaphore_mem>>)
      %dma_wait3A = arith.constant 0 : i32
      %dma_wait3A_50 = arith.constant 0 : i32
      %dma_wait3A_51 = tpu.memref_slice %arg7[%dma_wait3A, %dma_wait3A_50] : memref<128x128xf32, #tpu.memory_space<vmem>> -> memref<120x128xf32, #tpu.memory_space<vmem>>
      %dma_wait3A_52 = arith.constant 0 : i32
      %dma_wait3A_53 = tpu.memref_slice %arg8[%add3A_9, %dma_wait3A_52] : memref<10112x128xf32, #tpu.memory_space<vmem_shared>> -> memref<120x128xf32, #tpu.memory_space<vmem_shared>>
      %dma_wait3A_54 = arith.constant 0 : i32
      %dma_wait3A_55 = tpu.memref_slice %arg8[%add3A_9, %dma_wait3A_54] : memref<10112x128xf32, #tpu.memory_space<vmem_shared>> -> memref<120x128xf32, #tpu.memory_space<vmem_shared>>
      %dma_wait3A_56 = arith.constant 0 : i32
      %dma_wait3A_57 = arith.constant 0 : i32
      %dma_wait3A_58 = tpu.memref_slice %arg7[%dma_wait3A_56, %dma_wait3A_57] : memref<128x128xf32, #tpu.memory_space<vmem>> -> memref<120x128xf32, #tpu.memory_space<vmem>>
      tpu.wait_dma2 semaphore(%run_scoped3A : memref<!tpu.dma_semaphore, #tpu.memory_space<semaphore_mem>>) src(%dma_wait3A_58 : memref<120x128xf32, #tpu.memory_space<vmem>>) dst(%dma_wait3A_55 : memref<120x128xf32, #tpu.memory_space<vmem_shared>>)
      tpu.yield
    }) : () -> ()
    "tpu.region"() ({
      %run_scoped3A = tpu.sem_alloc : memref<!tpu.dma_semaphore, #tpu.memory_space<semaphore_mem>>
      tpu.enqueue_dma source(%arg4 : memref<128x128xf32, #tpu.memory_space<hbm>>) target(%arg7 : memref<128x128xf32, #tpu.memory_space<vmem>>) target_semaphore(%run_scoped3A : memref<!tpu.dma_semaphore, #tpu.memory_space<semaphore_mem>>)
      tpu.wait_dma2 semaphore(%run_scoped3A : memref<!tpu.dma_semaphore, #tpu.memory_space<semaphore_mem>>) src(%arg4 : memref<128x128xf32, #tpu.memory_space<hbm>>) dst(%arg7 : memref<128x128xf32, #tpu.memory_space<vmem>>)
      tpu.yield
    }) : () -> ()
    %barrier3A = arith.constant 0 : index
    tpu.barrier barrier_id(%barrier3A)
    %mul3A_10 = arith.constant 80 : i32
    %mul3A_11 = arith.muli %arg1, %mul3A_10 : i32
    %mul3A_12 = arith.constant 1280 : i32
    %mul3A_13 = arith.muli %arg0, %mul3A_12 : i32
    %add3A_14 = arith.addi %mul3A_11, %mul3A_13 : i32
    %scan3A = arith.constant 0 : i32
    %scan3A_15 = arith.constant 0 : i32
    %scan3A_16 = arith.constant 80 : i32
    %scan3A_17 = arith.addi %scan3A_15, %scan3A_16 : i32
    %scan3A_18 = arith.constant 1 : i32
    scf.for %scan3A_41 = %scan3A_15 to %scan3A_17 step %scan3A_18  : i32 {
      %add3A_42 = arith.addi %add3A_14, %scan3A_41 : i32
      "tpu.region"() ({
        %run_scoped3A_43 = tpu.sem_alloc : memref<!tpu.dma_semaphore, #tpu.memory_space<semaphore_mem>>
        %dma_start3A = arith.constant 0 : i32
        %dma_start3A_44 = tpu.memref_slice %arg2[%add3A_42, %dma_start3A] : memref<2560x128xi32, #tpu.memory_space<hbm>> -> memref<1x128xi32, #tpu.memory_space<hbm>>
        %dma_start3A_45 = arith.constant 0 : i32
        %dma_start3A_46 = tpu.memref_slice %arg2[%add3A_42, %dma_start3A_45] : memref<2560x128xi32, #tpu.memory_space<hbm>> -> memref<1x128xi32, #tpu.memory_space<hbm>>
        tpu.enqueue_dma source(%dma_start3A_46 : memref<1x128xi32, #tpu.memory_space<hbm>>) target(%arg6 : memref<1x128xi32, #tpu.memory_space<vmem>>) target_semaphore(%run_scoped3A_43 : memref<!tpu.dma_semaphore, #tpu.memory_space<semaphore_mem>>)
        %dma_wait3A = arith.constant 0 : i32
        %dma_wait3A_47 = tpu.memref_slice %arg2[%add3A_42, %dma_wait3A] : memref<2560x128xi32, #tpu.memory_space<hbm>> -> memref<1x128xi32, #tpu.memory_space<hbm>>
        %dma_wait3A_48 = arith.constant 0 : i32
        %dma_wait3A_49 = tpu.memref_slice %arg2[%add3A_42, %dma_wait3A_48] : memref<2560x128xi32, #tpu.memory_space<hbm>> -> memref<1x128xi32, #tpu.memory_space<hbm>>
        tpu.wait_dma2 semaphore(%run_scoped3A_43 : memref<!tpu.dma_semaphore, #tpu.memory_space<semaphore_mem>>) src(%dma_wait3A_49 : memref<1x128xi32, #tpu.memory_space<hbm>>) dst(%arg6 : memref<1x128xi32, #tpu.memory_space<vmem>>)
        tpu.yield
      }) : () -> ()
      %run_scoped3A = arith.constant 0 : i32
      "tpu.region"() ({
        %run_scoped3A_43 = tpu.sem_alloc : memref<!tpu.dma_semaphore, #tpu.memory_space<semaphore_mem>>
        %dma_start3A = arith.constant 0 : i32
        %dma_start3A_44 = tpu.memref_slice %arg6[%run_scoped3A, %dma_start3A] : memref<1x128xi32, #tpu.memory_space<vmem>> -> memref<1x128xi32, #tpu.memory_space<vmem>>
        %dma_start3A_45 = tpu.memref_squeeze %dma_start3A_44 : memref<1x128xi32, #tpu.memory_space<vmem>> -> memref<128xi32, #tpu.memory_space<vmem>>
        %dma_start3A_46 = arith.constant 0 : i32
        %dma_start3A_47 = arith.constant 0 : i32
        %dma_start3A_48 = tpu.memref_slice %arg8[%dma_start3A_46, %dma_start3A_47] : memref<10112x128xf32, #tpu.memory_space<vmem_shared>> -> memref<10112x128xf32, #tpu.memory_space<vmem_shared>>
        tpu.enqueue_indirect_dma source(%arg7 : memref<128x128xf32, #tpu.memory_space<vmem>>) target(%dma_start3A_48 : memref<10112x128xf32, #tpu.memory_space<vmem_shared>>) offsets(%dma_start3A_45 : memref<128xi32, #tpu.memory_space<vmem>>) semaphore(%run_scoped3A_43 : memref<!tpu.dma_semaphore, #tpu.memory_space<semaphore_mem>>) {add = true}
        %dma_wait3A = arith.constant 0 : i32
        %dma_wait3A_49 = tpu.memref_slice %arg6[%run_scoped3A, %dma_wait3A] : memref<1x128xi32, #tpu.memory_space<vmem>> -> memref<1x128xi32, #tpu.memory_space<vmem>>
        %dma_wait3A_50 = tpu.memref_squeeze %dma_wait3A_49 : memref<1x128xi32, #tpu.memory_space<vmem>> -> memref<128xi32, #tpu.memory_space<vmem>>
        %dma_wait3A_51 = arith.constant 0 : i32
        %dma_wait3A_52 = arith.constant 0 : i32
        %dma_wait3A_53 = tpu.memref_slice %arg8[%dma_wait3A_51, %dma_wait3A_52] : memref<10112x128xf32, #tpu.memory_space<vmem_shared>> -> memref<10112x128xf32, #tpu.memory_space<vmem_shared>>
        tpu.wait_indirect_dma semaphore(%run_scoped3A_43 : memref<!tpu.dma_semaphore, #tpu.memory_space<semaphore_mem>>) src(%arg7 : memref<128x128xf32, #tpu.memory_space<vmem>>) dst(%dma_wait3A_53 : memref<10112x128xf32, #tpu.memory_space<vmem_shared>>)
        tpu.yield
      }) : () -> ()
    }
    %scan3A_19 = arith.constant 80 : i32
    %barrier3A_20 = arith.constant 0 : index
    tpu.barrier barrier_id(%barrier3A_20)
    %add3A_21 = arith.constant 0 : i32
    %add3A_22 = arith.addi %mul3A_0, %add3A_21 : i32
    "tpu.region"() ({
      %run_scoped3A = tpu.sem_alloc : memref<!tpu.dma_semaphore, #tpu.memory_space<semaphore_mem>>
      %dma_start3A = arith.constant 0 : i32
      %dma_start3A_41 = arith.constant 0 : i32
      %dma_start3A_42 = tpu.memref_slice %arg7[%dma_start3A, %dma_start3A_41] : memref<128x128xf32, #tpu.memory_space<vmem>> -> memref<128x128xf32, #tpu.memory_space<vmem>>
      %dma_start3A_43 = arith.constant 0 : i32
      %dma_start3A_44 = tpu.memref_slice %arg8[%add3A_22, %dma_start3A_43] : memref<10112x128xf32, #tpu.memory_space<vmem_shared>> -> memref<128x128xf32, #tpu.memory_space<vmem_shared>>
      %dma_start3A_45 = arith.constant 0 : i32
      %dma_start3A_46 = arith.constant 0 : i32
      %dma_start3A_47 = tpu.memref_slice %arg7[%dma_start3A_45, %dma_start3A_46] : memref<128x128xf32, #tpu.memory_space<vmem>> -> memref<128x128xf32, #tpu.memory_space<vmem>>
      %dma_start3A_48 = arith.constant 0 : i32
      %dma_start3A_49 = tpu.memref_slice %arg8[%add3A_22, %dma_start3A_48] : memref<10112x128xf32, #tpu.memory_space<vmem_shared>> -> memref<128x128xf32, #tpu.memory_space<vmem_shared>>
      tpu.enqueue_dma source(%dma_start3A_49 : memref<128x128xf32, #tpu.memory_space<vmem_shared>>) target(%dma_start3A_47 : memref<128x128xf32, #tpu.memory_space<vmem>>) target_semaphore(%run_scoped3A : memref<!tpu.dma_semaphore, #tpu.memory_space<semaphore_mem>>)
      %dma_wait3A = arith.constant 0 : i32
      %dma_wait3A_50 = arith.constant 0 : i32
      %dma_wait3A_51 = tpu.memref_slice %arg7[%dma_wait3A, %dma_wait3A_50] : memref<128x128xf32, #tpu.memory_space<vmem>> -> memref<128x128xf32, #tpu.memory_space<vmem>>
      %dma_wait3A_52 = arith.constant 0 : i32
      %dma_wait3A_53 = tpu.memref_slice %arg8[%add3A_22, %dma_wait3A_52] : memref<10112x128xf32, #tpu.memory_space<vmem_shared>> -> memref<128x128xf32, #tpu.memory_space<vmem_shared>>
      %dma_wait3A_54 = arith.constant 0 : i32
      %dma_wait3A_55 = arith.constant 0 : i32
      %dma_wait3A_56 = tpu.memref_slice %arg7[%dma_wait3A_54, %dma_wait3A_55] : memref<128x128xf32, #tpu.memory_space<vmem>> -> memref<128x128xf32, #tpu.memory_space<vmem>>
      %dma_wait3A_57 = arith.constant 0 : i32
      %dma_wait3A_58 = tpu.memref_slice %arg8[%add3A_22, %dma_wait3A_57] : memref<10112x128xf32, #tpu.memory_space<vmem_shared>> -> memref<128x128xf32, #tpu.memory_space<vmem_shared>>
      tpu.wait_dma2 semaphore(%run_scoped3A : memref<!tpu.dma_semaphore, #tpu.memory_space<semaphore_mem>>) src(%dma_wait3A_58 : memref<128x128xf32, #tpu.memory_space<vmem_shared>>) dst(%dma_wait3A_56 : memref<128x128xf32, #tpu.memory_space<vmem>>)
      tpu.yield
    }) : () -> ()
    %add3A_23 = arith.constant 0 : i32
    %add3A_24 = arith.addi %mul3A_0, %add3A_23 : i32
    "tpu.region"() ({
      %run_scoped3A = tpu.sem_alloc : memref<!tpu.dma_semaphore, #tpu.memory_space<semaphore_mem>>
      %dma_start3A = arith.constant 0 : i32
      %dma_start3A_41 = arith.constant 0 : i32
      %dma_start3A_42 = tpu.memref_slice %arg7[%dma_start3A, %dma_start3A_41] : memref<128x128xf32, #tpu.memory_space<vmem>> -> memref<128x128xf32, #tpu.memory_space<vmem>>
      %dma_start3A_43 = arith.constant 0 : i32
      %dma_start3A_44 = tpu.memref_slice %arg5[%arg0, %add3A_24, %dma_start3A_43] : memref<2x10112x128xf32, #tpu.memory_space<hbm>> -> memref<1x128x128xf32, #tpu.memory_space<hbm>>
      %dma_start3A_45 = tpu.memref_squeeze %dma_start3A_44 : memref<1x128x128xf32, #tpu.memory_space<hbm>> -> memref<128x128xf32, #tpu.memory_space<hbm>>
      %dma_start3A_46 = arith.constant 0 : i32
      %dma_start3A_47 = tpu.memref_slice %arg5[%arg0, %add3A_24, %dma_start3A_46] : memref<2x10112x128xf32, #tpu.memory_space<hbm>> -> memref<1x128x128xf32, #tpu.memory_space<hbm>>
      %dma_start3A_48 = tpu.memref_squeeze %dma_start3A_47 : memref<1x128x128xf32, #tpu.memory_space<hbm>> -> memref<128x128xf32, #tpu.memory_space<hbm>>
      %dma_start3A_49 = arith.constant 0 : i32
      %dma_start3A_50 = arith.constant 0 : i32
      %dma_start3A_51 = tpu.memref_slice %arg7[%dma_start3A_49, %dma_start3A_50] : memref<128x128xf32, #tpu.memory_space<vmem>> -> memref<128x128xf32, #tpu.memory_space<vmem>>
      tpu.enqueue_dma source(%dma_start3A_51 : memref<128x128xf32, #tpu.memory_space<vmem>>) target(%dma_start3A_48 : memref<128x128xf32, #tpu.memory_space<hbm>>) target_semaphore(%run_scoped3A : memref<!tpu.dma_semaphore, #tpu.memory_space<semaphore_mem>>)
      %dma_wait3A = arith.constant 0 : i32
      %dma_wait3A_52 = arith.constant 0 : i32
      %dma_wait3A_53 = tpu.memref_slice %arg7[%dma_wait3A, %dma_wait3A_52] : memref<128x128xf32, #tpu.memory_space<vmem>> -> memref<128x128xf32, #tpu.memory_space<vmem>>
      %dma_wait3A_54 = arith.constant 0 : i32
      %dma_wait3A_55 = tpu.memref_slice %arg5[%arg0, %add3A_24, %dma_wait3A_54] : memref<2x10112x128xf32, #tpu.memory_space<hbm>> -> memref<1x128x128xf32, #tpu.memory_space<hbm>>
      %dma_wait3A_56 = tpu.memref_squeeze %dma_wait3A_55 : memref<1x128x128xf32, #tpu.memory_space<hbm>> -> memref<128x128xf32, #tpu.memory_space<hbm>>
      %dma_wait3A_57 = arith.constant 0 : i32
      %dma_wait3A_58 = tpu.memref_slice %arg5[%arg0, %add3A_24, %dma_wait3A_57] : memref<2x10112x128xf32, #tpu.memory_space<hbm>> -> memref<1x128x128xf32, #tpu.memory_space<hbm>>
      %dma_wait3A_59 = tpu.memref_squeeze %dma_wait3A_58 : memref<1x128x128xf32, #tpu.memory_space<hbm>> -> memref<128x128xf32, #tpu.memory_space<hbm>>
      %dma_wait3A_60 = arith.constant 0 : i32
      %dma_wait3A_61 = arith.constant 0 : i32
      %dma_wait3A_62 = tpu.memref_slice %arg7[%dma_wait3A_60, %dma_wait3A_61] : memref<128x128xf32, #tpu.memory_space<vmem>> -> memref<128x128xf32, #tpu.memory_space<vmem>>
      tpu.wait_dma2 semaphore(%run_scoped3A : memref<!tpu.dma_semaphore, #tpu.memory_space<semaphore_mem>>) src(%dma_wait3A_62 : memref<128x128xf32, #tpu.memory_space<vmem>>) dst(%dma_wait3A_59 : memref<128x128xf32, #tpu.memory_space<hbm>>)
      tpu.yield
    }) : () -> ()
    %add3A_25 = arith.constant 128 : i32
    %add3A_26 = arith.addi %mul3A_0, %add3A_25 : i32
    "tpu.region"() ({
      %run_scoped3A = tpu.sem_alloc : memref<!tpu.dma_semaphore, #tpu.memory_space<semaphore_mem>>
      %dma_start3A = arith.constant 0 : i32
      %dma_start3A_41 = arith.constant 0 : i32
      %dma_start3A_42 = tpu.memref_slice %arg7[%dma_start3A, %dma_start3A_41] : memref<128x128xf32, #tpu.memory_space<vmem>> -> memref<128x128xf32, #tpu.memory_space<vmem>>
      %dma_start3A_43 = arith.constant 0 : i32
      %dma_start3A_44 = tpu.memref_slice %arg8[%add3A_26, %dma_start3A_43] : memref<10112x128xf32, #tpu.memory_space<vmem_shared>> -> memref<128x128xf32, #tpu.memory_space<vmem_shared>>
      %dma_start3A_45 = arith.constant 0 : i32
      %dma_start3A_46 = arith.constant 0 : i32
      %dma_start3A_47 = tpu.memref_slice %arg7[%dma_start3A_45, %dma_start3A_46] : memref<128x128xf32, #tpu.memory_space<vmem>> -> memref<128x128xf32, #tpu.memory_space<vmem>>
      %dma_start3A_48 = arith.constant 0 : i32
      %dma_start3A_49 = tpu.memref_slice %arg8[%add3A_26, %dma_start3A_48] : memref<10112x128xf32, #tpu.memory_space<vmem_shared>> -> memref<128x128xf32, #tpu.memory_space<vmem_shared>>
      tpu.enqueue_dma source(%dma_start3A_49 : memref<128x128xf32, #tpu.memory_space<vmem_shared>>) target(%dma_start3A_47 : memref<128x128xf32, #tpu.memory_space<vmem>>) target_semaphore(%run_scoped3A : memref<!tpu.dma_semaphore, #tpu.memory_space<semaphore_mem>>)
      %dma_wait3A = arith.constant 0 : i32
      %dma_wait3A_50 = arith.constant 0 : i32
      %dma_wait3A_51 = tpu.memref_slice %arg7[%dma_wait3A, %dma_wait3A_50] : memref<128x128xf32, #tpu.memory_space<vmem>> -> memref<128x128xf32, #tpu.memory_space<vmem>>
      %dma_wait3A_52 = arith.constant 0 : i32
      %dma_wait3A_53 = tpu.memref_slice %arg8[%add3A_26, %dma_wait3A_52] : memref<10112x128xf32, #tpu.memory_space<vmem_shared>> -> memref<128x128xf32, #tpu.memory_space<vmem_shared>>
      %dma_wait3A_54 = arith.constant 0 : i32
      %dma_wait3A_55 = arith.constant 0 : i32
      %dma_wait3A_56 = tpu.memref_slice %arg7[%dma_wait3A_54, %dma_wait3A_55] : memref<128x128xf32, #tpu.memory_space<vmem>> -> memref<128x128xf32, #tpu.memory_space<vmem>>
      %dma_wait3A_57 = arith.constant 0 : i32
      %dma_wait3A_58 = tpu.memref_slice %arg8[%add3A_26, %dma_wait3A_57] : memref<10112x128xf32, #tpu.memory_space<vmem_shared>> -> memref<128x128xf32, #tpu.memory_space<vmem_shared>>
      tpu.wait_dma2 semaphore(%run_scoped3A : memref<!tpu.dma_semaphore, #tpu.memory_space<semaphore_mem>>) src(%dma_wait3A_58 : memref<128x128xf32, #tpu.memory_space<vmem_shared>>) dst(%dma_wait3A_56 : memref<128x128xf32, #tpu.memory_space<vmem>>)
      tpu.yield
    }) : () -> ()
    %add3A_27 = arith.constant 128 : i32
    %add3A_28 = arith.addi %mul3A_0, %add3A_27 : i32
    "tpu.region"() ({
      %run_scoped3A = tpu.sem_alloc : memref<!tpu.dma_semaphore, #tpu.memory_space<semaphore_mem>>
      %dma_start3A = arith.constant 0 : i32
      %dma_start3A_41 = arith.constant 0 : i32
      %dma_start3A_42 = tpu.memref_slice %arg7[%dma_start3A, %dma_start3A_41] : memref<128x128xf32, #tpu.memory_space<vmem>> -> memref<128x128xf32, #tpu.memory_space<vmem>>
      %dma_start3A_43 = arith.constant 0 : i32
      %dma_start3A_44 = tpu.memref_slice %arg5[%arg0, %add3A_28, %dma_start3A_43] : memref<2x10112x128xf32, #tpu.memory_space<hbm>> -> memref<1x128x128xf32, #tpu.memory_space<hbm>>
      %dma_start3A_45 = tpu.memref_squeeze %dma_start3A_44 : memref<1x128x128xf32, #tpu.memory_space<hbm>> -> memref<128x128xf32, #tpu.memory_space<hbm>>
      %dma_start3A_46 = arith.constant 0 : i32
      %dma_start3A_47 = tpu.memref_slice %arg5[%arg0, %add3A_28, %dma_start3A_46] : memref<2x10112x128xf32, #tpu.memory_space<hbm>> -> memref<1x128x128xf32, #tpu.memory_space<hbm>>
      %dma_start3A_48 = tpu.memref_squeeze %dma_start3A_47 : memref<1x128x128xf32, #tpu.memory_space<hbm>> -> memref<128x128xf32, #tpu.memory_space<hbm>>
      %dma_start3A_49 = arith.constant 0 : i32
      %dma_start3A_50 = arith.constant 0 : i32
      %dma_start3A_51 = tpu.memref_slice %arg7[%dma_start3A_49, %dma_start3A_50] : memref<128x128xf32, #tpu.memory_space<vmem>> -> memref<128x128xf32, #tpu.memory_space<vmem>>
      tpu.enqueue_dma source(%dma_start3A_51 : memref<128x128xf32, #tpu.memory_space<vmem>>) target(%dma_start3A_48 : memref<128x128xf32, #tpu.memory_space<hbm>>) target_semaphore(%run_scoped3A : memref<!tpu.dma_semaphore, #tpu.memory_space<semaphore_mem>>)
      %dma_wait3A = arith.constant 0 : i32
      %dma_wait3A_52 = arith.constant 0 : i32
      %dma_wait3A_53 = tpu.memref_slice %arg7[%dma_wait3A, %dma_wait3A_52] : memref<128x128xf32, #tpu.memory_space<vmem>> -> memref<128x128xf32, #tpu.memory_space<vmem>>
      %dma_wait3A_54 = arith.constant 0 : i32
      %dma_wait3A_55 = tpu.memref_slice %arg5[%arg0, %add3A_28, %dma_wait3A_54] : memref<2x10112x128xf32, #tpu.memory_space<hbm>> -> memref<1x128x128xf32, #tpu.memory_space<hbm>>
      %dma_wait3A_56 = tpu.memref_squeeze %dma_wait3A_55 : memref<1x128x128xf32, #tpu.memory_space<hbm>> -> memref<128x128xf32, #tpu.memory_space<hbm>>
      %dma_wait3A_57 = arith.constant 0 : i32
      %dma_wait3A_58 = tpu.memref_slice %arg5[%arg0, %add3A_28, %dma_wait3A_57] : memref<2x10112x128xf32, #tpu.memory_space<hbm>> -> memref<1x128x128xf32, #tpu.memory_space<hbm>>
      %dma_wait3A_59 = tpu.memref_squeeze %dma_wait3A_58 : memref<1x128x128xf32, #tpu.memory_space<hbm>> -> memref<128x128xf32, #tpu.memory_space<hbm>>
      %dma_wait3A_60 = arith.constant 0 : i32
      %dma_wait3A_61 = arith.constant 0 : i32
      %dma_wait3A_62 = tpu.memref_slice %arg7[%dma_wait3A_60, %dma_wait3A_61] : memref<128x128xf32, #tpu.memory_space<vmem>> -> memref<128x128xf32, #tpu.memory_space<vmem>>
      tpu.wait_dma2 semaphore(%run_scoped3A : memref<!tpu.dma_semaphore, #tpu.memory_space<semaphore_mem>>) src(%dma_wait3A_62 : memref<128x128xf32, #tpu.memory_space<vmem>>) dst(%dma_wait3A_59 : memref<128x128xf32, #tpu.memory_space<hbm>>)
      tpu.yield
    }) : () -> ()
    %add3A_29 = arith.constant 256 : i32
    %add3A_30 = arith.addi %mul3A_0, %add3A_29 : i32
    "tpu.region"() ({
      %run_scoped3A = tpu.sem_alloc : memref<!tpu.dma_semaphore, #tpu.memory_space<semaphore_mem>>
      %dma_start3A = arith.constant 0 : i32
      %dma_start3A_41 = arith.constant 0 : i32
      %dma_start3A_42 = tpu.memref_slice %arg7[%dma_start3A, %dma_start3A_41] : memref<128x128xf32, #tpu.memory_space<vmem>> -> memref<128x128xf32, #tpu.memory_space<vmem>>
      %dma_start3A_43 = arith.constant 0 : i32
      %dma_start3A_44 = tpu.memref_slice %arg8[%add3A_30, %dma_start3A_43] : memref<10112x128xf32, #tpu.memory_space<vmem_shared>> -> memref<128x128xf32, #tpu.memory_space<vmem_shared>>
      %dma_start3A_45 = arith.constant 0 : i32
      %dma_start3A_46 = arith.constant 0 : i32
      %dma_start3A_47 = tpu.memref_slice %arg7[%dma_start3A_45, %dma_start3A_46] : memref<128x128xf32, #tpu.memory_space<vmem>> -> memref<128x128xf32, #tpu.memory_space<vmem>>
      %dma_start3A_48 = arith.constant 0 : i32
      %dma_start3A_49 = tpu.memref_slice %arg8[%add3A_30, %dma_start3A_48] : memref<10112x128xf32, #tpu.memory_space<vmem_shared>> -> memref<128x128xf32, #tpu.memory_space<vmem_shared>>
      tpu.enqueue_dma source(%dma_start3A_49 : memref<128x128xf32, #tpu.memory_space<vmem_shared>>) target(%dma_start3A_47 : memref<128x128xf32, #tpu.memory_space<vmem>>) target_semaphore(%run_scoped3A : memref<!tpu.dma_semaphore, #tpu.memory_space<semaphore_mem>>)
      %dma_wait3A = arith.constant 0 : i32
      %dma_wait3A_50 = arith.constant 0 : i32
      %dma_wait3A_51 = tpu.memref_slice %arg7[%dma_wait3A, %dma_wait3A_50] : memref<128x128xf32, #tpu.memory_space<vmem>> -> memref<128x128xf32, #tpu.memory_space<vmem>>
      %dma_wait3A_52 = arith.constant 0 : i32
      %dma_wait3A_53 = tpu.memref_slice %arg8[%add3A_30, %dma_wait3A_52] : memref<10112x128xf32, #tpu.memory_space<vmem_shared>> -> memref<128x128xf32, #tpu.memory_space<vmem_shared>>
      %dma_wait3A_54 = arith.constant 0 : i32
      %dma_wait3A_55 = arith.constant 0 : i32
      %dma_wait3A_56 = tpu.memref_slice %arg7[%dma_wait3A_54, %dma_wait3A_55] : memref<128x128xf32, #tpu.memory_space<vmem>> -> memref<128x128xf32, #tpu.memory_space<vmem>>
      %dma_wait3A_57 = arith.constant 0 : i32
      %dma_wait3A_58 = tpu.memref_slice %arg8[%add3A_30, %dma_wait3A_57] : memref<10112x128xf32, #tpu.memory_space<vmem_shared>> -> memref<128x128xf32, #tpu.memory_space<vmem_shared>>
      tpu.wait_dma2 semaphore(%run_scoped3A : memref<!tpu.dma_semaphore, #tpu.memory_space<semaphore_mem>>) src(%dma_wait3A_58 : memref<128x128xf32, #tpu.memory_space<vmem_shared>>) dst(%dma_wait3A_56 : memref<128x128xf32, #tpu.memory_space<vmem>>)
      tpu.yield
    }) : () -> ()
    %add3A_31 = arith.constant 256 : i32
    %add3A_32 = arith.addi %mul3A_0, %add3A_31 : i32
    "tpu.region"() ({
      %run_scoped3A = tpu.sem_alloc : memref<!tpu.dma_semaphore, #tpu.memory_space<semaphore_mem>>
      %dma_start3A = arith.constant 0 : i32
      %dma_start3A_41 = arith.constant 0 : i32
      %dma_start3A_42 = tpu.memref_slice %arg7[%dma_start3A, %dma_start3A_41] : memref<128x128xf32, #tpu.memory_space<vmem>> -> memref<128x128xf32, #tpu.memory_space<vmem>>
      %dma_start3A_43 = arith.constant 0 : i32
      %dma_start3A_44 = tpu.memref_slice %arg5[%arg0, %add3A_32, %dma_start3A_43] : memref<2x10112x128xf32, #tpu.memory_space<hbm>> -> memref<1x128x128xf32, #tpu.memory_space<hbm>>
      %dma_start3A_45 = tpu.memref_squeeze %dma_start3A_44 : memref<1x128x128xf32, #tpu.memory_space<hbm>> -> memref<128x128xf32, #tpu.memory_space<hbm>>
      %dma_start3A_46 = arith.constant 0 : i32
      %dma_start3A_47 = tpu.memref_slice %arg5[%arg0, %add3A_32, %dma_start3A_46] : memref<2x10112x128xf32, #tpu.memory_space<hbm>> -> memref<1x128x128xf32, #tpu.memory_space<hbm>>
      %dma_start3A_48 = tpu.memref_squeeze %dma_start3A_47 : memref<1x128x128xf32, #tpu.memory_space<hbm>> -> memref<128x128xf32, #tpu.memory_space<hbm>>
      %dma_start3A_49 = arith.constant 0 : i32
      %dma_start3A_50 = arith.constant 0 : i32
      %dma_start3A_51 = tpu.memref_slice %arg7[%dma_start3A_49, %dma_start3A_50] : memref<128x128xf32, #tpu.memory_space<vmem>> -> memref<128x128xf32, #tpu.memory_space<vmem>>
      tpu.enqueue_dma source(%dma_start3A_51 : memref<128x128xf32, #tpu.memory_space<vmem>>) target(%dma_start3A_48 : memref<128x128xf32, #tpu.memory_space<hbm>>) target_semaphore(%run_scoped3A : memref<!tpu.dma_semaphore, #tpu.memory_space<semaphore_mem>>)
      %dma_wait3A = arith.constant 0 : i32
      %dma_wait3A_52 = arith.constant 0 : i32
      %dma_wait3A_53 = tpu.memref_slice %arg7[%dma_wait3A, %dma_wait3A_52] : memref<128x128xf32, #tpu.memory_space<vmem>> -> memref<128x128xf32, #tpu.memory_space<vmem>>
      %dma_wait3A_54 = arith.constant 0 : i32
      %dma_wait3A_55 = tpu.memref_slice %arg5[%arg0, %add3A_32, %dma_wait3A_54] : memref<2x10112x128xf32, #tpu.memory_space<hbm>> -> memref<1x128x128xf32, #tpu.memory_space<hbm>>
      %dma_wait3A_56 = tpu.memref_squeeze %dma_wait3A_55 : memref<1x128x128xf32, #tpu.memory_space<hbm>> -> memref<128x128xf32, #tpu.memory_space<hbm>>
      %dma_wait3A_57 = arith.constant 0 : i32
      %dma_wait3A_58 = tpu.memref_slice %arg5[%arg0, %add3A_32, %dma_wait3A_57] : memref<2x10112x128xf32, #tpu.memory_space<hbm>> -> memref<1x128x128xf32, #tpu.memory_space<hbm>>
      %dma_wait3A_59 = tpu.memref_squeeze %dma_wait3A_58 : memref<1x128x128xf32, #tpu.memory_space<hbm>> -> memref<128x128xf32, #tpu.memory_space<hbm>>
      %dma_wait3A_60 = arith.constant 0 : i32
      %dma_wait3A_61 = arith.constant 0 : i32
      %dma_wait3A_62 = tpu.memref_slice %arg7[%dma_wait3A_60, %dma_wait3A_61] : memref<128x128xf32, #tpu.memory_space<vmem>> -> memref<128x128xf32, #tpu.memory_space<vmem>>
      tpu.wait_dma2 semaphore(%run_scoped3A : memref<!tpu.dma_semaphore, #tpu.memory_space<semaphore_mem>>) src(%dma_wait3A_62 : memref<128x128xf32, #tpu.memory_space<vmem>>) dst(%dma_wait3A_59 : memref<128x128xf32, #tpu.memory_space<hbm>>)
      tpu.yield
    }) : () -> ()
    %add3A_33 = arith.constant 384 : i32
    %add3A_34 = arith.addi %mul3A_0, %add3A_33 : i32
    "tpu.region"() ({
      %run_scoped3A = tpu.sem_alloc : memref<!tpu.dma_semaphore, #tpu.memory_space<semaphore_mem>>
      %dma_start3A = arith.constant 0 : i32
      %dma_start3A_41 = arith.constant 0 : i32
      %dma_start3A_42 = tpu.memref_slice %arg7[%dma_start3A, %dma_start3A_41] : memref<128x128xf32, #tpu.memory_space<vmem>> -> memref<128x128xf32, #tpu.memory_space<vmem>>
      %dma_start3A_43 = arith.constant 0 : i32
      %dma_start3A_44 = tpu.memref_slice %arg8[%add3A_34, %dma_start3A_43] : memref<10112x128xf32, #tpu.memory_space<vmem_shared>> -> memref<128x128xf32, #tpu.memory_space<vmem_shared>>
      %dma_start3A_45 = arith.constant 0 : i32
      %dma_start3A_46 = arith.constant 0 : i32
      %dma_start3A_47 = tpu.memref_slice %arg7[%dma_start3A_45, %dma_start3A_46] : memref<128x128xf32, #tpu.memory_space<vmem>> -> memref<128x128xf32, #tpu.memory_space<vmem>>
      %dma_start3A_48 = arith.constant 0 : i32
      %dma_start3A_49 = tpu.memref_slice %arg8[%add3A_34, %dma_start3A_48] : memref<10112x128xf32, #tpu.memory_space<vmem_shared>> -> memref<128x128xf32, #tpu.memory_space<vmem_shared>>
      tpu.enqueue_dma source(%dma_start3A_49 : memref<128x128xf32, #tpu.memory_space<vmem_shared>>) target(%dma_start3A_47 : memref<128x128xf32, #tpu.memory_space<vmem>>) target_semaphore(%run_scoped3A : memref<!tpu.dma_semaphore, #tpu.memory_space<semaphore_mem>>)
      %dma_wait3A = arith.constant 0 : i32
      %dma_wait3A_50 = arith.constant 0 : i32
      %dma_wait3A_51 = tpu.memref_slice %arg7[%dma_wait3A, %dma_wait3A_50] : memref<128x128xf32, #tpu.memory_space<vmem>> -> memref<128x128xf32, #tpu.memory_space<vmem>>
      %dma_wait3A_52 = arith.constant 0 : i32
      %dma_wait3A_53 = tpu.memref_slice %arg8[%add3A_34, %dma_wait3A_52] : memref<10112x128xf32, #tpu.memory_space<vmem_shared>> -> memref<128x128xf32, #tpu.memory_space<vmem_shared>>
      %dma_wait3A_54 = arith.constant 0 : i32
      %dma_wait3A_55 = arith.constant 0 : i32
      %dma_wait3A_56 = tpu.memref_slice %arg7[%dma_wait3A_54, %dma_wait3A_55] : memref<128x128xf32, #tpu.memory_space<vmem>> -> memref<128x128xf32, #tpu.memory_space<vmem>>
      %dma_wait3A_57 = arith.constant 0 : i32
      %dma_wait3A_58 = tpu.memref_slice %arg8[%add3A_34, %dma_wait3A_57] : memref<10112x128xf32, #tpu.memory_space<vmem_shared>> -> memref<128x128xf32, #tpu.memory_space<vmem_shared>>
      tpu.wait_dma2 semaphore(%run_scoped3A : memref<!tpu.dma_semaphore, #tpu.memory_space<semaphore_mem>>) src(%dma_wait3A_58 : memref<128x128xf32, #tpu.memory_space<vmem_shared>>) dst(%dma_wait3A_56 : memref<128x128xf32, #tpu.memory_space<vmem>>)
      tpu.yield
    }) : () -> ()
    %add3A_35 = arith.constant 384 : i32
    %add3A_36 = arith.addi %mul3A_0, %add3A_35 : i32
    "tpu.region"() ({
      %run_scoped3A = tpu.sem_alloc : memref<!tpu.dma_semaphore, #tpu.memory_space<semaphore_mem>>
      %dma_start3A = arith.constant 0 : i32
      %dma_start3A_41 = arith.constant 0 : i32
      %dma_start3A_42 = tpu.memref_slice %arg7[%dma_start3A, %dma_start3A_41] : memref<128x128xf32, #tpu.memory_space<vmem>> -> memref<128x128xf32, #tpu.memory_space<vmem>>
      %dma_start3A_43 = arith.constant 0 : i32
      %dma_start3A_44 = tpu.memref_slice %arg5[%arg0, %add3A_36, %dma_start3A_43] : memref<2x10112x128xf32, #tpu.memory_space<hbm>> -> memref<1x128x128xf32, #tpu.memory_space<hbm>>
      %dma_start3A_45 = tpu.memref_squeeze %dma_start3A_44 : memref<1x128x128xf32, #tpu.memory_space<hbm>> -> memref<128x128xf32, #tpu.memory_space<hbm>>
      %dma_start3A_46 = arith.constant 0 : i32
      %dma_start3A_47 = tpu.memref_slice %arg5[%arg0, %add3A_36, %dma_start3A_46] : memref<2x10112x128xf32, #tpu.memory_space<hbm>> -> memref<1x128x128xf32, #tpu.memory_space<hbm>>
      %dma_start3A_48 = tpu.memref_squeeze %dma_start3A_47 : memref<1x128x128xf32, #tpu.memory_space<hbm>> -> memref<128x128xf32, #tpu.memory_space<hbm>>
      %dma_start3A_49 = arith.constant 0 : i32
      %dma_start3A_50 = arith.constant 0 : i32
      %dma_start3A_51 = tpu.memref_slice %arg7[%dma_start3A_49, %dma_start3A_50] : memref<128x128xf32, #tpu.memory_space<vmem>> -> memref<128x128xf32, #tpu.memory_space<vmem>>
      tpu.enqueue_dma source(%dma_start3A_51 : memref<128x128xf32, #tpu.memory_space<vmem>>) target(%dma_start3A_48 : memref<128x128xf32, #tpu.memory_space<hbm>>) target_semaphore(%run_scoped3A : memref<!tpu.dma_semaphore, #tpu.memory_space<semaphore_mem>>)
      %dma_wait3A = arith.constant 0 : i32
      %dma_wait3A_52 = arith.constant 0 : i32
      %dma_wait3A_53 = tpu.memref_slice %arg7[%dma_wait3A, %dma_wait3A_52] : memref<128x128xf32, #tpu.memory_space<vmem>> -> memref<128x128xf32, #tpu.memory_space<vmem>>
      %dma_wait3A_54 = arith.constant 0 : i32
      %dma_wait3A_55 = tpu.memref_slice %arg5[%arg0, %add3A_36, %dma_wait3A_54] : memref<2x10112x128xf32, #tpu.memory_space<hbm>> -> memref<1x128x128xf32, #tpu.memory_space<hbm>>
      %dma_wait3A_56 = tpu.memref_squeeze %dma_wait3A_55 : memref<1x128x128xf32, #tpu.memory_space<hbm>> -> memref<128x128xf32, #tpu.memory_space<hbm>>
      %dma_wait3A_57 = arith.constant 0 : i32
      %dma_wait3A_58 = tpu.memref_slice %arg5[%arg0, %add3A_36, %dma_wait3A_57] : memref<2x10112x128xf32, #tpu.memory_space<hbm>> -> memref<1x128x128xf32, #tpu.memory_space<hbm>>
      %dma_wait3A_59 = tpu.memref_squeeze %dma_wait3A_58 : memref<1x128x128xf32, #tpu.memory_space<hbm>> -> memref<128x128xf32, #tpu.memory_space<hbm>>
      %dma_wait3A_60 = arith.constant 0 : i32
      %dma_wait3A_61 = arith.constant 0 : i32
      %dma_wait3A_62 = tpu.memref_slice %arg7[%dma_wait3A_60, %dma_wait3A_61] : memref<128x128xf32, #tpu.memory_space<vmem>> -> memref<128x128xf32, #tpu.memory_space<vmem>>
      tpu.wait_dma2 semaphore(%run_scoped3A : memref<!tpu.dma_semaphore, #tpu.memory_space<semaphore_mem>>) src(%dma_wait3A_62 : memref<128x128xf32, #tpu.memory_space<vmem>>) dst(%dma_wait3A_59 : memref<128x128xf32, #tpu.memory_space<hbm>>)
      tpu.yield
    }) : () -> ()
    %add3A_37 = arith.constant 512 : i32
    %add3A_38 = arith.addi %mul3A_0, %add3A_37 : i32
    "tpu.region"() ({
      %run_scoped3A = tpu.sem_alloc : memref<!tpu.dma_semaphore, #tpu.memory_space<semaphore_mem>>
      %dma_start3A = arith.constant 0 : i32
      %dma_start3A_41 = arith.constant 0 : i32
      %dma_start3A_42 = tpu.memref_slice %arg7[%dma_start3A, %dma_start3A_41] : memref<128x128xf32, #tpu.memory_space<vmem>> -> memref<120x128xf32, #tpu.memory_space<vmem>>
      %dma_start3A_43 = arith.constant 0 : i32
      %dma_start3A_44 = tpu.memref_slice %arg8[%add3A_38, %dma_start3A_43] : memref<10112x128xf32, #tpu.memory_space<vmem_shared>> -> memref<120x128xf32, #tpu.memory_space<vmem_shared>>
      %dma_start3A_45 = arith.constant 0 : i32
      %dma_start3A_46 = arith.constant 0 : i32
      %dma_start3A_47 = tpu.memref_slice %arg7[%dma_start3A_45, %dma_start3A_46] : memref<128x128xf32, #tpu.memory_space<vmem>> -> memref<120x128xf32, #tpu.memory_space<vmem>>
      %dma_start3A_48 = arith.constant 0 : i32
      %dma_start3A_49 = tpu.memref_slice %arg8[%add3A_38, %dma_start3A_48] : memref<10112x128xf32, #tpu.memory_space<vmem_shared>> -> memref<120x128xf32, #tpu.memory_space<vmem_shared>>
      tpu.enqueue_dma source(%dma_start3A_49 : memref<120x128xf32, #tpu.memory_space<vmem_shared>>) target(%dma_start3A_47 : memref<120x128xf32, #tpu.memory_space<vmem>>) target_semaphore(%run_scoped3A : memref<!tpu.dma_semaphore, #tpu.memory_space<semaphore_mem>>)
      %dma_wait3A = arith.constant 0 : i32
      %dma_wait3A_50 = arith.constant 0 : i32
      %dma_wait3A_51 = tpu.memref_slice %arg7[%dma_wait3A, %dma_wait3A_50] : memref<128x128xf32, #tpu.memory_space<vmem>> -> memref<120x128xf32, #tpu.memory_space<vmem>>
      %dma_wait3A_52 = arith.constant 0 : i32
      %dma_wait3A_53 = tpu.memref_slice %arg8[%add3A_38, %dma_wait3A_52] : memref<10112x128xf32, #tpu.memory_space<vmem_shared>> -> memref<120x128xf32, #tpu.memory_space<vmem_shared>>
      %dma_wait3A_54 = arith.constant 0 : i32
      %dma_wait3A_55 = arith.constant 0 : i32
      %dma_wait3A_56 = tpu.memref_slice %arg7[%dma_wait3A_54, %dma_wait3A_55] : memref<128x128xf32, #tpu.memory_space<vmem>> -> memref<120x128xf32, #tpu.memory_space<vmem>>
      %dma_wait3A_57 = arith.constant 0 : i32
      %dma_wait3A_58 = tpu.memref_slice %arg8[%add3A_38, %dma_wait3A_57] : memref<10112x128xf32, #tpu.memory_space<vmem_shared>> -> memref<120x128xf32, #tpu.memory_space<vmem_shared>>
      tpu.wait_dma2 semaphore(%run_scoped3A : memref<!tpu.dma_semaphore, #tpu.memory_space<semaphore_mem>>) src(%dma_wait3A_58 : memref<120x128xf32, #tpu.memory_space<vmem_shared>>) dst(%dma_wait3A_56 : memref<120x128xf32, #tpu.memory_space<vmem>>)
      tpu.yield
    }) : () -> ()
    %add3A_39 = arith.constant 512 : i32
    %add3A_40 = arith.addi %mul3A_0, %add3A_39 : i32
    "tpu.region"() ({
      %run_scoped3A = tpu.sem_alloc : memref<!tpu.dma_semaphore, #tpu.memory_space<semaphore_mem>>
      %dma_start3A = arith.constant 0 : i32
      %dma_start3A_41 = arith.constant 0 : i32
      %dma_start3A_42 = tpu.memref_slice %arg7[%dma_start3A, %dma_start3A_41] : memref<128x128xf32, #tpu.memory_space<vmem>> -> memref<120x128xf32, #tpu.memory_space<vmem>>
      %dma_start3A_43 = arith.constant 0 : i32
      %dma_start3A_44 = tpu.memref_slice %arg5[%arg0, %add3A_40, %dma_start3A_43] : memref<2x10112x128xf32, #tpu.memory_space<hbm>> -> memref<1x120x128xf32, #tpu.memory_space<hbm>>
      %dma_start3A_45 = tpu.memref_squeeze %dma_start3A_44 : memref<1x120x128xf32, #tpu.memory_space<hbm>> -> memref<120x128xf32, #tpu.memory_space<hbm>>
      %dma_start3A_46 = arith.constant 0 : i32
      %dma_start3A_47 = tpu.memref_slice %arg5[%arg0, %add3A_40, %dma_start3A_46] : memref<2x10112x128xf32, #tpu.memory_space<hbm>> -> memref<1x120x128xf32, #tpu.memory_space<hbm>>
      %dma_start3A_48 = tpu.memref_squeeze %dma_start3A_47 : memref<1x120x128xf32, #tpu.memory_space<hbm>> -> memref<120x128xf32, #tpu.memory_space<hbm>>
      %dma_start3A_49 = arith.constant 0 : i32
      %dma_start3A_50 = arith.constant 0 : i32
      %dma_start3A_51 = tpu.memref_slice %arg7[%dma_start3A_49, %dma_start3A_50] : memref<128x128xf32, #tpu.memory_space<vmem>> -> memref<120x128xf32, #tpu.memory_space<vmem>>
      tpu.enqueue_dma source(%dma_start3A_51 : memref<120x128xf32, #tpu.memory_space<vmem>>) target(%dma_start3A_48 : memref<120x128xf32, #tpu.memory_space<hbm>>) target_semaphore(%run_scoped3A : memref<!tpu.dma_semaphore, #tpu.memory_space<semaphore_mem>>)
      %dma_wait3A = arith.constant 0 : i32
      %dma_wait3A_52 = arith.constant 0 : i32
      %dma_wait3A_53 = tpu.memref_slice %arg7[%dma_wait3A, %dma_wait3A_52] : memref<128x128xf32, #tpu.memory_space<vmem>> -> memref<120x128xf32, #tpu.memory_space<vmem>>
      %dma_wait3A_54 = arith.constant 0 : i32
      %dma_wait3A_55 = tpu.memref_slice %arg5[%arg0, %add3A_40, %dma_wait3A_54] : memref<2x10112x128xf32, #tpu.memory_space<hbm>> -> memref<1x120x128xf32, #tpu.memory_space<hbm>>
      %dma_wait3A_56 = tpu.memref_squeeze %dma_wait3A_55 : memref<1x120x128xf32, #tpu.memory_space<hbm>> -> memref<120x128xf32, #tpu.memory_space<hbm>>
      %dma_wait3A_57 = arith.constant 0 : i32
      %dma_wait3A_58 = tpu.memref_slice %arg5[%arg0, %add3A_40, %dma_wait3A_57] : memref<2x10112x128xf32, #tpu.memory_space<hbm>> -> memref<1x120x128xf32, #tpu.memory_space<hbm>>
      %dma_wait3A_59 = tpu.memref_squeeze %dma_wait3A_58 : memref<1x120x128xf32, #tpu.memory_space<hbm>> -> memref<120x128xf32, #tpu.memory_space<hbm>>
      %dma_wait3A_60 = arith.constant 0 : i32
      %dma_wait3A_61 = arith.constant 0 : i32
      %dma_wait3A_62 = tpu.memref_slice %arg7[%dma_wait3A_60, %dma_wait3A_61] : memref<128x128xf32, #tpu.memory_space<vmem>> -> memref<120x128xf32, #tpu.memory_space<vmem>>
      tpu.wait_dma2 semaphore(%run_scoped3A : memref<!tpu.dma_semaphore, #tpu.memory_space<semaphore_mem>>) src(%dma_wait3A_62 : memref<120x128xf32, #tpu.memory_space<vmem>>) dst(%dma_wait3A_59 : memref<120x128xf32, #tpu.memory_space<hbm>>)
      tpu.yield
    }) : () -> ()
    return
  }
}

#map = affine_map<(d0, d1) -> (0, 0)>
#map1 = affine_map<(d0, d1) -> (0, 0, 0)>
module attributes {stable_mosaic.version = 14 : i64} {
  func.func @body(%arg0: i32, %arg1: i32, %arg2: memref<10000x128xf32, #tpu.memory_space<hbm>>, %arg3: memref<2x2560x128xi32, #tpu.memory_space<hbm>>, %arg4: memref<2560x128xi32, #tpu.memory_space<hbm>>, %arg5: memref<32x128xf32, #tpu.memory_space<hbm>>, %arg6: memref<2x10112x128xf32, #tpu.memory_space<hbm>>, %arg7: memref<2x128xi32, #tpu.memory_space<vmem>>, %arg8: memref<2x128xi32, #tpu.memory_space<vmem>>, %arg9: memref<256x128xf32, #tpu.memory_space<vmem>>, %arg10: memref<10112x128xf32, #tpu.memory_space<vmem_shared>>, %arg11: memref<!tpu.dma_semaphore, #tpu.memory_space<semaphore_mem>>, %arg12: memref<!tpu.dma_semaphore, #tpu.memory_space<semaphore_mem>>) attributes {dimension_semantics = [#tpu.dimension_semantics<core_parallel>, #tpu.dimension_semantics<subcore_parallel>], iteration_bounds = array<i64: 2, 16>, scalar_prefetch = 0 : i64, scratch_operands = 6 : i64, tpu.core_type = #tpu.core_type<sc_vector_subcore>, window_params = [{transform_indices = #map}, {transform_indices = #map1}, {transform_indices = #map}, {transform_indices = #map}, {transform_indices = #map1}]} {
    %mul3A = arith.constant 632 : i32
    %mul3A_0 = arith.muli %arg1, %mul3A : i32
    "tpu.region"() ({
      %run_scoped3A = tpu.sem_alloc : memref<!tpu.dma_semaphore, #tpu.memory_space<semaphore_mem>>
      %dma_start3A_124 = arith.constant 0 : i32
      %dma_start3A_125 = arith.constant 0 : i32
      %dma_start3A_126 = tpu.memref_slice %arg9[%dma_start3A_124, %dma_start3A_125] : memref<256x128xf32, #tpu.memory_space<vmem>> -> memref<32x128xf32, #tpu.memory_space<vmem>>
      %dma_start3A_127 = arith.constant 0 : i32
      %dma_start3A_128 = arith.constant 0 : i32
      %dma_start3A_129 = tpu.memref_slice %arg9[%dma_start3A_127, %dma_start3A_128] : memref<256x128xf32, #tpu.memory_space<vmem>> -> memref<32x128xf32, #tpu.memory_space<vmem>>
      tpu.enqueue_dma source(%arg5 : memref<32x128xf32, #tpu.memory_space<hbm>>) target(%dma_start3A_129 : memref<32x128xf32, #tpu.memory_space<vmem>>) target_semaphore(%run_scoped3A : memref<!tpu.dma_semaphore, #tpu.memory_space<semaphore_mem>>)
      %dma_wait3A_130 = arith.constant 0 : i32
      %dma_wait3A_131 = arith.constant 0 : i32
      %dma_wait3A_132 = tpu.memref_slice %arg9[%dma_wait3A_130, %dma_wait3A_131] : memref<256x128xf32, #tpu.memory_space<vmem>> -> memref<32x128xf32, #tpu.memory_space<vmem>>
      %dma_wait3A_133 = arith.constant 0 : i32
      %dma_wait3A_134 = arith.constant 0 : i32
      %dma_wait3A_135 = tpu.memref_slice %arg9[%dma_wait3A_133, %dma_wait3A_134] : memref<256x128xf32, #tpu.memory_space<vmem>> -> memref<32x128xf32, #tpu.memory_space<vmem>>
      tpu.wait_dma2 semaphore(%run_scoped3A : memref<!tpu.dma_semaphore, #tpu.memory_space<semaphore_mem>>) src(%arg5 : memref<32x128xf32, #tpu.memory_space<hbm>>) dst(%dma_wait3A_135 : memref<32x128xf32, #tpu.memory_space<vmem>>)
      tpu.yield
    }) : () -> ()
    "tpu.region"() ({
      %run_scoped3A = tpu.sem_alloc : memref<!tpu.dma_semaphore, #tpu.memory_space<semaphore_mem>>
      %dma_start3A_124 = arith.constant 32 : i32
      %dma_start3A_125 = arith.constant 0 : i32
      %dma_start3A_126 = tpu.memref_slice %arg9[%dma_start3A_124, %dma_start3A_125] : memref<256x128xf32, #tpu.memory_space<vmem>> -> memref<32x128xf32, #tpu.memory_space<vmem>>
      %dma_start3A_127 = arith.constant 32 : i32
      %dma_start3A_128 = arith.constant 0 : i32
      %dma_start3A_129 = tpu.memref_slice %arg9[%dma_start3A_127, %dma_start3A_128] : memref<256x128xf32, #tpu.memory_space<vmem>> -> memref<32x128xf32, #tpu.memory_space<vmem>>
      tpu.enqueue_dma source(%arg5 : memref<32x128xf32, #tpu.memory_space<hbm>>) target(%dma_start3A_129 : memref<32x128xf32, #tpu.memory_space<vmem>>) target_semaphore(%run_scoped3A : memref<!tpu.dma_semaphore, #tpu.memory_space<semaphore_mem>>)
      %dma_wait3A_130 = arith.constant 32 : i32
      %dma_wait3A_131 = arith.constant 0 : i32
      %dma_wait3A_132 = tpu.memref_slice %arg9[%dma_wait3A_130, %dma_wait3A_131] : memref<256x128xf32, #tpu.memory_space<vmem>> -> memref<32x128xf32, #tpu.memory_space<vmem>>
      %dma_wait3A_133 = arith.constant 32 : i32
      %dma_wait3A_134 = arith.constant 0 : i32
      %dma_wait3A_135 = tpu.memref_slice %arg9[%dma_wait3A_133, %dma_wait3A_134] : memref<256x128xf32, #tpu.memory_space<vmem>> -> memref<32x128xf32, #tpu.memory_space<vmem>>
      tpu.wait_dma2 semaphore(%run_scoped3A : memref<!tpu.dma_semaphore, #tpu.memory_space<semaphore_mem>>) src(%arg5 : memref<32x128xf32, #tpu.memory_space<hbm>>) dst(%dma_wait3A_135 : memref<32x128xf32, #tpu.memory_space<vmem>>)
      tpu.yield
    }) : () -> ()
    "tpu.region"() ({
      %run_scoped3A = tpu.sem_alloc : memref<!tpu.dma_semaphore, #tpu.memory_space<semaphore_mem>>
      %dma_start3A_124 = arith.constant 64 : i32
      %dma_start3A_125 = arith.constant 0 : i32
      %dma_start3A_126 = tpu.memref_slice %arg9[%dma_start3A_124, %dma_start3A_125] : memref<256x128xf32, #tpu.memory_space<vmem>> -> memref<32x128xf32, #tpu.memory_space<vmem>>
      %dma_start3A_127 = arith.constant 64 : i32
      %dma_start3A_128 = arith.constant 0 : i32
      %dma_start3A_129 = tpu.memref_slice %arg9[%dma_start3A_127, %dma_start3A_128] : memref<256x128xf32, #tpu.memory_space<vmem>> -> memref<32x128xf32, #tpu.memory_space<vmem>>
      tpu.enqueue_dma source(%arg5 : memref<32x128xf32, #tpu.memory_space<hbm>>) target(%dma_start3A_129 : memref<32x128xf32, #tpu.memory_space<vmem>>) target_semaphore(%run_scoped3A : memref<!tpu.dma_semaphore, #tpu.memory_space<semaphore_mem>>)
      %dma_wait3A_130 = arith.constant 64 : i32
      %dma_wait3A_131 = arith.constant 0 : i32
      %dma_wait3A_132 = tpu.memref_slice %arg9[%dma_wait3A_130, %dma_wait3A_131] : memref<256x128xf32, #tpu.memory_space<vmem>> -> memref<32x128xf32, #tpu.memory_space<vmem>>
      %dma_wait3A_133 = arith.constant 64 : i32
      %dma_wait3A_134 = arith.constant 0 : i32
      %dma_wait3A_135 = tpu.memref_slice %arg9[%dma_wait3A_133, %dma_wait3A_134] : memref<256x128xf32, #tpu.memory_space<vmem>> -> memref<32x128xf32, #tpu.memory_space<vmem>>
      tpu.wait_dma2 semaphore(%run_scoped3A : memref<!tpu.dma_semaphore, #tpu.memory_space<semaphore_mem>>) src(%arg5 : memref<32x128xf32, #tpu.memory_space<hbm>>) dst(%dma_wait3A_135 : memref<32x128xf32, #tpu.memory_space<vmem>>)
      tpu.yield
    }) : () -> ()
    "tpu.region"() ({
      %run_scoped3A = tpu.sem_alloc : memref<!tpu.dma_semaphore, #tpu.memory_space<semaphore_mem>>
      %dma_start3A_124 = arith.constant 96 : i32
      %dma_start3A_125 = arith.constant 0 : i32
      %dma_start3A_126 = tpu.memref_slice %arg9[%dma_start3A_124, %dma_start3A_125] : memref<256x128xf32, #tpu.memory_space<vmem>> -> memref<32x128xf32, #tpu.memory_space<vmem>>
      %dma_start3A_127 = arith.constant 96 : i32
      %dma_start3A_128 = arith.constant 0 : i32
      %dma_start3A_129 = tpu.memref_slice %arg9[%dma_start3A_127, %dma_start3A_128] : memref<256x128xf32, #tpu.memory_space<vmem>> -> memref<32x128xf32, #tpu.memory_space<vmem>>
      tpu.enqueue_dma source(%arg5 : memref<32x128xf32, #tpu.memory_space<hbm>>) target(%dma_start3A_129 : memref<32x128xf32, #tpu.memory_space<vmem>>) target_semaphore(%run_scoped3A : memref<!tpu.dma_semaphore, #tpu.memory_space<semaphore_mem>>)
      %dma_wait3A_130 = arith.constant 96 : i32
      %dma_wait3A_131 = arith.constant 0 : i32
      %dma_wait3A_132 = tpu.memref_slice %arg9[%dma_wait3A_130, %dma_wait3A_131] : memref<256x128xf32, #tpu.memory_space<vmem>> -> memref<32x128xf32, #tpu.memory_space<vmem>>
      %dma_wait3A_133 = arith.constant 96 : i32
      %dma_wait3A_134 = arith.constant 0 : i32
      %dma_wait3A_135 = tpu.memref_slice %arg9[%dma_wait3A_133, %dma_wait3A_134] : memref<256x128xf32, #tpu.memory_space<vmem>> -> memref<32x128xf32, #tpu.memory_space<vmem>>
      tpu.wait_dma2 semaphore(%run_scoped3A : memref<!tpu.dma_semaphore, #tpu.memory_space<semaphore_mem>>) src(%arg5 : memref<32x128xf32, #tpu.memory_space<hbm>>) dst(%dma_wait3A_135 : memref<32x128xf32, #tpu.memory_space<vmem>>)
      tpu.yield
    }) : () -> ()
    %add3A = arith.constant 0 : i32
    %add3A_1 = arith.addi %mul3A_0, %add3A : i32
    "tpu.region"() ({
      %run_scoped3A = tpu.sem_alloc : memref<!tpu.dma_semaphore, #tpu.memory_space<semaphore_mem>>
      %dma_start3A_124 = arith.constant 0 : i32
      %dma_start3A_125 = arith.constant 0 : i32
      %dma_start3A_126 = tpu.memref_slice %arg9[%dma_start3A_124, %dma_start3A_125] : memref<256x128xf32, #tpu.memory_space<vmem>> -> memref<128x128xf32, #tpu.memory_space<vmem>>
      %dma_start3A_127 = arith.constant 0 : i32
      %dma_start3A_128 = tpu.memref_slice %arg10[%add3A_1, %dma_start3A_127] : memref<10112x128xf32, #tpu.memory_space<vmem_shared>> -> memref<128x128xf32, #tpu.memory_space<vmem_shared>>
      %dma_start3A_129 = arith.constant 0 : i32
      %dma_start3A_130 = tpu.memref_slice %arg10[%add3A_1, %dma_start3A_129] : memref<10112x128xf32, #tpu.memory_space<vmem_shared>> -> memref<128x128xf32, #tpu.memory_space<vmem_shared>>
      %dma_start3A_131 = arith.constant 0 : i32
      %dma_start3A_132 = arith.constant 0 : i32
      %dma_start3A_133 = tpu.memref_slice %arg9[%dma_start3A_131, %dma_start3A_132] : memref<256x128xf32, #tpu.memory_space<vmem>> -> memref<128x128xf32, #tpu.memory_space<vmem>>
      tpu.enqueue_dma source(%dma_start3A_133 : memref<128x128xf32, #tpu.memory_space<vmem>>) target(%dma_start3A_130 : memref<128x128xf32, #tpu.memory_space<vmem_shared>>) target_semaphore(%run_scoped3A : memref<!tpu.dma_semaphore, #tpu.memory_space<semaphore_mem>>)
      %dma_wait3A_134 = arith.constant 0 : i32
      %dma_wait3A_135 = arith.constant 0 : i32
      %dma_wait3A_136 = tpu.memref_slice %arg9[%dma_wait3A_134, %dma_wait3A_135] : memref<256x128xf32, #tpu.memory_space<vmem>> -> memref<128x128xf32, #tpu.memory_space<vmem>>
      %dma_wait3A_137 = arith.constant 0 : i32
      %dma_wait3A_138 = tpu.memref_slice %arg10[%add3A_1, %dma_wait3A_137] : memref<10112x128xf32, #tpu.memory_space<vmem_shared>> -> memref<128x128xf32, #tpu.memory_space<vmem_shared>>
      %dma_wait3A_139 = arith.constant 0 : i32
      %dma_wait3A_140 = tpu.memref_slice %arg10[%add3A_1, %dma_wait3A_139] : memref<10112x128xf32, #tpu.memory_space<vmem_shared>> -> memref<128x128xf32, #tpu.memory_space<vmem_shared>>
      %dma_wait3A_141 = arith.constant 0 : i32
      %dma_wait3A_142 = arith.constant 0 : i32
      %dma_wait3A_143 = tpu.memref_slice %arg9[%dma_wait3A_141, %dma_wait3A_142] : memref<256x128xf32, #tpu.memory_space<vmem>> -> memref<128x128xf32, #tpu.memory_space<vmem>>
      tpu.wait_dma2 semaphore(%run_scoped3A : memref<!tpu.dma_semaphore, #tpu.memory_space<semaphore_mem>>) src(%dma_wait3A_143 : memref<128x128xf32, #tpu.memory_space<vmem>>) dst(%dma_wait3A_140 : memref<128x128xf32, #tpu.memory_space<vmem_shared>>)
      tpu.yield
    }) : () -> ()
    %add3A_2 = arith.constant 128 : i32
    %add3A_3 = arith.addi %mul3A_0, %add3A_2 : i32
    "tpu.region"() ({
      %run_scoped3A = tpu.sem_alloc : memref<!tpu.dma_semaphore, #tpu.memory_space<semaphore_mem>>
      %dma_start3A_124 = arith.constant 0 : i32
      %dma_start3A_125 = arith.constant 0 : i32
      %dma_start3A_126 = tpu.memref_slice %arg9[%dma_start3A_124, %dma_start3A_125] : memref<256x128xf32, #tpu.memory_space<vmem>> -> memref<128x128xf32, #tpu.memory_space<vmem>>
      %dma_start3A_127 = arith.constant 0 : i32
      %dma_start3A_128 = tpu.memref_slice %arg10[%add3A_3, %dma_start3A_127] : memref<10112x128xf32, #tpu.memory_space<vmem_shared>> -> memref<128x128xf32, #tpu.memory_space<vmem_shared>>
      %dma_start3A_129 = arith.constant 0 : i32
      %dma_start3A_130 = tpu.memref_slice %arg10[%add3A_3, %dma_start3A_129] : memref<10112x128xf32, #tpu.memory_space<vmem_shared>> -> memref<128x128xf32, #tpu.memory_space<vmem_shared>>
      %dma_start3A_131 = arith.constant 0 : i32
      %dma_start3A_132 = arith.constant 0 : i32
      %dma_start3A_133 = tpu.memref_slice %arg9[%dma_start3A_131, %dma_start3A_132] : memref<256x128xf32, #tpu.memory_space<vmem>> -> memref<128x128xf32, #tpu.memory_space<vmem>>
      tpu.enqueue_dma source(%dma_start3A_133 : memref<128x128xf32, #tpu.memory_space<vmem>>) target(%dma_start3A_130 : memref<128x128xf32, #tpu.memory_space<vmem_shared>>) target_semaphore(%run_scoped3A : memref<!tpu.dma_semaphore, #tpu.memory_space<semaphore_mem>>)
      %dma_wait3A_134 = arith.constant 0 : i32
      %dma_wait3A_135 = arith.constant 0 : i32
      %dma_wait3A_136 = tpu.memref_slice %arg9[%dma_wait3A_134, %dma_wait3A_135] : memref<256x128xf32, #tpu.memory_space<vmem>> -> memref<128x128xf32, #tpu.memory_space<vmem>>
      %dma_wait3A_137 = arith.constant 0 : i32
      %dma_wait3A_138 = tpu.memref_slice %arg10[%add3A_3, %dma_wait3A_137] : memref<10112x128xf32, #tpu.memory_space<vmem_shared>> -> memref<128x128xf32, #tpu.memory_space<vmem_shared>>
      %dma_wait3A_139 = arith.constant 0 : i32
      %dma_wait3A_140 = tpu.memref_slice %arg10[%add3A_3, %dma_wait3A_139] : memref<10112x128xf32, #tpu.memory_space<vmem_shared>> -> memref<128x128xf32, #tpu.memory_space<vmem_shared>>
      %dma_wait3A_141 = arith.constant 0 : i32
      %dma_wait3A_142 = arith.constant 0 : i32
      %dma_wait3A_143 = tpu.memref_slice %arg9[%dma_wait3A_141, %dma_wait3A_142] : memref<256x128xf32, #tpu.memory_space<vmem>> -> memref<128x128xf32, #tpu.memory_space<vmem>>
      tpu.wait_dma2 semaphore(%run_scoped3A : memref<!tpu.dma_semaphore, #tpu.memory_space<semaphore_mem>>) src(%dma_wait3A_143 : memref<128x128xf32, #tpu.memory_space<vmem>>) dst(%dma_wait3A_140 : memref<128x128xf32, #tpu.memory_space<vmem_shared>>)
      tpu.yield
    }) : () -> ()
    %add3A_4 = arith.constant 256 : i32
    %add3A_5 = arith.addi %mul3A_0, %add3A_4 : i32
    "tpu.region"() ({
      %run_scoped3A = tpu.sem_alloc : memref<!tpu.dma_semaphore, #tpu.memory_space<semaphore_mem>>
      %dma_start3A_124 = arith.constant 0 : i32
      %dma_start3A_125 = arith.constant 0 : i32
      %dma_start3A_126 = tpu.memref_slice %arg9[%dma_start3A_124, %dma_start3A_125] : memref<256x128xf32, #tpu.memory_space<vmem>> -> memref<128x128xf32, #tpu.memory_space<vmem>>
      %dma_start3A_127 = arith.constant 0 : i32
      %dma_start3A_128 = tpu.memref_slice %arg10[%add3A_5, %dma_start3A_127] : memref<10112x128xf32, #tpu.memory_space<vmem_shared>> -> memref<128x128xf32, #tpu.memory_space<vmem_shared>>
      %dma_start3A_129 = arith.constant 0 : i32
      %dma_start3A_130 = tpu.memref_slice %arg10[%add3A_5, %dma_start3A_129] : memref<10112x128xf32, #tpu.memory_space<vmem_shared>> -> memref<128x128xf32, #tpu.memory_space<vmem_shared>>
      %dma_start3A_131 = arith.constant 0 : i32
      %dma_start3A_132 = arith.constant 0 : i32
      %dma_start3A_133 = tpu.memref_slice %arg9[%dma_start3A_131, %dma_start3A_132] : memref<256x128xf32, #tpu.memory_space<vmem>> -> memref<128x128xf32, #tpu.memory_space<vmem>>
      tpu.enqueue_dma source(%dma_start3A_133 : memref<128x128xf32, #tpu.memory_space<vmem>>) target(%dma_start3A_130 : memref<128x128xf32, #tpu.memory_space<vmem_shared>>) target_semaphore(%run_scoped3A : memref<!tpu.dma_semaphore, #tpu.memory_space<semaphore_mem>>)
      %dma_wait3A_134 = arith.constant 0 : i32
      %dma_wait3A_135 = arith.constant 0 : i32
      %dma_wait3A_136 = tpu.memref_slice %arg9[%dma_wait3A_134, %dma_wait3A_135] : memref<256x128xf32, #tpu.memory_space<vmem>> -> memref<128x128xf32, #tpu.memory_space<vmem>>
      %dma_wait3A_137 = arith.constant 0 : i32
      %dma_wait3A_138 = tpu.memref_slice %arg10[%add3A_5, %dma_wait3A_137] : memref<10112x128xf32, #tpu.memory_space<vmem_shared>> -> memref<128x128xf32, #tpu.memory_space<vmem_shared>>
      %dma_wait3A_139 = arith.constant 0 : i32
      %dma_wait3A_140 = tpu.memref_slice %arg10[%add3A_5, %dma_wait3A_139] : memref<10112x128xf32, #tpu.memory_space<vmem_shared>> -> memref<128x128xf32, #tpu.memory_space<vmem_shared>>
      %dma_wait3A_141 = arith.constant 0 : i32
      %dma_wait3A_142 = arith.constant 0 : i32
      %dma_wait3A_143 = tpu.memref_slice %arg9[%dma_wait3A_141, %dma_wait3A_142] : memref<256x128xf32, #tpu.memory_space<vmem>> -> memref<128x128xf32, #tpu.memory_space<vmem>>
      tpu.wait_dma2 semaphore(%run_scoped3A : memref<!tpu.dma_semaphore, #tpu.memory_space<semaphore_mem>>) src(%dma_wait3A_143 : memref<128x128xf32, #tpu.memory_space<vmem>>) dst(%dma_wait3A_140 : memref<128x128xf32, #tpu.memory_space<vmem_shared>>)
      tpu.yield
    }) : () -> ()
    %add3A_6 = arith.constant 384 : i32
    %add3A_7 = arith.addi %mul3A_0, %add3A_6 : i32
    "tpu.region"() ({
      %run_scoped3A = tpu.sem_alloc : memref<!tpu.dma_semaphore, #tpu.memory_space<semaphore_mem>>
      %dma_start3A_124 = arith.constant 0 : i32
      %dma_start3A_125 = arith.constant 0 : i32
      %dma_start3A_126 = tpu.memref_slice %arg9[%dma_start3A_124, %dma_start3A_125] : memref<256x128xf32, #tpu.memory_space<vmem>> -> memref<128x128xf32, #tpu.memory_space<vmem>>
      %dma_start3A_127 = arith.constant 0 : i32
      %dma_start3A_128 = tpu.memref_slice %arg10[%add3A_7, %dma_start3A_127] : memref<10112x128xf32, #tpu.memory_space<vmem_shared>> -> memref<128x128xf32, #tpu.memory_space<vmem_shared>>
      %dma_start3A_129 = arith.constant 0 : i32
      %dma_start3A_130 = tpu.memref_slice %arg10[%add3A_7, %dma_start3A_129] : memref<10112x128xf32, #tpu.memory_space<vmem_shared>> -> memref<128x128xf32, #tpu.memory_space<vmem_shared>>
      %dma_start3A_131 = arith.constant 0 : i32
      %dma_start3A_132 = arith.constant 0 : i32
      %dma_start3A_133 = tpu.memref_slice %arg9[%dma_start3A_131, %dma_start3A_132] : memref<256x128xf32, #tpu.memory_space<vmem>> -> memref<128x128xf32, #tpu.memory_space<vmem>>
      tpu.enqueue_dma source(%dma_start3A_133 : memref<128x128xf32, #tpu.memory_space<vmem>>) target(%dma_start3A_130 : memref<128x128xf32, #tpu.memory_space<vmem_shared>>) target_semaphore(%run_scoped3A : memref<!tpu.dma_semaphore, #tpu.memory_space<semaphore_mem>>)
      %dma_wait3A_134 = arith.constant 0 : i32
      %dma_wait3A_135 = arith.constant 0 : i32
      %dma_wait3A_136 = tpu.memref_slice %arg9[%dma_wait3A_134, %dma_wait3A_135] : memref<256x128xf32, #tpu.memory_space<vmem>> -> memref<128x128xf32, #tpu.memory_space<vmem>>
      %dma_wait3A_137 = arith.constant 0 : i32
      %dma_wait3A_138 = tpu.memref_slice %arg10[%add3A_7, %dma_wait3A_137] : memref<10112x128xf32, #tpu.memory_space<vmem_shared>> -> memref<128x128xf32, #tpu.memory_space<vmem_shared>>
      %dma_wait3A_139 = arith.constant 0 : i32
      %dma_wait3A_140 = tpu.memref_slice %arg10[%add3A_7, %dma_wait3A_139] : memref<10112x128xf32, #tpu.memory_space<vmem_shared>> -> memref<128x128xf32, #tpu.memory_space<vmem_shared>>
      %dma_wait3A_141 = arith.constant 0 : i32
      %dma_wait3A_142 = arith.constant 0 : i32
      %dma_wait3A_143 = tpu.memref_slice %arg9[%dma_wait3A_141, %dma_wait3A_142] : memref<256x128xf32, #tpu.memory_space<vmem>> -> memref<128x128xf32, #tpu.memory_space<vmem>>
      tpu.wait_dma2 semaphore(%run_scoped3A : memref<!tpu.dma_semaphore, #tpu.memory_space<semaphore_mem>>) src(%dma_wait3A_143 : memref<128x128xf32, #tpu.memory_space<vmem>>) dst(%dma_wait3A_140 : memref<128x128xf32, #tpu.memory_space<vmem_shared>>)
      tpu.yield
    }) : () -> ()
    %add3A_8 = arith.constant 512 : i32
    %add3A_9 = arith.addi %mul3A_0, %add3A_8 : i32
    "tpu.region"() ({
      %run_scoped3A = tpu.sem_alloc : memref<!tpu.dma_semaphore, #tpu.memory_space<semaphore_mem>>
      %dma_start3A_124 = arith.constant 0 : i32
      %dma_start3A_125 = arith.constant 0 : i32
      %dma_start3A_126 = tpu.memref_slice %arg9[%dma_start3A_124, %dma_start3A_125] : memref<256x128xf32, #tpu.memory_space<vmem>> -> memref<120x128xf32, #tpu.memory_space<vmem>>
      %dma_start3A_127 = arith.constant 0 : i32
      %dma_start3A_128 = tpu.memref_slice %arg10[%add3A_9, %dma_start3A_127] : memref<10112x128xf32, #tpu.memory_space<vmem_shared>> -> memref<120x128xf32, #tpu.memory_space<vmem_shared>>
      %dma_start3A_129 = arith.constant 0 : i32
      %dma_start3A_130 = tpu.memref_slice %arg10[%add3A_9, %dma_start3A_129] : memref<10112x128xf32, #tpu.memory_space<vmem_shared>> -> memref<120x128xf32, #tpu.memory_space<vmem_shared>>
      %dma_start3A_131 = arith.constant 0 : i32
      %dma_start3A_132 = arith.constant 0 : i32
      %dma_start3A_133 = tpu.memref_slice %arg9[%dma_start3A_131, %dma_start3A_132] : memref<256x128xf32, #tpu.memory_space<vmem>> -> memref<120x128xf32, #tpu.memory_space<vmem>>
      tpu.enqueue_dma source(%dma_start3A_133 : memref<120x128xf32, #tpu.memory_space<vmem>>) target(%dma_start3A_130 : memref<120x128xf32, #tpu.memory_space<vmem_shared>>) target_semaphore(%run_scoped3A : memref<!tpu.dma_semaphore, #tpu.memory_space<semaphore_mem>>)
      %dma_wait3A_134 = arith.constant 0 : i32
      %dma_wait3A_135 = arith.constant 0 : i32
      %dma_wait3A_136 = tpu.memref_slice %arg9[%dma_wait3A_134, %dma_wait3A_135] : memref<256x128xf32, #tpu.memory_space<vmem>> -> memref<120x128xf32, #tpu.memory_space<vmem>>
      %dma_wait3A_137 = arith.constant 0 : i32
      %dma_wait3A_138 = tpu.memref_slice %arg10[%add3A_9, %dma_wait3A_137] : memref<10112x128xf32, #tpu.memory_space<vmem_shared>> -> memref<120x128xf32, #tpu.memory_space<vmem_shared>>
      %dma_wait3A_139 = arith.constant 0 : i32
      %dma_wait3A_140 = tpu.memref_slice %arg10[%add3A_9, %dma_wait3A_139] : memref<10112x128xf32, #tpu.memory_space<vmem_shared>> -> memref<120x128xf32, #tpu.memory_space<vmem_shared>>
      %dma_wait3A_141 = arith.constant 0 : i32
      %dma_wait3A_142 = arith.constant 0 : i32
      %dma_wait3A_143 = tpu.memref_slice %arg9[%dma_wait3A_141, %dma_wait3A_142] : memref<256x128xf32, #tpu.memory_space<vmem>> -> memref<120x128xf32, #tpu.memory_space<vmem>>
      tpu.wait_dma2 semaphore(%run_scoped3A : memref<!tpu.dma_semaphore, #tpu.memory_space<semaphore_mem>>) src(%dma_wait3A_143 : memref<120x128xf32, #tpu.memory_space<vmem>>) dst(%dma_wait3A_140 : memref<120x128xf32, #tpu.memory_space<vmem_shared>>)
      tpu.yield
    }) : () -> ()
    %barrier3A = arith.constant 0 : index
    tpu.barrier barrier_id(%barrier3A)
    %mul3A_10 = arith.constant 80 : i32
    %mul3A_11 = arith.muli %arg1, %mul3A_10 : i32
    %mul3A_12 = arith.constant 1280 : i32
    %mul3A_13 = arith.muli %arg0, %mul3A_12 : i32
    %add3A_14 = arith.addi %mul3A_11, %mul3A_13 : i32
    %add3A_15 = arith.constant 80 : i32
    %add3A_16 = arith.addi %add3A_14, %add3A_15 : i32
    %sub3A = arith.constant 1 : i32
    %sub3A_17 = arith.subi %add3A_16, %sub3A : i32
    "tpu.region"() ({
      %run_scoped3A = tpu.sem_alloc : memref<!tpu.dma_semaphore, #tpu.memory_space<semaphore_mem>>
      %dma_start3A_124 = arith.constant 0 : i32
      %dma_start3A_125 = arith.constant 0 : i32
      %dma_start3A_126 = tpu.memref_slice %arg7[%dma_start3A_124, %dma_start3A_125] : memref<2x128xi32, #tpu.memory_space<vmem>> -> memref<1x128xi32, #tpu.memory_space<vmem>>
      %dma_start3A_127 = arith.constant 0 : i32
      %dma_start3A_128 = tpu.memref_slice %arg3[%arg0, %add3A_14, %dma_start3A_127] : memref<2x2560x128xi32, #tpu.memory_space<hbm>> -> memref<1x1x128xi32, #tpu.memory_space<hbm>>
      %dma_start3A_129 = tpu.memref_squeeze %dma_start3A_128 : memref<1x1x128xi32, #tpu.memory_space<hbm>> -> memref<1x128xi32, #tpu.memory_space<hbm>>
      %dma_start3A_130 = arith.constant 0 : i32
      %dma_start3A_131 = arith.constant 0 : i32
      %dma_start3A_132 = tpu.memref_slice %arg7[%dma_start3A_130, %dma_start3A_131] : memref<2x128xi32, #tpu.memory_space<vmem>> -> memref<1x128xi32, #tpu.memory_space<vmem>>
      %dma_start3A_133 = arith.constant 0 : i32
      %dma_start3A_134 = tpu.memref_slice %arg3[%arg0, %add3A_14, %dma_start3A_133] : memref<2x2560x128xi32, #tpu.memory_space<hbm>> -> memref<1x1x128xi32, #tpu.memory_space<hbm>>
      %dma_start3A_135 = tpu.memref_squeeze %dma_start3A_134 : memref<1x1x128xi32, #tpu.memory_space<hbm>> -> memref<1x128xi32, #tpu.memory_space<hbm>>
      tpu.enqueue_dma source(%dma_start3A_135 : memref<1x128xi32, #tpu.memory_space<hbm>>) target(%dma_start3A_132 : memref<1x128xi32, #tpu.memory_space<vmem>>) target_semaphore(%run_scoped3A : memref<!tpu.dma_semaphore, #tpu.memory_space<semaphore_mem>>)
      %dma_wait3A_136 = arith.constant 0 : i32
      %dma_wait3A_137 = arith.constant 0 : i32
      %dma_wait3A_138 = tpu.memref_slice %arg7[%dma_wait3A_136, %dma_wait3A_137] : memref<2x128xi32, #tpu.memory_space<vmem>> -> memref<1x128xi32, #tpu.memory_space<vmem>>
      %dma_wait3A_139 = arith.constant 0 : i32
      %dma_wait3A_140 = tpu.memref_slice %arg3[%arg0, %add3A_14, %dma_wait3A_139] : memref<2x2560x128xi32, #tpu.memory_space<hbm>> -> memref<1x1x128xi32, #tpu.memory_space<hbm>>
      %dma_wait3A_141 = tpu.memref_squeeze %dma_wait3A_140 : memref<1x1x128xi32, #tpu.memory_space<hbm>> -> memref<1x128xi32, #tpu.memory_space<hbm>>
      %dma_wait3A_142 = arith.constant 0 : i32
      %dma_wait3A_143 = arith.constant 0 : i32
      %dma_wait3A_144 = tpu.memref_slice %arg7[%dma_wait3A_142, %dma_wait3A_143] : memref<2x128xi32, #tpu.memory_space<vmem>> -> memref<1x128xi32, #tpu.memory_space<vmem>>
      %dma_wait3A_145 = arith.constant 0 : i32
      %dma_wait3A_146 = tpu.memref_slice %arg3[%arg0, %add3A_14, %dma_wait3A_145] : memref<2x2560x128xi32, #tpu.memory_space<hbm>> -> memref<1x1x128xi32, #tpu.memory_space<hbm>>
      %dma_wait3A_147 = tpu.memref_squeeze %dma_wait3A_146 : memref<1x1x128xi32, #tpu.memory_space<hbm>> -> memref<1x128xi32, #tpu.memory_space<hbm>>
      tpu.wait_dma2 semaphore(%run_scoped3A : memref<!tpu.dma_semaphore, #tpu.memory_space<semaphore_mem>>) src(%dma_wait3A_147 : memref<1x128xi32, #tpu.memory_space<hbm>>) dst(%dma_wait3A_144 : memref<1x128xi32, #tpu.memory_space<vmem>>)
      tpu.yield
    }) : () -> ()
    "tpu.region"() ({
      %run_scoped3A = tpu.sem_alloc : memref<!tpu.dma_semaphore, #tpu.memory_space<semaphore_mem>>
      %dma_start3A_124 = arith.constant 0 : i32
      %dma_start3A_125 = arith.constant 0 : i32
      %dma_start3A_126 = tpu.memref_slice %arg8[%dma_start3A_124, %dma_start3A_125] : memref<2x128xi32, #tpu.memory_space<vmem>> -> memref<1x128xi32, #tpu.memory_space<vmem>>
      %dma_start3A_127 = arith.constant 0 : i32
      %dma_start3A_128 = tpu.memref_slice %arg4[%add3A_14, %dma_start3A_127] : memref<2560x128xi32, #tpu.memory_space<hbm>> -> memref<1x128xi32, #tpu.memory_space<hbm>>
      %dma_start3A_129 = arith.constant 0 : i32
      %dma_start3A_130 = arith.constant 0 : i32
      %dma_start3A_131 = tpu.memref_slice %arg8[%dma_start3A_129, %dma_start3A_130] : memref<2x128xi32, #tpu.memory_space<vmem>> -> memref<1x128xi32, #tpu.memory_space<vmem>>
      %dma_start3A_132 = arith.constant 0 : i32
      %dma_start3A_133 = tpu.memref_slice %arg4[%add3A_14, %dma_start3A_132] : memref<2560x128xi32, #tpu.memory_space<hbm>> -> memref<1x128xi32, #tpu.memory_space<hbm>>
      tpu.enqueue_dma source(%dma_start3A_133 : memref<1x128xi32, #tpu.memory_space<hbm>>) target(%dma_start3A_131 : memref<1x128xi32, #tpu.memory_space<vmem>>) target_semaphore(%run_scoped3A : memref<!tpu.dma_semaphore, #tpu.memory_space<semaphore_mem>>)
      %dma_wait3A_134 = arith.constant 0 : i32
      %dma_wait3A_135 = arith.constant 0 : i32
      %dma_wait3A_136 = tpu.memref_slice %arg8[%dma_wait3A_134, %dma_wait3A_135] : memref<2x128xi32, #tpu.memory_space<vmem>> -> memref<1x128xi32, #tpu.memory_space<vmem>>
      %dma_wait3A_137 = arith.constant 0 : i32
      %dma_wait3A_138 = tpu.memref_slice %arg4[%add3A_14, %dma_wait3A_137] : memref<2560x128xi32, #tpu.memory_space<hbm>> -> memref<1x128xi32, #tpu.memory_space<hbm>>
      %dma_wait3A_139 = arith.constant 0 : i32
      %dma_wait3A_140 = arith.constant 0 : i32
      %dma_wait3A_141 = tpu.memref_slice %arg8[%dma_wait3A_139, %dma_wait3A_140] : memref<2x128xi32, #tpu.memory_space<vmem>> -> memref<1x128xi32, #tpu.memory_space<vmem>>
      %dma_wait3A_142 = arith.constant 0 : i32
      %dma_wait3A_143 = tpu.memref_slice %arg4[%add3A_14, %dma_wait3A_142] : memref<2560x128xi32, #tpu.memory_space<hbm>> -> memref<1x128xi32, #tpu.memory_space<hbm>>
      tpu.wait_dma2 semaphore(%run_scoped3A : memref<!tpu.dma_semaphore, #tpu.memory_space<semaphore_mem>>) src(%dma_wait3A_143 : memref<1x128xi32, #tpu.memory_space<hbm>>) dst(%dma_wait3A_141 : memref<1x128xi32, #tpu.memory_space<vmem>>)
      tpu.yield
    }) : () -> ()
    %dma_start3A = arith.constant 0 : i32
    %dma_start3A_18 = arith.constant 0 : i32
    %dma_start3A_19 = arith.constant 0 : i32
    %dma_start3A_20 = tpu.memref_slice %arg9[%dma_start3A_18, %dma_start3A_19] : memref<256x128xf32, #tpu.memory_space<vmem>> -> memref<128x128xf32, #tpu.memory_space<vmem>>
    %dma_start3A_21 = arith.constant 0 : i32
    %dma_start3A_22 = tpu.memref_slice %arg7[%dma_start3A, %dma_start3A_21] : memref<2x128xi32, #tpu.memory_space<vmem>> -> memref<1x128xi32, #tpu.memory_space<vmem>>
    %dma_start3A_23 = tpu.memref_squeeze %dma_start3A_22 : memref<1x128xi32, #tpu.memory_space<vmem>> -> memref<128xi32, #tpu.memory_space<vmem>>
    %dma_start3A_24 = arith.constant 0 : i32
    %dma_start3A_25 = arith.constant 0 : i32
    %dma_start3A_26 = tpu.memref_slice %arg2[%dma_start3A_24, %dma_start3A_25] : memref<10000x128xf32, #tpu.memory_space<hbm>> -> memref<10000x128xf32, #tpu.memory_space<hbm>>
    tpu.enqueue_indirect_dma source(%dma_start3A_26 : memref<10000x128xf32, #tpu.memory_space<hbm>>) target(%dma_start3A_20 : memref<128x128xf32, #tpu.memory_space<vmem>>) offsets(%dma_start3A_23 : memref<128xi32, #tpu.memory_space<vmem>>) semaphore(%arg11 : memref<!tpu.dma_semaphore, #tpu.memory_space<semaphore_mem>>)
    %add3A_27 = arith.constant 1 : i32
    %add3A_28 = arith.addi %add3A_14, %add3A_27 : i32
    "tpu.region"() ({
      %run_scoped3A = tpu.sem_alloc : memref<!tpu.dma_semaphore, #tpu.memory_space<semaphore_mem>>
      %dma_start3A_124 = arith.constant 1 : i32
      %dma_start3A_125 = arith.constant 0 : i32
      %dma_start3A_126 = tpu.memref_slice %arg7[%dma_start3A_124, %dma_start3A_125] : memref<2x128xi32, #tpu.memory_space<vmem>> -> memref<1x128xi32, #tpu.memory_space<vmem>>
      %dma_start3A_127 = arith.constant 0 : i32
      %dma_start3A_128 = tpu.memref_slice %arg3[%arg0, %add3A_28, %dma_start3A_127] : memref<2x2560x128xi32, #tpu.memory_space<hbm>> -> memref<1x1x128xi32, #tpu.memory_space<hbm>>
      %dma_start3A_129 = tpu.memref_squeeze %dma_start3A_128 : memref<1x1x128xi32, #tpu.memory_space<hbm>> -> memref<1x128xi32, #tpu.memory_space<hbm>>
      %dma_start3A_130 = arith.constant 1 : i32
      %dma_start3A_131 = arith.constant 0 : i32
      %dma_start3A_132 = tpu.memref_slice %arg7[%dma_start3A_130, %dma_start3A_131] : memref<2x128xi32, #tpu.memory_space<vmem>> -> memref<1x128xi32, #tpu.memory_space<vmem>>
      %dma_start3A_133 = arith.constant 0 : i32
      %dma_start3A_134 = tpu.memref_slice %arg3[%arg0, %add3A_28, %dma_start3A_133] : memref<2x2560x128xi32, #tpu.memory_space<hbm>> -> memref<1x1x128xi32, #tpu.memory_space<hbm>>
      %dma_start3A_135 = tpu.memref_squeeze %dma_start3A_134 : memref<1x1x128xi32, #tpu.memory_space<hbm>> -> memref<1x128xi32, #tpu.memory_space<hbm>>
      tpu.enqueue_dma source(%dma_start3A_135 : memref<1x128xi32, #tpu.memory_space<hbm>>) target(%dma_start3A_132 : memref<1x128xi32, #tpu.memory_space<vmem>>) target_semaphore(%run_scoped3A : memref<!tpu.dma_semaphore, #tpu.memory_space<semaphore_mem>>)
      %dma_wait3A_136 = arith.constant 1 : i32
      %dma_wait3A_137 = arith.constant 0 : i32
      %dma_wait3A_138 = tpu.memref_slice %arg7[%dma_wait3A_136, %dma_wait3A_137] : memref<2x128xi32, #tpu.memory_space<vmem>> -> memref<1x128xi32, #tpu.memory_space<vmem>>
      %dma_wait3A_139 = arith.constant 0 : i32
      %dma_wait3A_140 = tpu.memref_slice %arg3[%arg0, %add3A_28, %dma_wait3A_139] : memref<2x2560x128xi32, #tpu.memory_space<hbm>> -> memref<1x1x128xi32, #tpu.memory_space<hbm>>
      %dma_wait3A_141 = tpu.memref_squeeze %dma_wait3A_140 : memref<1x1x128xi32, #tpu.memory_space<hbm>> -> memref<1x128xi32, #tpu.memory_space<hbm>>
      %dma_wait3A_142 = arith.constant 1 : i32
      %dma_wait3A_143 = arith.constant 0 : i32
      %dma_wait3A_144 = tpu.memref_slice %arg7[%dma_wait3A_142, %dma_wait3A_143] : memref<2x128xi32, #tpu.memory_space<vmem>> -> memref<1x128xi32, #tpu.memory_space<vmem>>
      %dma_wait3A_145 = arith.constant 0 : i32
      %dma_wait3A_146 = tpu.memref_slice %arg3[%arg0, %add3A_28, %dma_wait3A_145] : memref<2x2560x128xi32, #tpu.memory_space<hbm>> -> memref<1x1x128xi32, #tpu.memory_space<hbm>>
      %dma_wait3A_147 = tpu.memref_squeeze %dma_wait3A_146 : memref<1x1x128xi32, #tpu.memory_space<hbm>> -> memref<1x128xi32, #tpu.memory_space<hbm>>
      tpu.wait_dma2 semaphore(%run_scoped3A : memref<!tpu.dma_semaphore, #tpu.memory_space<semaphore_mem>>) src(%dma_wait3A_147 : memref<1x128xi32, #tpu.memory_space<hbm>>) dst(%dma_wait3A_144 : memref<1x128xi32, #tpu.memory_space<vmem>>)
      tpu.yield
    }) : () -> ()
    "tpu.region"() ({
      %run_scoped3A = tpu.sem_alloc : memref<!tpu.dma_semaphore, #tpu.memory_space<semaphore_mem>>
      %dma_start3A_124 = arith.constant 1 : i32
      %dma_start3A_125 = arith.constant 0 : i32
      %dma_start3A_126 = tpu.memref_slice %arg8[%dma_start3A_124, %dma_start3A_125] : memref<2x128xi32, #tpu.memory_space<vmem>> -> memref<1x128xi32, #tpu.memory_space<vmem>>
      %dma_start3A_127 = arith.constant 0 : i32
      %dma_start3A_128 = tpu.memref_slice %arg4[%add3A_28, %dma_start3A_127] : memref<2560x128xi32, #tpu.memory_space<hbm>> -> memref<1x128xi32, #tpu.memory_space<hbm>>
      %dma_start3A_129 = arith.constant 1 : i32
      %dma_start3A_130 = arith.constant 0 : i32
      %dma_start3A_131 = tpu.memref_slice %arg8[%dma_start3A_129, %dma_start3A_130] : memref<2x128xi32, #tpu.memory_space<vmem>> -> memref<1x128xi32, #tpu.memory_space<vmem>>
      %dma_start3A_132 = arith.constant 0 : i32
      %dma_start3A_133 = tpu.memref_slice %arg4[%add3A_28, %dma_start3A_132] : memref<2560x128xi32, #tpu.memory_space<hbm>> -> memref<1x128xi32, #tpu.memory_space<hbm>>
      tpu.enqueue_dma source(%dma_start3A_133 : memref<1x128xi32, #tpu.memory_space<hbm>>) target(%dma_start3A_131 : memref<1x128xi32, #tpu.memory_space<vmem>>) target_semaphore(%run_scoped3A : memref<!tpu.dma_semaphore, #tpu.memory_space<semaphore_mem>>)
      %dma_wait3A_134 = arith.constant 1 : i32
      %dma_wait3A_135 = arith.constant 0 : i32
      %dma_wait3A_136 = tpu.memref_slice %arg8[%dma_wait3A_134, %dma_wait3A_135] : memref<2x128xi32, #tpu.memory_space<vmem>> -> memref<1x128xi32, #tpu.memory_space<vmem>>
      %dma_wait3A_137 = arith.constant 0 : i32
      %dma_wait3A_138 = tpu.memref_slice %arg4[%add3A_28, %dma_wait3A_137] : memref<2560x128xi32, #tpu.memory_space<hbm>> -> memref<1x128xi32, #tpu.memory_space<hbm>>
      %dma_wait3A_139 = arith.constant 1 : i32
      %dma_wait3A_140 = arith.constant 0 : i32
      %dma_wait3A_141 = tpu.memref_slice %arg8[%dma_wait3A_139, %dma_wait3A_140] : memref<2x128xi32, #tpu.memory_space<vmem>> -> memref<1x128xi32, #tpu.memory_space<vmem>>
      %dma_wait3A_142 = arith.constant 0 : i32
      %dma_wait3A_143 = tpu.memref_slice %arg4[%add3A_28, %dma_wait3A_142] : memref<2560x128xi32, #tpu.memory_space<hbm>> -> memref<1x128xi32, #tpu.memory_space<hbm>>
      tpu.wait_dma2 semaphore(%run_scoped3A : memref<!tpu.dma_semaphore, #tpu.memory_space<semaphore_mem>>) src(%dma_wait3A_143 : memref<1x128xi32, #tpu.memory_space<hbm>>) dst(%dma_wait3A_141 : memref<1x128xi32, #tpu.memory_space<vmem>>)
      tpu.yield
    }) : () -> ()
    %dma_wait3A = arith.constant 0 : i32
    %dma_wait3A_29 = arith.constant 0 : i32
    %dma_wait3A_30 = arith.constant 0 : i32
    %dma_wait3A_31 = tpu.memref_slice %arg9[%dma_wait3A_29, %dma_wait3A_30] : memref<256x128xf32, #tpu.memory_space<vmem>> -> memref<128x128xf32, #tpu.memory_space<vmem>>
    %dma_wait3A_32 = arith.constant 0 : i32
    %dma_wait3A_33 = tpu.memref_slice %arg7[%dma_wait3A, %dma_wait3A_32] : memref<2x128xi32, #tpu.memory_space<vmem>> -> memref<1x128xi32, #tpu.memory_space<vmem>>
    %dma_wait3A_34 = tpu.memref_squeeze %dma_wait3A_33 : memref<1x128xi32, #tpu.memory_space<vmem>> -> memref<128xi32, #tpu.memory_space<vmem>>
    %dma_wait3A_35 = arith.constant 0 : i32
    %dma_wait3A_36 = arith.constant 0 : i32
    %dma_wait3A_37 = tpu.memref_slice %arg2[%dma_wait3A_35, %dma_wait3A_36] : memref<10000x128xf32, #tpu.memory_space<hbm>> -> memref<10000x128xf32, #tpu.memory_space<hbm>>
    tpu.wait_indirect_dma semaphore(%arg11 : memref<!tpu.dma_semaphore, #tpu.memory_space<semaphore_mem>>) src(%dma_wait3A_37 : memref<10000x128xf32, #tpu.memory_space<hbm>>) dst(%dma_wait3A_31 : memref<128x128xf32, #tpu.memory_space<vmem>>)
    %dma_start3A_38 = arith.constant 1 : i32
    %dma_start3A_39 = arith.constant 128 : i32
    %dma_start3A_40 = arith.constant 0 : i32
    %dma_start3A_41 = tpu.memref_slice %arg9[%dma_start3A_39, %dma_start3A_40] : memref<256x128xf32, #tpu.memory_space<vmem>> -> memref<128x128xf32, #tpu.memory_space<vmem>>
    %dma_start3A_42 = arith.constant 0 : i32
    %dma_start3A_43 = tpu.memref_slice %arg7[%dma_start3A_38, %dma_start3A_42] : memref<2x128xi32, #tpu.memory_space<vmem>> -> memref<1x128xi32, #tpu.memory_space<vmem>>
    %dma_start3A_44 = tpu.memref_squeeze %dma_start3A_43 : memref<1x128xi32, #tpu.memory_space<vmem>> -> memref<128xi32, #tpu.memory_space<vmem>>
    %dma_start3A_45 = arith.constant 0 : i32
    %dma_start3A_46 = arith.constant 0 : i32
    %dma_start3A_47 = tpu.memref_slice %arg2[%dma_start3A_45, %dma_start3A_46] : memref<10000x128xf32, #tpu.memory_space<hbm>> -> memref<10000x128xf32, #tpu.memory_space<hbm>>
    tpu.enqueue_indirect_dma source(%dma_start3A_47 : memref<10000x128xf32, #tpu.memory_space<hbm>>) target(%dma_start3A_41 : memref<128x128xf32, #tpu.memory_space<vmem>>) offsets(%dma_start3A_44 : memref<128xi32, #tpu.memory_space<vmem>>) semaphore(%arg11 : memref<!tpu.dma_semaphore, #tpu.memory_space<semaphore_mem>>)
    %dma_start3A_48 = arith.constant 0 : i32
    %dma_start3A_49 = arith.constant 0 : i32
    %dma_start3A_50 = arith.constant 0 : i32
    %dma_start3A_51 = tpu.memref_slice %arg9[%dma_start3A_49, %dma_start3A_50] : memref<256x128xf32, #tpu.memory_space<vmem>> -> memref<128x128xf32, #tpu.memory_space<vmem>>
    %dma_start3A_52 = arith.constant 0 : i32
    %dma_start3A_53 = tpu.memref_slice %arg8[%dma_start3A_48, %dma_start3A_52] : memref<2x128xi32, #tpu.memory_space<vmem>> -> memref<1x128xi32, #tpu.memory_space<vmem>>
    %dma_start3A_54 = tpu.memref_squeeze %dma_start3A_53 : memref<1x128xi32, #tpu.memory_space<vmem>> -> memref<128xi32, #tpu.memory_space<vmem>>
    %dma_start3A_55 = arith.constant 0 : i32
    %dma_start3A_56 = arith.constant 0 : i32
    %dma_start3A_57 = tpu.memref_slice %arg10[%dma_start3A_55, %dma_start3A_56] : memref<10112x128xf32, #tpu.memory_space<vmem_shared>> -> memref<10112x128xf32, #tpu.memory_space<vmem_shared>>
    tpu.enqueue_indirect_dma source(%dma_start3A_51 : memref<128x128xf32, #tpu.memory_space<vmem>>) target(%dma_start3A_57 : memref<10112x128xf32, #tpu.memory_space<vmem_shared>>) offsets(%dma_start3A_54 : memref<128xi32, #tpu.memory_space<vmem>>) semaphore(%arg12 : memref<!tpu.dma_semaphore, #tpu.memory_space<semaphore_mem>>) {add = true}
    %scan3A = arith.constant 0 : i32
    %scan3A_58 = arith.constant 0 : i32
    %scan3A_59 = arith.constant 39 : i32
    %scan3A_60 = arith.addi %scan3A_58, %scan3A_59 : i32
    %scan3A_61 = arith.constant 1 : i32
    scf.for %scan3A_124 = %scan3A_58 to %scan3A_60 step %scan3A_61  : i32 {
      %mul3A_125 = arith.constant 2 : i32
      %mul3A_126 = arith.muli %mul3A_125, %scan3A_124 : i32
      %add3A_127 = arith.constant 1 : i32
      %add3A_128 = arith.addi %mul3A_126, %add3A_127 : i32
      %dma_wait3A_129 = arith.constant 0 : i32
      %dma_wait3A_130 = arith.constant 0 : i32
      %dma_wait3A_131 = arith.constant 0 : i32
      %dma_wait3A_132 = tpu.memref_slice %arg9[%dma_wait3A_130, %dma_wait3A_131] : memref<256x128xf32, #tpu.memory_space<vmem>> -> memref<128x128xf32, #tpu.memory_space<vmem>>
      %dma_wait3A_133 = arith.constant 0 : i32
      %dma_wait3A_134 = tpu.memref_slice %arg8[%dma_wait3A_129, %dma_wait3A_133] : memref<2x128xi32, #tpu.memory_space<vmem>> -> memref<1x128xi32, #tpu.memory_space<vmem>>
      %dma_wait3A_135 = tpu.memref_squeeze %dma_wait3A_134 : memref<1x128xi32, #tpu.memory_space<vmem>> -> memref<128xi32, #tpu.memory_space<vmem>>
      %dma_wait3A_136 = arith.constant 0 : i32
      %dma_wait3A_137 = arith.constant 0 : i32
      %dma_wait3A_138 = tpu.memref_slice %arg10[%dma_wait3A_136, %dma_wait3A_137] : memref<10112x128xf32, #tpu.memory_space<vmem_shared>> -> memref<10112x128xf32, #tpu.memory_space<vmem_shared>>
      tpu.wait_indirect_dma semaphore(%arg12 : memref<!tpu.dma_semaphore, #tpu.memory_space<semaphore_mem>>) src(%dma_wait3A_132 : memref<128x128xf32, #tpu.memory_space<vmem>>) dst(%dma_wait3A_138 : memref<10112x128xf32, #tpu.memory_space<vmem_shared>>)
      %add3A_139 = arith.addi %add3A_14, %add3A_128 : i32
      %add3A_140 = arith.constant 1 : i32
      %add3A_141 = arith.addi %add3A_139, %add3A_140 : i32
      %min3A = arith.minsi %add3A_141, %sub3A_17 : i32
      "tpu.region"() ({
        %run_scoped3A = tpu.sem_alloc : memref<!tpu.dma_semaphore, #tpu.memory_space<semaphore_mem>>
        %dma_start3A_220 = arith.constant 0 : i32
        %dma_start3A_221 = arith.constant 0 : i32
        %dma_start3A_222 = tpu.memref_slice %arg7[%dma_start3A_220, %dma_start3A_221] : memref<2x128xi32, #tpu.memory_space<vmem>> -> memref<1x128xi32, #tpu.memory_space<vmem>>
        %dma_start3A_223 = arith.constant 0 : i32
        %dma_start3A_224 = tpu.memref_slice %arg3[%arg0, %min3A, %dma_start3A_223] : memref<2x2560x128xi32, #tpu.memory_space<hbm>> -> memref<1x1x128xi32, #tpu.memory_space<hbm>>
        %dma_start3A_225 = tpu.memref_squeeze %dma_start3A_224 : memref<1x1x128xi32, #tpu.memory_space<hbm>> -> memref<1x128xi32, #tpu.memory_space<hbm>>
        %dma_start3A_226 = arith.constant 0 : i32
        %dma_start3A_227 = arith.constant 0 : i32
        %dma_start3A_228 = tpu.memref_slice %arg7[%dma_start3A_226, %dma_start3A_227] : memref<2x128xi32, #tpu.memory_space<vmem>> -> memref<1x128xi32, #tpu.memory_space<vmem>>
        %dma_start3A_229 = arith.constant 0 : i32
        %dma_start3A_230 = tpu.memref_slice %arg3[%arg0, %min3A, %dma_start3A_229] : memref<2x2560x128xi32, #tpu.memory_space<hbm>> -> memref<1x1x128xi32, #tpu.memory_space<hbm>>
        %dma_start3A_231 = tpu.memref_squeeze %dma_start3A_230 : memref<1x1x128xi32, #tpu.memory_space<hbm>> -> memref<1x128xi32, #tpu.memory_space<hbm>>
        tpu.enqueue_dma source(%dma_start3A_231 : memref<1x128xi32, #tpu.memory_space<hbm>>) target(%dma_start3A_228 : memref<1x128xi32, #tpu.memory_space<vmem>>) target_semaphore(%run_scoped3A : memref<!tpu.dma_semaphore, #tpu.memory_space<semaphore_mem>>)
        %dma_wait3A_232 = arith.constant 0 : i32
        %dma_wait3A_233 = arith.constant 0 : i32
        %dma_wait3A_234 = tpu.memref_slice %arg7[%dma_wait3A_232, %dma_wait3A_233] : memref<2x128xi32, #tpu.memory_space<vmem>> -> memref<1x128xi32, #tpu.memory_space<vmem>>
        %dma_wait3A_235 = arith.constant 0 : i32
        %dma_wait3A_236 = tpu.memref_slice %arg3[%arg0, %min3A, %dma_wait3A_235] : memref<2x2560x128xi32, #tpu.memory_space<hbm>> -> memref<1x1x128xi32, #tpu.memory_space<hbm>>
        %dma_wait3A_237 = tpu.memref_squeeze %dma_wait3A_236 : memref<1x1x128xi32, #tpu.memory_space<hbm>> -> memref<1x128xi32, #tpu.memory_space<hbm>>
        %dma_wait3A_238 = arith.constant 0 : i32
        %dma_wait3A_239 = arith.constant 0 : i32
        %dma_wait3A_240 = tpu.memref_slice %arg7[%dma_wait3A_238, %dma_wait3A_239] : memref<2x128xi32, #tpu.memory_space<vmem>> -> memref<1x128xi32, #tpu.memory_space<vmem>>
        %dma_wait3A_241 = arith.constant 0 : i32
        %dma_wait3A_242 = tpu.memref_slice %arg3[%arg0, %min3A, %dma_wait3A_241] : memref<2x2560x128xi32, #tpu.memory_space<hbm>> -> memref<1x1x128xi32, #tpu.memory_space<hbm>>
        %dma_wait3A_243 = tpu.memref_squeeze %dma_wait3A_242 : memref<1x1x128xi32, #tpu.memory_space<hbm>> -> memref<1x128xi32, #tpu.memory_space<hbm>>
        tpu.wait_dma2 semaphore(%run_scoped3A : memref<!tpu.dma_semaphore, #tpu.memory_space<semaphore_mem>>) src(%dma_wait3A_243 : memref<1x128xi32, #tpu.memory_space<hbm>>) dst(%dma_wait3A_240 : memref<1x128xi32, #tpu.memory_space<vmem>>)
        tpu.yield
      }) : () -> ()
      "tpu.region"() ({
        %run_scoped3A = tpu.sem_alloc : memref<!tpu.dma_semaphore, #tpu.memory_space<semaphore_mem>>
        %dma_start3A_220 = arith.constant 0 : i32
        %dma_start3A_221 = arith.constant 0 : i32
        %dma_start3A_222 = tpu.memref_slice %arg8[%dma_start3A_220, %dma_start3A_221] : memref<2x128xi32, #tpu.memory_space<vmem>> -> memref<1x128xi32, #tpu.memory_space<vmem>>
        %dma_start3A_223 = arith.constant 0 : i32
        %dma_start3A_224 = tpu.memref_slice %arg4[%min3A, %dma_start3A_223] : memref<2560x128xi32, #tpu.memory_space<hbm>> -> memref<1x128xi32, #tpu.memory_space<hbm>>
        %dma_start3A_225 = arith.constant 0 : i32
        %dma_start3A_226 = arith.constant 0 : i32
        %dma_start3A_227 = tpu.memref_slice %arg8[%dma_start3A_225, %dma_start3A_226] : memref<2x128xi32, #tpu.memory_space<vmem>> -> memref<1x128xi32, #tpu.memory_space<vmem>>
        %dma_start3A_228 = arith.constant 0 : i32
        %dma_start3A_229 = tpu.memref_slice %arg4[%min3A, %dma_start3A_228] : memref<2560x128xi32, #tpu.memory_space<hbm>> -> memref<1x128xi32, #tpu.memory_space<hbm>>
        tpu.enqueue_dma source(%dma_start3A_229 : memref<1x128xi32, #tpu.memory_space<hbm>>) target(%dma_start3A_227 : memref<1x128xi32, #tpu.memory_space<vmem>>) target_semaphore(%run_scoped3A : memref<!tpu.dma_semaphore, #tpu.memory_space<semaphore_mem>>)
        %dma_wait3A_230 = arith.constant 0 : i32
        %dma_wait3A_231 = arith.constant 0 : i32
        %dma_wait3A_232 = tpu.memref_slice %arg8[%dma_wait3A_230, %dma_wait3A_231] : memref<2x128xi32, #tpu.memory_space<vmem>> -> memref<1x128xi32, #tpu.memory_space<vmem>>
        %dma_wait3A_233 = arith.constant 0 : i32
        %dma_wait3A_234 = tpu.memref_slice %arg4[%min3A, %dma_wait3A_233] : memref<2560x128xi32, #tpu.memory_space<hbm>> -> memref<1x128xi32, #tpu.memory_space<hbm>>
        %dma_wait3A_235 = arith.constant 0 : i32
        %dma_wait3A_236 = arith.constant 0 : i32
        %dma_wait3A_237 = tpu.memref_slice %arg8[%dma_wait3A_235, %dma_wait3A_236] : memref<2x128xi32, #tpu.memory_space<vmem>> -> memref<1x128xi32, #tpu.memory_space<vmem>>
        %dma_wait3A_238 = arith.constant 0 : i32
        %dma_wait3A_239 = tpu.memref_slice %arg4[%min3A, %dma_wait3A_238] : memref<2560x128xi32, #tpu.memory_space<hbm>> -> memref<1x128xi32, #tpu.memory_space<hbm>>
        tpu.wait_dma2 semaphore(%run_scoped3A : memref<!tpu.dma_semaphore, #tpu.memory_space<semaphore_mem>>) src(%dma_wait3A_239 : memref<1x128xi32, #tpu.memory_space<hbm>>) dst(%dma_wait3A_237 : memref<1x128xi32, #tpu.memory_space<vmem>>)
        tpu.yield
      }) : () -> ()
      %dma_wait3A_142 = arith.constant 0 : i32
      %dma_wait3A_143 = arith.constant 0 : i32
      %dma_wait3A_144 = arith.constant 0 : i32
      %dma_wait3A_145 = tpu.memref_slice %arg9[%dma_wait3A_143, %dma_wait3A_144] : memref<256x128xf32, #tpu.memory_space<vmem>> -> memref<128x128xf32, #tpu.memory_space<vmem>>
      %dma_wait3A_146 = arith.constant 0 : i32
      %dma_wait3A_147 = tpu.memref_slice %arg7[%dma_wait3A_142, %dma_wait3A_146] : memref<2x128xi32, #tpu.memory_space<vmem>> -> memref<1x128xi32, #tpu.memory_space<vmem>>
      %dma_wait3A_148 = tpu.memref_squeeze %dma_wait3A_147 : memref<1x128xi32, #tpu.memory_space<vmem>> -> memref<128xi32, #tpu.memory_space<vmem>>
      %dma_wait3A_149 = arith.constant 0 : i32
      %dma_wait3A_150 = arith.constant 0 : i32
      %dma_wait3A_151 = tpu.memref_slice %arg2[%dma_wait3A_149, %dma_wait3A_150] : memref<10000x128xf32, #tpu.memory_space<hbm>> -> memref<10000x128xf32, #tpu.memory_space<hbm>>
      tpu.wait_indirect_dma semaphore(%arg11 : memref<!tpu.dma_semaphore, #tpu.memory_space<semaphore_mem>>) src(%dma_wait3A_151 : memref<10000x128xf32, #tpu.memory_space<hbm>>) dst(%dma_wait3A_145 : memref<128x128xf32, #tpu.memory_space<vmem>>)
      %dma_start3A_152 = arith.constant 0 : i32
      %dma_start3A_153 = arith.constant 0 : i32
      %dma_start3A_154 = arith.constant 0 : i32
      %dma_start3A_155 = tpu.memref_slice %arg9[%dma_start3A_153, %dma_start3A_154] : memref<256x128xf32, #tpu.memory_space<vmem>> -> memref<128x128xf32, #tpu.memory_space<vmem>>
      %dma_start3A_156 = arith.constant 0 : i32
      %dma_start3A_157 = tpu.memref_slice %arg7[%dma_start3A_152, %dma_start3A_156] : memref<2x128xi32, #tpu.memory_space<vmem>> -> memref<1x128xi32, #tpu.memory_space<vmem>>
      %dma_start3A_158 = tpu.memref_squeeze %dma_start3A_157 : memref<1x128xi32, #tpu.memory_space<vmem>> -> memref<128xi32, #tpu.memory_space<vmem>>
      %dma_start3A_159 = arith.constant 0 : i32
      %dma_start3A_160 = arith.constant 0 : i32
      %dma_start3A_161 = tpu.memref_slice %arg2[%dma_start3A_159, %dma_start3A_160] : memref<10000x128xf32, #tpu.memory_space<hbm>> -> memref<10000x128xf32, #tpu.memory_space<hbm>>
      tpu.enqueue_indirect_dma source(%dma_start3A_161 : memref<10000x128xf32, #tpu.memory_space<hbm>>) target(%dma_start3A_155 : memref<128x128xf32, #tpu.memory_space<vmem>>) offsets(%dma_start3A_158 : memref<128xi32, #tpu.memory_space<vmem>>) semaphore(%arg11 : memref<!tpu.dma_semaphore, #tpu.memory_space<semaphore_mem>>)
      %dma_start3A_162 = arith.constant 1 : i32
      %dma_start3A_163 = arith.constant 128 : i32
      %dma_start3A_164 = arith.constant 0 : i32
      %dma_start3A_165 = tpu.memref_slice %arg9[%dma_start3A_163, %dma_start3A_164] : memref<256x128xf32, #tpu.memory_space<vmem>> -> memref<128x128xf32, #tpu.memory_space<vmem>>
      %dma_start3A_166 = arith.constant 0 : i32
      %dma_start3A_167 = tpu.memref_slice %arg8[%dma_start3A_162, %dma_start3A_166] : memref<2x128xi32, #tpu.memory_space<vmem>> -> memref<1x128xi32, #tpu.memory_space<vmem>>
      %dma_start3A_168 = tpu.memref_squeeze %dma_start3A_167 : memref<1x128xi32, #tpu.memory_space<vmem>> -> memref<128xi32, #tpu.memory_space<vmem>>
      %dma_start3A_169 = arith.constant 0 : i32
      %dma_start3A_170 = arith.constant 0 : i32
      %dma_start3A_171 = tpu.memref_slice %arg10[%dma_start3A_169, %dma_start3A_170] : memref<10112x128xf32, #tpu.memory_space<vmem_shared>> -> memref<10112x128xf32, #tpu.memory_space<vmem_shared>>
      tpu.enqueue_indirect_dma source(%dma_start3A_165 : memref<128x128xf32, #tpu.memory_space<vmem>>) target(%dma_start3A_171 : memref<10112x128xf32, #tpu.memory_space<vmem_shared>>) offsets(%dma_start3A_168 : memref<128xi32, #tpu.memory_space<vmem>>) semaphore(%arg12 : memref<!tpu.dma_semaphore, #tpu.memory_space<semaphore_mem>>) {add = true}
      %mul3A_172 = arith.constant 2 : i32
      %mul3A_173 = arith.muli %mul3A_172, %scan3A_124 : i32
      %add3A_174 = arith.constant 2 : i32
      %add3A_175 = arith.addi %mul3A_173, %add3A_174 : i32
      %dma_wait3A_176 = arith.constant 0 : i32
      %dma_wait3A_177 = arith.constant 0 : i32
      %dma_wait3A_178 = arith.constant 0 : i32
      %dma_wait3A_179 = tpu.memref_slice %arg9[%dma_wait3A_177, %dma_wait3A_178] : memref<256x128xf32, #tpu.memory_space<vmem>> -> memref<128x128xf32, #tpu.memory_space<vmem>>
      %dma_wait3A_180 = arith.constant 0 : i32
      %dma_wait3A_181 = tpu.memref_slice %arg8[%dma_wait3A_176, %dma_wait3A_180] : memref<2x128xi32, #tpu.memory_space<vmem>> -> memref<1x128xi32, #tpu.memory_space<vmem>>
      %dma_wait3A_182 = tpu.memref_squeeze %dma_wait3A_181 : memref<1x128xi32, #tpu.memory_space<vmem>> -> memref<128xi32, #tpu.memory_space<vmem>>
      %dma_wait3A_183 = arith.constant 0 : i32
      %dma_wait3A_184 = arith.constant 0 : i32
      %dma_wait3A_185 = tpu.memref_slice %arg10[%dma_wait3A_183, %dma_wait3A_184] : memref<10112x128xf32, #tpu.memory_space<vmem_shared>> -> memref<10112x128xf32, #tpu.memory_space<vmem_shared>>
      tpu.wait_indirect_dma semaphore(%arg12 : memref<!tpu.dma_semaphore, #tpu.memory_space<semaphore_mem>>) src(%dma_wait3A_179 : memref<128x128xf32, #tpu.memory_space<vmem>>) dst(%dma_wait3A_185 : memref<10112x128xf32, #tpu.memory_space<vmem_shared>>)
      %add3A_186 = arith.addi %add3A_14, %add3A_175 : i32
      %add3A_187 = arith.constant 1 : i32
      %add3A_188 = arith.addi %add3A_186, %add3A_187 : i32
      %min3A_189 = arith.minsi %add3A_188, %sub3A_17 : i32
      "tpu.region"() ({
        %run_scoped3A = tpu.sem_alloc : memref<!tpu.dma_semaphore, #tpu.memory_space<semaphore_mem>>
        %dma_start3A_220 = arith.constant 1 : i32
        %dma_start3A_221 = arith.constant 0 : i32
        %dma_start3A_222 = tpu.memref_slice %arg7[%dma_start3A_220, %dma_start3A_221] : memref<2x128xi32, #tpu.memory_space<vmem>> -> memref<1x128xi32, #tpu.memory_space<vmem>>
        %dma_start3A_223 = arith.constant 0 : i32
        %dma_start3A_224 = tpu.memref_slice %arg3[%arg0, %min3A_189, %dma_start3A_223] : memref<2x2560x128xi32, #tpu.memory_space<hbm>> -> memref<1x1x128xi32, #tpu.memory_space<hbm>>
        %dma_start3A_225 = tpu.memref_squeeze %dma_start3A_224 : memref<1x1x128xi32, #tpu.memory_space<hbm>> -> memref<1x128xi32, #tpu.memory_space<hbm>>
        %dma_start3A_226 = arith.constant 1 : i32
        %dma_start3A_227 = arith.constant 0 : i32
        %dma_start3A_228 = tpu.memref_slice %arg7[%dma_start3A_226, %dma_start3A_227] : memref<2x128xi32, #tpu.memory_space<vmem>> -> memref<1x128xi32, #tpu.memory_space<vmem>>
        %dma_start3A_229 = arith.constant 0 : i32
        %dma_start3A_230 = tpu.memref_slice %arg3[%arg0, %min3A_189, %dma_start3A_229] : memref<2x2560x128xi32, #tpu.memory_space<hbm>> -> memref<1x1x128xi32, #tpu.memory_space<hbm>>
        %dma_start3A_231 = tpu.memref_squeeze %dma_start3A_230 : memref<1x1x128xi32, #tpu.memory_space<hbm>> -> memref<1x128xi32, #tpu.memory_space<hbm>>
        tpu.enqueue_dma source(%dma_start3A_231 : memref<1x128xi32, #tpu.memory_space<hbm>>) target(%dma_start3A_228 : memref<1x128xi32, #tpu.memory_space<vmem>>) target_semaphore(%run_scoped3A : memref<!tpu.dma_semaphore, #tpu.memory_space<semaphore_mem>>)
        %dma_wait3A_232 = arith.constant 1 : i32
        %dma_wait3A_233 = arith.constant 0 : i32
        %dma_wait3A_234 = tpu.memref_slice %arg7[%dma_wait3A_232, %dma_wait3A_233] : memref<2x128xi32, #tpu.memory_space<vmem>> -> memref<1x128xi32, #tpu.memory_space<vmem>>
        %dma_wait3A_235 = arith.constant 0 : i32
        %dma_wait3A_236 = tpu.memref_slice %arg3[%arg0, %min3A_189, %dma_wait3A_235] : memref<2x2560x128xi32, #tpu.memory_space<hbm>> -> memref<1x1x128xi32, #tpu.memory_space<hbm>>
        %dma_wait3A_237 = tpu.memref_squeeze %dma_wait3A_236 : memref<1x1x128xi32, #tpu.memory_space<hbm>> -> memref<1x128xi32, #tpu.memory_space<hbm>>
        %dma_wait3A_238 = arith.constant 1 : i32
        %dma_wait3A_239 = arith.constant 0 : i32
        %dma_wait3A_240 = tpu.memref_slice %arg7[%dma_wait3A_238, %dma_wait3A_239] : memref<2x128xi32, #tpu.memory_space<vmem>> -> memref<1x128xi32, #tpu.memory_space<vmem>>
        %dma_wait3A_241 = arith.constant 0 : i32
        %dma_wait3A_242 = tpu.memref_slice %arg3[%arg0, %min3A_189, %dma_wait3A_241] : memref<2x2560x128xi32, #tpu.memory_space<hbm>> -> memref<1x1x128xi32, #tpu.memory_space<hbm>>
        %dma_wait3A_243 = tpu.memref_squeeze %dma_wait3A_242 : memref<1x1x128xi32, #tpu.memory_space<hbm>> -> memref<1x128xi32, #tpu.memory_space<hbm>>
        tpu.wait_dma2 semaphore(%run_scoped3A : memref<!tpu.dma_semaphore, #tpu.memory_space<semaphore_mem>>) src(%dma_wait3A_243 : memref<1x128xi32, #tpu.memory_space<hbm>>) dst(%dma_wait3A_240 : memref<1x128xi32, #tpu.memory_space<vmem>>)
        tpu.yield
      }) : () -> ()
      "tpu.region"() ({
        %run_scoped3A = tpu.sem_alloc : memref<!tpu.dma_semaphore, #tpu.memory_space<semaphore_mem>>
        %dma_start3A_220 = arith.constant 1 : i32
        %dma_start3A_221 = arith.constant 0 : i32
        %dma_start3A_222 = tpu.memref_slice %arg8[%dma_start3A_220, %dma_start3A_221] : memref<2x128xi32, #tpu.memory_space<vmem>> -> memref<1x128xi32, #tpu.memory_space<vmem>>
        %dma_start3A_223 = arith.constant 0 : i32
        %dma_start3A_224 = tpu.memref_slice %arg4[%min3A_189, %dma_start3A_223] : memref<2560x128xi32, #tpu.memory_space<hbm>> -> memref<1x128xi32, #tpu.memory_space<hbm>>
        %dma_start3A_225 = arith.constant 1 : i32
        %dma_start3A_226 = arith.constant 0 : i32
        %dma_start3A_227 = tpu.memref_slice %arg8[%dma_start3A_225, %dma_start3A_226] : memref<2x128xi32, #tpu.memory_space<vmem>> -> memref<1x128xi32, #tpu.memory_space<vmem>>
        %dma_start3A_228 = arith.constant 0 : i32
        %dma_start3A_229 = tpu.memref_slice %arg4[%min3A_189, %dma_start3A_228] : memref<2560x128xi32, #tpu.memory_space<hbm>> -> memref<1x128xi32, #tpu.memory_space<hbm>>
        tpu.enqueue_dma source(%dma_start3A_229 : memref<1x128xi32, #tpu.memory_space<hbm>>) target(%dma_start3A_227 : memref<1x128xi32, #tpu.memory_space<vmem>>) target_semaphore(%run_scoped3A : memref<!tpu.dma_semaphore, #tpu.memory_space<semaphore_mem>>)
        %dma_wait3A_230 = arith.constant 1 : i32
        %dma_wait3A_231 = arith.constant 0 : i32
        %dma_wait3A_232 = tpu.memref_slice %arg8[%dma_wait3A_230, %dma_wait3A_231] : memref<2x128xi32, #tpu.memory_space<vmem>> -> memref<1x128xi32, #tpu.memory_space<vmem>>
        %dma_wait3A_233 = arith.constant 0 : i32
        %dma_wait3A_234 = tpu.memref_slice %arg4[%min3A_189, %dma_wait3A_233] : memref<2560x128xi32, #tpu.memory_space<hbm>> -> memref<1x128xi32, #tpu.memory_space<hbm>>
        %dma_wait3A_235 = arith.constant 1 : i32
        %dma_wait3A_236 = arith.constant 0 : i32
        %dma_wait3A_237 = tpu.memref_slice %arg8[%dma_wait3A_235, %dma_wait3A_236] : memref<2x128xi32, #tpu.memory_space<vmem>> -> memref<1x128xi32, #tpu.memory_space<vmem>>
        %dma_wait3A_238 = arith.constant 0 : i32
        %dma_wait3A_239 = tpu.memref_slice %arg4[%min3A_189, %dma_wait3A_238] : memref<2560x128xi32, #tpu.memory_space<hbm>> -> memref<1x128xi32, #tpu.memory_space<hbm>>
        tpu.wait_dma2 semaphore(%run_scoped3A : memref<!tpu.dma_semaphore, #tpu.memory_space<semaphore_mem>>) src(%dma_wait3A_239 : memref<1x128xi32, #tpu.memory_space<hbm>>) dst(%dma_wait3A_237 : memref<1x128xi32, #tpu.memory_space<vmem>>)
        tpu.yield
      }) : () -> ()
      %dma_wait3A_190 = arith.constant 0 : i32
      %dma_wait3A_191 = arith.constant 0 : i32
      %dma_wait3A_192 = arith.constant 0 : i32
      %dma_wait3A_193 = tpu.memref_slice %arg9[%dma_wait3A_191, %dma_wait3A_192] : memref<256x128xf32, #tpu.memory_space<vmem>> -> memref<128x128xf32, #tpu.memory_space<vmem>>
      %dma_wait3A_194 = arith.constant 0 : i32
      %dma_wait3A_195 = tpu.memref_slice %arg7[%dma_wait3A_190, %dma_wait3A_194] : memref<2x128xi32, #tpu.memory_space<vmem>> -> memref<1x128xi32, #tpu.memory_space<vmem>>
      %dma_wait3A_196 = tpu.memref_squeeze %dma_wait3A_195 : memref<1x128xi32, #tpu.memory_space<vmem>> -> memref<128xi32, #tpu.memory_space<vmem>>
      %dma_wait3A_197 = arith.constant 0 : i32
      %dma_wait3A_198 = arith.constant 0 : i32
      %dma_wait3A_199 = tpu.memref_slice %arg2[%dma_wait3A_197, %dma_wait3A_198] : memref<10000x128xf32, #tpu.memory_space<hbm>> -> memref<10000x128xf32, #tpu.memory_space<hbm>>
      tpu.wait_indirect_dma semaphore(%arg11 : memref<!tpu.dma_semaphore, #tpu.memory_space<semaphore_mem>>) src(%dma_wait3A_199 : memref<10000x128xf32, #tpu.memory_space<hbm>>) dst(%dma_wait3A_193 : memref<128x128xf32, #tpu.memory_space<vmem>>)
      %dma_start3A_200 = arith.constant 1 : i32
      %dma_start3A_201 = arith.constant 128 : i32
      %dma_start3A_202 = arith.constant 0 : i32
      %dma_start3A_203 = tpu.memref_slice %arg9[%dma_start3A_201, %dma_start3A_202] : memref<256x128xf32, #tpu.memory_space<vmem>> -> memref<128x128xf32, #tpu.memory_space<vmem>>
      %dma_start3A_204 = arith.constant 0 : i32
      %dma_start3A_205 = tpu.memref_slice %arg7[%dma_start3A_200, %dma_start3A_204] : memref<2x128xi32, #tpu.memory_space<vmem>> -> memref<1x128xi32, #tpu.memory_space<vmem>>
      %dma_start3A_206 = tpu.memref_squeeze %dma_start3A_205 : memref<1x128xi32, #tpu.memory_space<vmem>> -> memref<128xi32, #tpu.memory_space<vmem>>
      %dma_start3A_207 = arith.constant 0 : i32
      %dma_start3A_208 = arith.constant 0 : i32
      %dma_start3A_209 = tpu.memref_slice %arg2[%dma_start3A_207, %dma_start3A_208] : memref<10000x128xf32, #tpu.memory_space<hbm>> -> memref<10000x128xf32, #tpu.memory_space<hbm>>
      tpu.enqueue_indirect_dma source(%dma_start3A_209 : memref<10000x128xf32, #tpu.memory_space<hbm>>) target(%dma_start3A_203 : memref<128x128xf32, #tpu.memory_space<vmem>>) offsets(%dma_start3A_206 : memref<128xi32, #tpu.memory_space<vmem>>) semaphore(%arg11 : memref<!tpu.dma_semaphore, #tpu.memory_space<semaphore_mem>>)
      %dma_start3A_210 = arith.constant 0 : i32
      %dma_start3A_211 = arith.constant 0 : i32
      %dma_start3A_212 = arith.constant 0 : i32
      %dma_start3A_213 = tpu.memref_slice %arg9[%dma_start3A_211, %dma_start3A_212] : memref<256x128xf32, #tpu.memory_space<vmem>> -> memref<128x128xf32, #tpu.memory_space<vmem>>
      %dma_start3A_214 = arith.constant 0 : i32
      %dma_start3A_215 = tpu.memref_slice %arg8[%dma_start3A_210, %dma_start3A_214] : memref<2x128xi32, #tpu.memory_space<vmem>> -> memref<1x128xi32, #tpu.memory_space<vmem>>
      %dma_start3A_216 = tpu.memref_squeeze %dma_start3A_215 : memref<1x128xi32, #tpu.memory_space<vmem>> -> memref<128xi32, #tpu.memory_space<vmem>>
      %dma_start3A_217 = arith.constant 0 : i32
      %dma_start3A_218 = arith.constant 0 : i32
      %dma_start3A_219 = tpu.memref_slice %arg10[%dma_start3A_217, %dma_start3A_218] : memref<10112x128xf32, #tpu.memory_space<vmem_shared>> -> memref<10112x128xf32, #tpu.memory_space<vmem_shared>>
      tpu.enqueue_indirect_dma source(%dma_start3A_213 : memref<128x128xf32, #tpu.memory_space<vmem>>) target(%dma_start3A_219 : memref<10112x128xf32, #tpu.memory_space<vmem_shared>>) offsets(%dma_start3A_216 : memref<128xi32, #tpu.memory_space<vmem>>) semaphore(%arg12 : memref<!tpu.dma_semaphore, #tpu.memory_space<semaphore_mem>>) {add = true}
    }
    %scan3A_62 = arith.constant 39 : i32
    %dma_wait3A_63 = arith.constant 0 : i32
    %dma_wait3A_64 = arith.constant 0 : i32
    %dma_wait3A_65 = arith.constant 0 : i32
    %dma_wait3A_66 = tpu.memref_slice %arg9[%dma_wait3A_64, %dma_wait3A_65] : memref<256x128xf32, #tpu.memory_space<vmem>> -> memref<128x128xf32, #tpu.memory_space<vmem>>
    %dma_wait3A_67 = arith.constant 0 : i32
    %dma_wait3A_68 = tpu.memref_slice %arg8[%dma_wait3A_63, %dma_wait3A_67] : memref<2x128xi32, #tpu.memory_space<vmem>> -> memref<1x128xi32, #tpu.memory_space<vmem>>
    %dma_wait3A_69 = tpu.memref_squeeze %dma_wait3A_68 : memref<1x128xi32, #tpu.memory_space<vmem>> -> memref<128xi32, #tpu.memory_space<vmem>>
    %dma_wait3A_70 = arith.constant 0 : i32
    %dma_wait3A_71 = arith.constant 0 : i32
    %dma_wait3A_72 = tpu.memref_slice %arg10[%dma_wait3A_70, %dma_wait3A_71] : memref<10112x128xf32, #tpu.memory_space<vmem_shared>> -> memref<10112x128xf32, #tpu.memory_space<vmem_shared>>
    tpu.wait_indirect_dma semaphore(%arg12 : memref<!tpu.dma_semaphore, #tpu.memory_space<semaphore_mem>>) src(%dma_wait3A_66 : memref<128x128xf32, #tpu.memory_space<vmem>>) dst(%dma_wait3A_72 : memref<10112x128xf32, #tpu.memory_space<vmem_shared>>)
    %dma_wait3A_73 = arith.constant 0 : i32
    %dma_wait3A_74 = arith.constant 0 : i32
    %dma_wait3A_75 = arith.constant 0 : i32
    %dma_wait3A_76 = tpu.memref_slice %arg9[%dma_wait3A_74, %dma_wait3A_75] : memref<256x128xf32, #tpu.memory_space<vmem>> -> memref<128x128xf32, #tpu.memory_space<vmem>>
    %dma_wait3A_77 = arith.constant 0 : i32
    %dma_wait3A_78 = tpu.memref_slice %arg7[%dma_wait3A_73, %dma_wait3A_77] : memref<2x128xi32, #tpu.memory_space<vmem>> -> memref<1x128xi32, #tpu.memory_space<vmem>>
    %dma_wait3A_79 = tpu.memref_squeeze %dma_wait3A_78 : memref<1x128xi32, #tpu.memory_space<vmem>> -> memref<128xi32, #tpu.memory_space<vmem>>
    %dma_wait3A_80 = arith.constant 0 : i32
    %dma_wait3A_81 = arith.constant 0 : i32
    %dma_wait3A_82 = tpu.memref_slice %arg2[%dma_wait3A_80, %dma_wait3A_81] : memref<10000x128xf32, #tpu.memory_space<hbm>> -> memref<10000x128xf32, #tpu.memory_space<hbm>>
    tpu.wait_indirect_dma semaphore(%arg11 : memref<!tpu.dma_semaphore, #tpu.memory_space<semaphore_mem>>) src(%dma_wait3A_82 : memref<10000x128xf32, #tpu.memory_space<hbm>>) dst(%dma_wait3A_76 : memref<128x128xf32, #tpu.memory_space<vmem>>)
    %dma_start3A_83 = arith.constant 1 : i32
    %dma_start3A_84 = arith.constant 128 : i32
    %dma_start3A_85 = arith.constant 0 : i32
    %dma_start3A_86 = tpu.memref_slice %arg9[%dma_start3A_84, %dma_start3A_85] : memref<256x128xf32, #tpu.memory_space<vmem>> -> memref<128x128xf32, #tpu.memory_space<vmem>>
    %dma_start3A_87 = arith.constant 0 : i32
    %dma_start3A_88 = tpu.memref_slice %arg8[%dma_start3A_83, %dma_start3A_87] : memref<2x128xi32, #tpu.memory_space<vmem>> -> memref<1x128xi32, #tpu.memory_space<vmem>>
    %dma_start3A_89 = tpu.memref_squeeze %dma_start3A_88 : memref<1x128xi32, #tpu.memory_space<vmem>> -> memref<128xi32, #tpu.memory_space<vmem>>
    %dma_start3A_90 = arith.constant 0 : i32
    %dma_start3A_91 = arith.constant 0 : i32
    %dma_start3A_92 = tpu.memref_slice %arg10[%dma_start3A_90, %dma_start3A_91] : memref<10112x128xf32, #tpu.memory_space<vmem_shared>> -> memref<10112x128xf32, #tpu.memory_space<vmem_shared>>
    tpu.enqueue_indirect_dma source(%dma_start3A_86 : memref<128x128xf32, #tpu.memory_space<vmem>>) target(%dma_start3A_92 : memref<10112x128xf32, #tpu.memory_space<vmem_shared>>) offsets(%dma_start3A_89 : memref<128xi32, #tpu.memory_space<vmem>>) semaphore(%arg12 : memref<!tpu.dma_semaphore, #tpu.memory_space<semaphore_mem>>) {add = true}
    %dma_wait3A_93 = arith.constant 0 : i32
    %dma_wait3A_94 = arith.constant 0 : i32
    %dma_wait3A_95 = arith.constant 0 : i32
    %dma_wait3A_96 = tpu.memref_slice %arg9[%dma_wait3A_94, %dma_wait3A_95] : memref<256x128xf32, #tpu.memory_space<vmem>> -> memref<128x128xf32, #tpu.memory_space<vmem>>
    %dma_wait3A_97 = arith.constant 0 : i32
    %dma_wait3A_98 = tpu.memref_slice %arg8[%dma_wait3A_93, %dma_wait3A_97] : memref<2x128xi32, #tpu.memory_space<vmem>> -> memref<1x128xi32, #tpu.memory_space<vmem>>
    %dma_wait3A_99 = tpu.memref_squeeze %dma_wait3A_98 : memref<1x128xi32, #tpu.memory_space<vmem>> -> memref<128xi32, #tpu.memory_space<vmem>>
    %dma_wait3A_100 = arith.constant 0 : i32
    %dma_wait3A_101 = arith.constant 0 : i32
    %dma_wait3A_102 = tpu.memref_slice %arg10[%dma_wait3A_100, %dma_wait3A_101] : memref<10112x128xf32, #tpu.memory_space<vmem_shared>> -> memref<10112x128xf32, #tpu.memory_space<vmem_shared>>
    tpu.wait_indirect_dma semaphore(%arg12 : memref<!tpu.dma_semaphore, #tpu.memory_space<semaphore_mem>>) src(%dma_wait3A_96 : memref<128x128xf32, #tpu.memory_space<vmem>>) dst(%dma_wait3A_102 : memref<10112x128xf32, #tpu.memory_space<vmem_shared>>)
    %barrier3A_103 = arith.constant 0 : index
    tpu.barrier barrier_id(%barrier3A_103)
    %add3A_104 = arith.constant 0 : i32
    %add3A_105 = arith.addi %mul3A_0, %add3A_104 : i32
    "tpu.region"() ({
      %run_scoped3A = tpu.sem_alloc : memref<!tpu.dma_semaphore, #tpu.memory_space<semaphore_mem>>
      %dma_start3A_124 = arith.constant 0 : i32
      %dma_start3A_125 = arith.constant 0 : i32
      %dma_start3A_126 = tpu.memref_slice %arg9[%dma_start3A_124, %dma_start3A_125] : memref<256x128xf32, #tpu.memory_space<vmem>> -> memref<128x128xf32, #tpu.memory_space<vmem>>
      %dma_start3A_127 = arith.constant 0 : i32
      %dma_start3A_128 = tpu.memref_slice %arg10[%add3A_105, %dma_start3A_127] : memref<10112x128xf32, #tpu.memory_space<vmem_shared>> -> memref<128x128xf32, #tpu.memory_space<vmem_shared>>
      %dma_start3A_129 = arith.constant 0 : i32
      %dma_start3A_130 = arith.constant 0 : i32
      %dma_start3A_131 = tpu.memref_slice %arg9[%dma_start3A_129, %dma_start3A_130] : memref<256x128xf32, #tpu.memory_space<vmem>> -> memref<128x128xf32, #tpu.memory_space<vmem>>
      %dma_start3A_132 = arith.constant 0 : i32
      %dma_start3A_133 = tpu.memref_slice %arg10[%add3A_105, %dma_start3A_132] : memref<10112x128xf32, #tpu.memory_space<vmem_shared>> -> memref<128x128xf32, #tpu.memory_space<vmem_shared>>
      tpu.enqueue_dma source(%dma_start3A_133 : memref<128x128xf32, #tpu.memory_space<vmem_shared>>) target(%dma_start3A_131 : memref<128x128xf32, #tpu.memory_space<vmem>>) target_semaphore(%run_scoped3A : memref<!tpu.dma_semaphore, #tpu.memory_space<semaphore_mem>>)
      %dma_wait3A_134 = arith.constant 0 : i32
      %dma_wait3A_135 = arith.constant 0 : i32
      %dma_wait3A_136 = tpu.memref_slice %arg9[%dma_wait3A_134, %dma_wait3A_135] : memref<256x128xf32, #tpu.memory_space<vmem>> -> memref<128x128xf32, #tpu.memory_space<vmem>>
      %dma_wait3A_137 = arith.constant 0 : i32
      %dma_wait3A_138 = tpu.memref_slice %arg10[%add3A_105, %dma_wait3A_137] : memref<10112x128xf32, #tpu.memory_space<vmem_shared>> -> memref<128x128xf32, #tpu.memory_space<vmem_shared>>
      %dma_wait3A_139 = arith.constant 0 : i32
      %dma_wait3A_140 = arith.constant 0 : i32
      %dma_wait3A_141 = tpu.memref_slice %arg9[%dma_wait3A_139, %dma_wait3A_140] : memref<256x128xf32, #tpu.memory_space<vmem>> -> memref<128x128xf32, #tpu.memory_space<vmem>>
      %dma_wait3A_142 = arith.constant 0 : i32
      %dma_wait3A_143 = tpu.memref_slice %arg10[%add3A_105, %dma_wait3A_142] : memref<10112x128xf32, #tpu.memory_space<vmem_shared>> -> memref<128x128xf32, #tpu.memory_space<vmem_shared>>
      tpu.wait_dma2 semaphore(%run_scoped3A : memref<!tpu.dma_semaphore, #tpu.memory_space<semaphore_mem>>) src(%dma_wait3A_143 : memref<128x128xf32, #tpu.memory_space<vmem_shared>>) dst(%dma_wait3A_141 : memref<128x128xf32, #tpu.memory_space<vmem>>)
      tpu.yield
    }) : () -> ()
    %add3A_106 = arith.constant 0 : i32
    %add3A_107 = arith.addi %mul3A_0, %add3A_106 : i32
    "tpu.region"() ({
      %run_scoped3A = tpu.sem_alloc : memref<!tpu.dma_semaphore, #tpu.memory_space<semaphore_mem>>
      %dma_start3A_124 = arith.constant 0 : i32
      %dma_start3A_125 = arith.constant 0 : i32
      %dma_start3A_126 = tpu.memref_slice %arg9[%dma_start3A_124, %dma_start3A_125] : memref<256x128xf32, #tpu.memory_space<vmem>> -> memref<128x128xf32, #tpu.memory_space<vmem>>
      %dma_start3A_127 = arith.constant 0 : i32
      %dma_start3A_128 = tpu.memref_slice %arg6[%arg0, %add3A_107, %dma_start3A_127] : memref<2x10112x128xf32, #tpu.memory_space<hbm>> -> memref<1x128x128xf32, #tpu.memory_space<hbm>>
      %dma_start3A_129 = tpu.memref_squeeze %dma_start3A_128 : memref<1x128x128xf32, #tpu.memory_space<hbm>> -> memref<128x128xf32, #tpu.memory_space<hbm>>
      %dma_start3A_130 = arith.constant 0 : i32
      %dma_start3A_131 = tpu.memref_slice %arg6[%arg0, %add3A_107, %dma_start3A_130] : memref<2x10112x128xf32, #tpu.memory_space<hbm>> -> memref<1x128x128xf32, #tpu.memory_space<hbm>>
      %dma_start3A_132 = tpu.memref_squeeze %dma_start3A_131 : memref<1x128x128xf32, #tpu.memory_space<hbm>> -> memref<128x128xf32, #tpu.memory_space<hbm>>
      %dma_start3A_133 = arith.constant 0 : i32
      %dma_start3A_134 = arith.constant 0 : i32
      %dma_start3A_135 = tpu.memref_slice %arg9[%dma_start3A_133, %dma_start3A_134] : memref<256x128xf32, #tpu.memory_space<vmem>> -> memref<128x128xf32, #tpu.memory_space<vmem>>
      tpu.enqueue_dma source(%dma_start3A_135 : memref<128x128xf32, #tpu.memory_space<vmem>>) target(%dma_start3A_132 : memref<128x128xf32, #tpu.memory_space<hbm>>) target_semaphore(%run_scoped3A : memref<!tpu.dma_semaphore, #tpu.memory_space<semaphore_mem>>)
      %dma_wait3A_136 = arith.constant 0 : i32
      %dma_wait3A_137 = arith.constant 0 : i32
      %dma_wait3A_138 = tpu.memref_slice %arg9[%dma_wait3A_136, %dma_wait3A_137] : memref<256x128xf32, #tpu.memory_space<vmem>> -> memref<128x128xf32, #tpu.memory_space<vmem>>
      %dma_wait3A_139 = arith.constant 0 : i32
      %dma_wait3A_140 = tpu.memref_slice %arg6[%arg0, %add3A_107, %dma_wait3A_139] : memref<2x10112x128xf32, #tpu.memory_space<hbm>> -> memref<1x128x128xf32, #tpu.memory_space<hbm>>
      %dma_wait3A_141 = tpu.memref_squeeze %dma_wait3A_140 : memref<1x128x128xf32, #tpu.memory_space<hbm>> -> memref<128x128xf32, #tpu.memory_space<hbm>>
      %dma_wait3A_142 = arith.constant 0 : i32
      %dma_wait3A_143 = tpu.memref_slice %arg6[%arg0, %add3A_107, %dma_wait3A_142] : memref<2x10112x128xf32, #tpu.memory_space<hbm>> -> memref<1x128x128xf32, #tpu.memory_space<hbm>>
      %dma_wait3A_144 = tpu.memref_squeeze %dma_wait3A_143 : memref<1x128x128xf32, #tpu.memory_space<hbm>> -> memref<128x128xf32, #tpu.memory_space<hbm>>
      %dma_wait3A_145 = arith.constant 0 : i32
      %dma_wait3A_146 = arith.constant 0 : i32
      %dma_wait3A_147 = tpu.memref_slice %arg9[%dma_wait3A_145, %dma_wait3A_146] : memref<256x128xf32, #tpu.memory_space<vmem>> -> memref<128x128xf32, #tpu.memory_space<vmem>>
      tpu.wait_dma2 semaphore(%run_scoped3A : memref<!tpu.dma_semaphore, #tpu.memory_space<semaphore_mem>>) src(%dma_wait3A_147 : memref<128x128xf32, #tpu.memory_space<vmem>>) dst(%dma_wait3A_144 : memref<128x128xf32, #tpu.memory_space<hbm>>)
      tpu.yield
    }) : () -> ()
    %add3A_108 = arith.constant 128 : i32
    %add3A_109 = arith.addi %mul3A_0, %add3A_108 : i32
    "tpu.region"() ({
      %run_scoped3A = tpu.sem_alloc : memref<!tpu.dma_semaphore, #tpu.memory_space<semaphore_mem>>
      %dma_start3A_124 = arith.constant 0 : i32
      %dma_start3A_125 = arith.constant 0 : i32
      %dma_start3A_126 = tpu.memref_slice %arg9[%dma_start3A_124, %dma_start3A_125] : memref<256x128xf32, #tpu.memory_space<vmem>> -> memref<128x128xf32, #tpu.memory_space<vmem>>
      %dma_start3A_127 = arith.constant 0 : i32
      %dma_start3A_128 = tpu.memref_slice %arg10[%add3A_109, %dma_start3A_127] : memref<10112x128xf32, #tpu.memory_space<vmem_shared>> -> memref<128x128xf32, #tpu.memory_space<vmem_shared>>
      %dma_start3A_129 = arith.constant 0 : i32
      %dma_start3A_130 = arith.constant 0 : i32
      %dma_start3A_131 = tpu.memref_slice %arg9[%dma_start3A_129, %dma_start3A_130] : memref<256x128xf32, #tpu.memory_space<vmem>> -> memref<128x128xf32, #tpu.memory_space<vmem>>
      %dma_start3A_132 = arith.constant 0 : i32
      %dma_start3A_133 = tpu.memref_slice %arg10[%add3A_109, %dma_start3A_132] : memref<10112x128xf32, #tpu.memory_space<vmem_shared>> -> memref<128x128xf32, #tpu.memory_space<vmem_shared>>
      tpu.enqueue_dma source(%dma_start3A_133 : memref<128x128xf32, #tpu.memory_space<vmem_shared>>) target(%dma_start3A_131 : memref<128x128xf32, #tpu.memory_space<vmem>>) target_semaphore(%run_scoped3A : memref<!tpu.dma_semaphore, #tpu.memory_space<semaphore_mem>>)
      %dma_wait3A_134 = arith.constant 0 : i32
      %dma_wait3A_135 = arith.constant 0 : i32
      %dma_wait3A_136 = tpu.memref_slice %arg9[%dma_wait3A_134, %dma_wait3A_135] : memref<256x128xf32, #tpu.memory_space<vmem>> -> memref<128x128xf32, #tpu.memory_space<vmem>>
      %dma_wait3A_137 = arith.constant 0 : i32
      %dma_wait3A_138 = tpu.memref_slice %arg10[%add3A_109, %dma_wait3A_137] : memref<10112x128xf32, #tpu.memory_space<vmem_shared>> -> memref<128x128xf32, #tpu.memory_space<vmem_shared>>
      %dma_wait3A_139 = arith.constant 0 : i32
      %dma_wait3A_140 = arith.constant 0 : i32
      %dma_wait3A_141 = tpu.memref_slice %arg9[%dma_wait3A_139, %dma_wait3A_140] : memref<256x128xf32, #tpu.memory_space<vmem>> -> memref<128x128xf32, #tpu.memory_space<vmem>>
      %dma_wait3A_142 = arith.constant 0 : i32
      %dma_wait3A_143 = tpu.memref_slice %arg10[%add3A_109, %dma_wait3A_142] : memref<10112x128xf32, #tpu.memory_space<vmem_shared>> -> memref<128x128xf32, #tpu.memory_space<vmem_shared>>
      tpu.wait_dma2 semaphore(%run_scoped3A : memref<!tpu.dma_semaphore, #tpu.memory_space<semaphore_mem>>) src(%dma_wait3A_143 : memref<128x128xf32, #tpu.memory_space<vmem_shared>>) dst(%dma_wait3A_141 : memref<128x128xf32, #tpu.memory_space<vmem>>)
      tpu.yield
    }) : () -> ()
    %add3A_110 = arith.constant 128 : i32
    %add3A_111 = arith.addi %mul3A_0, %add3A_110 : i32
    "tpu.region"() ({
      %run_scoped3A = tpu.sem_alloc : memref<!tpu.dma_semaphore, #tpu.memory_space<semaphore_mem>>
      %dma_start3A_124 = arith.constant 0 : i32
      %dma_start3A_125 = arith.constant 0 : i32
      %dma_start3A_126 = tpu.memref_slice %arg9[%dma_start3A_124, %dma_start3A_125] : memref<256x128xf32, #tpu.memory_space<vmem>> -> memref<128x128xf32, #tpu.memory_space<vmem>>
      %dma_start3A_127 = arith.constant 0 : i32
      %dma_start3A_128 = tpu.memref_slice %arg6[%arg0, %add3A_111, %dma_start3A_127] : memref<2x10112x128xf32, #tpu.memory_space<hbm>> -> memref<1x128x128xf32, #tpu.memory_space<hbm>>
      %dma_start3A_129 = tpu.memref_squeeze %dma_start3A_128 : memref<1x128x128xf32, #tpu.memory_space<hbm>> -> memref<128x128xf32, #tpu.memory_space<hbm>>
      %dma_start3A_130 = arith.constant 0 : i32
      %dma_start3A_131 = tpu.memref_slice %arg6[%arg0, %add3A_111, %dma_start3A_130] : memref<2x10112x128xf32, #tpu.memory_space<hbm>> -> memref<1x128x128xf32, #tpu.memory_space<hbm>>
      %dma_start3A_132 = tpu.memref_squeeze %dma_start3A_131 : memref<1x128x128xf32, #tpu.memory_space<hbm>> -> memref<128x128xf32, #tpu.memory_space<hbm>>
      %dma_start3A_133 = arith.constant 0 : i32
      %dma_start3A_134 = arith.constant 0 : i32
      %dma_start3A_135 = tpu.memref_slice %arg9[%dma_start3A_133, %dma_start3A_134] : memref<256x128xf32, #tpu.memory_space<vmem>> -> memref<128x128xf32, #tpu.memory_space<vmem>>
      tpu.enqueue_dma source(%dma_start3A_135 : memref<128x128xf32, #tpu.memory_space<vmem>>) target(%dma_start3A_132 : memref<128x128xf32, #tpu.memory_space<hbm>>) target_semaphore(%run_scoped3A : memref<!tpu.dma_semaphore, #tpu.memory_space<semaphore_mem>>)
      %dma_wait3A_136 = arith.constant 0 : i32
      %dma_wait3A_137 = arith.constant 0 : i32
      %dma_wait3A_138 = tpu.memref_slice %arg9[%dma_wait3A_136, %dma_wait3A_137] : memref<256x128xf32, #tpu.memory_space<vmem>> -> memref<128x128xf32, #tpu.memory_space<vmem>>
      %dma_wait3A_139 = arith.constant 0 : i32
      %dma_wait3A_140 = tpu.memref_slice %arg6[%arg0, %add3A_111, %dma_wait3A_139] : memref<2x10112x128xf32, #tpu.memory_space<hbm>> -> memref<1x128x128xf32, #tpu.memory_space<hbm>>
      %dma_wait3A_141 = tpu.memref_squeeze %dma_wait3A_140 : memref<1x128x128xf32, #tpu.memory_space<hbm>> -> memref<128x128xf32, #tpu.memory_space<hbm>>
      %dma_wait3A_142 = arith.constant 0 : i32
      %dma_wait3A_143 = tpu.memref_slice %arg6[%arg0, %add3A_111, %dma_wait3A_142] : memref<2x10112x128xf32, #tpu.memory_space<hbm>> -> memref<1x128x128xf32, #tpu.memory_space<hbm>>
      %dma_wait3A_144 = tpu.memref_squeeze %dma_wait3A_143 : memref<1x128x128xf32, #tpu.memory_space<hbm>> -> memref<128x128xf32, #tpu.memory_space<hbm>>
      %dma_wait3A_145 = arith.constant 0 : i32
      %dma_wait3A_146 = arith.constant 0 : i32
      %dma_wait3A_147 = tpu.memref_slice %arg9[%dma_wait3A_145, %dma_wait3A_146] : memref<256x128xf32, #tpu.memory_space<vmem>> -> memref<128x128xf32, #tpu.memory_space<vmem>>
      tpu.wait_dma2 semaphore(%run_scoped3A : memref<!tpu.dma_semaphore, #tpu.memory_space<semaphore_mem>>) src(%dma_wait3A_147 : memref<128x128xf32, #tpu.memory_space<vmem>>) dst(%dma_wait3A_144 : memref<128x128xf32, #tpu.memory_space<hbm>>)
      tpu.yield
    }) : () -> ()
    %add3A_112 = arith.constant 256 : i32
    %add3A_113 = arith.addi %mul3A_0, %add3A_112 : i32
    "tpu.region"() ({
      %run_scoped3A = tpu.sem_alloc : memref<!tpu.dma_semaphore, #tpu.memory_space<semaphore_mem>>
      %dma_start3A_124 = arith.constant 0 : i32
      %dma_start3A_125 = arith.constant 0 : i32
      %dma_start3A_126 = tpu.memref_slice %arg9[%dma_start3A_124, %dma_start3A_125] : memref<256x128xf32, #tpu.memory_space<vmem>> -> memref<128x128xf32, #tpu.memory_space<vmem>>
      %dma_start3A_127 = arith.constant 0 : i32
      %dma_start3A_128 = tpu.memref_slice %arg10[%add3A_113, %dma_start3A_127] : memref<10112x128xf32, #tpu.memory_space<vmem_shared>> -> memref<128x128xf32, #tpu.memory_space<vmem_shared>>
      %dma_start3A_129 = arith.constant 0 : i32
      %dma_start3A_130 = arith.constant 0 : i32
      %dma_start3A_131 = tpu.memref_slice %arg9[%dma_start3A_129, %dma_start3A_130] : memref<256x128xf32, #tpu.memory_space<vmem>> -> memref<128x128xf32, #tpu.memory_space<vmem>>
      %dma_start3A_132 = arith.constant 0 : i32
      %dma_start3A_133 = tpu.memref_slice %arg10[%add3A_113, %dma_start3A_132] : memref<10112x128xf32, #tpu.memory_space<vmem_shared>> -> memref<128x128xf32, #tpu.memory_space<vmem_shared>>
      tpu.enqueue_dma source(%dma_start3A_133 : memref<128x128xf32, #tpu.memory_space<vmem_shared>>) target(%dma_start3A_131 : memref<128x128xf32, #tpu.memory_space<vmem>>) target_semaphore(%run_scoped3A : memref<!tpu.dma_semaphore, #tpu.memory_space<semaphore_mem>>)
      %dma_wait3A_134 = arith.constant 0 : i32
      %dma_wait3A_135 = arith.constant 0 : i32
      %dma_wait3A_136 = tpu.memref_slice %arg9[%dma_wait3A_134, %dma_wait3A_135] : memref<256x128xf32, #tpu.memory_space<vmem>> -> memref<128x128xf32, #tpu.memory_space<vmem>>
      %dma_wait3A_137 = arith.constant 0 : i32
      %dma_wait3A_138 = tpu.memref_slice %arg10[%add3A_113, %dma_wait3A_137] : memref<10112x128xf32, #tpu.memory_space<vmem_shared>> -> memref<128x128xf32, #tpu.memory_space<vmem_shared>>
      %dma_wait3A_139 = arith.constant 0 : i32
      %dma_wait3A_140 = arith.constant 0 : i32
      %dma_wait3A_141 = tpu.memref_slice %arg9[%dma_wait3A_139, %dma_wait3A_140] : memref<256x128xf32, #tpu.memory_space<vmem>> -> memref<128x128xf32, #tpu.memory_space<vmem>>
      %dma_wait3A_142 = arith.constant 0 : i32
      %dma_wait3A_143 = tpu.memref_slice %arg10[%add3A_113, %dma_wait3A_142] : memref<10112x128xf32, #tpu.memory_space<vmem_shared>> -> memref<128x128xf32, #tpu.memory_space<vmem_shared>>
      tpu.wait_dma2 semaphore(%run_scoped3A : memref<!tpu.dma_semaphore, #tpu.memory_space<semaphore_mem>>) src(%dma_wait3A_143 : memref<128x128xf32, #tpu.memory_space<vmem_shared>>) dst(%dma_wait3A_141 : memref<128x128xf32, #tpu.memory_space<vmem>>)
      tpu.yield
    }) : () -> ()
    %add3A_114 = arith.constant 256 : i32
    %add3A_115 = arith.addi %mul3A_0, %add3A_114 : i32
    "tpu.region"() ({
      %run_scoped3A = tpu.sem_alloc : memref<!tpu.dma_semaphore, #tpu.memory_space<semaphore_mem>>
      %dma_start3A_124 = arith.constant 0 : i32
      %dma_start3A_125 = arith.constant 0 : i32
      %dma_start3A_126 = tpu.memref_slice %arg9[%dma_start3A_124, %dma_start3A_125] : memref<256x128xf32, #tpu.memory_space<vmem>> -> memref<128x128xf32, #tpu.memory_space<vmem>>
      %dma_start3A_127 = arith.constant 0 : i32
      %dma_start3A_128 = tpu.memref_slice %arg6[%arg0, %add3A_115, %dma_start3A_127] : memref<2x10112x128xf32, #tpu.memory_space<hbm>> -> memref<1x128x128xf32, #tpu.memory_space<hbm>>
      %dma_start3A_129 = tpu.memref_squeeze %dma_start3A_128 : memref<1x128x128xf32, #tpu.memory_space<hbm>> -> memref<128x128xf32, #tpu.memory_space<hbm>>
      %dma_start3A_130 = arith.constant 0 : i32
      %dma_start3A_131 = tpu.memref_slice %arg6[%arg0, %add3A_115, %dma_start3A_130] : memref<2x10112x128xf32, #tpu.memory_space<hbm>> -> memref<1x128x128xf32, #tpu.memory_space<hbm>>
      %dma_start3A_132 = tpu.memref_squeeze %dma_start3A_131 : memref<1x128x128xf32, #tpu.memory_space<hbm>> -> memref<128x128xf32, #tpu.memory_space<hbm>>
      %dma_start3A_133 = arith.constant 0 : i32
      %dma_start3A_134 = arith.constant 0 : i32
      %dma_start3A_135 = tpu.memref_slice %arg9[%dma_start3A_133, %dma_start3A_134] : memref<256x128xf32, #tpu.memory_space<vmem>> -> memref<128x128xf32, #tpu.memory_space<vmem>>
      tpu.enqueue_dma source(%dma_start3A_135 : memref<128x128xf32, #tpu.memory_space<vmem>>) target(%dma_start3A_132 : memref<128x128xf32, #tpu.memory_space<hbm>>) target_semaphore(%run_scoped3A : memref<!tpu.dma_semaphore, #tpu.memory_space<semaphore_mem>>)
      %dma_wait3A_136 = arith.constant 0 : i32
      %dma_wait3A_137 = arith.constant 0 : i32
      %dma_wait3A_138 = tpu.memref_slice %arg9[%dma_wait3A_136, %dma_wait3A_137] : memref<256x128xf32, #tpu.memory_space<vmem>> -> memref<128x128xf32, #tpu.memory_space<vmem>>
      %dma_wait3A_139 = arith.constant 0 : i32
      %dma_wait3A_140 = tpu.memref_slice %arg6[%arg0, %add3A_115, %dma_wait3A_139] : memref<2x10112x128xf32, #tpu.memory_space<hbm>> -> memref<1x128x128xf32, #tpu.memory_space<hbm>>
      %dma_wait3A_141 = tpu.memref_squeeze %dma_wait3A_140 : memref<1x128x128xf32, #tpu.memory_space<hbm>> -> memref<128x128xf32, #tpu.memory_space<hbm>>
      %dma_wait3A_142 = arith.constant 0 : i32
      %dma_wait3A_143 = tpu.memref_slice %arg6[%arg0, %add3A_115, %dma_wait3A_142] : memref<2x10112x128xf32, #tpu.memory_space<hbm>> -> memref<1x128x128xf32, #tpu.memory_space<hbm>>
      %dma_wait3A_144 = tpu.memref_squeeze %dma_wait3A_143 : memref<1x128x128xf32, #tpu.memory_space<hbm>> -> memref<128x128xf32, #tpu.memory_space<hbm>>
      %dma_wait3A_145 = arith.constant 0 : i32
      %dma_wait3A_146 = arith.constant 0 : i32
      %dma_wait3A_147 = tpu.memref_slice %arg9[%dma_wait3A_145, %dma_wait3A_146] : memref<256x128xf32, #tpu.memory_space<vmem>> -> memref<128x128xf32, #tpu.memory_space<vmem>>
      tpu.wait_dma2 semaphore(%run_scoped3A : memref<!tpu.dma_semaphore, #tpu.memory_space<semaphore_mem>>) src(%dma_wait3A_147 : memref<128x128xf32, #tpu.memory_space<vmem>>) dst(%dma_wait3A_144 : memref<128x128xf32, #tpu.memory_space<hbm>>)
      tpu.yield
    }) : () -> ()
    %add3A_116 = arith.constant 384 : i32
    %add3A_117 = arith.addi %mul3A_0, %add3A_116 : i32
    "tpu.region"() ({
      %run_scoped3A = tpu.sem_alloc : memref<!tpu.dma_semaphore, #tpu.memory_space<semaphore_mem>>
      %dma_start3A_124 = arith.constant 0 : i32
      %dma_start3A_125 = arith.constant 0 : i32
      %dma_start3A_126 = tpu.memref_slice %arg9[%dma_start3A_124, %dma_start3A_125] : memref<256x128xf32, #tpu.memory_space<vmem>> -> memref<128x128xf32, #tpu.memory_space<vmem>>
      %dma_start3A_127 = arith.constant 0 : i32
      %dma_start3A_128 = tpu.memref_slice %arg10[%add3A_117, %dma_start3A_127] : memref<10112x128xf32, #tpu.memory_space<vmem_shared>> -> memref<128x128xf32, #tpu.memory_space<vmem_shared>>
      %dma_start3A_129 = arith.constant 0 : i32
      %dma_start3A_130 = arith.constant 0 : i32
      %dma_start3A_131 = tpu.memref_slice %arg9[%dma_start3A_129, %dma_start3A_130] : memref<256x128xf32, #tpu.memory_space<vmem>> -> memref<128x128xf32, #tpu.memory_space<vmem>>
      %dma_start3A_132 = arith.constant 0 : i32
      %dma_start3A_133 = tpu.memref_slice %arg10[%add3A_117, %dma_start3A_132] : memref<10112x128xf32, #tpu.memory_space<vmem_shared>> -> memref<128x128xf32, #tpu.memory_space<vmem_shared>>
      tpu.enqueue_dma source(%dma_start3A_133 : memref<128x128xf32, #tpu.memory_space<vmem_shared>>) target(%dma_start3A_131 : memref<128x128xf32, #tpu.memory_space<vmem>>) target_semaphore(%run_scoped3A : memref<!tpu.dma_semaphore, #tpu.memory_space<semaphore_mem>>)
      %dma_wait3A_134 = arith.constant 0 : i32
      %dma_wait3A_135 = arith.constant 0 : i32
      %dma_wait3A_136 = tpu.memref_slice %arg9[%dma_wait3A_134, %dma_wait3A_135] : memref<256x128xf32, #tpu.memory_space<vmem>> -> memref<128x128xf32, #tpu.memory_space<vmem>>
      %dma_wait3A_137 = arith.constant 0 : i32
      %dma_wait3A_138 = tpu.memref_slice %arg10[%add3A_117, %dma_wait3A_137] : memref<10112x128xf32, #tpu.memory_space<vmem_shared>> -> memref<128x128xf32, #tpu.memory_space<vmem_shared>>
      %dma_wait3A_139 = arith.constant 0 : i32
      %dma_wait3A_140 = arith.constant 0 : i32
      %dma_wait3A_141 = tpu.memref_slice %arg9[%dma_wait3A_139, %dma_wait3A_140] : memref<256x128xf32, #tpu.memory_space<vmem>> -> memref<128x128xf32, #tpu.memory_space<vmem>>
      %dma_wait3A_142 = arith.constant 0 : i32
      %dma_wait3A_143 = tpu.memref_slice %arg10[%add3A_117, %dma_wait3A_142] : memref<10112x128xf32, #tpu.memory_space<vmem_shared>> -> memref<128x128xf32, #tpu.memory_space<vmem_shared>>
      tpu.wait_dma2 semaphore(%run_scoped3A : memref<!tpu.dma_semaphore, #tpu.memory_space<semaphore_mem>>) src(%dma_wait3A_143 : memref<128x128xf32, #tpu.memory_space<vmem_shared>>) dst(%dma_wait3A_141 : memref<128x128xf32, #tpu.memory_space<vmem>>)
      tpu.yield
    }) : () -> ()
    %add3A_118 = arith.constant 384 : i32
    %add3A_119 = arith.addi %mul3A_0, %add3A_118 : i32
    "tpu.region"() ({
      %run_scoped3A = tpu.sem_alloc : memref<!tpu.dma_semaphore, #tpu.memory_space<semaphore_mem>>
      %dma_start3A_124 = arith.constant 0 : i32
      %dma_start3A_125 = arith.constant 0 : i32
      %dma_start3A_126 = tpu.memref_slice %arg9[%dma_start3A_124, %dma_start3A_125] : memref<256x128xf32, #tpu.memory_space<vmem>> -> memref<128x128xf32, #tpu.memory_space<vmem>>
      %dma_start3A_127 = arith.constant 0 : i32
      %dma_start3A_128 = tpu.memref_slice %arg6[%arg0, %add3A_119, %dma_start3A_127] : memref<2x10112x128xf32, #tpu.memory_space<hbm>> -> memref<1x128x128xf32, #tpu.memory_space<hbm>>
      %dma_start3A_129 = tpu.memref_squeeze %dma_start3A_128 : memref<1x128x128xf32, #tpu.memory_space<hbm>> -> memref<128x128xf32, #tpu.memory_space<hbm>>
      %dma_start3A_130 = arith.constant 0 : i32
      %dma_start3A_131 = tpu.memref_slice %arg6[%arg0, %add3A_119, %dma_start3A_130] : memref<2x10112x128xf32, #tpu.memory_space<hbm>> -> memref<1x128x128xf32, #tpu.memory_space<hbm>>
      %dma_start3A_132 = tpu.memref_squeeze %dma_start3A_131 : memref<1x128x128xf32, #tpu.memory_space<hbm>> -> memref<128x128xf32, #tpu.memory_space<hbm>>
      %dma_start3A_133 = arith.constant 0 : i32
      %dma_start3A_134 = arith.constant 0 : i32
      %dma_start3A_135 = tpu.memref_slice %arg9[%dma_start3A_133, %dma_start3A_134] : memref<256x128xf32, #tpu.memory_space<vmem>> -> memref<128x128xf32, #tpu.memory_space<vmem>>
      tpu.enqueue_dma source(%dma_start3A_135 : memref<128x128xf32, #tpu.memory_space<vmem>>) target(%dma_start3A_132 : memref<128x128xf32, #tpu.memory_space<hbm>>) target_semaphore(%run_scoped3A : memref<!tpu.dma_semaphore, #tpu.memory_space<semaphore_mem>>)
      %dma_wait3A_136 = arith.constant 0 : i32
      %dma_wait3A_137 = arith.constant 0 : i32
      %dma_wait3A_138 = tpu.memref_slice %arg9[%dma_wait3A_136, %dma_wait3A_137] : memref<256x128xf32, #tpu.memory_space<vmem>> -> memref<128x128xf32, #tpu.memory_space<vmem>>
      %dma_wait3A_139 = arith.constant 0 : i32
      %dma_wait3A_140 = tpu.memref_slice %arg6[%arg0, %add3A_119, %dma_wait3A_139] : memref<2x10112x128xf32, #tpu.memory_space<hbm>> -> memref<1x128x128xf32, #tpu.memory_space<hbm>>
      %dma_wait3A_141 = tpu.memref_squeeze %dma_wait3A_140 : memref<1x128x128xf32, #tpu.memory_space<hbm>> -> memref<128x128xf32, #tpu.memory_space<hbm>>
      %dma_wait3A_142 = arith.constant 0 : i32
      %dma_wait3A_143 = tpu.memref_slice %arg6[%arg0, %add3A_119, %dma_wait3A_142] : memref<2x10112x128xf32, #tpu.memory_space<hbm>> -> memref<1x128x128xf32, #tpu.memory_space<hbm>>
      %dma_wait3A_144 = tpu.memref_squeeze %dma_wait3A_143 : memref<1x128x128xf32, #tpu.memory_space<hbm>> -> memref<128x128xf32, #tpu.memory_space<hbm>>
      %dma_wait3A_145 = arith.constant 0 : i32
      %dma_wait3A_146 = arith.constant 0 : i32
      %dma_wait3A_147 = tpu.memref_slice %arg9[%dma_wait3A_145, %dma_wait3A_146] : memref<256x128xf32, #tpu.memory_space<vmem>> -> memref<128x128xf32, #tpu.memory_space<vmem>>
      tpu.wait_dma2 semaphore(%run_scoped3A : memref<!tpu.dma_semaphore, #tpu.memory_space<semaphore_mem>>) src(%dma_wait3A_147 : memref<128x128xf32, #tpu.memory_space<vmem>>) dst(%dma_wait3A_144 : memref<128x128xf32, #tpu.memory_space<hbm>>)
      tpu.yield
    }) : () -> ()
    %add3A_120 = arith.constant 512 : i32
    %add3A_121 = arith.addi %mul3A_0, %add3A_120 : i32
    "tpu.region"() ({
      %run_scoped3A = tpu.sem_alloc : memref<!tpu.dma_semaphore, #tpu.memory_space<semaphore_mem>>
      %dma_start3A_124 = arith.constant 0 : i32
      %dma_start3A_125 = arith.constant 0 : i32
      %dma_start3A_126 = tpu.memref_slice %arg9[%dma_start3A_124, %dma_start3A_125] : memref<256x128xf32, #tpu.memory_space<vmem>> -> memref<120x128xf32, #tpu.memory_space<vmem>>
      %dma_start3A_127 = arith.constant 0 : i32
      %dma_start3A_128 = tpu.memref_slice %arg10[%add3A_121, %dma_start3A_127] : memref<10112x128xf32, #tpu.memory_space<vmem_shared>> -> memref<120x128xf32, #tpu.memory_space<vmem_shared>>
      %dma_start3A_129 = arith.constant 0 : i32
      %dma_start3A_130 = arith.constant 0 : i32
      %dma_start3A_131 = tpu.memref_slice %arg9[%dma_start3A_129, %dma_start3A_130] : memref<256x128xf32, #tpu.memory_space<vmem>> -> memref<120x128xf32, #tpu.memory_space<vmem>>
      %dma_start3A_132 = arith.constant 0 : i32
      %dma_start3A_133 = tpu.memref_slice %arg10[%add3A_121, %dma_start3A_132] : memref<10112x128xf32, #tpu.memory_space<vmem_shared>> -> memref<120x128xf32, #tpu.memory_space<vmem_shared>>
      tpu.enqueue_dma source(%dma_start3A_133 : memref<120x128xf32, #tpu.memory_space<vmem_shared>>) target(%dma_start3A_131 : memref<120x128xf32, #tpu.memory_space<vmem>>) target_semaphore(%run_scoped3A : memref<!tpu.dma_semaphore, #tpu.memory_space<semaphore_mem>>)
      %dma_wait3A_134 = arith.constant 0 : i32
      %dma_wait3A_135 = arith.constant 0 : i32
      %dma_wait3A_136 = tpu.memref_slice %arg9[%dma_wait3A_134, %dma_wait3A_135] : memref<256x128xf32, #tpu.memory_space<vmem>> -> memref<120x128xf32, #tpu.memory_space<vmem>>
      %dma_wait3A_137 = arith.constant 0 : i32
      %dma_wait3A_138 = tpu.memref_slice %arg10[%add3A_121, %dma_wait3A_137] : memref<10112x128xf32, #tpu.memory_space<vmem_shared>> -> memref<120x128xf32, #tpu.memory_space<vmem_shared>>
      %dma_wait3A_139 = arith.constant 0 : i32
      %dma_wait3A_140 = arith.constant 0 : i32
      %dma_wait3A_141 = tpu.memref_slice %arg9[%dma_wait3A_139, %dma_wait3A_140] : memref<256x128xf32, #tpu.memory_space<vmem>> -> memref<120x128xf32, #tpu.memory_space<vmem>>
      %dma_wait3A_142 = arith.constant 0 : i32
      %dma_wait3A_143 = tpu.memref_slice %arg10[%add3A_121, %dma_wait3A_142] : memref<10112x128xf32, #tpu.memory_space<vmem_shared>> -> memref<120x128xf32, #tpu.memory_space<vmem_shared>>
      tpu.wait_dma2 semaphore(%run_scoped3A : memref<!tpu.dma_semaphore, #tpu.memory_space<semaphore_mem>>) src(%dma_wait3A_143 : memref<120x128xf32, #tpu.memory_space<vmem_shared>>) dst(%dma_wait3A_141 : memref<120x128xf32, #tpu.memory_space<vmem>>)
      tpu.yield
    }) : () -> ()
    %add3A_122 = arith.constant 512 : i32
    %add3A_123 = arith.addi %mul3A_0, %add3A_122 : i32
    "tpu.region"() ({
      %run_scoped3A = tpu.sem_alloc : memref<!tpu.dma_semaphore, #tpu.memory_space<semaphore_mem>>
      %dma_start3A_124 = arith.constant 0 : i32
      %dma_start3A_125 = arith.constant 0 : i32
      %dma_start3A_126 = tpu.memref_slice %arg9[%dma_start3A_124, %dma_start3A_125] : memref<256x128xf32, #tpu.memory_space<vmem>> -> memref<120x128xf32, #tpu.memory_space<vmem>>
      %dma_start3A_127 = arith.constant 0 : i32
      %dma_start3A_128 = tpu.memref_slice %arg6[%arg0, %add3A_123, %dma_start3A_127] : memref<2x10112x128xf32, #tpu.memory_space<hbm>> -> memref<1x120x128xf32, #tpu.memory_space<hbm>>
      %dma_start3A_129 = tpu.memref_squeeze %dma_start3A_128 : memref<1x120x128xf32, #tpu.memory_space<hbm>> -> memref<120x128xf32, #tpu.memory_space<hbm>>
      %dma_start3A_130 = arith.constant 0 : i32
      %dma_start3A_131 = tpu.memref_slice %arg6[%arg0, %add3A_123, %dma_start3A_130] : memref<2x10112x128xf32, #tpu.memory_space<hbm>> -> memref<1x120x128xf32, #tpu.memory_space<hbm>>
      %dma_start3A_132 = tpu.memref_squeeze %dma_start3A_131 : memref<1x120x128xf32, #tpu.memory_space<hbm>> -> memref<120x128xf32, #tpu.memory_space<hbm>>
      %dma_start3A_133 = arith.constant 0 : i32
      %dma_start3A_134 = arith.constant 0 : i32
      %dma_start3A_135 = tpu.memref_slice %arg9[%dma_start3A_133, %dma_start3A_134] : memref<256x128xf32, #tpu.memory_space<vmem>> -> memref<120x128xf32, #tpu.memory_space<vmem>>
      tpu.enqueue_dma source(%dma_start3A_135 : memref<120x128xf32, #tpu.memory_space<vmem>>) target(%dma_start3A_132 : memref<120x128xf32, #tpu.memory_space<hbm>>) target_semaphore(%run_scoped3A : memref<!tpu.dma_semaphore, #tpu.memory_space<semaphore_mem>>)
      %dma_wait3A_136 = arith.constant 0 : i32
      %dma_wait3A_137 = arith.constant 0 : i32
      %dma_wait3A_138 = tpu.memref_slice %arg9[%dma_wait3A_136, %dma_wait3A_137] : memref<256x128xf32, #tpu.memory_space<vmem>> -> memref<120x128xf32, #tpu.memory_space<vmem>>
      %dma_wait3A_139 = arith.constant 0 : i32
      %dma_wait3A_140 = tpu.memref_slice %arg6[%arg0, %add3A_123, %dma_wait3A_139] : memref<2x10112x128xf32, #tpu.memory_space<hbm>> -> memref<1x120x128xf32, #tpu.memory_space<hbm>>
      %dma_wait3A_141 = tpu.memref_squeeze %dma_wait3A_140 : memref<1x120x128xf32, #tpu.memory_space<hbm>> -> memref<120x128xf32, #tpu.memory_space<hbm>>
      %dma_wait3A_142 = arith.constant 0 : i32
      %dma_wait3A_143 = tpu.memref_slice %arg6[%arg0, %add3A_123, %dma_wait3A_142] : memref<2x10112x128xf32, #tpu.memory_space<hbm>> -> memref<1x120x128xf32, #tpu.memory_space<hbm>>
      %dma_wait3A_144 = tpu.memref_squeeze %dma_wait3A_143 : memref<1x120x128xf32, #tpu.memory_space<hbm>> -> memref<120x128xf32, #tpu.memory_space<hbm>>
      %dma_wait3A_145 = arith.constant 0 : i32
      %dma_wait3A_146 = arith.constant 0 : i32
      %dma_wait3A_147 = tpu.memref_slice %arg9[%dma_wait3A_145, %dma_wait3A_146] : memref<256x128xf32, #tpu.memory_space<vmem>> -> memref<120x128xf32, #tpu.memory_space<vmem>>
      tpu.wait_dma2 semaphore(%run_scoped3A : memref<!tpu.dma_semaphore, #tpu.memory_space<semaphore_mem>>) src(%dma_wait3A_147 : memref<120x128xf32, #tpu.memory_space<vmem>>) dst(%dma_wait3A_144 : memref<120x128xf32, #tpu.memory_space<hbm>>)
      tpu.yield
    }) : () -> ()
    return
  }
}

module attributes {stable_mosaic.version = 14 : i64} {
  func.func @_tc1_body(%arg0: i32, %arg1: memref<1x400x128xf32, #tpu.memory_space<vmem>>, %arg2: memref<1x400x128xf32, #tpu.memory_space<vmem>>, %arg3: memref<1x400x128xf32, #tpu.memory_space<vmem>>, %arg4: memref<1x400x128xf32, #tpu.memory_space<vmem>>, %arg5: memref<400x128xf32, #tpu.memory_space<vmem>>, %arg6: memref<128x512xf32, #tpu.memory_space<vmem>>, %arg7: memref<1x512xf32, #tpu.memory_space<vmem>>, %arg8: memref<128x512xf32, #tpu.memory_space<vmem>>, %arg9: memref<512x256xf32, #tpu.memory_space<vmem>>, %arg10: memref<512x256xf32, #tpu.memory_space<vmem>>, %arg11: memref<400x128xf32, #tpu.memory_space<vmem>>, %arg12: memref<400x128xf32, #tpu.memory_space<vmem>>, %arg13: memref<400x256xf32, #tpu.memory_space<vmem>>) attributes {dimension_semantics = [#tpu.dimension_semantics<arbitrary>], iteration_bounds = array<i64: 25>, scalar_prefetch = 0 : i64, scratch_operands = 0 : i64, tpu.core_type = #tpu.core_type<tc>, window_params = [{transform_indices = @transform_0, window_bounds = array<i64: 1, 400, 128>}, {transform_indices = @transform_1, window_bounds = array<i64: 1, 400, 128>}, {transform_indices = @transform_2, window_bounds = array<i64: 1, 400, 128>}, {transform_indices = @transform_3, window_bounds = array<i64: 1, 400, 128>}, {transform_indices = @transform_4, window_bounds = array<i64: 400, 128>}, {pipeline_mode = #tpu.pipeline_mode<synchronous>, transform_indices = @transform_5, window_bounds = array<i64: 128, 512>}, {pipeline_mode = #tpu.pipeline_mode<synchronous>, transform_indices = @transform_6, window_bounds = array<i64: 1, 512>}, {pipeline_mode = #tpu.pipeline_mode<synchronous>, transform_indices = @transform_7, window_bounds = array<i64: 128, 512>}, {pipeline_mode = #tpu.pipeline_mode<synchronous>, transform_indices = @transform_8, window_bounds = array<i64: 512, 256>}, {pipeline_mode = #tpu.pipeline_mode<synchronous>, transform_indices = @transform_9, window_bounds = array<i64: 512, 256>}, {transform_indices = @transform_10, window_bounds = array<i64: 400, 128>}, {transform_indices = @transform_11, window_bounds = array<i64: 400, 128>}, {transform_indices = @transform_12, window_bounds = array<i64: 400, 256>}]} {
    %get3A = arith.constant 0 : index
    %get3A_0 = arith.constant 0 : index
    %get3A_1 = arith.constant 0 : index
    %get3A_2 = vector.load %arg3[%get3A, %get3A_0, %get3A_1] : memref<1x400x128xf32, #tpu.memory_space<vmem>>, vector<1x400x1xf32>
    %get3A_3 = vector.shape_cast %get3A_2 : vector<1x400x1xf32> to vector<400x1xf32>
    %get3A_4 = arith.constant 0 : index
    %get3A_5 = arith.constant 0 : index
    %get3A_6 = arith.constant 0 : index
    %get3A_7 = vector.load %arg4[%get3A_4, %get3A_5, %get3A_6] : memref<1x400x128xf32, #tpu.memory_space<vmem>>, vector<1x400x1xf32>
    %get3A_8 = vector.shape_cast %get3A_7 : vector<1x400x1xf32> to vector<400x1xf32>
    %add3A = arith.addf %get3A_3, %get3A_8 : vector<400x1xf32>
    %max3A = arith.constant 1.000000e+00 : f32
    %max3A_9 = vector.broadcast %max3A : f32 to vector<400x1xf32>
    %max3A_10 = arith.maximumf %add3A, %max3A_9 : vector<400x1xf32>
    %get3A_11 = arith.constant 0 : index
    %get3A_12 = arith.constant 0 : index
    %get3A_13 = arith.constant 0 : index
    %get3A_14 = vector.load %arg1[%get3A_11, %get3A_12, %get3A_13] : memref<1x400x128xf32, #tpu.memory_space<vmem>>, vector<1x400x128xf32>
    %get3A_15 = vector.shape_cast %get3A_14 : vector<1x400x128xf32> to vector<400x128xf32>
    %get3A_16 = arith.constant 0 : index
    %get3A_17 = arith.constant 0 : index
    %get3A_18 = arith.constant 0 : index
    %get3A_19 = vector.load %arg2[%get3A_16, %get3A_17, %get3A_18] : memref<1x400x128xf32, #tpu.memory_space<vmem>>, vector<1x400x128xf32>
    %get3A_20 = vector.shape_cast %get3A_19 : vector<1x400x128xf32> to vector<400x128xf32>
    %add3A_21 = arith.addf %get3A_15, %get3A_20 : vector<400x128xf32>
    %div3A = vector.broadcast %max3A_10 : vector<400x1xf32> to vector<400x128xf32>
    %div3A_22 = arith.divf %add3A_21, %div3A : vector<400x128xf32>
    %get3A_23 = arith.constant 0 : index
    %get3A_24 = arith.constant 0 : index
    %get3A_25 = vector.load %arg6[%get3A_23, %get3A_24] : memref<128x512xf32, #tpu.memory_space<vmem>>, vector<128x512xf32>
    %dot_general3A = arith.constant dense<0.000000e+00> : vector<400x512xf32>
    %dot_general3A_26 = tpu.matmul %div3A_22, %get3A_25, %dot_general3A {dimension_numbers = #tpu.dot_dimension_numbers<[1], [0], [0], [1], [0, 0, 1, 1], [], []>, transpose_lhs_hint = false} : vector<400x128xf32>, vector<128x512xf32>, vector<400x512xf32> -> vector<400x512xf32>
    %get3A_27 = arith.constant 0 : index
    %get3A_28 = arith.constant 0 : index
    %get3A_29 = vector.load %arg7[%get3A_27, %get3A_28] : memref<1x512xf32, #tpu.memory_space<vmem>>, vector<1x512xf32>
    %add3A_30 = vector.broadcast %get3A_29 : vector<1x512xf32> to vector<400x512xf32>
    %add3A_31 = arith.addf %dot_general3A_26, %add3A_30 : vector<400x512xf32>
    %get3A_32 = arith.constant 0 : index
    %get3A_33 = arith.constant 0 : index
    %get3A_34 = vector.load %arg5[%get3A_32, %get3A_33] : memref<400x128xf32, #tpu.memory_space<vmem>>, vector<400x128xf32>
    %get3A_35 = arith.constant 0 : index
    %get3A_36 = arith.constant 0 : index
    %get3A_37 = vector.load %arg8[%get3A_35, %get3A_36] : memref<128x512xf32, #tpu.memory_space<vmem>>, vector<128x512xf32>
    %dot_general3A_38 = arith.constant dense<0.000000e+00> : vector<400x512xf32>
    %dot_general3A_39 = tpu.matmul %get3A_34, %get3A_37, %dot_general3A_38 {dimension_numbers = #tpu.dot_dimension_numbers<[1], [0], [0], [1], [0, 0, 1, 1], [], []>, transpose_lhs_hint = false} : vector<400x128xf32>, vector<128x512xf32>, vector<400x512xf32> -> vector<400x512xf32>
    %add3A_40 = arith.addf %add3A_31, %dot_general3A_39 : vector<400x512xf32>
    %gt3A = arith.constant 0.000000e+00 : f32
    %gt3A_41 = vector.broadcast %gt3A : f32 to vector<400x512xf32>
    %gt3A_42 = arith.cmpf ogt, %add3A_40, %gt3A_41 : vector<400x512xf32>
    %mul3A = arith.constant 1.500000e-01 : f32
    %mul3A_43 = vector.broadcast %mul3A : f32 to vector<400x512xf32>
    %mul3A_44 = arith.mulf %mul3A_43, %add3A_40 : vector<400x512xf32>
    %select_n3A = arith.select %gt3A_42, %add3A_40, %mul3A_44 : vector<400x512xi1>, vector<400x512xf32>
    %get3A_45 = arith.constant 0 : index
    %get3A_46 = arith.constant 0 : index
    %get3A_47 = vector.load %arg9[%get3A_45, %get3A_46] : memref<512x256xf32, #tpu.memory_space<vmem>>, vector<512x256xf32>
    %dot_general3A_48 = arith.constant dense<0.000000e+00> : vector<400x256xf32>
    %dot_general3A_49 = tpu.matmul %select_n3A, %get3A_47, %dot_general3A_48 {dimension_numbers = #tpu.dot_dimension_numbers<[1], [0], [0], [1], [0, 0, 1, 1], [], []>, transpose_lhs_hint = false} : vector<400x512xf32>, vector<512x256xf32>, vector<400x256xf32> -> vector<400x256xf32>
    %slice3A = vector.extract_strided_slice %dot_general3A_49 {offsets = [0, 0], sizes = [400, 128], strides = [1, 1]} : vector<400x256xf32> to vector<400x128xf32>
    %swap3A = arith.constant 0 : index
    %swap3A_50 = arith.constant 0 : index
    %swap3A_51 = vector.load %arg11[%swap3A, %swap3A_50] : memref<400x128xf32, #tpu.memory_space<vmem>>, vector<400x128xf32>
    tpu.vector_store %arg11[%swap3A, %swap3A_50], %slice3A {strides = array<i32>} : memref<400x128xf32, #tpu.memory_space<vmem>>, vector<400x128xf32>,
    %slice3A_52 = vector.extract_strided_slice %dot_general3A_49 {offsets = [0, 128], sizes = [400, 128], strides = [1, 1]} : vector<400x256xf32> to vector<400x128xf32>
    %swap3A_53 = arith.constant 0 : index
    %swap3A_54 = arith.constant 0 : index
    %swap3A_55 = vector.load %arg12[%swap3A_53, %swap3A_54] : memref<400x128xf32, #tpu.memory_space<vmem>>, vector<400x128xf32>
    tpu.vector_store %arg12[%swap3A_53, %swap3A_54], %slice3A_52 {strides = array<i32>} : memref<400x128xf32, #tpu.memory_space<vmem>>, vector<400x128xf32>,
    %get3A_56 = arith.constant 0 : index
    %get3A_57 = arith.constant 0 : index
    %get3A_58 = vector.load %arg10[%get3A_56, %get3A_57] : memref<512x256xf32, #tpu.memory_space<vmem>>, vector<512x256xf32>
    %dot_general3A_59 = arith.constant dense<0.000000e+00> : vector<400x256xf32>
    %dot_general3A_60 = tpu.matmul %select_n3A, %get3A_58, %dot_general3A_59 {dimension_numbers = #tpu.dot_dimension_numbers<[1], [0], [0], [1], [0, 0, 1, 1], [], []>, transpose_lhs_hint = false} : vector<400x512xf32>, vector<512x256xf32>, vector<400x256xf32> -> vector<400x256xf32>
    %swap3A_61 = arith.constant 0 : index
    %swap3A_62 = arith.constant 0 : index
    %swap3A_63 = vector.load %arg13[%swap3A_61, %swap3A_62] : memref<400x256xf32, #tpu.memory_space<vmem>>, vector<400x256xf32>
    tpu.vector_store %arg13[%swap3A_61, %swap3A_62], %dot_general3A_60 {strides = array<i32>} : memref<400x256xf32, #tpu.memory_space<vmem>>, vector<400x256xf32>,
    return
  }
  func.func @transform_0(%arg0: i32) -> (i32, i32, i32) {
    %c0_i32 = arith.constant 0 : i32
    %c0_i32_0 = arith.constant 0 : i32
    %c0_i32_1 = arith.constant 0 : i32
    return %c0_i32, %arg0, %c0_i32_0 : i32, i32, i32
  }
  func.func @transform_1(%arg0: i32) -> (i32, i32, i32) {
    %c1_i32 = arith.constant 1 : i32
    %c0_i32 = arith.constant 0 : i32
    %c0_i32_0 = arith.constant 0 : i32
    return %c1_i32, %arg0, %c0_i32 : i32, i32, i32
  }
  func.func @transform_2(%arg0: i32) -> (i32, i32, i32) {
    %c0_i32 = arith.constant 0 : i32
    %c0_i32_0 = arith.constant 0 : i32
    %c0_i32_1 = arith.constant 0 : i32
    return %c0_i32, %arg0, %c0_i32_0 : i32, i32, i32
  }
  func.func @transform_3(%arg0: i32) -> (i32, i32, i32) {
    %c1_i32 = arith.constant 1 : i32
    %c0_i32 = arith.constant 0 : i32
    %c0_i32_0 = arith.constant 0 : i32
    return %c1_i32, %arg0, %c0_i32 : i32, i32, i32
  }
  func.func @transform_4(%arg0: i32) -> (i32, i32) {
    %c0_i32 = arith.constant 0 : i32
    %c0_i32_0 = arith.constant 0 : i32
    return %arg0, %c0_i32 : i32, i32
  }
  func.func @transform_5(%arg0: i32) -> (i32, i32) {
    %c0_i32 = arith.constant 0 : i32
    %c0_i32_0 = arith.constant 0 : i32
    %c0_i32_1 = arith.constant 0 : i32
    return %c0_i32, %c0_i32_0 : i32, i32
  }
  func.func @transform_6(%arg0: i32) -> (i32, i32) {
    %c0_i32 = arith.constant 0 : i32
    %c0_i32_0 = arith.constant 0 : i32
    %c0_i32_1 = arith.constant 0 : i32
    return %c0_i32, %c0_i32_0 : i32, i32
  }
  func.func @transform_7(%arg0: i32) -> (i32, i32) {
    %c0_i32 = arith.constant 0 : i32
    %c0_i32_0 = arith.constant 0 : i32
    %c0_i32_1 = arith.constant 0 : i32
    return %c0_i32, %c0_i32_0 : i32, i32
  }
  func.func @transform_8(%arg0: i32) -> (i32, i32) {
    %c0_i32 = arith.constant 0 : i32
    %c0_i32_0 = arith.constant 0 : i32
    %c0_i32_1 = arith.constant 0 : i32
    return %c0_i32, %c0_i32_0 : i32, i32
  }
  func.func @transform_9(%arg0: i32) -> (i32, i32) {
    %c0_i32 = arith.constant 0 : i32
    %c0_i32_0 = arith.constant 0 : i32
    %c0_i32_1 = arith.constant 0 : i32
    return %c0_i32, %c0_i32_0 : i32, i32
  }
  func.func @transform_10(%arg0: i32) -> (i32, i32) {
    %c0_i32 = arith.constant 0 : i32
    %c0_i32_0 = arith.constant 0 : i32
    return %arg0, %c0_i32 : i32, i32
  }
  func.func @transform_11(%arg0: i32) -> (i32, i32) {
    %c0_i32 = arith.constant 0 : i32
    %c0_i32_0 = arith.constant 0 : i32
    return %arg0, %c0_i32 : i32, i32
  }
  func.func @transform_12(%arg0: i32) -> (i32, i32) {
    %c0_i32 = arith.constant 0 : i32
    %c0_i32_0 = arith.constant 0 : i32
    return %arg0, %c0_i32 : i32, i32
  }
}

module attributes {stable_mosaic.version = 14 : i64} {
  func.func @_tc2_body(%arg0: i32, %arg1: memref<1x400x128xf32, #tpu.memory_space<vmem>>, %arg2: memref<1x400x128xf32, #tpu.memory_space<vmem>>, %arg3: memref<1x400x128xf32, #tpu.memory_space<vmem>>, %arg4: memref<1x400x128xf32, #tpu.memory_space<vmem>>, %arg5: memref<400x256xf32, #tpu.memory_space<vmem>>, %arg6: memref<1x256xf32, #tpu.memory_space<vmem>>, %arg7: memref<256x64xf32, #tpu.memory_space<vmem>>, %arg8: memref<256x64xf32, #tpu.memory_space<vmem>>, %arg9: memref<400x128xf32, #tpu.memory_space<vmem>>, %arg10: memref<400x64xf32, #tpu.memory_space<vmem>>) attributes {dimension_semantics = [#tpu.dimension_semantics<arbitrary>], iteration_bounds = array<i64: 25>, scalar_prefetch = 0 : i64, scratch_operands = 0 : i64, tpu.core_type = #tpu.core_type<tc>, window_params = [{transform_indices = @transform_0, window_bounds = array<i64: 1, 400, 128>}, {transform_indices = @transform_1, window_bounds = array<i64: 1, 400, 128>}, {transform_indices = @transform_2, window_bounds = array<i64: 1, 400, 128>}, {transform_indices = @transform_3, window_bounds = array<i64: 1, 400, 128>}, {transform_indices = @transform_4, window_bounds = array<i64: 400, 256>}, {pipeline_mode = #tpu.pipeline_mode<synchronous>, transform_indices = @transform_5, window_bounds = array<i64: 1, 256>}, {pipeline_mode = #tpu.pipeline_mode<synchronous>, transform_indices = @transform_6, window_bounds = array<i64: 256, 64>}, {pipeline_mode = #tpu.pipeline_mode<synchronous>, transform_indices = @transform_7, window_bounds = array<i64: 256, 64>}, {transform_indices = @transform_8, window_bounds = array<i64: 400, 128>}, {transform_indices = @transform_9, window_bounds = array<i64: 400, 64>}]} {
    %get3A = arith.constant 0 : index
    %get3A_0 = arith.constant 0 : index
    %get3A_1 = arith.constant 0 : index
    %get3A_2 = vector.load %arg3[%get3A, %get3A_0, %get3A_1] : memref<1x400x128xf32, #tpu.memory_space<vmem>>, vector<1x400x1xf32>
    %get3A_3 = vector.shape_cast %get3A_2 : vector<1x400x1xf32> to vector<400x1xf32>
    %get3A_4 = arith.constant 0 : index
    %get3A_5 = arith.constant 0 : index
    %get3A_6 = arith.constant 0 : index
    %get3A_7 = vector.load %arg4[%get3A_4, %get3A_5, %get3A_6] : memref<1x400x128xf32, #tpu.memory_space<vmem>>, vector<1x400x1xf32>
    %get3A_8 = vector.shape_cast %get3A_7 : vector<1x400x1xf32> to vector<400x1xf32>
    %add3A = arith.addf %get3A_3, %get3A_8 : vector<400x1xf32>
    %max3A = arith.constant 1.000000e+00 : f32
    %max3A_9 = vector.broadcast %max3A : f32 to vector<400x1xf32>
    %max3A_10 = arith.maximumf %add3A, %max3A_9 : vector<400x1xf32>
    %get3A_11 = arith.constant 0 : index
    %get3A_12 = arith.constant 0 : index
    %get3A_13 = arith.constant 0 : index
    %get3A_14 = vector.load %arg1[%get3A_11, %get3A_12, %get3A_13] : memref<1x400x128xf32, #tpu.memory_space<vmem>>, vector<1x400x128xf32>
    %get3A_15 = vector.shape_cast %get3A_14 : vector<1x400x128xf32> to vector<400x128xf32>
    %get3A_16 = arith.constant 0 : index
    %get3A_17 = arith.constant 0 : index
    %get3A_18 = arith.constant 0 : index
    %get3A_19 = vector.load %arg2[%get3A_16, %get3A_17, %get3A_18] : memref<1x400x128xf32, #tpu.memory_space<vmem>>, vector<1x400x128xf32>
    %get3A_20 = vector.shape_cast %get3A_19 : vector<1x400x128xf32> to vector<400x128xf32>
    %concatenate3A = tpu.concatenate %get3A_15, %get3A_20 in 1 : vector<400x128xf32>, vector<400x128xf32> -> vector<400x256xf32>
    %div3A = vector.broadcast %max3A_10 : vector<400x1xf32> to vector<400x256xf32>
    %div3A_21 = arith.divf %concatenate3A, %div3A : vector<400x256xf32>
    %get3A_22 = arith.constant 0 : index
    %get3A_23 = arith.constant 0 : index
    %get3A_24 = vector.load %arg6[%get3A_22, %get3A_23] : memref<1x256xf32, #tpu.memory_space<vmem>>, vector<1x256xf32>
    %add3A_25 = vector.broadcast %get3A_24 : vector<1x256xf32> to vector<400x256xf32>
    %add3A_26 = arith.addf %div3A_21, %add3A_25 : vector<400x256xf32>
    %get3A_27 = arith.constant 0 : index
    %get3A_28 = arith.constant 0 : index
    %get3A_29 = vector.load %arg5[%get3A_27, %get3A_28] : memref<400x256xf32, #tpu.memory_space<vmem>>, vector<400x256xf32>
    %add3A_30 = arith.addf %add3A_26, %get3A_29 : vector<400x256xf32>
    %gt3A = arith.constant 0.000000e+00 : f32
    %gt3A_31 = vector.broadcast %gt3A : f32 to vector<400x256xf32>
    %gt3A_32 = arith.cmpf ogt, %add3A_30, %gt3A_31 : vector<400x256xf32>
    %mul3A = arith.constant 1.500000e-01 : f32
    %mul3A_33 = vector.broadcast %mul3A : f32 to vector<400x256xf32>
    %mul3A_34 = arith.mulf %mul3A_33, %add3A_30 : vector<400x256xf32>
    %select_n3A = arith.select %gt3A_32, %add3A_30, %mul3A_34 : vector<400x256xi1>, vector<400x256xf32>
    %get3A_35 = arith.constant 0 : index
    %get3A_36 = arith.constant 0 : index
    %get3A_37 = vector.load %arg7[%get3A_35, %get3A_36] : memref<256x64xf32, #tpu.memory_space<vmem>>, vector<256x64xf32>
    %dot_general3A = arith.constant dense<0.000000e+00> : vector<400x64xf32>
    %dot_general3A_38 = tpu.matmul %select_n3A, %get3A_37, %dot_general3A {dimension_numbers = #tpu.dot_dimension_numbers<[1], [0], [0], [1], [0, 0, 1, 1], [], []>, transpose_lhs_hint = false} : vector<400x256xf32>, vector<256x64xf32>, vector<400x64xf32> -> vector<400x64xf32>
    %mul3A_39 = arith.constant 0.000000e+00 : f32
    %mul3A_40 = vector.broadcast %mul3A_39 : f32 to vector<400x64xf32>
    %mul3A_41 = arith.mulf %dot_general3A_38, %mul3A_40 : vector<400x64xf32>
    %concatenate3A_42 = tpu.concatenate %dot_general3A_38, %mul3A_41 in 1 : vector<400x64xf32>, vector<400x64xf32> -> vector<400x128xf32>
    %swap3A = arith.constant 0 : index
    %swap3A_43 = arith.constant 0 : index
    %swap3A_44 = vector.load %arg9[%swap3A, %swap3A_43] : memref<400x128xf32, #tpu.memory_space<vmem>>, vector<400x128xf32>
    tpu.vector_store %arg9[%swap3A, %swap3A_43], %concatenate3A_42 {strides = array<i32>} : memref<400x128xf32, #tpu.memory_space<vmem>>, vector<400x128xf32>,
    %get3A_45 = arith.constant 0 : index
    %get3A_46 = arith.constant 0 : index
    %get3A_47 = vector.load %arg8[%get3A_45, %get3A_46] : memref<256x64xf32, #tpu.memory_space<vmem>>, vector<256x64xf32>
    %dot_general3A_48 = arith.constant dense<0.000000e+00> : vector<400x64xf32>
    %dot_general3A_49 = tpu.matmul %select_n3A, %get3A_47, %dot_general3A_48 {dimension_numbers = #tpu.dot_dimension_numbers<[1], [0], [0], [1], [0, 0, 1, 1], [], []>, transpose_lhs_hint = false} : vector<400x256xf32>, vector<256x64xf32>, vector<400x64xf32> -> vector<400x64xf32>
    %swap3A_50 = arith.constant 0 : index
    %swap3A_51 = arith.constant 0 : index
    %swap3A_52 = vector.load %arg10[%swap3A_50, %swap3A_51] : memref<400x64xf32, #tpu.memory_space<vmem>>, vector<400x64xf32>
    tpu.vector_store %arg10[%swap3A_50, %swap3A_51], %dot_general3A_49 {strides = array<i32>} : memref<400x64xf32, #tpu.memory_space<vmem>>, vector<400x64xf32>,
    return
  }
  func.func @transform_0(%arg0: i32) -> (i32, i32, i32) {
    %c0_i32 = arith.constant 0 : i32
    %c0_i32_0 = arith.constant 0 : i32
    %c0_i32_1 = arith.constant 0 : i32
    return %c0_i32, %arg0, %c0_i32_0 : i32, i32, i32
  }
  func.func @transform_1(%arg0: i32) -> (i32, i32, i32) {
    %c1_i32 = arith.constant 1 : i32
    %c0_i32 = arith.constant 0 : i32
    %c0_i32_0 = arith.constant 0 : i32
    return %c1_i32, %arg0, %c0_i32 : i32, i32, i32
  }
  func.func @transform_2(%arg0: i32) -> (i32, i32, i32) {
    %c0_i32 = arith.constant 0 : i32
    %c0_i32_0 = arith.constant 0 : i32
    %c0_i32_1 = arith.constant 0 : i32
    return %c0_i32, %arg0, %c0_i32_0 : i32, i32, i32
  }
  func.func @transform_3(%arg0: i32) -> (i32, i32, i32) {
    %c1_i32 = arith.constant 1 : i32
    %c0_i32 = arith.constant 0 : i32
    %c0_i32_0 = arith.constant 0 : i32
    return %c1_i32, %arg0, %c0_i32 : i32, i32, i32
  }
  func.func @transform_4(%arg0: i32) -> (i32, i32) {
    %c0_i32 = arith.constant 0 : i32
    %c0_i32_0 = arith.constant 0 : i32
    return %arg0, %c0_i32 : i32, i32
  }
  func.func @transform_5(%arg0: i32) -> (i32, i32) {
    %c0_i32 = arith.constant 0 : i32
    %c0_i32_0 = arith.constant 0 : i32
    %c0_i32_1 = arith.constant 0 : i32
    return %c0_i32, %c0_i32_0 : i32, i32
  }
  func.func @transform_6(%arg0: i32) -> (i32, i32) {
    %c0_i32 = arith.constant 0 : i32
    %c0_i32_0 = arith.constant 0 : i32
    %c0_i32_1 = arith.constant 0 : i32
    return %c0_i32, %c0_i32_0 : i32, i32
  }
  func.func @transform_7(%arg0: i32) -> (i32, i32) {
    %c0_i32 = arith.constant 0 : i32
    %c0_i32_0 = arith.constant 0 : i32
    %c0_i32_1 = arith.constant 0 : i32
    return %c0_i32, %c0_i32_0 : i32, i32
  }
  func.func @transform_8(%arg0: i32) -> (i32, i32) {
    %c0_i32 = arith.constant 0 : i32
    %c0_i32_0 = arith.constant 0 : i32
    return %arg0, %c0_i32 : i32, i32
  }
  func.func @transform_9(%arg0: i32) -> (i32, i32) {
    %c0_i32 = arith.constant 0 : i32
    %c0_i32_0 = arith.constant 0 : i32
    return %arg0, %c0_i32 : i32, i32
  }
}

module attributes {stable_mosaic.version = 14 : i64} {
  func.func @_tc3_body(%arg0: i32, %arg1: memref<1x400x128xf32, #tpu.memory_space<vmem>>, %arg2: memref<1x400x128xf32, #tpu.memory_space<vmem>>, %arg3: memref<1x400x128xf32, #tpu.memory_space<vmem>>, %arg4: memref<1x400x128xf32, #tpu.memory_space<vmem>>, %arg5: memref<400x64xf32, #tpu.memory_space<vmem>>, %arg6: memref<1x64xf32, #tpu.memory_space<vmem>>, %arg7: memref<64x32xf32, #tpu.memory_space<vmem>>, %arg8: memref<1x32xf32, #tpu.memory_space<vmem>>, %arg9: memref<32x32xf32, #tpu.memory_space<vmem>>, %arg10: memref<1x32xf32, #tpu.memory_space<vmem>>, %arg11: memref<32x2xf32, #tpu.memory_space<vmem>>, %arg12: memref<1x2xf32, #tpu.memory_space<vmem>>, %arg13: memref<400x1xf32, #tpu.memory_space<vmem>>, %arg14: memref<1x1xf32, #tpu.memory_space<vmem>>, %arg15: memref<400x2xf32, #tpu.memory_space<vmem>>) attributes {dimension_semantics = [#tpu.dimension_semantics<arbitrary>], iteration_bounds = array<i64: 25>, scalar_prefetch = 0 : i64, scratch_operands = 0 : i64, tpu.core_type = #tpu.core_type<tc>, window_params = [{transform_indices = @transform_0, window_bounds = array<i64: 1, 400, 128>}, {transform_indices = @transform_1, window_bounds = array<i64: 1, 400, 128>}, {transform_indices = @transform_2, window_bounds = array<i64: 1, 400, 128>}, {transform_indices = @transform_3, window_bounds = array<i64: 1, 400, 128>}, {transform_indices = @transform_4, window_bounds = array<i64: 400, 64>}, {pipeline_mode = #tpu.pipeline_mode<synchronous>, transform_indices = @transform_5, window_bounds = array<i64: 1, 64>}, {pipeline_mode = #tpu.pipeline_mode<synchronous>, transform_indices = @transform_6, window_bounds = array<i64: 64, 32>}, {pipeline_mode = #tpu.pipeline_mode<synchronous>, transform_indices = @transform_7, window_bounds = array<i64: 1, 32>}, {pipeline_mode = #tpu.pipeline_mode<synchronous>, transform_indices = @transform_8, window_bounds = array<i64: 32, 32>}, {pipeline_mode = #tpu.pipeline_mode<synchronous>, transform_indices = @transform_9, window_bounds = array<i64: 1, 32>}, {pipeline_mode = #tpu.pipeline_mode<synchronous>, transform_indices = @transform_10, window_bounds = array<i64: 32, 2>}, {pipeline_mode = #tpu.pipeline_mode<synchronous>, transform_indices = @transform_11, window_bounds = array<i64: 1, 2>}, {transform_indices = @transform_12, window_bounds = array<i64: 400, 1>}, {pipeline_mode = #tpu.pipeline_mode<synchronous>, transform_indices = @transform_13, window_bounds = array<i64: 1, 1>}, {transform_indices = @transform_14, window_bounds = array<i64: 400, 2>}]} {
    %get3A = arith.constant 0 : index
    %get3A_0 = arith.constant 0 : index
    %get3A_1 = arith.constant 0 : index
    %get3A_2 = vector.load %arg3[%get3A, %get3A_0, %get3A_1] : memref<1x400x128xf32, #tpu.memory_space<vmem>>, vector<1x400x1xf32>
    %get3A_3 = vector.shape_cast %get3A_2 : vector<1x400x1xf32> to vector<400x1xf32>
    %get3A_4 = arith.constant 0 : index
    %get3A_5 = arith.constant 0 : index
    %get3A_6 = arith.constant 0 : index
    %get3A_7 = vector.load %arg4[%get3A_4, %get3A_5, %get3A_6] : memref<1x400x128xf32, #tpu.memory_space<vmem>>, vector<1x400x1xf32>
    %get3A_8 = vector.shape_cast %get3A_7 : vector<1x400x1xf32> to vector<400x1xf32>
    %add3A = arith.addf %get3A_3, %get3A_8 : vector<400x1xf32>
    %max3A = arith.constant 1.000000e+00 : f32
    %max3A_9 = vector.broadcast %max3A : f32 to vector<400x1xf32>
    %max3A_10 = arith.maximumf %add3A, %max3A_9 : vector<400x1xf32>
    %get3A_11 = arith.constant 0 : index
    %get3A_12 = arith.constant 0 : index
    %get3A_13 = arith.constant 0 : index
    %get3A_14 = vector.load %arg1[%get3A_11, %get3A_12, %get3A_13] : memref<1x400x128xf32, #tpu.memory_space<vmem>>, vector<1x400x64xf32>
    %get3A_15 = vector.shape_cast %get3A_14 : vector<1x400x64xf32> to vector<400x64xf32>
    %get3A_16 = arith.constant 0 : index
    %get3A_17 = arith.constant 0 : index
    %get3A_18 = arith.constant 0 : index
    %get3A_19 = vector.load %arg2[%get3A_16, %get3A_17, %get3A_18] : memref<1x400x128xf32, #tpu.memory_space<vmem>>, vector<1x400x64xf32>
    %get3A_20 = vector.shape_cast %get3A_19 : vector<1x400x64xf32> to vector<400x64xf32>
    %add3A_21 = arith.addf %get3A_15, %get3A_20 : vector<400x64xf32>
    %div3A = vector.broadcast %max3A_10 : vector<400x1xf32> to vector<400x64xf32>
    %div3A_22 = arith.divf %add3A_21, %div3A : vector<400x64xf32>
    %get3A_23 = arith.constant 0 : index
    %get3A_24 = arith.constant 0 : index
    %get3A_25 = vector.load %arg6[%get3A_23, %get3A_24] : memref<1x64xf32, #tpu.memory_space<vmem>>, vector<1x64xf32>
    %add3A_26 = vector.broadcast %get3A_25 : vector<1x64xf32> to vector<400x64xf32>
    %add3A_27 = arith.addf %div3A_22, %add3A_26 : vector<400x64xf32>
    %get3A_28 = arith.constant 0 : index
    %get3A_29 = arith.constant 0 : index
    %get3A_30 = vector.load %arg5[%get3A_28, %get3A_29] : memref<400x64xf32, #tpu.memory_space<vmem>>, vector<400x64xf32>
    %add3A_31 = arith.addf %add3A_27, %get3A_30 : vector<400x64xf32>
    %gt3A = arith.constant 0.000000e+00 : f32
    %gt3A_32 = vector.broadcast %gt3A : f32 to vector<400x64xf32>
    %gt3A_33 = arith.cmpf ogt, %add3A_31, %gt3A_32 : vector<400x64xf32>
    %mul3A = arith.constant 1.500000e-01 : f32
    %mul3A_34 = vector.broadcast %mul3A : f32 to vector<400x64xf32>
    %mul3A_35 = arith.mulf %mul3A_34, %add3A_31 : vector<400x64xf32>
    %select_n3A = arith.select %gt3A_33, %add3A_31, %mul3A_35 : vector<400x64xi1>, vector<400x64xf32>
    %get3A_36 = arith.constant 0 : index
    %get3A_37 = arith.constant 0 : index
    %get3A_38 = vector.load %arg7[%get3A_36, %get3A_37] : memref<64x32xf32, #tpu.memory_space<vmem>>, vector<64x32xf32>
    %dot_general3A = arith.constant dense<0.000000e+00> : vector<400x32xf32>
    %dot_general3A_39 = tpu.matmul %select_n3A, %get3A_38, %dot_general3A {dimension_numbers = #tpu.dot_dimension_numbers<[1], [0], [0], [1], [0, 0, 1, 1], [], []>, transpose_lhs_hint = false} : vector<400x64xf32>, vector<64x32xf32>, vector<400x32xf32> -> vector<400x32xf32>
    %get3A_40 = arith.constant 0 : index
    %get3A_41 = arith.constant 0 : index
    %get3A_42 = vector.load %arg8[%get3A_40, %get3A_41] : memref<1x32xf32, #tpu.memory_space<vmem>>, vector<1x32xf32>
    %add3A_43 = vector.broadcast %get3A_42 : vector<1x32xf32> to vector<400x32xf32>
    %add3A_44 = arith.addf %dot_general3A_39, %add3A_43 : vector<400x32xf32>
    %get3A_45 = arith.constant 0 : index
    %get3A_46 = arith.constant 0 : index
    %get3A_47 = vector.load %arg9[%get3A_45, %get3A_46] : memref<32x32xf32, #tpu.memory_space<vmem>>, vector<32x32xf32>
    %dot_general3A_48 = arith.constant dense<0.000000e+00> : vector<400x32xf32>
    %dot_general3A_49 = tpu.matmul %add3A_44, %get3A_47, %dot_general3A_48 {dimension_numbers = #tpu.dot_dimension_numbers<[1], [0], [0], [1], [0, 0, 1, 1], [], []>, transpose_lhs_hint = false} : vector<400x32xf32>, vector<32x32xf32>, vector<400x32xf32> -> vector<400x32xf32>
    %get3A_50 = arith.constant 0 : index
    %get3A_51 = arith.constant 0 : index
    %get3A_52 = vector.load %arg10[%get3A_50, %get3A_51] : memref<1x32xf32, #tpu.memory_space<vmem>>, vector<1x32xf32>
    %add3A_53 = vector.broadcast %get3A_52 : vector<1x32xf32> to vector<400x32xf32>
    %add3A_54 = arith.addf %dot_general3A_49, %add3A_53 : vector<400x32xf32>
    %gt3A_55 = arith.constant 0.000000e+00 : f32
    %gt3A_56 = vector.broadcast %gt3A_55 : f32 to vector<400x32xf32>
    %gt3A_57 = arith.cmpf ogt, %add3A_54, %gt3A_56 : vector<400x32xf32>
    %mul3A_58 = arith.constant 1.500000e-01 : f32
    %mul3A_59 = vector.broadcast %mul3A_58 : f32 to vector<400x32xf32>
    %mul3A_60 = arith.mulf %mul3A_59, %add3A_54 : vector<400x32xf32>
    %select_n3A_61 = arith.select %gt3A_57, %add3A_54, %mul3A_60 : vector<400x32xi1>, vector<400x32xf32>
    %get3A_62 = arith.constant 0 : index
    %get3A_63 = arith.constant 0 : index
    %get3A_64 = vector.load %arg11[%get3A_62, %get3A_63] : memref<32x2xf32, #tpu.memory_space<vmem>>, vector<32x2xf32>
    %dot_general3A_65 = arith.constant dense<0.000000e+00> : vector<400x2xf32>
    %dot_general3A_66 = tpu.matmul %select_n3A_61, %get3A_64, %dot_general3A_65 {dimension_numbers = #tpu.dot_dimension_numbers<[1], [0], [0], [1], [0, 0, 1, 1], [], []>, transpose_lhs_hint = false} : vector<400x32xf32>, vector<32x2xf32>, vector<400x2xf32> -> vector<400x2xf32>
    %get3A_67 = arith.constant 0 : index
    %get3A_68 = arith.constant 0 : index
    %get3A_69 = vector.load %arg12[%get3A_67, %get3A_68] : memref<1x2xf32, #tpu.memory_space<vmem>>, vector<1x2xf32>
    %add3A_70 = vector.broadcast %get3A_69 : vector<1x2xf32> to vector<400x2xf32>
    %add3A_71 = arith.addf %dot_general3A_66, %add3A_70 : vector<400x2xf32>
    %get3A_72 = arith.constant 0 : index
    %get3A_73 = arith.constant 0 : index
    %get3A_74 = vector.load %arg14[%get3A_72, %get3A_73] : memref<1x1xf32, #tpu.memory_space<vmem>>, vector<1x1xf32>
    %get3A_75 = vector.extract %get3A_74[0, 0] : f32 from vector<1x1xf32>
    %get3A_76 = arith.constant 0 : index
    %get3A_77 = arith.constant 0 : index
    %get3A_78 = vector.load %arg13[%get3A_76, %get3A_77] : memref<400x1xf32, #tpu.memory_space<vmem>>, vector<400x1xf32>
    %mul3A_79 = vector.broadcast %get3A_75 : f32 to vector<400x1xf32>
    %mul3A_80 = arith.mulf %mul3A_79, %get3A_78 : vector<400x1xf32>
    %iota3A = tpu.iota {dimensions = array<i32: 1>} : vector<1x2xi32>
    %eq3A = arith.constant 1 : i32
    %eq3A_81 = vector.broadcast %eq3A : i32 to vector<1x2xi32>
    %eq3A_82 = arith.cmpi eq, %iota3A, %eq3A_81 : vector<1x2xi32>
    %jit3A = arith.constant 0.000000e+00 : f32
    %broadcast_in_dim3A = vector.shape_cast %eq3A_82 : vector<1x2xi1> to vector<1x2xi1>
    %broadcast_in_dim3A_83 = vector.broadcast %broadcast_in_dim3A : vector<1x2xi1> to vector<400x2xi1>
    %broadcast_in_dim3A_84 = vector.shape_cast %mul3A_80 : vector<400x1xf32> to vector<400x1xf32>
    %broadcast_in_dim3A_85 = vector.broadcast %broadcast_in_dim3A_84 : vector<400x1xf32> to vector<400x2xf32>
    %broadcast_in_dim3A_86 = vector.broadcast %jit3A : f32 to vector<400x2xf32>
    %select_n3A_87 = arith.select %broadcast_in_dim3A_83, %broadcast_in_dim3A_85, %broadcast_in_dim3A_86 : vector<400x2xi1>, vector<400x2xf32>
    %add3A_88 = arith.addf %add3A_71, %select_n3A_87 : vector<400x2xf32>
    %swap3A = arith.constant 0 : index
    %swap3A_89 = arith.constant 0 : index
    %swap3A_90 = vector.load %arg15[%swap3A, %swap3A_89] : memref<400x2xf32, #tpu.memory_space<vmem>>, vector<400x2xf32>
    tpu.vector_store %arg15[%swap3A, %swap3A_89], %add3A_88 {strides = array<i32>} : memref<400x2xf32, #tpu.memory_space<vmem>>, vector<400x2xf32>,
    return
  }
  func.func @transform_0(%arg0: i32) -> (i32, i32, i32) {
    %c0_i32 = arith.constant 0 : i32
    %c0_i32_0 = arith.constant 0 : i32
    %c0_i32_1 = arith.constant 0 : i32
    return %c0_i32, %arg0, %c0_i32_0 : i32, i32, i32
  }
  func.func @transform_1(%arg0: i32) -> (i32, i32, i32) {
    %c1_i32 = arith.constant 1 : i32
    %c0_i32 = arith.constant 0 : i32
    %c0_i32_0 = arith.constant 0 : i32
    return %c1_i32, %arg0, %c0_i32 : i32, i32, i32
  }
  func.func @transform_2(%arg0: i32) -> (i32, i32, i32) {
    %c0_i32 = arith.constant 0 : i32
    %c0_i32_0 = arith.constant 0 : i32
    %c0_i32_1 = arith.constant 0 : i32
    return %c0_i32, %arg0, %c0_i32_0 : i32, i32, i32
  }
  func.func @transform_3(%arg0: i32) -> (i32, i32, i32) {
    %c1_i32 = arith.constant 1 : i32
    %c0_i32 = arith.constant 0 : i32
    %c0_i32_0 = arith.constant 0 : i32
    return %c1_i32, %arg0, %c0_i32 : i32, i32, i32
  }
  func.func @transform_4(%arg0: i32) -> (i32, i32) {
    %c0_i32 = arith.constant 0 : i32
    %c0_i32_0 = arith.constant 0 : i32
    return %arg0, %c0_i32 : i32, i32
  }
  func.func @transform_5(%arg0: i32) -> (i32, i32) {
    %c0_i32 = arith.constant 0 : i32
    %c0_i32_0 = arith.constant 0 : i32
    %c0_i32_1 = arith.constant 0 : i32
    return %c0_i32, %c0_i32_0 : i32, i32
  }
  func.func @transform_6(%arg0: i32) -> (i32, i32) {
    %c0_i32 = arith.constant 0 : i32
    %c0_i32_0 = arith.constant 0 : i32
    %c0_i32_1 = arith.constant 0 : i32
    return %c0_i32, %c0_i32_0 : i32, i32
  }
  func.func @transform_7(%arg0: i32) -> (i32, i32) {
    %c0_i32 = arith.constant 0 : i32
    %c0_i32_0 = arith.constant 0 : i32
    %c0_i32_1 = arith.constant 0 : i32
    return %c0_i32, %c0_i32_0 : i32, i32
  }
  func.func @transform_8(%arg0: i32) -> (i32, i32) {
    %c0_i32 = arith.constant 0 : i32
    %c0_i32_0 = arith.constant 0 : i32
    %c0_i32_1 = arith.constant 0 : i32
    return %c0_i32, %c0_i32_0 : i32, i32
  }
  func.func @transform_9(%arg0: i32) -> (i32, i32) {
    %c0_i32 = arith.constant 0 : i32
    %c0_i32_0 = arith.constant 0 : i32
    %c0_i32_1 = arith.constant 0 : i32
    return %c0_i32, %c0_i32_0 : i32, i32
  }
  func.func @transform_10(%arg0: i32) -> (i32, i32) {
    %c0_i32 = arith.constant 0 : i32
    %c0_i32_0 = arith.constant 0 : i32
    %c0_i32_1 = arith.constant 0 : i32
    return %c0_i32, %c0_i32_0 : i32, i32
  }
  func.func @transform_11(%arg0: i32) -> (i32, i32) {
    %c0_i32 = arith.constant 0 : i32
    %c0_i32_0 = arith.constant 0 : i32
    %c0_i32_1 = arith.constant 0 : i32
    return %c0_i32, %c0_i32_0 : i32, i32
  }
  func.func @transform_12(%arg0: i32) -> (i32, i32) {
    %c0_i32 = arith.constant 0 : i32
    %c0_i32_0 = arith.constant 0 : i32
    return %arg0, %c0_i32 : i32, i32
  }
  func.func @transform_13(%arg0: i32) -> (i32, i32) {
    %c0_i32 = arith.constant 0 : i32
    %c0_i32_0 = arith.constant 0 : i32
    %c0_i32_1 = arith.constant 0 : i32
    return %c0_i32, %c0_i32_0 : i32, i32
  }
  func.func @transform_14(%arg0: i32) -> (i32, i32) {
    %c0_i32 = arith.constant 0 : i32
    %c0_i32_0 = arith.constant 0 : i32
    return %arg0, %c0_i32 : i32, i32
  }
}

</mosaic_0001>

<sc_bundles>
// kernel: kernel.12.cloned.1.call-start
scs
__scs_entry_jumppad:
0x0: {  	(pc) =	sbr.rel $0x88, $3  }
0x1: {  	(tag) =	ssettag $0x0;
	lr =	simm.s32 $0x1  }
0x2: {  	[smem:$0x3F8E] =	sst lr;
	_ =	strace $0xD0000000  }
0x3: {  	_ = 	snop  }
0x4: {  	_ = 	snop  }
0x5: {  	_ = 	snop  }
0x6: {  	_ = 	snop  }
0x7: {  	_ = 	snop  }
__scs_overlays_trampoline_lowered:
0x8: {  	[smem:$0x3F9D] =	sst s0  }
0x9: {  	[smem:$0x3F9E] =	sst s1  }
0xa: {  	[smem:$0x3F9F] =	sst s2  }
0xb: {  	[smem:$0x3FA0] =	sst s3  }
0xc: {  	[smem:$0x3FA1] =	sst s4  }
0xd: {  	[smem:$0x3FA2] =	sst s5  }
0xe: {  	[smem:$0x3FA3] =	sst s6  }
0xf: {  	[smem:$0x3FA4] =	sst s7  }
0x10: {  	[smem:$0x3FA5] =	sst s8  }
0x11: {  	[smem:$0x3FA6] =	sst s9;
	s0 =	simm.s32 @!p0 $0x0  }
0x12: {  	s1 =	sld [smem:$0x3F8C];
	s0 =	simm.s32 @p0 $0x1  }
0x13: {  	[smem:$0x3FA7] =	sst s0;
	s0 =	simm.s32 @!p1 $0x0  }
0x14: {  	s2 =	sld [smem:$0x3F8B];
	s0 =	simm.s32 @p1 $0x1  }
0x15: {  	[smem:$0x3FA8] =	sst s0;
	s0 =	simm.s32 @!p2 $0x0  }
0x16: {  	s3 =	sld [smem:$0x3FDB];
	s0 =	simm.s32 @p2 $0x1  }
0x17: {  	s4 =	simm.s32 $0x1BF5;
	[smem:$0x3FAA] =	sst s0  }
0x18: {  	s0 =	sld [smem:$0x3F8D];
	_ =	swait.ge [sflag:s4], $0x0  }
0x19: {  	s7 =	sld [smem:$0x3F8E]  }
0x1a: {  	s8 =	sadd.s32 $0xFFFFE003, lr  }
0x1b: {  	s9 =	sadd.s32 $0xFFFFFEF7, lr;
	s5 =	simm.s32 $0xFFFFFFFF;
	p2 =	slt.u32 s8, $0xFFFFF086  }
0x1c: {  	p1 =	slt.u32 s9, $0xF7A;
	s5 =	simm.s32 @!p2 $0x0  }
0x1d: {  	s5 =	simm.s32 @p1 $0x1;
	p0 =	seq.s32 s7, s2  }
0x1e: {  	s7 =	smul.u32 @!p0 $0xF7A, s2;
	p2 =	seq.s32 @!p0 s5, $0x0  }
0x1f: {  	s9 =	smul.u32 $0xF7A, s1;
	s8 =	simm.s32 @!p0 $0x1BF5;
	p2 =	por !p2, p0  }
0x20: {  	[sflag:s8] =	ssyncset.s32 @!p0 $0xFFFFF086;
	s6 =	sadd.s32 @!p0 s3, s7;
	s7 =	simm.s32 @!p0 $0x108  }
0x21: {  	s3 =	sadd.s32 s3, s9;
	s6 =	sadd.s32 @!p0 $0x88, s6;
	s7 =	simm.s32 @p2 $0x1082  }
0x22: {  	[simem:s7], [sflag:s8] =	dma.local @!p0 [hbm:s6], $0xF7A  }
0x23: {  	s9 =	sor.u32 $0xD0000000, s2;
	s6 =	simm.s32 $0x108;
	_ =	swait.ge @!p0 [sflag:s8], $0x0  }
0x24: {  	s3 =	sadd.s32 $0x88, s3;
	s6 =	simm.s32 @!p1 $0x1082;
	[sflag:s4] =	ssyncset.s32 $0xFFFFF086  }
0x25: {  	[simem:s6], [sflag:s4] =	dma.local [hbm:s3], $0xF7A  }
0x26: {  	[smem:$0x3F8E] =	sst s1;
	(tag) =	ssettag s2;
	_ =	strace s9  }
0x27: {  	s1 =	sld [smem:$0x3F9E]  }
0x28: {  	s2 =	sld [smem:$0x3F9F]  }
0x29: {  	s4 =	sld [smem:$0x3FA1]  }
0x2a: {  	p0 =	seq.s32 s5, $0x0;
	s5 =	sld [smem:$0x3FA2]  }
0x2b: {  	s6 =	sld [smem:$0x3FA3]  }
0x2c: {  	s7 =	sld [smem:$0x3FA4]  }
0x2d: {  	s3 =	simm.s32 $0x108;
	s8 =	sld [smem:$0x3FA5]  }
0x2e: {  	s3 =	simm.s32 @!p0 $0x1082;
	s9 =	sld [smem:$0x3FA6]  }
0x2f: {  	lr =	sadd.s32 s0, s3;
	s0 =	sld [smem:$0x3F9D]  }
0x30: {  	s3 =	sld [smem:$0x3FA0]  }
0x31: {  	[smem:$0x3FA9] =	sst s10  }
0x32: {  	s10 =	sld [smem:$0x3FA7];
	_ =	sdelay $0x3  }
0x33: {  	p0 =	seq.s32 s10, $0x1;
	s10 =	sld [smem:$0x3FA9];
	_ =	sdelay $0x3  }
0x34: {  	[smem:$0x3FA9] =	sst s10  }
0x35: {  	s10 =	sld [smem:$0x3FA8];
	_ =	sdelay $0x3  }
0x36: {  	p1 =	seq.s32 s10, $0x1;
	s10 =	sld [smem:$0x3FA9];
	_ =	sdelay $0x3  }
0x37: {  	[smem:$0x3FA9] =	sst s10  }
0x38: {  	s10 =	sld [smem:$0x3FAA]  }
0x39: {  	_ = 	snop;
	(pc) =	sbr.ind lr, $3  }
0x3a: {  	_ = 	snop  }
0x3b: {  	_ = 	snop  }
0x3c: {  	p2 =	seq.s32 s10, $0x1;
	s10 =	sld [smem:$0x3FA9]  }
0x3d: {  	_ =	shalt  }
0x3e: {  	_ =	shalt  }
0x3f: {  	_ =	shalt  }
0x40: {  	_ =	shalt  }
0x41: {  	_ =	shalt  }
0x42: {  	_ =	shalt  }
0x43: {  	_ =	shalt  }
0x44: {  	_ =	shalt  }
0x45: {  	_ =	shalt  }
0x46: {  	_ =	shalt  }
0x47: {  	_ =	shalt  }
0x48: {  	_ =	shalt  }
0x49: {  	_ =	shalt  }
0x4a: {  	_ =	shalt  }
0x4b: {  	_ =	shalt  }
0x4c: {  	_ =	shalt  }
0x4d: {  	_ =	shalt  }
0x4e: {  	_ =	shalt  }
0x4f: {  	_ =	shalt  }
0x50: {  	_ =	shalt  }
0x51: {  	_ =	shalt  }
0x52: {  	_ =	shalt  }
0x53: {  	_ =	shalt  }
0x54: {  	_ =	shalt  }
0x55: {  	_ =	shalt  }
0x56: {  	_ =	shalt  }
0x57: {  	_ =	shalt  }
0x58: {  	_ =	shalt  }
0x59: {  	_ =	shalt  }
0x5a: {  	_ =	shalt  }
0x5b: {  	_ =	shalt  }
0x5c: {  	_ =	shalt  }
0x5d: {  	_ =	shalt  }
0x5e: {  	_ =	shalt  }
0x5f: {  	_ =	shalt  }
0x60: {  	_ =	shalt  }
0x61: {  	_ =	shalt  }
0x62: {  	_ =	shalt  }
0x63: {  	_ =	shalt  }
0x64: {  	_ =	shalt  }
0x65: {  	_ =	shalt  }
0x66: {  	_ =	shalt  }
0x67: {  	_ =	shalt  }
0x68: {  	_ =	shalt  }
0x69: {  	_ =	shalt  }
0x6a: {  	_ =	shalt  }
0x6b: {  	_ =	shalt  }
0x6c: {  	_ =	shalt  }
0x6d: {  	_ =	shalt  }
0x6e: {  	_ =	shalt  }
0x6f: {  	_ =	shalt  }
0x70: {  	_ =	shalt  }
0x71: {  	_ =	shalt  }
0x72: {  	_ =	shalt  }
0x73: {  	_ =	shalt  }
0x74: {  	_ =	shalt  }
0x75: {  	_ =	shalt  }
0x76: {  	_ =	shalt  }
0x77: {  	_ =	shalt  }
0x78: {  	_ =	shalt  }
0x79: {  	_ =	shalt  }
0x7a: {  	_ =	shalt  }
0x7b: {  	_ =	shalt  }
0x7c: {  	_ =	shalt  }
0x7d: {  	_ =	shalt  }
0x7e: {  	_ =	shalt  }
0x7f: {  	_ =	shalt  }
0x80: {  	_ =	shalt  }
0x81: {  	_ =	shalt  }
0x82: {  	_ =	shalt  }
0x83: {  	_ =	shalt  }
0x84: {  	_ =	shalt  }
0x85: {  	_ =	shalt  }
0x86: {  	_ =	shalt  }
0x87: {  	_ =	shalt  }
.Lfunc_end0:
.L_simem_size_0:
called_computation.1_lowered:
.L_overlay_start_0:
0x88: {  	s2 =	sld [smem:$0x3FD9]  }
0x89: {  	s3 =	sld [smem:$0x3FFE];
	_ =	sdelay $0x1  }
0x8a: {  	s1 =	srdreg.scid  }
0x8b: {  	s0 =	sand.u32 $0x1, s1  }
0x8c: {  	s17 =	sshll.u32 s0, $0xA;
	s2 =	sadd.s32 s3, s2  }
0x8d: {  	s2 =	sadd.s32 s2, s17  }
0x8e: {  	[smem:$0x3FB5] =	sst s2  }
0x8f: {  	_ = 	snop  }
0x90: {  	s2 =	sld [smem:$0x3FC9];
	(tm) =	ssettm $0x1  }
0x91: {  	s18 =	sld [smem:$0x3FFB];
	_ =	sdelay $0x3  }
0x92: {  	_ =	strace s18  }
0x93: {  	s3 =	sld [smem:$0x3FFC];
	_ =	sdelay $0x3  }
0x94: {  	_ =	strace s3  }
0x95: {  	s3 =	sld [smem:$0x3FFD];
	_ =	sdelay $0x3  }
0x96: {  	_ =	strace s3  }
0x97: {  	_ =	strace $0x8FFFFFFF  }
0x98: {  	s19 =	sld [smem:$0x3FDB];
	_ =	sdelay $0x1  }
0x99: {  	s4 =	simm.s32 $_scs_section_size  }
0x9a: {  	s5 =	simm.s32 $_size__tile_overlayer_lowered;
	s6 =	simm.s32 $_tile_overlayer_lowered  }
0x9b: {  	s22 =	simm.s32 $0x1BFF;
	s21 =	sshll.u32 s6, $0x1;
	s3 =	sadd.s32 s4, s19  }
0x9c: {  	s7 =	simm.s32 $0x0;
	s20 =	sshll.u32 s5, $0x1;
	s5 =	sadd.s32 s21, s3  }
0x9d: {  	[timem:s7], [sflag:s22] =	dma.local [hbm:s5], s20  }
0x9e: {  	_ =	swait.ge [sflag:s22], s20  }
0x9f: {  	s4 =	ssub.s32 $0x0, s20;
	[sflag:s22] =	ssyncset.done $0x0  }
0xa0: {  	[sflag:s22] =	ssyncadd.s32 s4;
	_ =	sdelay $0x1  }
0xa1: {  	s23 =	simm.s32 $0x1B8B  }
0xa2: {  	_ =	swait.ge [sflag:s23], $0x1  }
0xa3: {  	[sflag:s23] =	ssyncset.done $0x0  }
0xa4: {  	s25 =	simm.s32 $0x1B8E;
	s24 =	sld [smem:$0x3FFE];
	[sflag:s23] =	ssyncadd.s32 $0xFFFFFFFF  }
0xa5: {  	s26 =	simm.s32 $execute0_lowered;
	[smem:$0x3FD2] =	sst s25  }
0xa6: {  	s5 =	sshll.u32 s26, $0x1;
	_ =	strace $0x80000046;
	[dreg:$0x1] =	wrdreg $0xFFFFFFFF  }
0xa7: {  	s28 =	simm.s32 $_size_execute0_lowered;
	s3 =	sadd.s32 s3, s5;
	[dreg:$0x0] =	wrdreg $0x0  }
0xa8: {  	s5 =	sshll.u32 s28, $0x1;
	[dreg:$0x2] =	wrdreg s3  }
0xa9: {  	[dreg:$0x3] =	wrdreg s5  }
0xaa: {  	[dreg:$0x4] =	wrdreg $0xC0  }
0xab: {  	_ =	task [dreg:s7], $0x5FFFF  }
0xac: {  	[dreg:$0x1] =	wrdreg $0xFFFFFFFF  }
0xad: {  	[dreg:$0x0] =	wrdreg $0x60  }
0xae: {  	[dreg:$0x2] =	wrdreg s2  }
0xaf: {  	[dreg:$0x3] =	wrdreg s24  }
0xb0: {  	[dreg:$0x4] =	wrdreg $0x82000  }
0xb1: {  	[dreg:$0x5] =	wrdreg $0xA  }
0xb2: {  	_ =	task.clear_ibuf [dreg:s7], $0x6FFFF;
	_ =	strace $0x90000046  }
0xb3: {  	s29 =	simm.s32 $0xA;
	_ =	strace $0x80000048  }
0xb4: {  	_ =	swait.ge [sflag:s29], $0x1  }
0xb5: {  	[sflag:s29] =	ssyncadd.s32 $0xFFFFFFFF  }
0xb6: {  	_ =	strace $0x90000048  }
0xb7: {  	_ =	sfence  }
0xb8: {  	s30 =	sld [smem:$0x0];
	_ =	sdelay $0x2  }
0xb9: {  	s31 =	sshll.u32 s1, $0xD;
	s1 =	sshrl.u32 s1, $0x2  }
0xba: {  	s3 =	sand.u32 $0x4000, s31;
	s1 =	sadd.s32 s1, s30  }
0xbb: {  	s0 =	sor.u32 s3, s0;
	s1 =	sshll.u32 s1, $0x11  }
0xbc: {  	s0 =	sor.u32 s1, s0  }
0xbd: {  	s0 =	sadd.s32 $0x8F2B, s0  }
0xbe: {  	[sflag:s0] =	ssyncadd.remote.s32 $0x1  }
0xbf: {  	_ =	sfence.sel $0xFFFF  }
0xc0: {  	[dreg:$0x0] =	wrdreg $0xFFFFFFFF;
	(pc) =	sbr.abs _section_cstart, $3  }
0xc1: {  	[dreg:$0x1] =	wrdreg $0xFFFFFFFF  }
0xc2: {  	_ =	task.clear_ibuf [dreg:s7], $0x2FFFF;
	_ =	strace $0x9FFFFFFF  }
0xc3: {  	(tm) =	ssettm $0x7FFFFFFF  }
tec
execute0_lowered:
.L_overlay_start_1:
0x0: {  	(tag) =	ssettag $0x1  }
0x1: {  	s1 =	rddreg [dreg:$0x0]  }
0x2: {  	s0 =	rddreg [dreg:$0x1]  }
0x3: {  	s2 =	rddreg [dreg:$0x2];
	s4 =	simm.s32 $0x0;
	s23 =	stileid.u32  }
0x4: {  	s7 =	srdreg.scid;
	s30 =	simm.s32 $0x100;
	s31 =	simm.s32 $0x80  }
0x5: {  	s28 =	simm.s32 $0x2;
	s29 =	simm.s32 $0x0;
	s8 =	smul.u32 $0x4F000, s23  }
0x6: {  	[smem:$0x7FF] =	sst s4;
	s5 =	sadd.s32 $0x22400, s0;
	s15 =	smul.u32 $0x13C00, s23  }
0x7: {  	s3 =	sadd.s32 $0x4400, s0;
	s13 =	sand.u32 $0x1, s7;
	s9 =	smul.u32 $0x50, s23  }
0x8: {  	s6 =	sadd.s32 $0x36400, s0;
	s0 =	sadd.s32 $0x36600, s0;
	s11 =	smul.u32 $0x500, s13  }
0x9: {  	_ =	strace $0x80000047;
	s7 =	ssub.s32 $0x2, s13;
	s22 =	smul.u32 $0x13C000, s13  }
0xa: {  	s25 =	smul.u32 $0x5000, s13;
	s10 =	sshrl.u32 s7, $0x1;
	s8 =	sshrl.u32 s8, $0x2  }
0xb: {  	s17 =	sadd.s32 $0x4000, s15;
	s18 =	sadd.s32 $0x8000, s15;
	s19 =	sadd.s32 $0xC000, s15  }
0xc: {  	s20 =	sadd.s32 $0x10000, s15;
	s16 =	ssub.s32 s7, s10;
	s7 =	sadd.s32 s8, s2  }
0xd: {  	s8 =	sadd.s32 s17, s2;
	s14 =	sadd.s32 s11, s9;
	s9 =	smul.u32 $0x50000, s13  }
0xe: {  	s10 =	sadd.s32 s18, s2;
	s11 =	sadd.s32 s19, s2;
	s15 =	sadd.s32 s15, s22  }
0xf: {  	s17 =	sadd.s32 s22, s17;
	s18 =	sadd.s32 s22, s18;
	s26 =	sadd.s32 s22, s20  }
0x10: {  	s13 =	smul.u32 $0x28000, s13;
	s12 =	sshll.u32 s14, $0x7;
	s14 =	sshll.u32 s14, $0x4  }
0x11: {  	s15 =	sshrl.u32 s15, $0x3;
	s17 =	sshrl.u32 s17, $0x3;
	s18 =	sshrl.u32 s18, $0x3  }
0x12: {  	s12 =	sadd.s32 s9, s12;
	s14 =	sadd.s32 s3, s14;
	s15 =	sadd.s32 s0, s15  }
0x13: {  	s17 =	sadd.s32 s0, s17;
	s21 =	sshrl.u32 s12, $0x3;
	[dreg:$0x5] =	wrdreg s15  }
0x14: {  	s12 =	sadd.s32 s20, s2;
	[dreg:$0x6] =	wrdreg s17;
	s15 =	sadd.s32 s0, s18  }
0x15: {  	s18 =	smul.u32 $0x500, s23;
	s20 =	sshrl.u32 s26, $0x3;
	s24 =	sadd.s32 s5, s21  }
0x16: {  	[dreg:$0x7] =	wrdreg s15;
	s21 =	sadd.s32 s22, s19;
	s22 =	sadd.s32 s25, s3  }
0x17: {  	s25 =	smul.u32 $0x2800, s23;
	s3 =	simm.s32 $0x1;
	s15 =	sshrl.u32 s21, $0x3  }
0x18: {  	s26 =	sadd.s32 $0x10, s24;
	s21 =	smov.u32 s14;
	s14 =	sadd.s32 $0x10, s14  }
0x19: {  	s15 =	sadd.s32 s0, s15;
	s0 =	sadd.s32 s0, s20;
	[dreg:$0xa] =	wrdreg s26  }
0x1a: {  	s20 =	smov.u32 s24;
	[dreg:$0xb] =	wrdreg s14;
	s23 =	sadd.s32 s25, s13  }
0x1b: {  	s24 =	simm.s32 $0x200;
	s25 =	simm.s32 $0x3;
	[dreg:$0x8] =	wrdreg s15  }
0x1c: {  	s26 =	simm.s32 $0x4200;
	[dreg:$0x9] =	wrdreg s0;
	s0 =	sadd.s32 s18, s22  }
0x1d: {  	s22 =	smax.u32 s16, $0x1;
	[dreg:$0x4] =	wrdreg s0;
	s0 =	simm.s32 $0x180  }
.LBB2_1:
0x1e: {  	[tilespmem:s24], [sflag:$0x3] =	stream.linear.gather [hbm4b:s6+s4], $0x1000, $0x38;
	[tilespmem:$0x1BE00] =	vst v63  }
0x1f: {  	_ =	swait.ge [sflag:s25], $0x1000  }
0x20: {  	[sflag:s25] =	ssyncset.done $0x0  }
0x21: {  	s13 =	simm.s32 $0x1200;
	[sflag:s25] =	ssyncadd.s32 $0xFFFFF000  }
0x22: {  	[tilespmem:s13], [sflag:$0x3] =	stream.linear.gather [hbm4b:s6+s4], $0x1000, $0x38;
	[tilespmem:$0x1BE00] =	vst v63  }
0x23: {  	_ =	swait.ge [sflag:s25], $0x1000  }
0x24: {  	[sflag:s25] =	ssyncset.done $0x0  }
0x25: {  	s18 =	simm.s32 $0x2200;
	[sflag:s25] =	ssyncadd.s32 $0xFFFFF000  }
0x26: {  	[tilespmem:s18], [sflag:$0x3] =	stream.linear.gather [hbm4b:s6+s4], $0x1000, $0x38;
	[tilespmem:$0x1BE00] =	vst v63  }
0x27: {  	_ =	swait.ge [sflag:s25], $0x1000  }
0x28: {  	[sflag:s25] =	ssyncset.done $0x0  }
0x29: {  	s19 =	simm.s32 $0x3200;
	[sflag:s25] =	ssyncadd.s32 $0xFFFFF000  }
0x2a: {  	[tilespmem:s19], [sflag:$0x3] =	stream.linear.gather [hbm4b:s6+s4], $0x1000, $0x38;
	[tilespmem:$0x1BE00] =	vst v63  }
0x2b: {  	_ =	swait.ge [sflag:s25], $0x1000  }
0x2c: {  	[sflag:s25] =	ssyncset.done $0x0  }
0x2d: {  	[sflag:s25] =	ssyncadd.s32 $0xFFFFF000  }
0x2e: {  	[spmem:s7] =	stream.linear.scatter [tilespmem:s24], [sflag:$0x3], $0x4000, $0x38;
	[tilespmem:$0x1BE00] =	vst v63  }
0x2f: {  	_ =	swait.ge [sflag:s25], $0x4000  }
0x30: {  	[sflag:s25] =	ssyncset.done $0x0  }
0x31: {  	[sflag:s25] =	ssyncadd.s32 $0xFFFFC000  }
0x32: {  	[spmem:s8] =	stream.linear.scatter [tilespmem:s24], [sflag:$0x3], $0x4000, $0x38;
	[tilespmem:$0x1BE00] =	vst v63  }
0x33: {  	_ =	swait.ge [sflag:s25], $0x4000  }
0x34: {  	[sflag:s25] =	ssyncset.done $0x0  }
0x35: {  	[sflag:s25] =	ssyncadd.s32 $0xFFFFC000  }
0x36: {  	[spmem:s10] =	stream.linear.scatter [tilespmem:s24], [sflag:$0x3], $0x4000, $0x38;
	[tilespmem:$0x1BE00] =	vst v63  }
0x37: {  	_ =	swait.ge [sflag:s25], $0x4000  }
0x38: {  	[sflag:s25] =	ssyncset.done $0x0  }
0x39: {  	[sflag:s25] =	ssyncadd.s32 $0xFFFFC000  }
0x3a: {  	[spmem:s11] =	stream.linear.scatter [tilespmem:s24], [sflag:$0x3], $0x4000, $0x38;
	[tilespmem:$0x1BE00] =	vst v63  }
0x3b: {  	_ =	swait.ge [sflag:s25], $0x4000  }
0x3c: {  	[sflag:s25] =	ssyncset.done $0x0  }
0x3d: {  	[sflag:s25] =	ssyncadd.s32 $0xFFFFC000  }
0x3e: {  	[spmem:s12] =	stream.linear.scatter [tilespmem:s24], [sflag:$0x3], $0x3C00, $0x38;
	[tilespmem:$0x1BE00] =	vst v63  }
0x3f: {  	_ =	swait.ge [sflag:s25], $0x3C00  }
0x40: {  	[sflag:s25] =	ssyncset.done $0x0  }
0x41: {  	[sflag:s25] =	ssyncadd.s32 $0xFFFFC400  }
0x42: {  	[bflag:$0x0] =	sbarrier.arrive $0xFFFF  }
0x43: {  	[tilespmem:s4], [sflag:$0x3] =	stream.linear.gather [hbm4b:s20+s4], $0x80, $0x38;
	[tilespmem:$0x1BE00] =	vst v63  }
0x44: {  	_ =	swait.ge [sflag:s25], $0x80  }
0x45: {  	[sflag:s25] =	ssyncset.done $0x0  }
0x46: {  	[sflag:s25] =	ssyncadd.s32 $0xFFFFFF80  }
0x47: {  	[tilespmem:s30], [sflag:$0x3] =	stream.linear.gather [hbm4b:s21+s4], $0x80, $0x38;
	[tilespmem:$0x1BE00] =	vst v63  }
0x48: {  	_ =	swait.ge [sflag:s25], $0x80  }
0x49: {  	[sflag:s25] =	ssyncset.done $0x0  }
0x4a: {  	[sflag:s25] =	ssyncadd.s32 $0xFFFFFF80  }
0x4b: {  	[tilespmem:s24], [sflag:$0x1] =	stream.indirect.gather [hbm4b:s1+s31], $0x80, s4, s31, $0xb8;
	[tilespmem:$0x1BE00] =	vst v63  }
0x4c: {  	s14 =	rddreg [dreg:$0xa]  }
0x4d: {  	[tilespmem:s31], [sflag:$0x3] =	stream.linear.gather [hbm4b:s14+s4], $0x80, $0x38;
	[tilespmem:$0x1BE00] =	vst v63  }
0x4e: {  	_ =	swait.ge [sflag:s25], $0x80  }
0x4f: {  	[sflag:s25] =	ssyncset.done $0x0  }
0x50: {  	s15 =	rddreg [dreg:$0xb];
	[sflag:s25] =	ssyncadd.s32 $0xFFFFFF80  }
0x51: {  	[tilespmem:s0], [sflag:$0x3] =	stream.linear.gather [hbm4b:s15+s4], $0x80, $0x38;
	[tilespmem:$0x1BE00] =	vst v63  }
0x52: {  	_ =	swait.ge [sflag:s25], $0x80  }
0x53: {  	[sflag:s25] =	ssyncset.done $0x0  }
0x54: {  	[sflag:s25] =	ssyncadd.s32 $0xFFFFFF80  }
0x55: {  	_ =	swait.ge [sflag:s3], $0x4000  }
0x56: {  	s15 =	sadd.s32 $0x100, s23;
	[sflag:s3] =	ssyncset.done $0x0  }
0x57: {  	s16 =	sand.u32 $0x7FFFFC00, s15;
	[sflag:s3] =	ssyncadd.s32 $0xFFFFC000  }
0x58: {  	[tilespmem:s26], [sflag:$0x1] =	stream.indirect.gather [hbm4b:s1+s31], $0x80, s31, s31, $0xb8;
	[tilespmem:$0x1BE00] =	vst v63  }
0x59: {  	s13 =	sadd.s32 s9, s16;
	s16 =	sand.u32 $0x300, s15  }
0x5a: {  	[spmem:s2] =	stream.indirect.scatter.add.f32 [tilespmem:s24], [sflag:$0x2], $0x80, s30, s31, $0xb8;
	[tilespmem:$0x1BE00] =	vst v63  }
0x5b: {  	s13 =	sor.u32 s16, s13;
	_ =	swait.ge [sflag:s28], $0x4000  }
0x5c: {  	s13 =	sshrl.u32 s13, $0x3;
	[sflag:s28] =	ssyncset.done $0x0  }
0x5d: {  	s13 =	sadd.s32 s5, s13;
	[sflag:s28] =	ssyncadd.s32 $0xFFFFC000  }
0x5e: {  	[tilespmem:s4], [sflag:$0x3] =	stream.linear.gather [hbm4b:s13+s4], $0x80, $0x38;
	[tilespmem:$0x1BE00] =	vst v63  }
0x5f: {  	_ =	swait.ge [sflag:s25], $0x80  }
0x60: {  	s17 =	rddreg [dreg:$0x4]  }
0x61: {  	[sflag:s25] =	ssyncset.done $0x0;
	s13 =	sadd.s32 $0x0, s17  }
0x62: {  	[sflag:s25] =	ssyncadd.s32 $0xFFFFFF80;
	s18 =	sadd.s32 $0x20, s13  }
0x63: {  	[tilespmem:s30], [sflag:$0x3] =	stream.linear.gather [hbm4b:s18+s4], $0x80, $0x38;
	[tilespmem:$0x1BE00] =	vst v63  }
0x64: {  	_ =	swait.ge [sflag:s25], $0x80  }
0x65: {  	[sflag:s25] =	ssyncset.done $0x0  }
0x66: {  	[sflag:s25] =	ssyncadd.s32 $0xFFFFFF80  }
0x67: {  	_ =	swait.ge [sflag:s3], $0x4000  }
0x68: {  	s19 =	sadd.s32 $0x180, s23;
	[sflag:s3] =	ssyncset.done $0x0  }
0x69: {  	s17 =	sand.u32 $0x7FFFFC00, s19;
	[sflag:s3] =	ssyncadd.s32 $0xFFFFC000  }
0x6a: {  	[tilespmem:s24], [sflag:$0x1] =	stream.indirect.gather [hbm4b:s1+s31], $0x80, s4, s31, $0xb8;
	[tilespmem:$0x1BE00] =	vst v63  }
0x6b: {  	s16 =	sand.u32 $0x380, s19;
	s17 =	sadd.s32 s9, s17  }
0x6c: {  	[spmem:s2] =	stream.indirect.scatter.add.f32 [tilespmem:s26], [sflag:$0x2], $0x80, s0, s31, $0xb8;
	[tilespmem:$0x1BE00] =	vst v63  }
0x6d: {  	s16 =	sor.u32 s16, s17;
	_ =	swait.ge [sflag:s28], $0x4000  }
0x6e: {  	s16 =	sshrl.u32 s16, $0x3;
	[sflag:s28] =	ssyncset.done $0x0  }
0x6f: {  	s16 =	sadd.s32 s5, s16;
	[sflag:s28] =	ssyncadd.s32 $0xFFFFC000  }
0x70: {  	[tilespmem:s31], [sflag:$0x3] =	stream.linear.gather [hbm4b:s16+s4], $0x80, $0x38;
	[tilespmem:$0x1BE00] =	vst v63  }
0x71: {  	_ =	swait.ge [sflag:s25], $0x80  }
0x72: {  	[sflag:s25] =	ssyncset.done $0x0  }
0x73: {  	s13 =	sadd.s32 $0x30, s13;
	[sflag:s25] =	ssyncadd.s32 $0xFFFFFF80  }
0x74: {  	[tilespmem:s0], [sflag:$0x3] =	stream.linear.gather [hbm4b:s13+s4], $0x80, $0x38;
	[tilespmem:$0x1BE00] =	vst v63  }
0x75: {  	_ =	swait.ge [sflag:s25], $0x80  }
0x76: {  	[sflag:s25] =	ssyncset.done $0x0  }
0x77: {  	s17 =	sadd.s32 $0x100, s15;
	[sflag:s25] =	ssyncadd.s32 $0xFFFFFF80  }
0x78: {  	s16 =	simm.s32 $0x20;
	s13 =	simm.s32 $0x40;
	_ =	swait.ge [sflag:s3], $0x4000  }
.LBB2_2:
0x79: {  	[sflag:s3] =	ssyncset.done $0x0  }
0x7a: {  	s14 =	sand.u32 $0x7FFFFC00, s17;
	[sflag:s3] =	ssyncadd.s32 $0xFFFFC000  }
0x7b: {  	[tilespmem:s26], [sflag:$0x1] =	stream.indirect.gather [hbm4b:s1+s31], $0x80, s31, s31, $0xb8;
	[tilespmem:$0x1BE00] =	vst v63  }
0x7c: {  	s18 =	sand.u32 $0x300, s17;
	s14 =	sadd.s32 s9, s14  }
0x7d: {  	[spmem:s2] =	stream.indirect.scatter.add.f32 [tilespmem:s24], [sflag:$0x2], $0x80, s30, s31, $0xb8;
	[tilespmem:$0x1BE00] =	vst v63  }
0x7e: {  	s14 =	sor.u32 s18, s14;
	_ =	swait.ge [sflag:s28], $0x4000  }
0x7f: {  	s14 =	sshrl.u32 s14, $0x3;
	[sflag:s28] =	ssyncset.done $0x0  }
0x80: {  	s14 =	sadd.s32 s5, s14;
	[sflag:s28] =	ssyncadd.s32 $0xFFFFC000  }
0x81: {  	[tilespmem:s4], [sflag:$0x3] =	stream.linear.gather [hbm4b:s14+s4], $0x80, $0x38;
	[tilespmem:$0x1BE00] =	vst v63  }
0x82: {  	_ =	swait.ge [sflag:s25], $0x80  }
0x83: {  	s19 =	rddreg [dreg:$0x4]  }
0x84: {  	[sflag:s25] =	ssyncset.done $0x0;
	s14 =	sadd.s32 s16, s19  }
0x85: {  	[sflag:s25] =	ssyncadd.s32 $0xFFFFFF80;
	s19 =	sadd.s32 $0x20, s14  }
0x86: {  	[tilespmem:s30], [sflag:$0x3] =	stream.linear.gather [hbm4b:s19+s4], $0x80, $0x38;
	[tilespmem:$0x1BE00] =	vst v63  }
0x87: {  	_ =	swait.ge [sflag:s25], $0x80  }
0x88: {  	[sflag:s25] =	ssyncset.done $0x0  }
0x89: {  	[sflag:s25] =	ssyncadd.s32 $0xFFFFFF80  }
0x8a: {  	s18 =	smov.u32 s13;
	_ =	swait.ge [sflag:s3], $0x4000  }
0x8b: {  	s16 =	smov.u32 s18;
	s18 =	sadd.s32 $0x180, s15;
	[sflag:s3] =	ssyncset.done $0x0  }
0x8c: {  	s19 =	sand.u32 $0x7FFFFC00, s18;
	[sflag:s3] =	ssyncadd.s32 $0xFFFFC000  }
0x8d: {  	[tilespmem:s24], [sflag:$0x1] =	stream.indirect.gather [hbm4b:s1+s31], $0x80, s4, s31, $0xb8;
	[tilespmem:$0x1BE00] =	vst v63  }
0x8e: {  	s18 =	sand.u32 $0x380, s18;
	s19 =	sadd.s32 s9, s19  }
0x8f: {  	[spmem:s2] =	stream.indirect.scatter.add.f32 [tilespmem:s26], [sflag:$0x2], $0x80, s0, s31, $0xb8;
	[tilespmem:$0x1BE00] =	vst v63  }
0x90: {  	s18 =	sor.u32 s18, s19;
	_ =	swait.ge [sflag:s28], $0x4000  }
0x91: {  	s18 =	sshrl.u32 s18, $0x3;
	[sflag:s28] =	ssyncset.done $0x0  }
0x92: {  	s18 =	sadd.s32 s5, s18;
	[sflag:s28] =	ssyncadd.s32 $0xFFFFC000  }
0x93: {  	[tilespmem:s31], [sflag:$0x3] =	stream.linear.gather [hbm4b:s18+s4], $0x80, $0x38;
	[tilespmem:$0x1BE00] =	vst v63  }
0x94: {  	_ =	swait.ge [sflag:s25], $0x80  }
0x95: {  	[sflag:s25] =	ssyncset.done $0x0  }
0x96: {  	p0 =	sne.s32 s13, $0x4C0;
	s14 =	sadd.s32 $0x30, s14;
	[sflag:s25] =	ssyncadd.s32 $0xFFFFFF80  }
0x97: {  	[tilespmem:s0], [sflag:$0x3] =	stream.linear.gather [hbm4b:s14+s4], $0x80, $0x38;
	[tilespmem:$0x1BE00] =	vst v63  }
.Ltmp0:
0x98: {  	_ = 	snop;
	(pc) =	sbr.rel @p0 .LBB2_2-.Ltmp0, $4  }
0x99: {  	_ =	swait.ge [sflag:s25], $0x80  }
0x9a: {  	[sflag:s25] =	ssyncset.done $0x0  }
0x9b: {  	s13 =	sadd.s32 $0x20, s13;
	[sflag:s25] =	ssyncadd.s32 $0xFFFFFF80  }
0x9c: {  	s15 =	smov.u32 s17;
	s17 =	sadd.s32 $0x100, s17;
	_ =	swait.ge [sflag:s3], $0x4000  }
0x9d: {  	[sflag:s3] =	ssyncset.done $0x0  }
0x9e: {  	s13 =	sand.u32 $0x7FFFFC00, s17;
	[sflag:s3] =	ssyncadd.s32 $0xFFFFC000  }
0x9f: {  	[tilespmem:s26], [sflag:$0x1] =	stream.indirect.gather [hbm4b:s1+s31], $0x80, s31, s31, $0xb8;
	[tilespmem:$0x1BE00] =	vst v63  }
0xa0: {  	s14 =	sand.u32 $0x300, s17;
	s13 =	sadd.s32 s9, s13  }
0xa1: {  	[spmem:s2] =	stream.indirect.scatter.add.f32 [tilespmem:s24], [sflag:$0x2], $0x80, s30, s31, $0xb8;
	[tilespmem:$0x1BE00] =	vst v63  }
0xa2: {  	s13 =	sor.u32 s14, s13;
	_ =	swait.ge [sflag:s28], $0x4000  }
0xa3: {  	s13 =	sshrl.u32 s13, $0x3;
	[sflag:s28] =	ssyncset.done $0x0  }
0xa4: {  	s13 =	sadd.s32 s5, s13;
	[sflag:s28] =	ssyncadd.s32 $0xFFFFC000  }
0xa5: {  	[tilespmem:s4], [sflag:$0x3] =	stream.linear.gather [hbm4b:s13+s4], $0x80, $0x38;
	[tilespmem:$0x1BE00] =	vst v63  }
0xa6: {  	_ =	swait.ge [sflag:s25], $0x80  }
0xa7: {  	s17 =	rddreg [dreg:$0x4]  }
0xa8: {  	[sflag:s25] =	ssyncset.done $0x0;
	s13 =	sadd.s32 s16, s17  }
0xa9: {  	[sflag:s25] =	ssyncadd.s32 $0xFFFFFF80;
	s18 =	sadd.s32 $0x20, s13  }
0xaa: {  	[tilespmem:s30], [sflag:$0x3] =	stream.linear.gather [hbm4b:s18+s4], $0x80, $0x38;
	[tilespmem:$0x1BE00] =	vst v63  }
0xab: {  	_ =	swait.ge [sflag:s25], $0x80  }
0xac: {  	[sflag:s25] =	ssyncset.done $0x0  }
0xad: {  	[sflag:s25] =	ssyncadd.s32 $0xFFFFFF80  }
0xae: {  	_ =	swait.ge [sflag:s3], $0x4000  }
0xaf: {  	s19 =	sadd.s32 $0x180, s15;
	[sflag:s3] =	ssyncset.done $0x0  }
0xb0: {  	s15 =	sand.u32 $0x7FFFFC00, s19;
	[sflag:s3] =	ssyncadd.s32 $0xFFFFC000  }
0xb1: {  	[tilespmem:s24], [sflag:$0x1] =	stream.indirect.gather [hbm4b:s1+s31], $0x80, s4, s31, $0xb8;
	[tilespmem:$0x1BE00] =	vst v63  }
0xb2: {  	s15 =	sadd.s32 s9, s15;
	s14 =	sand.u32 $0x380, s19  }
0xb3: {  	[spmem:s2] =	stream.indirect.scatter.add.f32 [tilespmem:s26], [sflag:$0x2], $0x80, s0, s31, $0xb8;
	[tilespmem:$0x1BE00] =	vst v63  }
0xb4: {  	s14 =	sor.u32 s14, s15;
	_ =	swait.ge [sflag:s28], $0x4000  }
0xb5: {  	s14 =	sshrl.u32 s14, $0x3;
	[sflag:s28] =	ssyncset.done $0x0  }
0xb6: {  	s14 =	sadd.s32 s5, s14;
	[sflag:s28] =	ssyncadd.s32 $0xFFFFC000  }
0xb7: {  	[tilespmem:s31], [sflag:$0x3] =	stream.linear.gather [hbm4b:s14+s4], $0x80, $0x38;
	[tilespmem:$0x1BE00] =	vst v63  }
0xb8: {  	_ =	swait.ge [sflag:s25], $0x80  }
0xb9: {  	[sflag:s25] =	ssyncset.done $0x0  }
0xba: {  	s13 =	sadd.s32 $0x30, s13;
	[sflag:s25] =	ssyncadd.s32 $0xFFFFFF80  }
0xbb: {  	[tilespmem:s0], [sflag:$0x3] =	stream.linear.gather [hbm4b:s13+s4], $0x80, $0x38;
	[tilespmem:$0x1BE00] =	vst v63  }
0xbc: {  	_ =	swait.ge [sflag:s25], $0x80  }
0xbd: {  	[sflag:s25] =	ssyncset.done $0x0  }
0xbe: {  	[sflag:s25] =	ssyncadd.s32 $0xFFFFFF80  }
0xbf: {  	_ =	swait.ge [sflag:s3], $0x4000  }
0xc0: {  	[sflag:s3] =	ssyncset.done $0x0  }
0xc1: {  	[sflag:s3] =	ssyncadd.s32 $0xFFFFC000  }
0xc2: {  	[tilespmem:s26], [sflag:$0x1] =	stream.indirect.gather [hbm4b:s1+s31], $0x80, s31, s31, $0xb8;
	[tilespmem:$0x1BE00] =	vst v63  }
0xc3: {  	_ = 	snop  }
0xc4: {  	[spmem:s2] =	stream.indirect.scatter.add.f32 [tilespmem:s24], [sflag:$0x2], $0x80, s30, s31, $0xb8;
	[tilespmem:$0x1BE00] =	vst v63  }
0xc5: {  	_ =	swait.ge [sflag:s28], $0x4000  }
0xc6: {  	[sflag:s28] =	ssyncset.done $0x0  }
0xc7: {  	[sflag:s28] =	ssyncadd.s32 $0xFFFFC000  }
0xc8: {  	_ =	swait.ge [sflag:s3], $0x4000  }
0xc9: {  	[sflag:s3] =	ssyncset.done $0x0  }
0xca: {  	[sflag:s3] =	ssyncadd.s32 $0xFFFFC000  }
0xcb: {  	[spmem:s2] =	stream.indirect.scatter.add.f32 [tilespmem:s26], [sflag:$0x2], $0x80, s0, s31, $0xb8;
	[tilespmem:$0x1BE00] =	vst v63  }
0xcc: {  	_ =	swait.ge [sflag:s28], $0x4000  }
0xcd: {  	[sflag:s28] =	ssyncset.done $0x0  }
0xce: {  	[sflag:s28] =	ssyncadd.s32 $0xFFFFC000  }
0xcf: {  	[bflag:$0x0] =	sbarrier.arrive $0xFFFF  }
0xd0: {  	[tilespmem:s24], [sflag:$0x3] =	stream.linear.gather [spmem:s7], $0x4000, $0x38;
	[tilespmem:$0x1BE00] =	vst v63  }
0xd1: {  	_ =	swait.ge [sflag:s25], $0x4000  }
0xd2: {  	[sflag:s25] =	ssyncset.done $0x0  }
0xd3: {  	s15 =	rddreg [dreg:$0x5];
	[sflag:s25] =	ssyncadd.s32 $0xFFFFC000  }
0xd4: {  	[hbm4b:s15+s4] =	stream.linear.scatter [tilespmem:s24], [sflag:$0x3], $0x4000, $0x38;
	[tilespmem:$0x1BE00] =	vst v63  }
0xd5: {  	_ =	swait.ge [sflag:s25], $0x4000  }
0xd6: {  	[sflag:s25] =	ssyncset.done $0x0  }
0xd7: {  	[sflag:s25] =	ssyncadd.s32 $0xFFFFC000  }
0xd8: {  	[tilespmem:s24], [sflag:$0x3] =	stream.linear.gather [spmem:s8], $0x4000, $0x38;
	[tilespmem:$0x1BE00] =	vst v63  }
0xd9: {  	_ =	swait.ge [sflag:s25], $0x4000  }
0xda: {  	[sflag:s25] =	ssyncset.done $0x0  }
0xdb: {  	s16 =	rddreg [dreg:$0x6];
	[sflag:s25] =	ssyncadd.s32 $0xFFFFC000  }
0xdc: {  	[hbm4b:s16+s4] =	stream.linear.scatter [tilespmem:s24], [sflag:$0x3], $0x4000, $0x38;
	[tilespmem:$0x1BE00] =	vst v63  }
0xdd: {  	_ =	swait.ge [sflag:s25], $0x4000  }
0xde: {  	[sflag:s25] =	ssyncset.done $0x0  }
0xdf: {  	[sflag:s25] =	ssyncadd.s32 $0xFFFFC000  }
0xe0: {  	[tilespmem:s24], [sflag:$0x3] =	stream.linear.gather [spmem:s10], $0x4000, $0x38;
	[tilespmem:$0x1BE00] =	vst v63  }
0xe1: {  	_ =	swait.ge [sflag:s25], $0x4000  }
0xe2: {  	[sflag:s25] =	ssyncset.done $0x0  }
0xe3: {  	s17 =	rddreg [dreg:$0x7];
	[sflag:s25] =	ssyncadd.s32 $0xFFFFC000  }
0xe4: {  	[hbm4b:s17+s4] =	stream.linear.scatter [tilespmem:s24], [sflag:$0x3], $0x4000, $0x38;
	[tilespmem:$0x1BE00] =	vst v63  }
0xe5: {  	_ =	swait.ge [sflag:s25], $0x4000  }
0xe6: {  	[sflag:s25] =	ssyncset.done $0x0  }
0xe7: {  	[sflag:s25] =	ssyncadd.s32 $0xFFFFC000  }
0xe8: {  	[tilespmem:s24], [sflag:$0x3] =	stream.linear.gather [spmem:s11], $0x4000, $0x38;
	[tilespmem:$0x1BE00] =	vst v63  }
0xe9: {  	_ =	swait.ge [sflag:s25], $0x4000  }
0xea: {  	[sflag:s25] =	ssyncset.done $0x0  }
0xeb: {  	s18 =	rddreg [dreg:$0x8];
	[sflag:s25] =	ssyncadd.s32 $0xFFFFC000  }
0xec: {  	[hbm4b:s18+s4] =	stream.linear.scatter [tilespmem:s24], [sflag:$0x3], $0x4000, $0x38;
	[tilespmem:$0x1BE00] =	vst v63  }
0xed: {  	_ =	swait.ge [sflag:s25], $0x4000  }
0xee: {  	[sflag:s25] =	ssyncset.done $0x0  }
0xef: {  	[sflag:s25] =	ssyncadd.s32 $0xFFFFC000  }
0xf0: {  	[tilespmem:s24], [sflag:$0x3] =	stream.linear.gather [spmem:s12], $0x3C00, $0x38;
	[tilespmem:$0x1BE00] =	vst v63  }
0xf1: {  	s29 =	sadd.s32 $0x1, s29;
	_ =	swait.ge [sflag:s25], $0x3C00  }
0xf2: {  	p0 =	sne.s32 s29, s22;
	[sflag:s25] =	ssyncset.done $0x0  }
.Ltmp1:
0xf3: {  	s19 =	rddreg [dreg:$0x9];
	[sflag:s25] =	ssyncadd.s32 $0xFFFFC400;
	(pc) =	sbr.rel @p0 .LBB2_1-.Ltmp1, $4  }
0xf4: {  	[hbm4b:s19+s4] =	stream.linear.scatter [tilespmem:s24], [sflag:$0x3], $0x3C00, $0x38;
	[tilespmem:$0x1BE00] =	vst v63  }
0xf5: {  	_ =	swait.ge [sflag:s25], $0x3C00  }
0xf6: {  	[sflag:s25] =	ssyncset.done $0x0  }
0xf7: {  	[sflag:s25] =	ssyncadd.s32 $0xFFFFC400  }
0xf8: {  	_ =	sfence.sel $0x180000  }
0xf9: {  	[bflag:$0x0] =	sbarrier.arrive $0xFFFF  }
0xfa: {  	_ =	strace $0x90000047  }
0xfb: {  	s0 =	stileid.u32;
	[bflag:$0x2] =	sbarrier.arrive $0xFFFF  }
0xfc: {  	p0 =	sne.s32 s0, $0x0;
	s0 =	rddreg [dreg:$0x3]  }
0xfd: {  	s0 =	sadd.s32 @!p0 $0x100000, s0  }
0xfe: {  	[sflag:s0] =	ssyncadd.tile.s32 @!p0 $0x1;
	_ =	shalt  }
.Lfunc_end2:
_tile_overlayer_lowered:
.L_overlay_start_2:
0xff: {  	(tag) =	ssettag $0x2  }
0x100: {  	s0 =	rddreg [dreg:$0x0];
	s2 =	stileid.u32  }
0x101: {  	s1 =	rddreg [dreg:$0x1];
	p0 =	sne.s32 s2, $0x0  }
0x102: {  	s3 =	rddreg [dreg:$0x2];
	[bflag:$0x3] =	sbarrier.arrive $0xFFFF;
	s2 =	simm.s32 @!p0 $0x1C03  }
0x103: {  	[timem:s3], [sflag:s2] =	dma.local @!p0 [hbm:s0], s1  }
0x104: {  	s0 =	simm.s32 @!p0 $0x3  }
0x105: {  	_ =	swait.ge @!p0 [sflag:s0], s1  }
0x106: {  	s1 =	ssub.s32 @!p0 $0x0, s1;
	[sflag:s0] =	ssyncset.done @!p0 $0x0  }
0x107: {  	[sflag:s0] =	ssyncadd.s32 @!p0 s1  }
0x108: {  	[bflag:$0x3] =	sbarrier.arrive $0xFFFF  }
0x109: {  	_ =	shalt  }

// kernel: kernel.15.cloned.1.call-start
scs
__scs_entry_jumppad:
0x0: {  	(pc) =	sbr.rel $0x88, $3  }
0x1: {  	(tag) =	ssettag $0x0;
	lr =	simm.s32 $0x1  }
0x2: {  	[smem:$0x3F8E] =	sst lr;
	_ =	strace $0xD0000000  }
0x3: {  	_ = 	snop  }
0x4: {  	_ = 	snop  }
0x5: {  	_ = 	snop  }
0x6: {  	_ = 	snop  }
0x7: {  	_ = 	snop  }
__scs_overlays_trampoline_lowered:
0x8: {  	[smem:$0x3F9D] =	sst s0  }
0x9: {  	[smem:$0x3F9E] =	sst s1  }
0xa: {  	[smem:$0x3F9F] =	sst s2  }
0xb: {  	[smem:$0x3FA0] =	sst s3  }
0xc: {  	[smem:$0x3FA1] =	sst s4  }
0xd: {  	[smem:$0x3FA2] =	sst s5  }
0xe: {  	[smem:$0x3FA3] =	sst s6  }
0xf: {  	[smem:$0x3FA4] =	sst s7  }
0x10: {  	[smem:$0x3FA5] =	sst s8  }
0x11: {  	[smem:$0x3FA6] =	sst s9;
	s0 =	simm.s32 @!p0 $0x0  }
0x12: {  	s1 =	sld [smem:$0x3F8C];
	s0 =	simm.s32 @p0 $0x1  }
0x13: {  	[smem:$0x3FA7] =	sst s0;
	s0 =	simm.s32 @!p1 $0x0  }
0x14: {  	s2 =	sld [smem:$0x3F8B];
	s0 =	simm.s32 @p1 $0x1  }
0x15: {  	[smem:$0x3FA8] =	sst s0;
	s0 =	simm.s32 @!p2 $0x0  }
0x16: {  	s3 =	sld [smem:$0x3FDB];
	s0 =	simm.s32 @p2 $0x1  }
0x17: {  	s4 =	simm.s32 $0x1BF5;
	[smem:$0x3FAA] =	sst s0  }
0x18: {  	s0 =	sld [smem:$0x3F8D];
	_ =	swait.ge [sflag:s4], $0x0  }
0x19: {  	s7 =	sld [smem:$0x3F8E]  }
0x1a: {  	s8 =	sadd.s32 $0xFFFFE003, lr  }
0x1b: {  	s9 =	sadd.s32 $0xFFFFFEF7, lr;
	s5 =	simm.s32 $0xFFFFFFFF;
	p2 =	slt.u32 s8, $0xFFFFF086  }
0x1c: {  	p1 =	slt.u32 s9, $0xF7A;
	s5 =	simm.s32 @!p2 $0x0  }
0x1d: {  	s5 =	simm.s32 @p1 $0x1;
	p0 =	seq.s32 s7, s2  }
0x1e: {  	s7 =	smul.u32 @!p0 $0xF7A, s2;
	p2 =	seq.s32 @!p0 s5, $0x0  }
0x1f: {  	s9 =	smul.u32 $0xF7A, s1;
	s8 =	simm.s32 @!p0 $0x1BF5;
	p2 =	por !p2, p0  }
0x20: {  	[sflag:s8] =	ssyncset.s32 @!p0 $0xFFFFF086;
	s6 =	sadd.s32 @!p0 s3, s7;
	s7 =	simm.s32 @!p0 $0x108  }
0x21: {  	s3 =	sadd.s32 s3, s9;
	s6 =	sadd.s32 @!p0 $0x88, s6;
	s7 =	simm.s32 @p2 $0x1082  }
0x22: {  	[simem:s7], [sflag:s8] =	dma.local @!p0 [hbm:s6], $0xF7A  }
0x23: {  	s9 =	sor.u32 $0xD0000000, s2;
	s6 =	simm.s32 $0x108;
	_ =	swait.ge @!p0 [sflag:s8], $0x0  }
0x24: {  	s3 =	sadd.s32 $0x88, s3;
	s6 =	simm.s32 @!p1 $0x1082;
	[sflag:s4] =	ssyncset.s32 $0xFFFFF086  }
0x25: {  	[simem:s6], [sflag:s4] =	dma.local [hbm:s3], $0xF7A  }
0x26: {  	[smem:$0x3F8E] =	sst s1;
	(tag) =	ssettag s2;
	_ =	strace s9  }
0x27: {  	s1 =	sld [smem:$0x3F9E]  }
0x28: {  	s2 =	sld [smem:$0x3F9F]  }
0x29: {  	s4 =	sld [smem:$0x3FA1]  }
0x2a: {  	p0 =	seq.s32 s5, $0x0;
	s5 =	sld [smem:$0x3FA2]  }
0x2b: {  	s6 =	sld [smem:$0x3FA3]  }
0x2c: {  	s7 =	sld [smem:$0x3FA4]  }
0x2d: {  	s3 =	simm.s32 $0x108;
	s8 =	sld [smem:$0x3FA5]  }
0x2e: {  	s3 =	simm.s32 @!p0 $0x1082;
	s9 =	sld [smem:$0x3FA6]  }
0x2f: {  	lr =	sadd.s32 s0, s3;
	s0 =	sld [smem:$0x3F9D]  }
0x30: {  	s3 =	sld [smem:$0x3FA0]  }
0x31: {  	[smem:$0x3FA9] =	sst s10  }
0x32: {  	s10 =	sld [smem:$0x3FA7];
	_ =	sdelay $0x3  }
0x33: {  	p0 =	seq.s32 s10, $0x1;
	s10 =	sld [smem:$0x3FA9];
	_ =	sdelay $0x3  }
0x34: {  	[smem:$0x3FA9] =	sst s10  }
0x35: {  	s10 =	sld [smem:$0x3FA8];
	_ =	sdelay $0x3  }
0x36: {  	p1 =	seq.s32 s10, $0x1;
	s10 =	sld [smem:$0x3FA9];
	_ =	sdelay $0x3  }
0x37: {  	[smem:$0x3FA9] =	sst s10  }
0x38: {  	s10 =	sld [smem:$0x3FAA]  }
0x39: {  	_ = 	snop;
	(pc) =	sbr.ind lr, $3  }
0x3a: {  	_ = 	snop  }
0x3b: {  	_ = 	snop  }
0x3c: {  	p2 =	seq.s32 s10, $0x1;
	s10 =	sld [smem:$0x3FA9]  }
0x3d: {  	_ =	shalt  }
0x3e: {  	_ =	shalt  }
0x3f: {  	_ =	shalt  }
0x40: {  	_ =	shalt  }
0x41: {  	_ =	shalt  }
0x42: {  	_ =	shalt  }
0x43: {  	_ =	shalt  }
0x44: {  	_ =	shalt  }
0x45: {  	_ =	shalt  }
0x46: {  	_ =	shalt  }
0x47: {  	_ =	shalt  }
0x48: {  	_ =	shalt  }
0x49: {  	_ =	shalt  }
0x4a: {  	_ =	shalt  }
0x4b: {  	_ =	shalt  }
0x4c: {  	_ =	shalt  }
0x4d: {  	_ =	shalt  }
0x4e: {  	_ =	shalt  }
0x4f: {  	_ =	shalt  }
0x50: {  	_ =	shalt  }
0x51: {  	_ =	shalt  }
0x52: {  	_ =	shalt  }
0x53: {  	_ =	shalt  }
0x54: {  	_ =	shalt  }
0x55: {  	_ =	shalt  }
0x56: {  	_ =	shalt  }
0x57: {  	_ =	shalt  }
0x58: {  	_ =	shalt  }
0x59: {  	_ =	shalt  }
0x5a: {  	_ =	shalt  }
0x5b: {  	_ =	shalt  }
0x5c: {  	_ =	shalt  }
0x5d: {  	_ =	shalt  }
0x5e: {  	_ =	shalt  }
0x5f: {  	_ =	shalt  }
0x60: {  	_ =	shalt  }
0x61: {  	_ =	shalt  }
0x62: {  	_ =	shalt  }
0x63: {  	_ =	shalt  }
0x64: {  	_ =	shalt  }
0x65: {  	_ =	shalt  }
0x66: {  	_ =	shalt  }
0x67: {  	_ =	shalt  }
0x68: {  	_ =	shalt  }
0x69: {  	_ =	shalt  }
0x6a: {  	_ =	shalt  }
0x6b: {  	_ =	shalt  }
0x6c: {  	_ =	shalt  }
0x6d: {  	_ =	shalt  }
0x6e: {  	_ =	shalt  }
0x6f: {  	_ =	shalt  }
0x70: {  	_ =	shalt  }
0x71: {  	_ =	shalt  }
0x72: {  	_ =	shalt  }
0x73: {  	_ =	shalt  }
0x74: {  	_ =	shalt  }
0x75: {  	_ =	shalt  }
0x76: {  	_ =	shalt  }
0x77: {  	_ =	shalt  }
0x78: {  	_ =	shalt  }
0x79: {  	_ =	shalt  }
0x7a: {  	_ =	shalt  }
0x7b: {  	_ =	shalt  }
0x7c: {  	_ =	shalt  }
0x7d: {  	_ =	shalt  }
0x7e: {  	_ =	shalt  }
0x7f: {  	_ =	shalt  }
0x80: {  	_ =	shalt  }
0x81: {  	_ =	shalt  }
0x82: {  	_ =	shalt  }
0x83: {  	_ =	shalt  }
0x84: {  	_ =	shalt  }
0x85: {  	_ =	shalt  }
0x86: {  	_ =	shalt  }
0x87: {  	_ =	shalt  }
.Lfunc_end0:
.L_simem_size_0:
called_computation.2_lowered:
.L_overlay_start_0:
0x88: {  	s2 =	sld [smem:$0x3FD9]  }
0x89: {  	s3 =	sld [smem:$0x3FFE];
	_ =	sdelay $0x1  }
0x8a: {  	s1 =	srdreg.scid  }
0x8b: {  	s0 =	sand.u32 $0x1, s1  }
0x8c: {  	s16 =	sshll.u32 s0, $0xA;
	s2 =	sadd.s32 s3, s2  }
0x8d: {  	s2 =	sadd.s32 s2, s16  }
0x8e: {  	[smem:$0x3FB5] =	sst s2  }
0x8f: {  	_ = 	snop  }
0x90: {  	(tm) =	ssettm $0x1  }
0x91: {  	s17 =	sld [smem:$0x3FFB];
	_ =	sdelay $0x3  }
0x92: {  	_ =	strace s17  }
0x93: {  	s2 =	sld [smem:$0x3FFC];
	_ =	sdelay $0x3  }
0x94: {  	_ =	strace s2  }
0x95: {  	s2 =	sld [smem:$0x3FFD];
	_ =	sdelay $0x3  }
0x96: {  	_ =	strace s2  }
0x97: {  	_ =	strace $0x8FFFFFFF  }
0x98: {  	s18 =	sld [smem:$0x3FDB];
	_ =	sdelay $0x1  }
0x99: {  	s19 =	simm.s32 $_scs_section_size  }
0x9a: {  	s4 =	simm.s32 $_size__tile_overlayer_lowered;
	s5 =	simm.s32 $_tile_overlayer_lowered  }
0x9b: {  	s22 =	simm.s32 $0x1BFF;
	s21 =	sshll.u32 s5, $0x1;
	s2 =	sadd.s32 s19, s18  }
0x9c: {  	s6 =	simm.s32 $0x0;
	s20 =	sshll.u32 s4, $0x1;
	s4 =	sadd.s32 s21, s2  }
0x9d: {  	[timem:s6], [sflag:s22] =	dma.local [hbm:s4], s20  }
0x9e: {  	_ =	swait.ge [sflag:s22], s20  }
0x9f: {  	s3 =	ssub.s32 $0x0, s20;
	[sflag:s22] =	ssyncset.done $0x0  }
0xa0: {  	[sflag:s22] =	ssyncadd.s32 s3;
	_ =	sdelay $0x1  }
0xa1: {  	s23 =	simm.s32 $0x1B8B  }
0xa2: {  	_ =	swait.ge [sflag:s23], $0x1  }
0xa3: {  	[sflag:s23] =	ssyncset.done $0x0  }
0xa4: {  	s25 =	simm.s32 $0x1B8E;
	s24 =	sld [smem:$0x3FFE];
	[sflag:s23] =	ssyncadd.s32 $0xFFFFFFFF  }
0xa5: {  	s26 =	simm.s32 $execute0_lowered;
	[smem:$0x3FD2] =	sst s25  }
0xa6: {  	s4 =	sshll.u32 s26, $0x1;
	_ =	strace $0x8000004C;
	[dreg:$0x1] =	wrdreg $0xFFFFFFFF  }
0xa7: {  	s28 =	simm.s32 $_size_execute0_lowered;
	s2 =	sadd.s32 s2, s4;
	[dreg:$0x0] =	wrdreg $0x0  }
0xa8: {  	s4 =	sshll.u32 s28, $0x1;
	[dreg:$0x2] =	wrdreg s2  }
0xa9: {  	[dreg:$0x3] =	wrdreg s4  }
0xaa: {  	[dreg:$0x4] =	wrdreg $0xC0  }
0xab: {  	_ =	task [dreg:s6], $0x5FFFF  }
0xac: {  	[dreg:$0x1] =	wrdreg $0xFFFFFFFF  }
0xad: {  	[dreg:$0x0] =	wrdreg $0x60  }
0xae: {  	[dreg:$0x2] =	wrdreg s24  }
0xaf: {  	[dreg:$0x3] =	wrdreg $0x82000  }
0xb0: {  	[dreg:$0x4] =	wrdreg $0x9  }
0xb1: {  	_ =	task.clear_ibuf [dreg:s6], $0x5FFFF;
	_ =	strace $0x9000004C  }
0xb2: {  	s29 =	simm.s32 $0x9;
	_ =	strace $0x8000004E  }
0xb3: {  	_ =	swait.ge [sflag:s29], $0x1  }
0xb4: {  	[sflag:s29] =	ssyncadd.s32 $0xFFFFFFFF  }
0xb5: {  	_ =	strace $0x9000004E  }
0xb6: {  	_ =	sfence  }
0xb7: {  	s30 =	sld [smem:$0x0];
	_ =	sdelay $0x2  }
0xb8: {  	s31 =	sshll.u32 s1, $0xD;
	s1 =	sshrl.u32 s1, $0x2  }
0xb9: {  	s3 =	sand.u32 $0x4000, s31;
	s1 =	sadd.s32 s1, s30  }
0xba: {  	s0 =	sor.u32 s3, s0;
	s1 =	sshll.u32 s1, $0x11  }
0xbb: {  	s0 =	sor.u32 s1, s0  }
0xbc: {  	s0 =	sadd.s32 $0x8F2B, s0  }
0xbd: {  	[sflag:s0] =	ssyncadd.remote.s32 $0x1  }
0xbe: {  	_ =	sfence.sel $0xFFFF  }
0xbf: {  	[dreg:$0x0] =	wrdreg $0xFFFFFFFF;
	(pc) =	sbr.abs _section_cstart, $3  }
0xc0: {  	[dreg:$0x1] =	wrdreg $0xFFFFFFFF  }
0xc1: {  	_ =	task.clear_ibuf [dreg:s6], $0x2FFFF;
	_ =	strace $0x9FFFFFFF  }
0xc2: {  	(tm) =	ssettm $0x7FFFFFFF  }
0xc3: {  	_ =	shalt  }
tec
execute0_lowered:
.L_overlay_start_1:
0x0: {  	(tag) =	ssettag $0x1  }
0x1: {  	s0 =	rddreg [dreg:$0x0]  }
0x2: {  	s1 =	rddreg [dreg:$0x1]  }
0x3: {  	s2 =	simm.s32 $0x0;
	s3 =	srdreg.scid;
	s22 =	stileid.u32  }
0x4: {  	s30 =	simm.s32 $0x100;
	s31 =	simm.s32 $0x80;
	s28 =	simm.s32 $0x2  }
0x5: {  	s29 =	simm.s32 $0x0;
	[smem:$0x7FF] =	sst s2;
	s4 =	sadd.s32 $0x36600, s0  }
0x6: {  	s5 =	sadd.s32 $0xE400, s0;
	s3 =	sand.u32 $0x1, s3;
	s8 =	smul.u32 $0x4F000, s22  }
0x7: {  	s13 =	sadd.s32 $0x4400, s0;
	s6 =	sadd.s32 $0x36400, s0;
	s15 =	smul.u32 $0x13C00, s22  }
0x8: {  	s0 =	sadd.s32 $0x123000, s0;
	_ =	strace $0x8000004D;
	s7 =	ssub.s32 $0x2, s3  }
0x9: {  	s9 =	sshrl.u32 s7, $0x1;
	s23 =	sshrl.u32 s8, $0x2;
	s17 =	sadd.s32 $0x4000, s15  }
0xa: {  	s8 =	smul.u32 $0x50000, s3;
	s18 =	sadd.s32 $0x8000, s15;
	s19 =	sadd.s32 $0xC000, s15  }
0xb: {  	s20 =	sadd.s32 $0x10000, s15;
	s3 =	smul.u32 $0x13C000, s3;
	s16 =	ssub.s32 s7, s9  }
0xc: {  	s7 =	sadd.s32 s23, s1;
	s23 =	smul.u32 $0x5000, s22;
	s9 =	sadd.s32 s17, s1  }
0xd: {  	s10 =	sadd.s32 s18, s1;
	s11 =	sadd.s32 s19, s1;
	s12 =	sadd.s32 s20, s1  }
0xe: {  	s22 =	smul.u32 $0xA00, s22;
	s15 =	sadd.s32 s15, s3;
	s17 =	sadd.s32 s3, s17  }
0xf: {  	s26 =	sadd.s32 s3, s18;
	s19 =	sadd.s32 s3, s19;
	s3 =	sadd.s32 s3, s20  }
0x10: {  	s14 =	sadd.s32 s23, s8;
	s21 =	sshrl.u32 s23, $0x3;
	s15 =	sshrl.u32 s15, $0x3  }
0x11: {  	s25 =	sshrl.u32 s17, $0x3;
	s18 =	sshrl.u32 s26, $0x3;
	s17 =	sshrl.u32 s19, $0x3  }
0x12: {  	s3 =	sshrl.u32 s3, $0x3;
	s26 =	sadd.s32 s22, s13;
	s22 =	smax.u32 s16, $0x1  }
0x13: {  	s23 =	sor.u32 $0x180, s23;
	s14 =	sshrl.u32 s14, $0x3;
	s21 =	sadd.s32 s13, s21  }
0x14: {  	s24 =	sadd.s32 s0, s15;
	s15 =	sadd.s32 s0, s25;
	[dreg:$0x3] =	wrdreg s26  }
0x15: {  	s25 =	sadd.s32 s0, s17;
	s20 =	sadd.s32 s0, s3;
	[dreg:$0x6] =	wrdreg s24  }
0x16: {  	s3 =	simm.s32 $0x1;
	s26 =	simm.s32 $0x4200;
	[dreg:$0x7] =	wrdreg s15  }
0x17: {  	s14 =	sadd.s32 s5, s14;
	s24 =	sadd.s32 s0, s18;
	[dreg:$0x9] =	wrdreg s25  }
0x18: {  	s19 =	smov.u32 s21;
	s21 =	sadd.s32 $0x10, s21;
	[dreg:$0x4] =	wrdreg s14  }
0x19: {  	s25 =	simm.s32 $0x3;
	s14 =	sadd.s32 $0x10, s14;
	[dreg:$0x8] =	wrdreg s24  }
0x1a: {  	s0 =	simm.s32 $0x180;
	s24 =	simm.s32 $0x200;
	[dreg:$0x5] =	wrdreg s14  }
.LBB2_1:
0x1b: {  	[tilespmem:s24], [sflag:$0x3] =	stream.linear.gather [hbm4b:s6+s2], $0x1000, $0x38;
	[tilespmem:$0x1BE00] =	vst v63  }
0x1c: {  	_ =	swait.ge [sflag:s25], $0x1000  }
0x1d: {  	[sflag:s25] =	ssyncset.done $0x0  }
0x1e: {  	s13 =	simm.s32 $0x1200;
	[sflag:s25] =	ssyncadd.s32 $0xFFFFF000  }
0x1f: {  	[tilespmem:s13], [sflag:$0x3] =	stream.linear.gather [hbm4b:s6+s2], $0x1000, $0x38;
	[tilespmem:$0x1BE00] =	vst v63  }
0x20: {  	_ =	swait.ge [sflag:s25], $0x1000  }
0x21: {  	[sflag:s25] =	ssyncset.done $0x0  }
0x22: {  	s15 =	simm.s32 $0x2200;
	[sflag:s25] =	ssyncadd.s32 $0xFFFFF000  }
0x23: {  	[tilespmem:s15], [sflag:$0x3] =	stream.linear.gather [hbm4b:s6+s2], $0x1000, $0x38;
	[tilespmem:$0x1BE00] =	vst v63  }
0x24: {  	_ =	swait.ge [sflag:s25], $0x1000  }
0x25: {  	[sflag:s25] =	ssyncset.done $0x0  }
0x26: {  	s16 =	simm.s32 $0x3200;
	[sflag:s25] =	ssyncadd.s32 $0xFFFFF000  }
0x27: {  	[tilespmem:s16], [sflag:$0x3] =	stream.linear.gather [hbm4b:s6+s2], $0x1000, $0x38;
	[tilespmem:$0x1BE00] =	vst v63  }
0x28: {  	_ =	swait.ge [sflag:s25], $0x1000  }
0x29: {  	[sflag:s25] =	ssyncset.done $0x0  }
0x2a: {  	[sflag:s25] =	ssyncadd.s32 $0xFFFFF000  }
0x2b: {  	[spmem:s7] =	stream.linear.scatter [tilespmem:s24], [sflag:$0x3], $0x4000, $0x38;
	[tilespmem:$0x1BE00] =	vst v63  }
0x2c: {  	_ =	swait.ge [sflag:s25], $0x4000  }
0x2d: {  	[sflag:s25] =	ssyncset.done $0x0  }
0x2e: {  	[sflag:s25] =	ssyncadd.s32 $0xFFFFC000  }
0x2f: {  	[spmem:s9] =	stream.linear.scatter [tilespmem:s24], [sflag:$0x3], $0x4000, $0x38;
	[tilespmem:$0x1BE00] =	vst v63  }
0x30: {  	_ =	swait.ge [sflag:s25], $0x4000  }
0x31: {  	[sflag:s25] =	ssyncset.done $0x0  }
0x32: {  	[sflag:s25] =	ssyncadd.s32 $0xFFFFC000  }
0x33: {  	[spmem:s10] =	stream.linear.scatter [tilespmem:s24], [sflag:$0x3], $0x4000, $0x38;
	[tilespmem:$0x1BE00] =	vst v63  }
0x34: {  	_ =	swait.ge [sflag:s25], $0x4000  }
0x35: {  	[sflag:s25] =	ssyncset.done $0x0  }
0x36: {  	[sflag:s25] =	ssyncadd.s32 $0xFFFFC000  }
0x37: {  	[spmem:s11] =	stream.linear.scatter [tilespmem:s24], [sflag:$0x3], $0x4000, $0x38;
	[tilespmem:$0x1BE00] =	vst v63  }
0x38: {  	_ =	swait.ge [sflag:s25], $0x4000  }
0x39: {  	[sflag:s25] =	ssyncset.done $0x0  }
0x3a: {  	[sflag:s25] =	ssyncadd.s32 $0xFFFFC000  }
0x3b: {  	[spmem:s12] =	stream.linear.scatter [tilespmem:s24], [sflag:$0x3], $0x3C00, $0x38;
	[tilespmem:$0x1BE00] =	vst v63  }
0x3c: {  	_ =	swait.ge [sflag:s25], $0x3C00  }
0x3d: {  	[sflag:s25] =	ssyncset.done $0x0  }
0x3e: {  	[sflag:s25] =	ssyncadd.s32 $0xFFFFC400  }
0x3f: {  	[bflag:$0x0] =	sbarrier.arrive $0xFFFF  }
0x40: {  	s17 =	rddreg [dreg:$0x4]  }
0x41: {  	[tilespmem:s2], [sflag:$0x3] =	stream.linear.gather [hbm4b:s17+s2], $0x80, $0x38;
	[tilespmem:$0x1BE00] =	vst v63  }
0x42: {  	_ =	swait.ge [sflag:s25], $0x80  }
0x43: {  	[sflag:s25] =	ssyncset.done $0x0  }
0x44: {  	[sflag:s25] =	ssyncadd.s32 $0xFFFFFF80  }
0x45: {  	[tilespmem:s30], [sflag:$0x3] =	stream.linear.gather [hbm4b:s19+s2], $0x80, $0x38;
	[tilespmem:$0x1BE00] =	vst v63  }
0x46: {  	_ =	swait.ge [sflag:s25], $0x80  }
0x47: {  	[sflag:s25] =	ssyncset.done $0x0  }
0x48: {  	[sflag:s25] =	ssyncadd.s32 $0xFFFFFF80  }
0x49: {  	[tilespmem:s24], [sflag:$0x1] =	stream.indirect.gather [hbm4b:s4+s31], $0x80, s2, s31, $0xb8;
	[tilespmem:$0x1BE00] =	vst v63  }
0x4a: {  	s18 =	rddreg [dreg:$0x5]  }
0x4b: {  	[tilespmem:s31], [sflag:$0x3] =	stream.linear.gather [hbm4b:s18+s2], $0x80, $0x38;
	[tilespmem:$0x1BE00] =	vst v63  }
0x4c: {  	_ =	swait.ge [sflag:s25], $0x80  }
0x4d: {  	[sflag:s25] =	ssyncset.done $0x0  }
0x4e: {  	[sflag:s25] =	ssyncadd.s32 $0xFFFFFF80  }
0x4f: {  	[tilespmem:s0], [sflag:$0x3] =	stream.linear.gather [hbm4b:s21+s2], $0x80, $0x38;
	[tilespmem:$0x1BE00] =	vst v63  }
0x50: {  	_ =	swait.ge [sflag:s25], $0x80  }
0x51: {  	[sflag:s25] =	ssyncset.done $0x0  }
0x52: {  	[sflag:s25] =	ssyncadd.s32 $0xFFFFFF80  }
0x53: {  	_ =	swait.ge [sflag:s3], $0x4000  }
0x54: {  	s14 =	sadd.s32 $0xFFFFFF80, s23;
	[sflag:s3] =	ssyncset.done $0x0  }
0x55: {  	s15 =	sand.u32 $0x7FFFFC00, s14;
	[sflag:s3] =	ssyncadd.s32 $0xFFFFC000  }
0x56: {  	[tilespmem:s26], [sflag:$0x1] =	stream.indirect.gather [hbm4b:s4+s31], $0x80, s31, s31, $0xb8;
	[tilespmem:$0x1BE00] =	vst v63  }
0x57: {  	s13 =	sand.u32 $0x300, s14;
	s15 =	sadd.s32 s8, s15  }
0x58: {  	[spmem:s1] =	stream.indirect.scatter.add.f32 [tilespmem:s24], [sflag:$0x2], $0x80, s30, s31, $0xb8;
	[tilespmem:$0x1BE00] =	vst v63  }
0x59: {  	s13 =	sor.u32 s13, s15;
	_ =	swait.ge [sflag:s28], $0x4000  }
0x5a: {  	s13 =	sshrl.u32 s13, $0x3;
	[sflag:s28] =	ssyncset.done $0x0  }
0x5b: {  	s13 =	sadd.s32 s5, s13;
	[sflag:s28] =	ssyncadd.s32 $0xFFFFC000  }
0x5c: {  	[tilespmem:s2], [sflag:$0x3] =	stream.linear.gather [hbm4b:s13+s2], $0x80, $0x38;
	[tilespmem:$0x1BE00] =	vst v63  }
0x5d: {  	_ =	swait.ge [sflag:s25], $0x80  }
0x5e: {  	s16 =	rddreg [dreg:$0x3]  }
0x5f: {  	[sflag:s25] =	ssyncset.done $0x0;
	s13 =	sadd.s32 $0xFFFFF620, s16  }
0x60: {  	[sflag:s25] =	ssyncadd.s32 $0xFFFFFF80;
	s17 =	sadd.s32 $0xA00, s13  }
0x61: {  	[tilespmem:s30], [sflag:$0x3] =	stream.linear.gather [hbm4b:s17+s2], $0x80, $0x38;
	[tilespmem:$0x1BE00] =	vst v63  }
0x62: {  	_ =	swait.ge [sflag:s25], $0x80  }
0x63: {  	[sflag:s25] =	ssyncset.done $0x0  }
0x64: {  	[sflag:s25] =	ssyncadd.s32 $0xFFFFFF80  }
0x65: {  	_ =	swait.ge [sflag:s3], $0x4000  }
0x66: {  	[sflag:s3] =	ssyncset.done $0x0  }
0x67: {  	s18 =	sand.u32 $0x7FFFFC00, s23;
	[sflag:s3] =	ssyncadd.s32 $0xFFFFC000  }
0x68: {  	[tilespmem:s24], [sflag:$0x1] =	stream.indirect.gather [hbm4b:s4+s31], $0x80, s2, s31, $0xb8;
	[tilespmem:$0x1BE00] =	vst v63  }
0x69: {  	s15 =	sadd.s32 s8, s18;
	s16 =	sand.u32 $0x380, s23  }
0x6a: {  	[spmem:s1] =	stream.indirect.scatter.add.f32 [tilespmem:s26], [sflag:$0x2], $0x80, s0, s31, $0xb8;
	[tilespmem:$0x1BE00] =	vst v63  }
0x6b: {  	s15 =	sor.u32 s16, s15;
	_ =	swait.ge [sflag:s28], $0x4000  }
0x6c: {  	s15 =	sshrl.u32 s15, $0x3;
	[sflag:s28] =	ssyncset.done $0x0  }
0x6d: {  	s15 =	sadd.s32 s5, s15;
	[sflag:s28] =	ssyncadd.s32 $0xFFFFC000  }
0x6e: {  	[tilespmem:s31], [sflag:$0x3] =	stream.linear.gather [hbm4b:s15+s2], $0x80, $0x38;
	[tilespmem:$0x1BE00] =	vst v63  }
0x6f: {  	_ =	swait.ge [sflag:s25], $0x80  }
0x70: {  	[sflag:s25] =	ssyncset.done $0x0  }
0x71: {  	s13 =	sadd.s32 $0xA10, s13;
	[sflag:s25] =	ssyncadd.s32 $0xFFFFFF80  }
0x72: {  	[tilespmem:s0], [sflag:$0x3] =	stream.linear.gather [hbm4b:s13+s2], $0x80, $0x38;
	[tilespmem:$0x1BE00] =	vst v63  }
0x73: {  	_ =	swait.ge [sflag:s25], $0x80  }
0x74: {  	[sflag:s25] =	ssyncset.done $0x0  }
0x75: {  	s16 =	simm.s32 $0xFFFFF640;
	s15 =	sadd.s32 $0x100, s23;
	[sflag:s25] =	ssyncadd.s32 $0xFFFFFF80  }
0x76: {  	s17 =	simm.s32 $0xFFFFF660;
	s13 =	sadd.s32 $0xFFFFFF80, s15;
	_ =	swait.ge [sflag:s3], $0x4000  }
.LBB2_2:
0x77: {  	[sflag:s3] =	ssyncset.done $0x0  }
0x78: {  	s14 =	sand.u32 $0x7FFFFC00, s13;
	[sflag:s3] =	ssyncadd.s32 $0xFFFFC000  }
0x79: {  	[tilespmem:s26], [sflag:$0x1] =	stream.indirect.gather [hbm4b:s4+s31], $0x80, s31, s31, $0xb8;
	[tilespmem:$0x1BE00] =	vst v63  }
0x7a: {  	s18 =	sand.u32 $0x300, s13;
	s14 =	sadd.s32 s8, s14  }
0x7b: {  	[spmem:s1] =	stream.indirect.scatter.add.f32 [tilespmem:s24], [sflag:$0x2], $0x80, s30, s31, $0xb8;
	[tilespmem:$0x1BE00] =	vst v63  }
0x7c: {  	s13 =	sor.u32 s18, s14;
	_ =	swait.ge [sflag:s28], $0x4000  }
0x7d: {  	s13 =	sshrl.u32 s13, $0x3;
	[sflag:s28] =	ssyncset.done $0x0  }
0x7e: {  	s13 =	sadd.s32 s5, s13;
	[sflag:s28] =	ssyncadd.s32 $0xFFFFC000  }
0x7f: {  	[tilespmem:s2], [sflag:$0x3] =	stream.linear.gather [hbm4b:s13+s2], $0x80, $0x38;
	[tilespmem:$0x1BE00] =	vst v63  }
0x80: {  	_ =	swait.ge [sflag:s25], $0x80  }
0x81: {  	s18 =	rddreg [dreg:$0x3]  }
0x82: {  	[sflag:s25] =	ssyncset.done $0x0;
	s13 =	sadd.s32 s16, s18  }
0x83: {  	[sflag:s25] =	ssyncadd.s32 $0xFFFFFF80;
	s18 =	sadd.s32 $0xA00, s13  }
0x84: {  	[tilespmem:s30], [sflag:$0x3] =	stream.linear.gather [hbm4b:s18+s2], $0x80, $0x38;
	[tilespmem:$0x1BE00] =	vst v63  }
0x85: {  	_ =	swait.ge [sflag:s25], $0x80  }
0x86: {  	[sflag:s25] =	ssyncset.done $0x0  }
0x87: {  	[sflag:s25] =	ssyncadd.s32 $0xFFFFFF80  }
0x88: {  	_ =	swait.ge [sflag:s3], $0x4000  }
0x89: {  	[sflag:s3] =	ssyncset.done $0x0  }
0x8a: {  	s14 =	smov.u32 s17;
	s18 =	sand.u32 $0x7FFFFC00, s15;
	[sflag:s3] =	ssyncadd.s32 $0xFFFFC000  }
0x8b: {  	[tilespmem:s24], [sflag:$0x1] =	stream.indirect.gather [hbm4b:s4+s31], $0x80, s2, s31, $0xb8;
	[tilespmem:$0x1BE00] =	vst v63  }
0x8c: {  	s16 =	smov.u32 s14;
	s14 =	sadd.s32 s8, s18;
	s18 =	sand.u32 $0x380, s15  }
0x8d: {  	[spmem:s1] =	stream.indirect.scatter.add.f32 [tilespmem:s26], [sflag:$0x2], $0x80, s0, s31, $0xb8;
	[tilespmem:$0x1BE00] =	vst v63  }
0x8e: {  	s14 =	sor.u32 s18, s14;
	_ =	swait.ge [sflag:s28], $0x4000  }
0x8f: {  	s14 =	sshrl.u32 s14, $0x3;
	[sflag:s28] =	ssyncset.done $0x0  }
0x90: {  	s14 =	sadd.s32 s5, s14;
	[sflag:s28] =	ssyncadd.s32 $0xFFFFC000  }
0x91: {  	[tilespmem:s31], [sflag:$0x3] =	stream.linear.gather [hbm4b:s14+s2], $0x80, $0x38;
	[tilespmem:$0x1BE00] =	vst v63  }
0x92: {  	_ =	swait.ge [sflag:s25], $0x80  }
0x93: {  	[sflag:s25] =	ssyncset.done $0x0  }
0x94: {  	p0 =	sne.s32 s17, $0xFFFFFFE0;
	s13 =	sadd.s32 $0xA10, s13;
	[sflag:s25] =	ssyncadd.s32 $0xFFFFFF80  }
0x95: {  	[tilespmem:s0], [sflag:$0x3] =	stream.linear.gather [hbm4b:s13+s2], $0x80, $0x38;
	[tilespmem:$0x1BE00] =	vst v63  }
.Ltmp0:
0x96: {  	_ = 	snop;
	(pc) =	sbr.rel @p0 .LBB2_2-.Ltmp0, $4  }
0x97: {  	_ =	swait.ge [sflag:s25], $0x80  }
0x98: {  	[sflag:s25] =	ssyncset.done $0x0  }
0x99: {  	s15 =	sadd.s32 $0x100, s15;
	[sflag:s25] =	ssyncadd.s32 $0xFFFFFF80  }
0x9a: {  	s17 =	sadd.s32 $0x20, s17;
	s13 =	sadd.s32 $0xFFFFFF80, s15;
	_ =	swait.ge [sflag:s3], $0x4000  }
0x9b: {  	[sflag:s3] =	ssyncset.done $0x0  }
0x9c: {  	s14 =	sand.u32 $0x7FFFFC00, s13;
	[sflag:s3] =	ssyncadd.s32 $0xFFFFC000  }
0x9d: {  	[tilespmem:s26], [sflag:$0x1] =	stream.indirect.gather [hbm4b:s4+s31], $0x80, s31, s31, $0xb8;
	[tilespmem:$0x1BE00] =	vst v63  }
0x9e: {  	s18 =	sand.u32 $0x300, s13;
	s14 =	sadd.s32 s8, s14  }
0x9f: {  	[spmem:s1] =	stream.indirect.scatter.add.f32 [tilespmem:s24], [sflag:$0x2], $0x80, s30, s31, $0xb8;
	[tilespmem:$0x1BE00] =	vst v63  }
0xa0: {  	s13 =	sor.u32 s18, s14;
	_ =	swait.ge [sflag:s28], $0x4000  }
0xa1: {  	s13 =	sshrl.u32 s13, $0x3;
	[sflag:s28] =	ssyncset.done $0x0  }
0xa2: {  	s13 =	sadd.s32 s5, s13;
	[sflag:s28] =	ssyncadd.s32 $0xFFFFC000  }
0xa3: {  	[tilespmem:s2], [sflag:$0x3] =	stream.linear.gather [hbm4b:s13+s2], $0x80, $0x38;
	[tilespmem:$0x1BE00] =	vst v63  }
0xa4: {  	_ =	swait.ge [sflag:s25], $0x80  }
0xa5: {  	s14 =	rddreg [dreg:$0x3]  }
0xa6: {  	[sflag:s25] =	ssyncset.done $0x0;
	s13 =	sadd.s32 s16, s14  }
0xa7: {  	[sflag:s25] =	ssyncadd.s32 $0xFFFFFF80;
	s16 =	sadd.s32 $0xA00, s13  }
0xa8: {  	[tilespmem:s30], [sflag:$0x3] =	stream.linear.gather [hbm4b:s16+s2], $0x80, $0x38;
	[tilespmem:$0x1BE00] =	vst v63  }
0xa9: {  	_ =	swait.ge [sflag:s25], $0x80  }
0xaa: {  	[sflag:s25] =	ssyncset.done $0x0  }
0xab: {  	[sflag:s25] =	ssyncadd.s32 $0xFFFFFF80  }
0xac: {  	_ =	swait.ge [sflag:s3], $0x4000  }
0xad: {  	[sflag:s3] =	ssyncset.done $0x0  }
0xae: {  	s17 =	sand.u32 $0x7FFFFC00, s15;
	[sflag:s3] =	ssyncadd.s32 $0xFFFFC000  }
0xaf: {  	[tilespmem:s24], [sflag:$0x1] =	stream.indirect.gather [hbm4b:s4+s31], $0x80, s2, s31, $0xb8;
	[tilespmem:$0x1BE00] =	vst v63  }
0xb0: {  	s18 =	sand.u32 $0x380, s15;
	s14 =	sadd.s32 s8, s17  }
0xb1: {  	[spmem:s1] =	stream.indirect.scatter.add.f32 [tilespmem:s26], [sflag:$0x2], $0x80, s0, s31, $0xb8;
	[tilespmem:$0x1BE00] =	vst v63  }
0xb2: {  	s14 =	sor.u32 s18, s14;
	_ =	swait.ge [sflag:s28], $0x4000  }
0xb3: {  	s14 =	sshrl.u32 s14, $0x3;
	[sflag:s28] =	ssyncset.done $0x0  }
0xb4: {  	s14 =	sadd.s32 s5, s14;
	[sflag:s28] =	ssyncadd.s32 $0xFFFFC000  }
0xb5: {  	[tilespmem:s31], [sflag:$0x3] =	stream.linear.gather [hbm4b:s14+s2], $0x80, $0x38;
	[tilespmem:$0x1BE00] =	vst v63  }
0xb6: {  	_ =	swait.ge [sflag:s25], $0x80  }
0xb7: {  	[sflag:s25] =	ssyncset.done $0x0  }
0xb8: {  	s13 =	sadd.s32 $0xA10, s13;
	[sflag:s25] =	ssyncadd.s32 $0xFFFFFF80  }
0xb9: {  	[tilespmem:s0], [sflag:$0x3] =	stream.linear.gather [hbm4b:s13+s2], $0x80, $0x38;
	[tilespmem:$0x1BE00] =	vst v63  }
0xba: {  	_ =	swait.ge [sflag:s25], $0x80  }
0xbb: {  	[sflag:s25] =	ssyncset.done $0x0  }
0xbc: {  	[sflag:s25] =	ssyncadd.s32 $0xFFFFFF80  }
0xbd: {  	_ =	swait.ge [sflag:s3], $0x4000  }
0xbe: {  	[sflag:s3] =	ssyncset.done $0x0  }
0xbf: {  	[sflag:s3] =	ssyncadd.s32 $0xFFFFC000  }
0xc0: {  	[tilespmem:s26], [sflag:$0x1] =	stream.indirect.gather [hbm4b:s4+s31], $0x80, s31, s31, $0xb8;
	[tilespmem:$0x1BE00] =	vst v63  }
0xc1: {  	_ = 	snop  }
0xc2: {  	[spmem:s1] =	stream.indirect.scatter.add.f32 [tilespmem:s24], [sflag:$0x2], $0x80, s30, s31, $0xb8;
	[tilespmem:$0x1BE00] =	vst v63  }
0xc3: {  	_ =	swait.ge [sflag:s28], $0x4000  }
0xc4: {  	[sflag:s28] =	ssyncset.done $0x0  }
0xc5: {  	[sflag:s28] =	ssyncadd.s32 $0xFFFFC000  }
0xc6: {  	_ =	swait.ge [sflag:s3], $0x4000  }
0xc7: {  	[sflag:s3] =	ssyncset.done $0x0  }
0xc8: {  	[sflag:s3] =	ssyncadd.s32 $0xFFFFC000  }
0xc9: {  	[spmem:s1] =	stream.indirect.scatter.add.f32 [tilespmem:s26], [sflag:$0x2], $0x80, s0, s31, $0xb8;
	[tilespmem:$0x1BE00] =	vst v63  }
0xca: {  	_ =	swait.ge [sflag:s28], $0x4000  }
0xcb: {  	[sflag:s28] =	ssyncset.done $0x0  }
0xcc: {  	[sflag:s28] =	ssyncadd.s32 $0xFFFFC000  }
0xcd: {  	[bflag:$0x0] =	sbarrier.arrive $0xFFFF  }
0xce: {  	[tilespmem:s24], [sflag:$0x3] =	stream.linear.gather [spmem:s7], $0x4000, $0x38;
	[tilespmem:$0x1BE00] =	vst v63  }
0xcf: {  	_ =	swait.ge [sflag:s25], $0x4000  }
0xd0: {  	[sflag:s25] =	ssyncset.done $0x0  }
0xd1: {  	s15 =	rddreg [dreg:$0x6];
	[sflag:s25] =	ssyncadd.s32 $0xFFFFC000  }
0xd2: {  	[hbm4b:s15+s2] =	stream.linear.scatter [tilespmem:s24], [sflag:$0x3], $0x4000, $0x38;
	[tilespmem:$0x1BE00] =	vst v63  }
0xd3: {  	_ =	swait.ge [sflag:s25], $0x4000  }
0xd4: {  	[sflag:s25] =	ssyncset.done $0x0  }
0xd5: {  	[sflag:s25] =	ssyncadd.s32 $0xFFFFC000  }
0xd6: {  	[tilespmem:s24], [sflag:$0x3] =	stream.linear.gather [spmem:s9], $0x4000, $0x38;
	[tilespmem:$0x1BE00] =	vst v63  }
0xd7: {  	_ =	swait.ge [sflag:s25], $0x4000  }
0xd8: {  	[sflag:s25] =	ssyncset.done $0x0  }
0xd9: {  	s16 =	rddreg [dreg:$0x7];
	[sflag:s25] =	ssyncadd.s32 $0xFFFFC000  }
0xda: {  	[hbm4b:s16+s2] =	stream.linear.scatter [tilespmem:s24], [sflag:$0x3], $0x4000, $0x38;
	[tilespmem:$0x1BE00] =	vst v63  }
0xdb: {  	_ =	swait.ge [sflag:s25], $0x4000  }
0xdc: {  	[sflag:s25] =	ssyncset.done $0x0  }
0xdd: {  	[sflag:s25] =	ssyncadd.s32 $0xFFFFC000  }
0xde: {  	[tilespmem:s24], [sflag:$0x3] =	stream.linear.gather [spmem:s10], $0x4000, $0x38;
	[tilespmem:$0x1BE00] =	vst v63  }
0xdf: {  	_ =	swait.ge [sflag:s25], $0x4000  }
0xe0: {  	[sflag:s25] =	ssyncset.done $0x0  }
0xe1: {  	s17 =	rddreg [dreg:$0x8];
	[sflag:s25] =	ssyncadd.s32 $0xFFFFC000  }
0xe2: {  	[hbm4b:s17+s2] =	stream.linear.scatter [tilespmem:s24], [sflag:$0x3], $0x4000, $0x38;
	[tilespmem:$0x1BE00] =	vst v63  }
0xe3: {  	_ =	swait.ge [sflag:s25], $0x4000  }
0xe4: {  	[sflag:s25] =	ssyncset.done $0x0  }
0xe5: {  	[sflag:s25] =	ssyncadd.s32 $0xFFFFC000  }
0xe6: {  	[tilespmem:s24], [sflag:$0x3] =	stream.linear.gather [spmem:s11], $0x4000, $0x38;
	[tilespmem:$0x1BE00] =	vst v63  }
0xe7: {  	_ =	swait.ge [sflag:s25], $0x4000  }
0xe8: {  	[sflag:s25] =	ssyncset.done $0x0  }
0xe9: {  	s18 =	rddreg [dreg:$0x9];
	[sflag:s25] =	ssyncadd.s32 $0xFFFFC000  }
0xea: {  	[hbm4b:s18+s2] =	stream.linear.scatter [tilespmem:s24], [sflag:$0x3], $0x4000, $0x38;
	[tilespmem:$0x1BE00] =	vst v63  }
0xeb: {  	_ =	swait.ge [sflag:s25], $0x4000  }
0xec: {  	[sflag:s25] =	ssyncset.done $0x0  }
0xed: {  	[sflag:s25] =	ssyncadd.s32 $0xFFFFC000  }
0xee: {  	[tilespmem:s24], [sflag:$0x3] =	stream.linear.gather [spmem:s12], $0x3C00, $0x38;
	[tilespmem:$0x1BE00] =	vst v63  }
0xef: {  	s29 =	sadd.s32 $0x1, s29;
	_ =	swait.ge [sflag:s25], $0x3C00  }
0xf0: {  	p0 =	sne.s32 s29, s22;
	[sflag:s25] =	ssyncset.done $0x0  }
.Ltmp1:
0xf1: {  	[sflag:s25] =	ssyncadd.s32 $0xFFFFC400;
	(pc) =	sbr.rel @p0 .LBB2_1-.Ltmp1, $4  }
0xf2: {  	[hbm4b:s20+s2] =	stream.linear.scatter [tilespmem:s24], [sflag:$0x3], $0x3C00, $0x38;
	[tilespmem:$0x1BE00] =	vst v63  }
0xf3: {  	_ =	swait.ge [sflag:s25], $0x3C00  }
0xf4: {  	[sflag:s25] =	ssyncset.done $0x0  }
0xf5: {  	[sflag:s25] =	ssyncadd.s32 $0xFFFFC400  }
0xf6: {  	_ =	sfence.sel $0x180000  }
0xf7: {  	[bflag:$0x0] =	sbarrier.arrive $0xFFFF  }
0xf8: {  	_ =	strace $0x9000004D  }
0xf9: {  	s0 =	stileid.u32;
	[bflag:$0x2] =	sbarrier.arrive $0xFFFF  }
0xfa: {  	p0 =	sne.s32 s0, $0x0;
	s0 =	rddreg [dreg:$0x2]  }
0xfb: {  	s0 =	sadd.s32 @!p0 $0x100000, s0  }
0xfc: {  	[sflag:s0] =	ssyncadd.tile.s32 @!p0 $0x1;
	_ =	shalt  }
.Lfunc_end2:
_tile_overlayer_lowered:
.L_overlay_start_2:
0xfd: {  	(tag) =	ssettag $0x2  }
0xfe: {  	s0 =	rddreg [dreg:$0x0];
	s2 =	stileid.u32  }
0xff: {  	s1 =	rddreg [dreg:$0x1];
	p0 =	sne.s32 s2, $0x0  }
0x100: {  	s3 =	rddreg [dreg:$0x2];
	[bflag:$0x3] =	sbarrier.arrive $0xFFFF;
	s2 =	simm.s32 @!p0 $0x1C03  }
0x101: {  	[timem:s3], [sflag:s2] =	dma.local @!p0 [hbm:s0], s1  }
0x102: {  	s0 =	simm.s32 @!p0 $0x3  }
0x103: {  	_ =	swait.ge @!p0 [sflag:s0], s1  }
0x104: {  	s1 =	ssub.s32 @!p0 $0x0, s1;
	[sflag:s0] =	ssyncset.done @!p0 $0x0  }
0x105: {  	[sflag:s0] =	ssyncadd.s32 @!p0 s1  }
0x106: {  	[bflag:$0x3] =	sbarrier.arrive $0xFFFF  }
0x107: {  	_ =	shalt  }

// kernel: kernel.18.cloned.1.call-start
scs
__scs_entry_jumppad:
0x0: {  	(pc) =	sbr.rel $0x88, $3  }
0x1: {  	(tag) =	ssettag $0x0;
	lr =	simm.s32 $0x1  }
0x2: {  	[smem:$0x3F8E] =	sst lr;
	_ =	strace $0xD0000000  }
0x3: {  	_ = 	snop  }
0x4: {  	_ = 	snop  }
0x5: {  	_ = 	snop  }
0x6: {  	_ = 	snop  }
0x7: {  	_ = 	snop  }
__scs_overlays_trampoline_lowered:
0x8: {  	[smem:$0x3F9D] =	sst s0  }
0x9: {  	[smem:$0x3F9E] =	sst s1  }
0xa: {  	[smem:$0x3F9F] =	sst s2  }
0xb: {  	[smem:$0x3FA0] =	sst s3  }
0xc: {  	[smem:$0x3FA1] =	sst s4  }
0xd: {  	[smem:$0x3FA2] =	sst s5  }
0xe: {  	[smem:$0x3FA3] =	sst s6  }
0xf: {  	[smem:$0x3FA4] =	sst s7  }
0x10: {  	[smem:$0x3FA5] =	sst s8  }
0x11: {  	[smem:$0x3FA6] =	sst s9;
	s0 =	simm.s32 @!p0 $0x0  }
0x12: {  	s1 =	sld [smem:$0x3F8C];
	s0 =	simm.s32 @p0 $0x1  }
0x13: {  	[smem:$0x3FA7] =	sst s0;
	s0 =	simm.s32 @!p1 $0x0  }
0x14: {  	s2 =	sld [smem:$0x3F8B];
	s0 =	simm.s32 @p1 $0x1  }
0x15: {  	[smem:$0x3FA8] =	sst s0;
	s0 =	simm.s32 @!p2 $0x0  }
0x16: {  	s3 =	sld [smem:$0x3FDB];
	s0 =	simm.s32 @p2 $0x1  }
0x17: {  	s4 =	simm.s32 $0x1BF5;
	[smem:$0x3FAA] =	sst s0  }
0x18: {  	s0 =	sld [smem:$0x3F8D];
	_ =	swait.ge [sflag:s4], $0x0  }
0x19: {  	s7 =	sld [smem:$0x3F8E]  }
0x1a: {  	s8 =	sadd.s32 $0xFFFFE003, lr  }
0x1b: {  	s9 =	sadd.s32 $0xFFFFFEF7, lr;
	s5 =	simm.s32 $0xFFFFFFFF;
	p2 =	slt.u32 s8, $0xFFFFF086  }
0x1c: {  	p1 =	slt.u32 s9, $0xF7A;
	s5 =	simm.s32 @!p2 $0x0  }
0x1d: {  	s5 =	simm.s32 @p1 $0x1;
	p0 =	seq.s32 s7, s2  }
0x1e: {  	s7 =	smul.u32 @!p0 $0xF7A, s2;
	p2 =	seq.s32 @!p0 s5, $0x0  }
0x1f: {  	s9 =	smul.u32 $0xF7A, s1;
	s8 =	simm.s32 @!p0 $0x1BF5;
	p2 =	por !p2, p0  }
0x20: {  	[sflag:s8] =	ssyncset.s32 @!p0 $0xFFFFF086;
	s6 =	sadd.s32 @!p0 s3, s7;
	s7 =	simm.s32 @!p0 $0x108  }
0x21: {  	s3 =	sadd.s32 s3, s9;
	s6 =	sadd.s32 @!p0 $0x88, s6;
	s7 =	simm.s32 @p2 $0x1082  }
0x22: {  	[simem:s7], [sflag:s8] =	dma.local @!p0 [hbm:s6], $0xF7A  }
0x23: {  	s9 =	sor.u32 $0xD0000000, s2;
	s6 =	simm.s32 $0x108;
	_ =	swait.ge @!p0 [sflag:s8], $0x0  }
0x24: {  	s3 =	sadd.s32 $0x88, s3;
	s6 =	simm.s32 @!p1 $0x1082;
	[sflag:s4] =	ssyncset.s32 $0xFFFFF086  }
0x25: {  	[simem:s6], [sflag:s4] =	dma.local [hbm:s3], $0xF7A  }
0x26: {  	[smem:$0x3F8E] =	sst s1;
	(tag) =	ssettag s2;
	_ =	strace s9  }
0x27: {  	s1 =	sld [smem:$0x3F9E]  }
0x28: {  	s2 =	sld [smem:$0x3F9F]  }
0x29: {  	s4 =	sld [smem:$0x3FA1]  }
0x2a: {  	p0 =	seq.s32 s5, $0x0;
	s5 =	sld [smem:$0x3FA2]  }
0x2b: {  	s6 =	sld [smem:$0x3FA3]  }
0x2c: {  	s7 =	sld [smem:$0x3FA4]  }
0x2d: {  	s3 =	simm.s32 $0x108;
	s8 =	sld [smem:$0x3FA5]  }
0x2e: {  	s3 =	simm.s32 @!p0 $0x1082;
	s9 =	sld [smem:$0x3FA6]  }
0x2f: {  	lr =	sadd.s32 s0, s3;
	s0 =	sld [smem:$0x3F9D]  }
0x30: {  	s3 =	sld [smem:$0x3FA0]  }
0x31: {  	[smem:$0x3FA9] =	sst s10  }
0x32: {  	s10 =	sld [smem:$0x3FA7];
	_ =	sdelay $0x3  }
0x33: {  	p0 =	seq.s32 s10, $0x1;
	s10 =	sld [smem:$0x3FA9];
	_ =	sdelay $0x3  }
0x34: {  	[smem:$0x3FA9] =	sst s10  }
0x35: {  	s10 =	sld [smem:$0x3FA8];
	_ =	sdelay $0x3  }
0x36: {  	p1 =	seq.s32 s10, $0x1;
	s10 =	sld [smem:$0x3FA9];
	_ =	sdelay $0x3  }
0x37: {  	[smem:$0x3FA9] =	sst s10  }
0x38: {  	s10 =	sld [smem:$0x3FAA]  }
0x39: {  	_ = 	snop;
	(pc) =	sbr.ind lr, $3  }
0x3a: {  	_ = 	snop  }
0x3b: {  	_ = 	snop  }
0x3c: {  	p2 =	seq.s32 s10, $0x1;
	s10 =	sld [smem:$0x3FA9]  }
0x3d: {  	_ =	shalt  }
0x3e: {  	_ =	shalt  }
0x3f: {  	_ =	shalt  }
0x40: {  	_ =	shalt  }
0x41: {  	_ =	shalt  }
0x42: {  	_ =	shalt  }
0x43: {  	_ =	shalt  }
0x44: {  	_ =	shalt  }
0x45: {  	_ =	shalt  }
0x46: {  	_ =	shalt  }
0x47: {  	_ =	shalt  }
0x48: {  	_ =	shalt  }
0x49: {  	_ =	shalt  }
0x4a: {  	_ =	shalt  }
0x4b: {  	_ =	shalt  }
0x4c: {  	_ =	shalt  }
0x4d: {  	_ =	shalt  }
0x4e: {  	_ =	shalt  }
0x4f: {  	_ =	shalt  }
0x50: {  	_ =	shalt  }
0x51: {  	_ =	shalt  }
0x52: {  	_ =	shalt  }
0x53: {  	_ =	shalt  }
0x54: {  	_ =	shalt  }
0x55: {  	_ =	shalt  }
0x56: {  	_ =	shalt  }
0x57: {  	_ =	shalt  }
0x58: {  	_ =	shalt  }
0x59: {  	_ =	shalt  }
0x5a: {  	_ =	shalt  }
0x5b: {  	_ =	shalt  }
0x5c: {  	_ =	shalt  }
0x5d: {  	_ =	shalt  }
0x5e: {  	_ =	shalt  }
0x5f: {  	_ =	shalt  }
0x60: {  	_ =	shalt  }
0x61: {  	_ =	shalt  }
0x62: {  	_ =	shalt  }
0x63: {  	_ =	shalt  }
0x64: {  	_ =	shalt  }
0x65: {  	_ =	shalt  }
0x66: {  	_ =	shalt  }
0x67: {  	_ =	shalt  }
0x68: {  	_ =	shalt  }
0x69: {  	_ =	shalt  }
0x6a: {  	_ =	shalt  }
0x6b: {  	_ =	shalt  }
0x6c: {  	_ =	shalt  }
0x6d: {  	_ =	shalt  }
0x6e: {  	_ =	shalt  }
0x6f: {  	_ =	shalt  }
0x70: {  	_ =	shalt  }
0x71: {  	_ =	shalt  }
0x72: {  	_ =	shalt  }
0x73: {  	_ =	shalt  }
0x74: {  	_ =	shalt  }
0x75: {  	_ =	shalt  }
0x76: {  	_ =	shalt  }
0x77: {  	_ =	shalt  }
0x78: {  	_ =	shalt  }
0x79: {  	_ =	shalt  }
0x7a: {  	_ =	shalt  }
0x7b: {  	_ =	shalt  }
0x7c: {  	_ =	shalt  }
0x7d: {  	_ =	shalt  }
0x7e: {  	_ =	shalt  }
0x7f: {  	_ =	shalt  }
0x80: {  	_ =	shalt  }
0x81: {  	_ =	shalt  }
0x82: {  	_ =	shalt  }
0x83: {  	_ =	shalt  }
0x84: {  	_ =	shalt  }
0x85: {  	_ =	shalt  }
0x86: {  	_ =	shalt  }
0x87: {  	_ =	shalt  }
.Lfunc_end0:
.L_simem_size_0:
called_computation.3_lowered:
.L_overlay_start_0:
0x88: {  	s2 =	sld [smem:$0x3FD9]  }
0x89: {  	s3 =	sld [smem:$0x3FFE];
	_ =	sdelay $0x1  }
0x8a: {  	s1 =	srdreg.scid  }
0x8b: {  	s0 =	sand.u32 $0x1, s1  }
0x8c: {  	s16 =	sshll.u32 s0, $0xA;
	s2 =	sadd.s32 s3, s2  }
0x8d: {  	s2 =	sadd.s32 s2, s16  }
0x8e: {  	[smem:$0x3FB5] =	sst s2  }
0x8f: {  	_ = 	snop  }
0x90: {  	(tm) =	ssettm $0x1  }
0x91: {  	s17 =	sld [smem:$0x3FFB];
	_ =	sdelay $0x3  }
0x92: {  	_ =	strace s17  }
0x93: {  	s2 =	sld [smem:$0x3FFC];
	_ =	sdelay $0x3  }
0x94: {  	_ =	strace s2  }
0x95: {  	s2 =	sld [smem:$0x3FFD];
	_ =	sdelay $0x3  }
0x96: {  	_ =	strace s2  }
0x97: {  	_ =	strace $0x8FFFFFFF  }
0x98: {  	s18 =	sld [smem:$0x3FDB];
	_ =	sdelay $0x1  }
0x99: {  	s19 =	simm.s32 $_scs_section_size  }
0x9a: {  	s4 =	simm.s32 $_size__tile_overlayer_lowered;
	s5 =	simm.s32 $_tile_overlayer_lowered  }
0x9b: {  	s22 =	simm.s32 $0x1BFF;
	s21 =	sshll.u32 s5, $0x1;
	s2 =	sadd.s32 s19, s18  }
0x9c: {  	s6 =	simm.s32 $0x0;
	s20 =	sshll.u32 s4, $0x1;
	s4 =	sadd.s32 s21, s2  }
0x9d: {  	[timem:s6], [sflag:s22] =	dma.local [hbm:s4], s20  }
0x9e: {  	_ =	swait.ge [sflag:s22], s20  }
0x9f: {  	s3 =	ssub.s32 $0x0, s20;
	[sflag:s22] =	ssyncset.done $0x0  }
0xa0: {  	[sflag:s22] =	ssyncadd.s32 s3;
	_ =	sdelay $0x1  }
0xa1: {  	s23 =	simm.s32 $0x1B8B  }
0xa2: {  	_ =	swait.ge [sflag:s23], $0x1  }
0xa3: {  	[sflag:s23] =	ssyncset.done $0x0  }
0xa4: {  	s25 =	simm.s32 $0x1B8E;
	s24 =	sld [smem:$0x3FFE];
	[sflag:s23] =	ssyncadd.s32 $0xFFFFFFFF  }
0xa5: {  	s26 =	simm.s32 $execute0_lowered;
	[smem:$0x3FD2] =	sst s25  }
0xa6: {  	s4 =	sshll.u32 s26, $0x1;
	_ =	strace $0x8000004F;
	[dreg:$0x1] =	wrdreg $0xFFFFFFFF  }
0xa7: {  	s28 =	simm.s32 $_size_execute0_lowered;
	s2 =	sadd.s32 s2, s4;
	[dreg:$0x0] =	wrdreg $0x0  }
0xa8: {  	s4 =	sshll.u32 s28, $0x1;
	[dreg:$0x2] =	wrdreg s2  }
0xa9: {  	[dreg:$0x3] =	wrdreg s4  }
0xaa: {  	[dreg:$0x4] =	wrdreg $0xC0  }
0xab: {  	_ =	task [dreg:s6], $0x5FFFF  }
0xac: {  	[dreg:$0x1] =	wrdreg $0xFFFFFFFF  }
0xad: {  	[dreg:$0x0] =	wrdreg $0x60  }
0xae: {  	[dreg:$0x2] =	wrdreg s24  }
0xaf: {  	[dreg:$0x3] =	wrdreg $0x82000  }
0xb0: {  	[dreg:$0x4] =	wrdreg $0x9  }
0xb1: {  	_ =	task.clear_ibuf [dreg:s6], $0x5FFFF;
	_ =	strace $0x9000004F  }
0xb2: {  	s29 =	simm.s32 $0x9;
	_ =	strace $0x80000051  }
0xb3: {  	_ =	swait.ge [sflag:s29], $0x1  }
0xb4: {  	[sflag:s29] =	ssyncadd.s32 $0xFFFFFFFF  }
0xb5: {  	_ =	strace $0x90000051  }
0xb6: {  	_ =	sfence  }
0xb7: {  	s30 =	sld [smem:$0x0];
	_ =	sdelay $0x2  }
0xb8: {  	s31 =	sshll.u32 s1, $0xD;
	s1 =	sshrl.u32 s1, $0x2  }
0xb9: {  	s3 =	sand.u32 $0x4000, s31;
	s1 =	sadd.s32 s1, s30  }
0xba: {  	s0 =	sor.u32 s3, s0;
	s1 =	sshll.u32 s1, $0x11  }
0xbb: {  	s0 =	sor.u32 s1, s0  }
0xbc: {  	s0 =	sadd.s32 $0x8F2B, s0  }
0xbd: {  	[sflag:s0] =	ssyncadd.remote.s32 $0x1  }
0xbe: {  	_ =	sfence.sel $0xFFFF  }
0xbf: {  	[dreg:$0x0] =	wrdreg $0xFFFFFFFF;
	(pc) =	sbr.abs _section_cstart, $3  }
0xc0: {  	[dreg:$0x1] =	wrdreg $0xFFFFFFFF  }
0xc1: {  	_ =	task.clear_ibuf [dreg:s6], $0x2FFFF;
	_ =	strace $0x9FFFFFFF  }
0xc2: {  	(tm) =	ssettm $0x7FFFFFFF  }
0xc3: {  	_ =	shalt  }
tec
execute0_lowered:
.L_overlay_start_1:
0x0: {  	(tag) =	ssettag $0x1  }
0x1: {  	s0 =	rddreg [dreg:$0x0]  }
0x2: {  	s1 =	rddreg [dreg:$0x1]  }
0x3: {  	s2 =	simm.s32 $0x0;
	s23 =	stileid.u32;
	s7 =	srdreg.scid  }
0x4: {  	s30 =	simm.s32 $0x100;
	s31 =	simm.s32 $0x80;
	s28 =	simm.s32 $0x2  }
0x5: {  	s29 =	simm.s32 $0x0;
	[smem:$0x7FF] =	sst s2;
	s8 =	smul.u32 $0x4F000, s23  }
0x6: {  	s4 =	sadd.s32 $0x36600, s0;
	s5 =	sadd.s32 $0x22400, s0;
	s15 =	smul.u32 $0x13C00, s23  }
0x7: {  	s3 =	sadd.s32 $0x4400, s0;
	s13 =	sand.u32 $0x1, s7;
	s9 =	smul.u32 $0x50, s23  }
0x8: {  	s6 =	sadd.s32 $0x36400, s0;
	s0 =	sadd.s32 $0xD4E00, s0;
	s11 =	smul.u32 $0x500, s13  }
0x9: {  	_ =	strace $0x80000050;
	s7 =	ssub.s32 $0x2, s13;
	s22 =	smul.u32 $0x13C000, s13  }
0xa: {  	s25 =	smul.u32 $0x5000, s13;
	s10 =	sshrl.u32 s7, $0x1;
	s8 =	sshrl.u32 s8, $0x2  }
0xb: {  	s17 =	sadd.s32 $0x4000, s15;
	s18 =	sadd.s32 $0x8000, s15;
	s19 =	sadd.s32 $0xC000, s15  }
0xc: {  	s20 =	sadd.s32 $0x10000, s15;
	s16 =	ssub.s32 s7, s10;
	s7 =	sadd.s32 s8, s1  }
0xd: {  	s8 =	sadd.s32 s17, s1;
	s14 =	sadd.s32 s11, s9;
	s9 =	smul.u32 $0x50000, s13  }
0xe: {  	s10 =	sadd.s32 s18, s1;
	s11 =	sadd.s32 s19, s1;
	s15 =	sadd.s32 s15, s22  }
0xf: {  	s17 =	sadd.s32 s22, s17;
	s18 =	sadd.s32 s22, s18;
	s26 =	sadd.s32 s22, s20  }
0x10: {  	s13 =	smul.u32 $0x28000, s13;
	s12 =	sshll.u32 s14, $0x7;
	s14 =	sshll.u32 s14, $0x4  }
0x11: {  	s15 =	sshrl.u32 s15, $0x3;
	s17 =	sshrl.u32 s17, $0x3;
	s18 =	sshrl.u32 s18, $0x3  }
0x12: {  	s12 =	sadd.s32 s9, s12;
	s14 =	sadd.s32 s3, s14;
	s15 =	sadd.s32 s0, s15  }
0x13: {  	s17 =	sadd.s32 s0, s17;
	s21 =	sshrl.u32 s12, $0x3;
	[dreg:$0x4] =	wrdreg s15  }
0x14: {  	s12 =	sadd.s32 s20, s1;
	[dreg:$0x5] =	wrdreg s17;
	s15 =	sadd.s32 s0, s18  }
0x15: {  	s18 =	smul.u32 $0x500, s23;
	s20 =	sshrl.u32 s26, $0x3;
	s24 =	sadd.s32 s5, s21  }
0x16: {  	[dreg:$0x6] =	wrdreg s15;
	s21 =	sadd.s32 s22, s19;
	s22 =	sadd.s32 s25, s3  }
0x17: {  	s25 =	smul.u32 $0x2800, s23;
	s3 =	simm.s32 $0x1;
	s15 =	sshrl.u32 s21, $0x3  }
0x18: {  	s26 =	sadd.s32 $0x10, s24;
	s21 =	smov.u32 s14;
	s14 =	sadd.s32 $0x10, s14  }
0x19: {  	s15 =	sadd.s32 s0, s15;
	s0 =	sadd.s32 s0, s20;
	[dreg:$0x9] =	wrdreg s26  }
0x1a: {  	s20 =	smov.u32 s24;
	[dreg:$0xa] =	wrdreg s14;
	s23 =	sadd.s32 s25, s13  }
0x1b: {  	s24 =	simm.s32 $0x200;
	s25 =	simm.s32 $0x3;
	[dreg:$0x7] =	wrdreg s15  }
0x1c: {  	s26 =	simm.s32 $0x4200;
	[dreg:$0x8] =	wrdreg s0;
	s0 =	sadd.s32 s18, s22  }
0x1d: {  	s22 =	smax.u32 s16, $0x1;
	[dreg:$0x3] =	wrdreg s0;
	s0 =	simm.s32 $0x180  }
.LBB2_1:
0x1e: {  	[tilespmem:s24], [sflag:$0x3] =	stream.linear.gather [hbm4b:s6+s2], $0x1000, $0x38;
	[tilespmem:$0x1BE00] =	vst v63  }
0x1f: {  	_ =	swait.ge [sflag:s25], $0x1000  }
0x20: {  	[sflag:s25] =	ssyncset.done $0x0  }
0x21: {  	s13 =	simm.s32 $0x1200;
	[sflag:s25] =	ssyncadd.s32 $0xFFFFF000  }
0x22: {  	[tilespmem:s13], [sflag:$0x3] =	stream.linear.gather [hbm4b:s6+s2], $0x1000, $0x38;
	[tilespmem:$0x1BE00] =	vst v63  }
0x23: {  	_ =	swait.ge [sflag:s25], $0x1000  }
0x24: {  	[sflag:s25] =	ssyncset.done $0x0  }
0x25: {  	s18 =	simm.s32 $0x2200;
	[sflag:s25] =	ssyncadd.s32 $0xFFFFF000  }
0x26: {  	[tilespmem:s18], [sflag:$0x3] =	stream.linear.gather [hbm4b:s6+s2], $0x1000, $0x38;
	[tilespmem:$0x1BE00] =	vst v63  }
0x27: {  	_ =	swait.ge [sflag:s25], $0x1000  }
0x28: {  	[sflag:s25] =	ssyncset.done $0x0  }
0x29: {  	s19 =	simm.s32 $0x3200;
	[sflag:s25] =	ssyncadd.s32 $0xFFFFF000  }
0x2a: {  	[tilespmem:s19], [sflag:$0x3] =	stream.linear.gather [hbm4b:s6+s2], $0x1000, $0x38;
	[tilespmem:$0x1BE00] =	vst v63  }
0x2b: {  	_ =	swait.ge [sflag:s25], $0x1000  }
0x2c: {  	[sflag:s25] =	ssyncset.done $0x0  }
0x2d: {  	[sflag:s25] =	ssyncadd.s32 $0xFFFFF000  }
0x2e: {  	[spmem:s7] =	stream.linear.scatter [tilespmem:s24], [sflag:$0x3], $0x4000, $0x38;
	[tilespmem:$0x1BE00] =	vst v63  }
0x2f: {  	_ =	swait.ge [sflag:s25], $0x4000  }
0x30: {  	[sflag:s25] =	ssyncset.done $0x0  }
0x31: {  	[sflag:s25] =	ssyncadd.s32 $0xFFFFC000  }
0x32: {  	[spmem:s8] =	stream.linear.scatter [tilespmem:s24], [sflag:$0x3], $0x4000, $0x38;
	[tilespmem:$0x1BE00] =	vst v63  }
0x33: {  	_ =	swait.ge [sflag:s25], $0x4000  }
0x34: {  	[sflag:s25] =	ssyncset.done $0x0  }
0x35: {  	[sflag:s25] =	ssyncadd.s32 $0xFFFFC000  }
0x36: {  	[spmem:s10] =	stream.linear.scatter [tilespmem:s24], [sflag:$0x3], $0x4000, $0x38;
	[tilespmem:$0x1BE00] =	vst v63  }
0x37: {  	_ =	swait.ge [sflag:s25], $0x4000  }
0x38: {  	[sflag:s25] =	ssyncset.done $0x0  }
0x39: {  	[sflag:s25] =	ssyncadd.s32 $0xFFFFC000  }
0x3a: {  	[spmem:s11] =	stream.linear.scatter [tilespmem:s24], [sflag:$0x3], $0x4000, $0x38;
	[tilespmem:$0x1BE00] =	vst v63  }
0x3b: {  	_ =	swait.ge [sflag:s25], $0x4000  }
0x3c: {  	[sflag:s25] =	ssyncset.done $0x0  }
0x3d: {  	[sflag:s25] =	ssyncadd.s32 $0xFFFFC000  }
0x3e: {  	[spmem:s12] =	stream.linear.scatter [tilespmem:s24], [sflag:$0x3], $0x3C00, $0x38;
	[tilespmem:$0x1BE00] =	vst v63  }
0x3f: {  	_ =	swait.ge [sflag:s25], $0x3C00  }
0x40: {  	[sflag:s25] =	ssyncset.done $0x0  }
0x41: {  	[sflag:s25] =	ssyncadd.s32 $0xFFFFC400  }
0x42: {  	[bflag:$0x0] =	sbarrier.arrive $0xFFFF  }
0x43: {  	[tilespmem:s2], [sflag:$0x3] =	stream.linear.gather [hbm4b:s20+s2], $0x80, $0x38;
	[tilespmem:$0x1BE00] =	vst v63  }
0x44: {  	_ =	swait.ge [sflag:s25], $0x80  }
0x45: {  	[sflag:s25] =	ssyncset.done $0x0  }
0x46: {  	[sflag:s25] =	ssyncadd.s32 $0xFFFFFF80  }
0x47: {  	[tilespmem:s30], [sflag:$0x3] =	stream.linear.gather [hbm4b:s21+s2], $0x80, $0x38;
	[tilespmem:$0x1BE00] =	vst v63  }
0x48: {  	_ =	swait.ge [sflag:s25], $0x80  }
0x49: {  	[sflag:s25] =	ssyncset.done $0x0  }
0x4a: {  	[sflag:s25] =	ssyncadd.s32 $0xFFFFFF80  }
0x4b: {  	[tilespmem:s24], [sflag:$0x1] =	stream.indirect.gather [hbm4b:s4+s31], $0x80, s2, s31, $0xb8;
	[tilespmem:$0x1BE00] =	vst v63  }
0x4c: {  	s14 =	rddreg [dreg:$0x9]  }
0x4d: {  	[tilespmem:s31], [sflag:$0x3] =	stream.linear.gather [hbm4b:s14+s2], $0x80, $0x38;
	[tilespmem:$0x1BE00] =	vst v63  }
0x4e: {  	_ =	swait.ge [sflag:s25], $0x80  }
0x4f: {  	[sflag:s25] =	ssyncset.done $0x0  }
0x50: {  	s15 =	rddreg [dreg:$0xa];
	[sflag:s25] =	ssyncadd.s32 $0xFFFFFF80  }
0x51: {  	[tilespmem:s0], [sflag:$0x3] =	stream.linear.gather [hbm4b:s15+s2], $0x80, $0x38;
	[tilespmem:$0x1BE00] =	vst v63  }
0x52: {  	_ =	swait.ge [sflag:s25], $0x80  }
0x53: {  	[sflag:s25] =	ssyncset.done $0x0  }
0x54: {  	[sflag:s25] =	ssyncadd.s32 $0xFFFFFF80  }
0x55: {  	_ =	swait.ge [sflag:s3], $0x4000  }
0x56: {  	s15 =	sadd.s32 $0x100, s23;
	[sflag:s3] =	ssyncset.done $0x0  }
0x57: {  	s16 =	sand.u32 $0x7FFFFC00, s15;
	[sflag:s3] =	ssyncadd.s32 $0xFFFFC000  }
0x58: {  	[tilespmem:s26], [sflag:$0x1] =	stream.indirect.gather [hbm4b:s4+s31], $0x80, s31, s31, $0xb8;
	[tilespmem:$0x1BE00] =	vst v63  }
0x59: {  	s13 =	sadd.s32 s9, s16;
	s16 =	sand.u32 $0x300, s15  }
0x5a: {  	[spmem:s1] =	stream.indirect.scatter.add.f32 [tilespmem:s24], [sflag:$0x2], $0x80, s30, s31, $0xb8;
	[tilespmem:$0x1BE00] =	vst v63  }
0x5b: {  	s13 =	sor.u32 s16, s13;
	_ =	swait.ge [sflag:s28], $0x4000  }
0x5c: {  	s13 =	sshrl.u32 s13, $0x3;
	[sflag:s28] =	ssyncset.done $0x0  }
0x5d: {  	s13 =	sadd.s32 s5, s13;
	[sflag:s28] =	ssyncadd.s32 $0xFFFFC000  }
0x5e: {  	[tilespmem:s2], [sflag:$0x3] =	stream.linear.gather [hbm4b:s13+s2], $0x80, $0x38;
	[tilespmem:$0x1BE00] =	vst v63  }
0x5f: {  	_ =	swait.ge [sflag:s25], $0x80  }
0x60: {  	s17 =	rddreg [dreg:$0x3]  }
0x61: {  	[sflag:s25] =	ssyncset.done $0x0;
	s13 =	sadd.s32 $0x0, s17  }
0x62: {  	[sflag:s25] =	ssyncadd.s32 $0xFFFFFF80;
	s18 =	sadd.s32 $0x20, s13  }
0x63: {  	[tilespmem:s30], [sflag:$0x3] =	stream.linear.gather [hbm4b:s18+s2], $0x80, $0x38;
	[tilespmem:$0x1BE00] =	vst v63  }
0x64: {  	_ =	swait.ge [sflag:s25], $0x80  }
0x65: {  	[sflag:s25] =	ssyncset.done $0x0  }
0x66: {  	[sflag:s25] =	ssyncadd.s32 $0xFFFFFF80  }
0x67: {  	_ =	swait.ge [sflag:s3], $0x4000  }
0x68: {  	s19 =	sadd.s32 $0x180, s23;
	[sflag:s3] =	ssyncset.done $0x0  }
0x69: {  	s17 =	sand.u32 $0x7FFFFC00, s19;
	[sflag:s3] =	ssyncadd.s32 $0xFFFFC000  }
0x6a: {  	[tilespmem:s24], [sflag:$0x1] =	stream.indirect.gather [hbm4b:s4+s31], $0x80, s2, s31, $0xb8;
	[tilespmem:$0x1BE00] =	vst v63  }
0x6b: {  	s16 =	sand.u32 $0x380, s19;
	s17 =	sadd.s32 s9, s17  }
0x6c: {  	[spmem:s1] =	stream.indirect.scatter.add.f32 [tilespmem:s26], [sflag:$0x2], $0x80, s0, s31, $0xb8;
	[tilespmem:$0x1BE00] =	vst v63  }
0x6d: {  	s16 =	sor.u32 s16, s17;
	_ =	swait.ge [sflag:s28], $0x4000  }
0x6e: {  	s16 =	sshrl.u32 s16, $0x3;
	[sflag:s28] =	ssyncset.done $0x0  }
0x6f: {  	s16 =	sadd.s32 s5, s16;
	[sflag:s28] =	ssyncadd.s32 $0xFFFFC000  }
0x70: {  	[tilespmem:s31], [sflag:$0x3] =	stream.linear.gather [hbm4b:s16+s2], $0x80, $0x38;
	[tilespmem:$0x1BE00] =	vst v63  }
0x71: {  	_ =	swait.ge [sflag:s25], $0x80  }
0x72: {  	[sflag:s25] =	ssyncset.done $0x0  }
0x73: {  	s13 =	sadd.s32 $0x30, s13;
	[sflag:s25] =	ssyncadd.s32 $0xFFFFFF80  }
0x74: {  	[tilespmem:s0], [sflag:$0x3] =	stream.linear.gather [hbm4b:s13+s2], $0x80, $0x38;
	[tilespmem:$0x1BE00] =	vst v63  }
0x75: {  	_ =	swait.ge [sflag:s25], $0x80  }
0x76: {  	[sflag:s25] =	ssyncset.done $0x0  }
0x77: {  	s17 =	sadd.s32 $0x100, s15;
	[sflag:s25] =	ssyncadd.s32 $0xFFFFFF80  }
0x78: {  	s16 =	simm.s32 $0x20;
	s13 =	simm.s32 $0x40;
	_ =	swait.ge [sflag:s3], $0x4000  }
.LBB2_2:
0x79: {  	[sflag:s3] =	ssyncset.done $0x0  }
0x7a: {  	s14 =	sand.u32 $0x7FFFFC00, s17;
	[sflag:s3] =	ssyncadd.s32 $0xFFFFC000  }
0x7b: {  	[tilespmem:s26], [sflag:$0x1] =	stream.indirect.gather [hbm4b:s4+s31], $0x80, s31, s31, $0xb8;
	[tilespmem:$0x1BE00] =	vst v63  }
0x7c: {  	s18 =	sand.u32 $0x300, s17;
	s14 =	sadd.s32 s9, s14  }
0x7d: {  	[spmem:s1] =	stream.indirect.scatter.add.f32 [tilespmem:s24], [sflag:$0x2], $0x80, s30, s31, $0xb8;
	[tilespmem:$0x1BE00] =	vst v63  }
0x7e: {  	s14 =	sor.u32 s18, s14;
	_ =	swait.ge [sflag:s28], $0x4000  }
0x7f: {  	s14 =	sshrl.u32 s14, $0x3;
	[sflag:s28] =	ssyncset.done $0x0  }
0x80: {  	s14 =	sadd.s32 s5, s14;
	[sflag:s28] =	ssyncadd.s32 $0xFFFFC000  }
0x81: {  	[tilespmem:s2], [sflag:$0x3] =	stream.linear.gather [hbm4b:s14+s2], $0x80, $0x38;
	[tilespmem:$0x1BE00] =	vst v63  }
0x82: {  	_ =	swait.ge [sflag:s25], $0x80  }
0x83: {  	s19 =	rddreg [dreg:$0x3]  }
0x84: {  	[sflag:s25] =	ssyncset.done $0x0;
	s14 =	sadd.s32 s16, s19  }
0x85: {  	[sflag:s25] =	ssyncadd.s32 $0xFFFFFF80;
	s19 =	sadd.s32 $0x20, s14  }
0x86: {  	[tilespmem:s30], [sflag:$0x3] =	stream.linear.gather [hbm4b:s19+s2], $0x80, $0x38;
	[tilespmem:$0x1BE00] =	vst v63  }
0x87: {  	_ =	swait.ge [sflag:s25], $0x80  }
0x88: {  	[sflag:s25] =	ssyncset.done $0x0  }
0x89: {  	[sflag:s25] =	ssyncadd.s32 $0xFFFFFF80  }
0x8a: {  	s18 =	smov.u32 s13;
	_ =	swait.ge [sflag:s3], $0x4000  }
0x8b: {  	s16 =	smov.u32 s18;
	s18 =	sadd.s32 $0x180, s15;
	[sflag:s3] =	ssyncset.done $0x0  }
0x8c: {  	s19 =	sand.u32 $0x7FFFFC00, s18;
	[sflag:s3] =	ssyncadd.s32 $0xFFFFC000  }
0x8d: {  	[tilespmem:s24], [sflag:$0x1] =	stream.indirect.gather [hbm4b:s4+s31], $0x80, s2, s31, $0xb8;
	[tilespmem:$0x1BE00] =	vst v63  }
0x8e: {  	s18 =	sand.u32 $0x380, s18;
	s19 =	sadd.s32 s9, s19  }
0x8f: {  	[spmem:s1] =	stream.indirect.scatter.add.f32 [tilespmem:s26], [sflag:$0x2], $0x80, s0, s31, $0xb8;
	[tilespmem:$0x1BE00] =	vst v63  }
0x90: {  	s18 =	sor.u32 s18, s19;
	_ =	swait.ge [sflag:s28], $0x4000  }
0x91: {  	s18 =	sshrl.u32 s18, $0x3;
	[sflag:s28] =	ssyncset.done $0x0  }
0x92: {  	s18 =	sadd.s32 s5, s18;
	[sflag:s28] =	ssyncadd.s32 $0xFFFFC000  }
0x93: {  	[tilespmem:s31], [sflag:$0x3] =	stream.linear.gather [hbm4b:s18+s2], $0x80, $0x38;
	[tilespmem:$0x1BE00] =	vst v63  }
0x94: {  	_ =	swait.ge [sflag:s25], $0x80  }
0x95: {  	[sflag:s25] =	ssyncset.done $0x0  }
0x96: {  	p0 =	sne.s32 s13, $0x4C0;
	s14 =	sadd.s32 $0x30, s14;
	[sflag:s25] =	ssyncadd.s32 $0xFFFFFF80  }
0x97: {  	[tilespmem:s0], [sflag:$0x3] =	stream.linear.gather [hbm4b:s14+s2], $0x80, $0x38;
	[tilespmem:$0x1BE00] =	vst v63  }
.Ltmp0:
0x98: {  	_ = 	snop;
	(pc) =	sbr.rel @p0 .LBB2_2-.Ltmp0, $4  }
0x99: {  	_ =	swait.ge [sflag:s25], $0x80  }
0x9a: {  	[sflag:s25] =	ssyncset.done $0x0  }
0x9b: {  	s13 =	sadd.s32 $0x20, s13;
	[sflag:s25] =	ssyncadd.s32 $0xFFFFFF80  }
0x9c: {  	s15 =	smov.u32 s17;
	s17 =	sadd.s32 $0x100, s17;
	_ =	swait.ge [sflag:s3], $0x4000  }
0x9d: {  	[sflag:s3] =	ssyncset.done $0x0  }
0x9e: {  	s13 =	sand.u32 $0x7FFFFC00, s17;
	[sflag:s3] =	ssyncadd.s32 $0xFFFFC000  }
0x9f: {  	[tilespmem:s26], [sflag:$0x1] =	stream.indirect.gather [hbm4b:s4+s31], $0x80, s31, s31, $0xb8;
	[tilespmem:$0x1BE00] =	vst v63  }
0xa0: {  	s14 =	sand.u32 $0x300, s17;
	s13 =	sadd.s32 s9, s13  }
0xa1: {  	[spmem:s1] =	stream.indirect.scatter.add.f32 [tilespmem:s24], [sflag:$0x2], $0x80, s30, s31, $0xb8;
	[tilespmem:$0x1BE00] =	vst v63  }
0xa2: {  	s13 =	sor.u32 s14, s13;
	_ =	swait.ge [sflag:s28], $0x4000  }
0xa3: {  	s13 =	sshrl.u32 s13, $0x3;
	[sflag:s28] =	ssyncset.done $0x0  }
0xa4: {  	s13 =	sadd.s32 s5, s13;
	[sflag:s28] =	ssyncadd.s32 $0xFFFFC000  }
0xa5: {  	[tilespmem:s2], [sflag:$0x3] =	stream.linear.gather [hbm4b:s13+s2], $0x80, $0x38;
	[tilespmem:$0x1BE00] =	vst v63  }
0xa6: {  	_ =	swait.ge [sflag:s25], $0x80  }
0xa7: {  	s17 =	rddreg [dreg:$0x3]  }
0xa8: {  	[sflag:s25] =	ssyncset.done $0x0;
	s13 =	sadd.s32 s16, s17  }
0xa9: {  	[sflag:s25] =	ssyncadd.s32 $0xFFFFFF80;
	s18 =	sadd.s32 $0x20, s13  }
0xaa: {  	[tilespmem:s30], [sflag:$0x3] =	stream.linear.gather [hbm4b:s18+s2], $0x80, $0x38;
	[tilespmem:$0x1BE00] =	vst v63  }
0xab: {  	_ =	swait.ge [sflag:s25], $0x80  }
0xac: {  	[sflag:s25] =	ssyncset.done $0x0  }
0xad: {  	[sflag:s25] =	ssyncadd.s32 $0xFFFFFF80  }
0xae: {  	_ =	swait.ge [sflag:s3], $0x4000  }
0xaf: {  	s19 =	sadd.s32 $0x180, s15;
	[sflag:s3] =	ssyncset.done $0x0  }
0xb0: {  	s15 =	sand.u32 $0x7FFFFC00, s19;
	[sflag:s3] =	ssyncadd.s32 $0xFFFFC000  }
0xb1: {  	[tilespmem:s24], [sflag:$0x1] =	stream.indirect.gather [hbm4b:s4+s31], $0x80, s2, s31, $0xb8;
	[tilespmem:$0x1BE00] =	vst v63  }
0xb2: {  	s15 =	sadd.s32 s9, s15;
	s14 =	sand.u32 $0x380, s19  }
0xb3: {  	[spmem:s1] =	stream.indirect.scatter.add.f32 [tilespmem:s26], [sflag:$0x2], $0x80, s0, s31, $0xb8;
	[tilespmem:$0x1BE00] =	vst v63  }
0xb4: {  	s14 =	sor.u32 s14, s15;
	_ =	swait.ge [sflag:s28], $0x4000  }
0xb5: {  	s14 =	sshrl.u32 s14, $0x3;
	[sflag:s28] =	ssyncset.done $0x0  }
0xb6: {  	s14 =	sadd.s32 s5, s14;
	[sflag:s28] =	ssyncadd.s32 $0xFFFFC000  }
0xb7: {  	[tilespmem:s31], [sflag:$0x3] =	stream.linear.gather [hbm4b:s14+s2], $0x80, $0x38;
	[tilespmem:$0x1BE00] =	vst v63  }
0xb8: {  	_ =	swait.ge [sflag:s25], $0x80  }
0xb9: {  	[sflag:s25] =	ssyncset.done $0x0  }
0xba: {  	s13 =	sadd.s32 $0x30, s13;
	[sflag:s25] =	ssyncadd.s32 $0xFFFFFF80  }
0xbb: {  	[tilespmem:s0], [sflag:$0x3] =	stream.linear.gather [hbm4b:s13+s2], $0x80, $0x38;
	[tilespmem:$0x1BE00] =	vst v63  }
0xbc: {  	_ =	swait.ge [sflag:s25], $0x80  }
0xbd: {  	[sflag:s25] =	ssyncset.done $0x0  }
0xbe: {  	[sflag:s25] =	ssyncadd.s32 $0xFFFFFF80  }
0xbf: {  	_ =	swait.ge [sflag:s3], $0x4000  }
0xc0: {  	[sflag:s3] =	ssyncset.done $0x0  }
0xc1: {  	[sflag:s3] =	ssyncadd.s32 $0xFFFFC000  }
0xc2: {  	[tilespmem:s26], [sflag:$0x1] =	stream.indirect.gather [hbm4b:s4+s31], $0x80, s31, s31, $0xb8;
	[tilespmem:$0x1BE00] =	vst v63  }
0xc3: {  	_ = 	snop  }
0xc4: {  	[spmem:s1] =	stream.indirect.scatter.add.f32 [tilespmem:s24], [sflag:$0x2], $0x80, s30, s31, $0xb8;
	[tilespmem:$0x1BE00] =	vst v63  }
0xc5: {  	_ =	swait.ge [sflag:s28], $0x4000  }
0xc6: {  	[sflag:s28] =	ssyncset.done $0x0  }
0xc7: {  	[sflag:s28] =	ssyncadd.s32 $0xFFFFC000  }
0xc8: {  	_ =	swait.ge [sflag:s3], $0x4000  }
0xc9: {  	[sflag:s3] =	ssyncset.done $0x0  }
0xca: {  	[sflag:s3] =	ssyncadd.s32 $0xFFFFC000  }
0xcb: {  	[spmem:s1] =	stream.indirect.scatter.add.f32 [tilespmem:s26], [sflag:$0x2], $0x80, s0, s31, $0xb8;
	[tilespmem:$0x1BE00] =	vst v63  }
0xcc: {  	_ =	swait.ge [sflag:s28], $0x4000  }
0xcd: {  	[sflag:s28] =	ssyncset.done $0x0  }
0xce: {  	[sflag:s28] =	ssyncadd.s32 $0xFFFFC000  }
0xcf: {  	[bflag:$0x0] =	sbarrier.arrive $0xFFFF  }
0xd0: {  	[tilespmem:s24], [sflag:$0x3] =	stream.linear.gather [spmem:s7], $0x4000, $0x38;
	[tilespmem:$0x1BE00] =	vst v63  }
0xd1: {  	_ =	swait.ge [sflag:s25], $0x4000  }
0xd2: {  	[sflag:s25] =	ssyncset.done $0x0  }
0xd3: {  	s15 =	rddreg [dreg:$0x4];
	[sflag:s25] =	ssyncadd.s32 $0xFFFFC000  }
0xd4: {  	[hbm4b:s15+s2] =	stream.linear.scatter [tilespmem:s24], [sflag:$0x3], $0x4000, $0x38;
	[tilespmem:$0x1BE00] =	vst v63  }
0xd5: {  	_ =	swait.ge [sflag:s25], $0x4000  }
0xd6: {  	[sflag:s25] =	ssyncset.done $0x0  }
0xd7: {  	[sflag:s25] =	ssyncadd.s32 $0xFFFFC000  }
0xd8: {  	[tilespmem:s24], [sflag:$0x3] =	stream.linear.gather [spmem:s8], $0x4000, $0x38;
	[tilespmem:$0x1BE00] =	vst v63  }
0xd9: {  	_ =	swait.ge [sflag:s25], $0x4000  }
0xda: {  	[sflag:s25] =	ssyncset.done $0x0  }
0xdb: {  	s16 =	rddreg [dreg:$0x5];
	[sflag:s25] =	ssyncadd.s32 $0xFFFFC000  }
0xdc: {  	[hbm4b:s16+s2] =	stream.linear.scatter [tilespmem:s24], [sflag:$0x3], $0x4000, $0x38;
	[tilespmem:$0x1BE00] =	vst v63  }
0xdd: {  	_ =	swait.ge [sflag:s25], $0x4000  }
0xde: {  	[sflag:s25] =	ssyncset.done $0x0  }
0xdf: {  	[sflag:s25] =	ssyncadd.s32 $0xFFFFC000  }
0xe0: {  	[tilespmem:s24], [sflag:$0x3] =	stream.linear.gather [spmem:s10], $0x4000, $0x38;
	[tilespmem:$0x1BE00] =	vst v63  }
0xe1: {  	_ =	swait.ge [sflag:s25], $0x4000  }
0xe2: {  	[sflag:s25] =	ssyncset.done $0x0  }
0xe3: {  	s17 =	rddreg [dreg:$0x6];
	[sflag:s25] =	ssyncadd.s32 $0xFFFFC000  }
0xe4: {  	[hbm4b:s17+s2] =	stream.linear.scatter [tilespmem:s24], [sflag:$0x3], $0x4000, $0x38;
	[tilespmem:$0x1BE00] =	vst v63  }
0xe5: {  	_ =	swait.ge [sflag:s25], $0x4000  }
0xe6: {  	[sflag:s25] =	ssyncset.done $0x0  }
0xe7: {  	[sflag:s25] =	ssyncadd.s32 $0xFFFFC000  }
0xe8: {  	[tilespmem:s24], [sflag:$0x3] =	stream.linear.gather [spmem:s11], $0x4000, $0x38;
	[tilespmem:$0x1BE00] =	vst v63  }
0xe9: {  	_ =	swait.ge [sflag:s25], $0x4000  }
0xea: {  	[sflag:s25] =	ssyncset.done $0x0  }
0xeb: {  	s18 =	rddreg [dreg:$0x7];
	[sflag:s25] =	ssyncadd.s32 $0xFFFFC000  }
0xec: {  	[hbm4b:s18+s2] =	stream.linear.scatter [tilespmem:s24], [sflag:$0x3], $0x4000, $0x38;
	[tilespmem:$0x1BE00] =	vst v63  }
0xed: {  	_ =	swait.ge [sflag:s25], $0x4000  }
0xee: {  	[sflag:s25] =	ssyncset.done $0x0  }
0xef: {  	[sflag:s25] =	ssyncadd.s32 $0xFFFFC000  }
0xf0: {  	[tilespmem:s24], [sflag:$0x3] =	stream.linear.gather [spmem:s12], $0x3C00, $0x38;
	[tilespmem:$0x1BE00] =	vst v63  }
0xf1: {  	s29 =	sadd.s32 $0x1, s29;
	_ =	swait.ge [sflag:s25], $0x3C00  }
0xf2: {  	p0 =	sne.s32 s29, s22;
	[sflag:s25] =	ssyncset.done $0x0  }
.Ltmp1:
0xf3: {  	s19 =	rddreg [dreg:$0x8];
	[sflag:s25] =	ssyncadd.s32 $0xFFFFC400;
	(pc) =	sbr.rel @p0 .LBB2_1-.Ltmp1, $4  }
0xf4: {  	[hbm4b:s19+s2] =	stream.linear.scatter [tilespmem:s24], [sflag:$0x3], $0x3C00, $0x38;
	[tilespmem:$0x1BE00] =	vst v63  }
0xf5: {  	_ =	swait.ge [sflag:s25], $0x3C00  }
0xf6: {  	[sflag:s25] =	ssyncset.done $0x0  }
0xf7: {  	[sflag:s25] =	ssyncadd.s32 $0xFFFFC400  }
0xf8: {  	_ =	sfence.sel $0x180000  }
0xf9: {  	[bflag:$0x0] =	sbarrier.arrive $0xFFFF  }
0xfa: {  	_ =	strace $0x90000050  }
0xfb: {  	s0 =	stileid.u32;
	[bflag:$0x2] =	sbarrier.arrive $0xFFFF  }
0xfc: {  	p0 =	sne.s32 s0, $0x0;
	s0 =	rddreg [dreg:$0x2]  }
0xfd: {  	s0 =	sadd.s32 @!p0 $0x100000, s0  }
0xfe: {  	[sflag:s0] =	ssyncadd.tile.s32 @!p0 $0x1;
	_ =	shalt  }
.Lfunc_end2:
_tile_overlayer_lowered:
.L_overlay_start_2:
0xff: {  	(tag) =	ssettag $0x2  }
0x100: {  	s0 =	rddreg [dreg:$0x0];
	s2 =	stileid.u32  }
0x101: {  	s1 =	rddreg [dreg:$0x1];
	p0 =	sne.s32 s2, $0x0  }
0x102: {  	s3 =	rddreg [dreg:$0x2];
	[bflag:$0x3] =	sbarrier.arrive $0xFFFF;
	s2 =	simm.s32 @!p0 $0x1C03  }
0x103: {  	[timem:s3], [sflag:s2] =	dma.local @!p0 [hbm:s0], s1  }
0x104: {  	s0 =	simm.s32 @!p0 $0x3  }
0x105: {  	_ =	swait.ge @!p0 [sflag:s0], s1  }
0x106: {  	s1 =	ssub.s32 @!p0 $0x0, s1;
	[sflag:s0] =	ssyncset.done @!p0 $0x0  }
0x107: {  	[sflag:s0] =	ssyncadd.s32 @!p0 s1  }
0x108: {  	[bflag:$0x3] =	sbarrier.arrive $0xFFFF  }
0x109: {  	_ =	shalt  }

// kernel: kernel.9.cloned.1.call-start
scs
__scs_entry_jumppad:
0x0: {  	(pc) =	sbr.rel $0x88, $3  }
0x1: {  	(tag) =	ssettag $0x0;
	lr =	simm.s32 $0x1  }
0x2: {  	[smem:$0x3F8E] =	sst lr;
	_ =	strace $0xD0000000  }
0x3: {  	_ = 	snop  }
0x4: {  	_ = 	snop  }
0x5: {  	_ = 	snop  }
0x6: {  	_ = 	snop  }
0x7: {  	_ = 	snop  }
__scs_overlays_trampoline_lowered:
0x8: {  	[smem:$0x3F9D] =	sst s0  }
0x9: {  	[smem:$0x3F9E] =	sst s1  }
0xa: {  	[smem:$0x3F9F] =	sst s2  }
0xb: {  	[smem:$0x3FA0] =	sst s3  }
0xc: {  	[smem:$0x3FA1] =	sst s4  }
0xd: {  	[smem:$0x3FA2] =	sst s5  }
0xe: {  	[smem:$0x3FA3] =	sst s6  }
0xf: {  	[smem:$0x3FA4] =	sst s7  }
0x10: {  	[smem:$0x3FA5] =	sst s8  }
0x11: {  	[smem:$0x3FA6] =	sst s9;
	s0 =	simm.s32 @!p0 $0x0  }
0x12: {  	s1 =	sld [smem:$0x3F8C];
	s0 =	simm.s32 @p0 $0x1  }
0x13: {  	[smem:$0x3FA7] =	sst s0;
	s0 =	simm.s32 @!p1 $0x0  }
0x14: {  	s2 =	sld [smem:$0x3F8B];
	s0 =	simm.s32 @p1 $0x1  }
0x15: {  	[smem:$0x3FA8] =	sst s0;
	s0 =	simm.s32 @!p2 $0x0  }
0x16: {  	s3 =	sld [smem:$0x3FDB];
	s0 =	simm.s32 @p2 $0x1  }
0x17: {  	s4 =	simm.s32 $0x1BF5;
	[smem:$0x3FAA] =	sst s0  }
0x18: {  	s0 =	sld [smem:$0x3F8D];
	_ =	swait.ge [sflag:s4], $0x0  }
0x19: {  	s7 =	sld [smem:$0x3F8E]  }
0x1a: {  	s8 =	sadd.s32 $0xFFFFE003, lr  }
0x1b: {  	s9 =	sadd.s32 $0xFFFFFEF7, lr;
	s5 =	simm.s32 $0xFFFFFFFF;
	p2 =	slt.u32 s8, $0xFFFFF086  }
0x1c: {  	p1 =	slt.u32 s9, $0xF7A;
	s5 =	simm.s32 @!p2 $0x0  }
0x1d: {  	s5 =	simm.s32 @p1 $0x1;
	p0 =	seq.s32 s7, s2  }
0x1e: {  	s7 =	smul.u32 @!p0 $0xF7A, s2;
	p2 =	seq.s32 @!p0 s5, $0x0  }
0x1f: {  	s9 =	smul.u32 $0xF7A, s1;
	s8 =	simm.s32 @!p0 $0x1BF5;
	p2 =	por !p2, p0  }
0x20: {  	[sflag:s8] =	ssyncset.s32 @!p0 $0xFFFFF086;
	s6 =	sadd.s32 @!p0 s3, s7;
	s7 =	simm.s32 @!p0 $0x108  }
0x21: {  	s3 =	sadd.s32 s3, s9;
	s6 =	sadd.s32 @!p0 $0x88, s6;
	s7 =	simm.s32 @p2 $0x1082  }
0x22: {  	[simem:s7], [sflag:s8] =	dma.local @!p0 [hbm:s6], $0xF7A  }
0x23: {  	s9 =	sor.u32 $0xD0000000, s2;
	s6 =	simm.s32 $0x108;
	_ =	swait.ge @!p0 [sflag:s8], $0x0  }
0x24: {  	s3 =	sadd.s32 $0x88, s3;
	s6 =	simm.s32 @!p1 $0x1082;
	[sflag:s4] =	ssyncset.s32 $0xFFFFF086  }
0x25: {  	[simem:s6], [sflag:s4] =	dma.local [hbm:s3], $0xF7A  }
0x26: {  	[smem:$0x3F8E] =	sst s1;
	(tag) =	ssettag s2;
	_ =	strace s9  }
0x27: {  	s1 =	sld [smem:$0x3F9E]  }
0x28: {  	s2 =	sld [smem:$0x3F9F]  }
0x29: {  	s4 =	sld [smem:$0x3FA1]  }
0x2a: {  	p0 =	seq.s32 s5, $0x0;
	s5 =	sld [smem:$0x3FA2]  }
0x2b: {  	s6 =	sld [smem:$0x3FA3]  }
0x2c: {  	s7 =	sld [smem:$0x3FA4]  }
0x2d: {  	s3 =	simm.s32 $0x108;
	s8 =	sld [smem:$0x3FA5]  }
0x2e: {  	s3 =	simm.s32 @!p0 $0x1082;
	s9 =	sld [smem:$0x3FA6]  }
0x2f: {  	lr =	sadd.s32 s0, s3;
	s0 =	sld [smem:$0x3F9D]  }
0x30: {  	s3 =	sld [smem:$0x3FA0]  }
0x31: {  	[smem:$0x3FA9] =	sst s10  }
0x32: {  	s10 =	sld [smem:$0x3FA7];
	_ =	sdelay $0x3  }
0x33: {  	p0 =	seq.s32 s10, $0x1;
	s10 =	sld [smem:$0x3FA9];
	_ =	sdelay $0x3  }
0x34: {  	[smem:$0x3FA9] =	sst s10  }
0x35: {  	s10 =	sld [smem:$0x3FA8];
	_ =	sdelay $0x3  }
0x36: {  	p1 =	seq.s32 s10, $0x1;
	s10 =	sld [smem:$0x3FA9];
	_ =	sdelay $0x3  }
0x37: {  	[smem:$0x3FA9] =	sst s10  }
0x38: {  	s10 =	sld [smem:$0x3FAA]  }
0x39: {  	_ = 	snop;
	(pc) =	sbr.ind lr, $3  }
0x3a: {  	_ = 	snop  }
0x3b: {  	_ = 	snop  }
0x3c: {  	p2 =	seq.s32 s10, $0x1;
	s10 =	sld [smem:$0x3FA9]  }
0x3d: {  	_ =	shalt  }
0x3e: {  	_ =	shalt  }
0x3f: {  	_ =	shalt  }
0x40: {  	_ =	shalt  }
0x41: {  	_ =	shalt  }
0x42: {  	_ =	shalt  }
0x43: {  	_ =	shalt  }
0x44: {  	_ =	shalt  }
0x45: {  	_ =	shalt  }
0x46: {  	_ =	shalt  }
0x47: {  	_ =	shalt  }
0x48: {  	_ =	shalt  }
0x49: {  	_ =	shalt  }
0x4a: {  	_ =	shalt  }
0x4b: {  	_ =	shalt  }
0x4c: {  	_ =	shalt  }
0x4d: {  	_ =	shalt  }
0x4e: {  	_ =	shalt  }
0x4f: {  	_ =	shalt  }
0x50: {  	_ =	shalt  }
0x51: {  	_ =	shalt  }
0x52: {  	_ =	shalt  }
0x53: {  	_ =	shalt  }
0x54: {  	_ =	shalt  }
0x55: {  	_ =	shalt  }
0x56: {  	_ =	shalt  }
0x57: {  	_ =	shalt  }
0x58: {  	_ =	shalt  }
0x59: {  	_ =	shalt  }
0x5a: {  	_ =	shalt  }
0x5b: {  	_ =	shalt  }
0x5c: {  	_ =	shalt  }
0x5d: {  	_ =	shalt  }
0x5e: {  	_ =	shalt  }
0x5f: {  	_ =	shalt  }
0x60: {  	_ =	shalt  }
0x61: {  	_ =	shalt  }
0x62: {  	_ =	shalt  }
0x63: {  	_ =	shalt  }
0x64: {  	_ =	shalt  }
0x65: {  	_ =	shalt  }
0x66: {  	_ =	shalt  }
0x67: {  	_ =	shalt  }
0x68: {  	_ =	shalt  }
0x69: {  	_ =	shalt  }
0x6a: {  	_ =	shalt  }
0x6b: {  	_ =	shalt  }
0x6c: {  	_ =	shalt  }
0x6d: {  	_ =	shalt  }
0x6e: {  	_ =	shalt  }
0x6f: {  	_ =	shalt  }
0x70: {  	_ =	shalt  }
0x71: {  	_ =	shalt  }
0x72: {  	_ =	shalt  }
0x73: {  	_ =	shalt  }
0x74: {  	_ =	shalt  }
0x75: {  	_ =	shalt  }
0x76: {  	_ =	shalt  }
0x77: {  	_ =	shalt  }
0x78: {  	_ =	shalt  }
0x79: {  	_ =	shalt  }
0x7a: {  	_ =	shalt  }
0x7b: {  	_ =	shalt  }
0x7c: {  	_ =	shalt  }
0x7d: {  	_ =	shalt  }
0x7e: {  	_ =	shalt  }
0x7f: {  	_ =	shalt  }
0x80: {  	_ =	shalt  }
0x81: {  	_ =	shalt  }
0x82: {  	_ =	shalt  }
0x83: {  	_ =	shalt  }
0x84: {  	_ =	shalt  }
0x85: {  	_ =	shalt  }
0x86: {  	_ =	shalt  }
0x87: {  	_ =	shalt  }
.Lfunc_end0:
.L_simem_size_0:
called_computation_lowered:
.L_overlay_start_0:
0x88: {  	s2 =	sld [smem:$0x3FD9]  }
0x89: {  	s3 =	sld [smem:$0x3FFE];
	_ =	sdelay $0x1  }
0x8a: {  	s1 =	srdreg.scid  }
0x8b: {  	s0 =	sand.u32 $0x1, s1  }
0x8c: {  	s17 =	sshll.u32 s0, $0xA;
	s2 =	sadd.s32 s3, s2  }
0x8d: {  	s2 =	sadd.s32 s2, s17  }
0x8e: {  	[smem:$0x3FB5] =	sst s2  }
0x8f: {  	_ = 	snop  }
0x90: {  	s18 =	sld [smem:$0x3FD0];
	(tm) =	ssettm $0x1  }
0x91: {  	s19 =	sld [smem:$0x3FFB];
	_ =	sdelay $0x3  }
0x92: {  	_ =	strace s19  }
0x93: {  	s2 =	sld [smem:$0x3FFC];
	_ =	sdelay $0x3  }
0x94: {  	_ =	strace s2  }
0x95: {  	s2 =	sld [smem:$0x3FFD];
	_ =	sdelay $0x3  }
0x96: {  	_ =	strace s2  }
0x97: {  	_ =	strace $0x8FFFFFFF  }
0x98: {  	s20 =	sld [smem:$0x3FDB];
	_ =	sdelay $0x1  }
0x99: {  	s4 =	simm.s32 $_scs_section_size  }
0x9a: {  	s5 =	simm.s32 $_size__tile_overlayer_lowered;
	s6 =	simm.s32 $_tile_overlayer_lowered  }
0x9b: {  	s7 =	simm.s32 $0x1BFF;
	s21 =	sshll.u32 s6, $0x1;
	s4 =	sadd.s32 s4, s20  }
0x9c: {  	s22 =	simm.s32 $0x0;
	s5 =	sshll.u32 s5, $0x1;
	s6 =	sadd.s32 s21, s4  }
0x9d: {  	[timem:s22], [sflag:s7] =	dma.local [hbm:s6], s5  }
0x9e: {  	_ =	swait.ge [sflag:s7], s5  }
0x9f: {  	s5 =	ssub.s32 $0x0, s5;
	[sflag:s7] =	ssyncset.done $0x0  }
0xa0: {  	[sflag:s7] =	ssyncadd.s32 s5;
	_ =	sdelay $0x1  }
0xa1: {  	s23 =	simm.s32 $0x1B8B  }
0xa2: {  	_ =	swait.ge [sflag:s23], $0x1  }
0xa3: {  	[sflag:s23] =	ssyncset.done $0x0  }
0xa4: {  	[sflag:s23] =	ssyncadd.s32 $0xFFFFFFFF  }
0xa5: {  	s5 =	sld [smem:$0x0]  }
0xa6: {  	s6 =	sand.u32 $0xFFFFFFFE, s1  }
0xa7: {  	p0 =	sne.s32 s1, s6  }
0xa8: {  	s6 =	sshll.u32 @p0 s6, $0xE  }
0xa9: {  	s6 =	sadd.s32 @p0 $0x11B8D, s6;
	s7 =	sshll.u32 @p0 s5, $0x11  }
0xaa: {  	s6 =	sor.u32 @p0 s7, s6  }
0xab: {  	[sflag:s6] =	ssyncadd.remote.s32 @p0 $0x1;
	_ =	sdelay $0x1  }
0xac: {  	s6 =	simm.s32 @p0 $0x1B8D  }
0xad: {  	_ =	swait.eq @p0 [sflag:s6], $0x1  }
0xae: {  	[sflag:s6] =	ssyncadd.s32 @p0 $0xFFFFFFFF  }
0xaf: {  	s7 =	sshll.u32 @!p0 s1, $0xE  }
0xb0: {  	s7 =	sor.u32 @!p0 $0x4000, s7;
	s6 =	simm.s32 @!p0 $0x1B8D  }
0xb1: {  	s5 =	sshll.u32 @!p0 s5, $0x11;
	s7 =	sadd.s32 @!p0 $0x11B8D, s7;
	_ =	swait.eq @!p0 [sflag:s6], $0x1  }
0xb2: {  	s5 =	sor.u32 @!p0 s5, s7;
	[sflag:s6] =	ssyncadd.s32 @!p0 $0xFFFFFFFF  }
0xb3: {  	s25 =	simm.s32 $0x1B8E;
	s24 =	sld [smem:$0x3FFE];
	[sflag:s5] =	ssyncadd.remote.s32 @!p0 $0x1  }
0xb4: {  	s26 =	simm.s32 $execute0_lowered;
	[smem:$0x3FD2] =	sst s25  }
0xb5: {  	s6 =	sshll.u32 s26, $0x1;
	_ =	strace $0x80000049;
	[dreg:$0x1] =	wrdreg $0xFFFFFFFF  }
0xb6: {  	s28 =	simm.s32 $_size_execute0_lowered;
	s4 =	sadd.s32 s4, s6;
	[dreg:$0x0] =	wrdreg $0x0  }
0xb7: {  	s6 =	sshll.u32 s28, $0x1;
	[dreg:$0x2] =	wrdreg s4  }
0xb8: {  	[dreg:$0x3] =	wrdreg s6  }
0xb9: {  	[dreg:$0x4] =	wrdreg $0xC0  }
0xba: {  	_ =	task [dreg:s22], $0x5FFFF  }
0xbb: {  	[dreg:$0x1] =	wrdreg $0xFFFFFFFF  }
0xbc: {  	[dreg:$0x0] =	wrdreg $0x60  }
0xbd: {  	[dreg:$0x2] =	wrdreg s24  }
0xbe: {  	[dreg:$0x3] =	wrdreg s18  }
0xbf: {  	[dreg:$0x4] =	wrdreg $0x40800  }
0xc0: {  	[dreg:$0x5] =	wrdreg $0x9  }
0xc1: {  	_ =	task.clear_ibuf [dreg:s22], $0x6FFFF;
	_ =	strace $0x90000049  }
0xc2: {  	s29 =	simm.s32 $0x9;
	_ =	strace $0x8000004B  }
0xc3: {  	_ =	swait.ge [sflag:s29], $0x1  }
0xc4: {  	[sflag:s29] =	ssyncadd.s32 $0xFFFFFFFF  }
0xc5: {  	_ =	strace $0x9000004B  }
0xc6: {  	_ =	sfence  }
0xc7: {  	s30 =	sld [smem:$0x0];
	_ =	sdelay $0x2  }
0xc8: {  	s31 =	sshll.u32 s1, $0xD;
	s1 =	sshrl.u32 s1, $0x2  }
0xc9: {  	s4 =	sand.u32 $0x4000, s31;
	s1 =	sadd.s32 s1, s30  }
0xca: {  	s0 =	sor.u32 s4, s0;
	s1 =	sshll.u32 s1, $0x11  }
0xcb: {  	s0 =	sor.u32 s1, s0  }
0xcc: {  	s0 =	sadd.s32 $0x8F2B, s0  }
0xcd: {  	[sflag:s0] =	ssyncadd.remote.s32 $0x1  }
0xce: {  	_ =	sfence.sel $0xFFFF  }
0xcf: {  	[dreg:$0x0] =	wrdreg $0xFFFFFFFF;
	(pc) =	sbr.abs _section_cstart, $3  }
0xd0: {  	[dreg:$0x1] =	wrdreg $0xFFFFFFFF  }
0xd1: {  	_ =	task.clear_ibuf [dreg:s22], $0x2FFFF;
	_ =	strace $0x9FFFFFFF  }
0xd2: {  	(tm) =	ssettm $0x7FFFFFFF  }
0xd3: {  	_ =	shalt  }
tec
execute0_lowered:
.L_overlay_start_1:
0x0: {  	(tag) =	ssettag $0x1  }
0x1: {  	s7 =	rddreg [dreg:$0x0]  }
0x2: {  	s1 =	rddreg [dreg:$0x1]  }
0x3: {  	s2 =	rddreg [dreg:$0x2]  }
0x4: {  	s0 =	rddreg [dreg:$0x3]  }
0x5: {  	s4 =	simm.s32 $0x0;
	s6 =	srdreg.scid;
	s3 =	stileid.u32  }
0x6: {  	[smem:$0x7FF] =	sst s4;
	s8 =	smul.u32 $0x4F000, s3  }
0x7: {  	s5 =	sadd.s32 $0x4400, s7;
	s14 =	sand.u32 $0x1, s6;
	s11 =	smul.u32 $0x13C00, s3  }
0x8: {  	s6 =	sadd.s32 $0x85600, s7;
	s16 =	sadd.s32 $0x85E00, s7;
	s30 =	smul.u32 $0x500, s3  }
0x9: {  	_ =	strace $0x8000004A;
	s9 =	ssub.s32 $0x2, s14;
	s19 =	smul.u32 $0x13C000, s14  }
0xa: {  	s29 =	smul.u32 $0x5000, s14;
	s28 =	sshrl.u32 s9, $0x1;
	s8 =	sshrl.u32 s8, $0x2  }
0xb: {  	s12 =	sadd.s32 $0x4000, s11;
	s15 =	sadd.s32 $0x8000, s11;
	s18 =	sadd.s32 $0xC000, s11  }
0xc: {  	s20 =	sadd.s32 $0x10000, s11;
	s17 =	ssub.s32 s9, s28;
	s7 =	sadd.s32 s8, s2  }
0xd: {  	s8 =	sadd.s32 s12, s2;
	s9 =	sadd.s32 s15, s2;
	s10 =	sadd.s32 s18, s2  }
0xe: {  	s13 =	sadd.s32 s11, s19;
	s12 =	sadd.s32 s19, s12;
	s11 =	sadd.s32 s20, s2  }
0xf: {  	s15 =	sadd.s32 s19, s15;
	s18 =	sadd.s32 s19, s18;
	s19 =	sadd.s32 s19, s20  }
0x10: {  	s20 =	simm.s32 $0x1;
	s13 =	sshrl.u32 s13, $0x3;
	s21 =	sshrl.u32 s12, $0x3  }
0x11: {  	s15 =	sshrl.u32 s15, $0x3;
	s18 =	sshrl.u32 s18, $0x3;
	s31 =	sshrl.u32 s19, $0x3  }
0x12: {  	s17 =	smax.u32 s17, $0x1;
	s19 =	simm.s32 $0x80;
	s12 =	sadd.s32 s16, s13  }
0x13: {  	s13 =	sadd.s32 s16, s21;
	s14 =	sadd.s32 s16, s15;
	s15 =	sadd.s32 s16, s18  }
0x14: {  	s16 =	sadd.s32 s16, s31;
	s18 =	sadd.s32 s30, s29;
	s21 =	simm.s32 $0x0  }
.LBB2_1:
0x15: {  	[tilespmem:s19], [sflag:$0x1] =	stream.linear.gather [hbm4b:s1+s4], $0x4000, $0x38;
	[tilespmem:$0x17C80] =	vst v63  }
0x16: {  	_ =	swait.ge [sflag:s20], $0x4000  }
0x17: {  	[sflag:s20] =	ssyncset.done $0x0  }
0x18: {  	[sflag:s20] =	ssyncadd.s32 $0xFFFFC000  }
0x19: {  	[spmem:s7] =	stream.linear.scatter [tilespmem:s19], [sflag:$0x1], $0x4000, $0x38;
	[tilespmem:$0x17C80] =	vst v63  }
0x1a: {  	_ =	swait.ge [sflag:s20], $0x4000  }
0x1b: {  	[sflag:s20] =	ssyncset.done $0x0  }
0x1c: {  	[sflag:s20] =	ssyncadd.s32 $0xFFFFC000  }
0x1d: {  	[spmem:s8] =	stream.linear.scatter [tilespmem:s19], [sflag:$0x1], $0x4000, $0x38;
	[tilespmem:$0x17C80] =	vst v63  }
0x1e: {  	_ =	swait.ge [sflag:s20], $0x4000  }
0x1f: {  	[sflag:s20] =	ssyncset.done $0x0  }
0x20: {  	[sflag:s20] =	ssyncadd.s32 $0xFFFFC000  }
0x21: {  	[spmem:s9] =	stream.linear.scatter [tilespmem:s19], [sflag:$0x1], $0x4000, $0x38;
	[tilespmem:$0x17C80] =	vst v63  }
0x22: {  	_ =	swait.ge [sflag:s20], $0x4000  }
0x23: {  	[sflag:s20] =	ssyncset.done $0x0  }
0x24: {  	[sflag:s20] =	ssyncadd.s32 $0xFFFFC000  }
0x25: {  	[spmem:s10] =	stream.linear.scatter [tilespmem:s19], [sflag:$0x1], $0x4000, $0x38;
	[tilespmem:$0x17C80] =	vst v63  }
0x26: {  	_ =	swait.ge [sflag:s20], $0x4000  }
0x27: {  	[sflag:s20] =	ssyncset.done $0x0  }
0x28: {  	[sflag:s20] =	ssyncadd.s32 $0xFFFFC000  }
0x29: {  	[spmem:s11] =	stream.linear.scatter [tilespmem:s19], [sflag:$0x1], $0x3C00, $0x38;
	[tilespmem:$0x17C80] =	vst v63  }
0x2a: {  	_ =	swait.ge [sflag:s20], $0x3C00  }
0x2b: {  	[sflag:s20] =	ssyncset.done $0x0  }
0x2c: {  	[sflag:s20] =	ssyncadd.s32 $0xFFFFC400  }
0x2d: {  	[tilespmem:s19], [sflag:$0x1] =	stream.linear.gather [hbm4b:s6+s4], $0x4000, $0x38;
	[tilespmem:$0x17C80] =	vst v63  }
0x2e: {  	_ =	swait.ge [sflag:s20], $0x4000  }
0x2f: {  	s22 =	sadd.s32 $0x0, s18;
	s23 =	sand.u32 $0x70, s4;
	[sflag:s20] =	ssyncset.done $0x0  }
0x30: {  	s22 =	sand.u32 $0x1FF80, s22;
	s23 =	sadd.s32 s5, s23;
	[sflag:s20] =	ssyncadd.s32 $0xFFFFC000  }
0x31: {  	s22 =	sadd.s32 s22, s23;
	[bflag:$0x0] =	sbarrier.arrive $0xFFFF  }
0x32: {  	[tilespmem:s4], [sflag:$0x1] =	stream.linear.gather [hbm4b:s22+s4], $0x80, $0x38;
	[tilespmem:$0x17C80] =	vst v63  }
0x33: {  	_ =	swait.ge [sflag:s20], $0x80  }
0x34: {  	[sflag:s20] =	ssyncset.done $0x0  }
0x35: {  	s31 =	simm.s32 $0x10;
	s24 =	sadd.s32 $0x10, s18;
	[sflag:s20] =	ssyncadd.s32 $0xFFFFFF80  }
0x36: {  	[spmem:s2] =	stream.indirect.scatter.add.f32 [tilespmem:s19], [sflag:$0x1], $0x80, s4, s19, $0xb8;
	[tilespmem:$0x17C80] =	vst v63  }
0x37: {  	s25 =	sand.u32 $0x70, s31;
	s23 =	sand.u32 $0x1FF80, s24;
	_ =	swait.ge [sflag:s20], $0x4000  }
0x38: {  	s24 =	sadd.s32 s5, s25;
	s22 =	simm.s32 $0x20;
	[sflag:s20] =	ssyncset.done $0x0  }
.LBB2_2:
0x39: {  	s23 =	sadd.s32 s23, s24  }
0x3a: {  	[sflag:s20] =	ssyncadd.s32 $0xFFFFC000;
	s24 =	smov.u32 s22;
	s25 =	sadd.s32 $0x10, s22  }
0x3b: {  	[tilespmem:s4], [sflag:$0x1] =	stream.linear.gather [hbm4b:s23+s4], $0x80, $0x38;
	[tilespmem:$0x17C80] =	vst v63  }
0x3c: {  	p0 =	sne.s32 s22, $0x4F0;
	_ =	swait.ge [sflag:s20], $0x80  }
.Ltmp0:
0x3d: {  	[sflag:s20] =	ssyncset.done $0x0;
	(pc) =	sbr.rel @p0 .LBB2_2-.Ltmp0, $4  }
0x3e: {  	s22 =	sadd.s32 s24, s18;
	[sflag:s20] =	ssyncadd.s32 $0xFFFFFF80  }
0x3f: {  	[spmem:s2] =	stream.indirect.scatter.add.f32 [tilespmem:s19], [sflag:$0x1], $0x80, s4, s19, $0xb8;
	[tilespmem:$0x17C80] =	vst v63  }
0x40: {  	s24 =	sand.u32 $0x70, s24;
	s23 =	sand.u32 $0x1FF80, s22;
	_ =	swait.ge [sflag:s20], $0x4000  }
0x41: {  	s24 =	sadd.s32 s5, s24;
	s22 =	smov.u32 s25;
	[sflag:s20] =	ssyncset.done $0x0  }
0x42: {  	s22 =	sadd.s32 s23, s24;
	[sflag:s20] =	ssyncadd.s32 $0xFFFFC000  }
0x43: {  	[tilespmem:s4], [sflag:$0x1] =	stream.linear.gather [hbm4b:s22+s4], $0x80, $0x38;
	[tilespmem:$0x17C80] =	vst v63  }
0x44: {  	_ =	swait.ge [sflag:s20], $0x80  }
0x45: {  	[sflag:s20] =	ssyncset.done $0x0  }
0x46: {  	[sflag:s20] =	ssyncadd.s32 $0xFFFFFF80  }
0x47: {  	[spmem:s2] =	stream.indirect.scatter.add.f32 [tilespmem:s19], [sflag:$0x1], $0x80, s4, s19, $0xb8;
	[tilespmem:$0x17C80] =	vst v63  }
0x48: {  	_ =	swait.ge [sflag:s20], $0x4000  }
0x49: {  	[sflag:s20] =	ssyncset.done $0x0  }
0x4a: {  	[sflag:s20] =	ssyncadd.s32 $0xFFFFC000  }
0x4b: {  	[bflag:$0x0] =	sbarrier.arrive $0xFFFF  }
0x4c: {  	[tilespmem:s19], [sflag:$0x1] =	stream.linear.gather [spmem:s7], $0x4000, $0x38;
	[tilespmem:$0x17C80] =	vst v63  }
0x4d: {  	_ =	swait.ge [sflag:s20], $0x4000  }
0x4e: {  	[sflag:s20] =	ssyncset.done $0x0  }
0x4f: {  	[sflag:s20] =	ssyncadd.s32 $0xFFFFC000  }
0x50: {  	[hbm4b:s12+s4] =	stream.linear.scatter [tilespmem:s19], [sflag:$0x1], $0x4000, $0x38;
	[tilespmem:$0x17C80] =	vst v63  }
0x51: {  	_ =	swait.ge [sflag:s20], $0x4000  }
0x52: {  	[sflag:s20] =	ssyncset.done $0x0  }
0x53: {  	[sflag:s20] =	ssyncadd.s32 $0xFFFFC000  }
0x54: {  	[tilespmem:s19], [sflag:$0x1] =	stream.linear.gather [spmem:s8], $0x4000, $0x38;
	[tilespmem:$0x17C80] =	vst v63  }
0x55: {  	_ =	swait.ge [sflag:s20], $0x4000  }
0x56: {  	[sflag:s20] =	ssyncset.done $0x0  }
0x57: {  	[sflag:s20] =	ssyncadd.s32 $0xFFFFC000  }
0x58: {  	[hbm4b:s13+s4] =	stream.linear.scatter [tilespmem:s19], [sflag:$0x1], $0x4000, $0x38;
	[tilespmem:$0x17C80] =	vst v63  }
0x59: {  	_ =	swait.ge [sflag:s20], $0x4000  }
0x5a: {  	[sflag:s20] =	ssyncset.done $0x0  }
0x5b: {  	[sflag:s20] =	ssyncadd.s32 $0xFFFFC000  }
0x5c: {  	[tilespmem:s19], [sflag:$0x1] =	stream.linear.gather [spmem:s9], $0x4000, $0x38;
	[tilespmem:$0x17C80] =	vst v63  }
0x5d: {  	_ =	swait.ge [sflag:s20], $0x4000  }
0x5e: {  	[sflag:s20] =	ssyncset.done $0x0  }
0x5f: {  	[sflag:s20] =	ssyncadd.s32 $0xFFFFC000  }
0x60: {  	[hbm4b:s14+s4] =	stream.linear.scatter [tilespmem:s19], [sflag:$0x1], $0x4000, $0x38;
	[tilespmem:$0x17C80] =	vst v63  }
0x61: {  	_ =	swait.ge [sflag:s20], $0x4000  }
0x62: {  	[sflag:s20] =	ssyncset.done $0x0  }
0x63: {  	[sflag:s20] =	ssyncadd.s32 $0xFFFFC000  }
0x64: {  	[tilespmem:s19], [sflag:$0x1] =	stream.linear.gather [spmem:s10], $0x4000, $0x38;
	[tilespmem:$0x17C80] =	vst v63  }
0x65: {  	_ =	swait.ge [sflag:s20], $0x4000  }
0x66: {  	[sflag:s20] =	ssyncset.done $0x0  }
0x67: {  	[sflag:s20] =	ssyncadd.s32 $0xFFFFC000  }
0x68: {  	[hbm4b:s15+s4] =	stream.linear.scatter [tilespmem:s19], [sflag:$0x1], $0x4000, $0x38;
	[tilespmem:$0x17C80] =	vst v63  }
0x69: {  	_ =	swait.ge [sflag:s20], $0x4000  }
0x6a: {  	[sflag:s20] =	ssyncset.done $0x0  }
0x6b: {  	[sflag:s20] =	ssyncadd.s32 $0xFFFFC000  }
0x6c: {  	[tilespmem:s19], [sflag:$0x1] =	stream.linear.gather [spmem:s11], $0x3C00, $0x38;
	[tilespmem:$0x17C80] =	vst v63  }
0x6d: {  	s21 =	sadd.s32 $0x1, s21;
	_ =	swait.ge [sflag:s20], $0x3C00  }
0x6e: {  	p0 =	sne.s32 s21, s17;
	[sflag:s20] =	ssyncset.done $0x0  }
.Ltmp1:
0x6f: {  	[sflag:s20] =	ssyncadd.s32 $0xFFFFC400;
	(pc) =	sbr.rel @p0 .LBB2_1-.Ltmp1, $4  }
0x70: {  	[hbm4b:s16+s4] =	stream.linear.scatter [tilespmem:s19], [sflag:$0x1], $0x3C00, $0x38;
	[tilespmem:$0x17C80] =	vst v63  }
0x71: {  	_ =	swait.ge [sflag:s20], $0x3C00  }
0x72: {  	[sflag:s20] =	ssyncset.done $0x0  }
0x73: {  	[sflag:s20] =	ssyncadd.s32 $0xFFFFC400  }
0x74: {  	_ =	sfence.sel $0x180000  }
0x75: {  	[bflag:$0x0] =	sbarrier.arrive $0xFFFF  }
0x76: {  	p0 =	sne.s32 s3, $0x0;
	_ =	strace $0x9000004A  }
0x77: {  	s0 =	sadd.s32 @!p0 $0x100000, s0;
	[bflag:$0x2] =	sbarrier.arrive $0xFFFF  }
0x78: {  	[sflag:s0] =	ssyncadd.tile.s32 @!p0 $0x1;
	_ =	shalt  }
.Lfunc_end2:
_tile_overlayer_lowered:
.L_overlay_start_2:
0x79: {  	(tag) =	ssettag $0x2  }
0x7a: {  	s0 =	rddreg [dreg:$0x0];
	s2 =	stileid.u32  }
0x7b: {  	s1 =	rddreg [dreg:$0x1];
	p0 =	sne.s32 s2, $0x0  }
0x7c: {  	s3 =	rddreg [dreg:$0x2];
	[bflag:$0x3] =	sbarrier.arrive $0xFFFF;
	s2 =	simm.s32 @!p0 $0x1C01  }
0x7d: {  	[timem:s3], [sflag:s2] =	dma.local @!p0 [hbm:s0], s1  }
0x7e: {  	s0 =	simm.s32 @!p0 $0x1  }
0x7f: {  	_ =	swait.ge @!p0 [sflag:s0], s1  }
0x80: {  	s1 =	ssub.s32 @!p0 $0x0, s1;
	[sflag:s0] =	ssyncset.done @!p0 $0x0  }
0x81: {  	[sflag:s0] =	ssyncadd.s32 @!p0 s1  }
0x82: {  	[bflag:$0x3] =	sbarrier.arrive $0xFFFF  }
0x83: {  	_ =	shalt  }

</sc_bundles>
